<compile_context>
chip_gen: v7x
topology: tpu7x:2x2x1
jax: 0.10.2.dev20260603
libtpu: 0.0.44.dev20260713+nightly
codegen_flags: <defaults>
</compile_context>

<pallas_src>
import functools

import jax
import jax.numpy as jnp
from jax import lax
from jax.experimental import pallas as pl
from jax.experimental.pallas import tpu as pltpu
from jax.experimental.pallas import tpu_sc as plsc

NB_CLASSES = 1000000
NB_RELS = 1000
D = 32
B = 16384
GAMMA = 10.0

NC, NS, L = 2, 16, 16
NW = NC * NS
BPW = B // NW
CHUNK = 64
NCHUNK = BPW // CHUNK
GPC = CHUNK // L

RB = 32768
RGRID = (NB_CLASSES + RB - 1) // RB
RB4 = RB // 4
RROWS = RGRID * RB4
RB_LOG = RB.bit_length() - 1
S_LOG = RB_LOG - 2
S_MASK = RB4 - 1


def _round_bf16(v):
    return v + jnp.int32(0x7FFF) + \
        jnp.bitwise_and(lax.shift_right_logical(v, 16), 1)


def _repack_body(ce_ref, co_ref, fused_ref):
    hi_parts, lo_parts = [], []
    for s in range(4):
        sl = slice(s * RB4, (s + 1) * RB4)
        hi_parts += [ce_ref[0:16, sl], co_ref[0:16, sl]]
        lo_parts += [ce_ref[16:32, sl], co_ref[16:32, sl]]
    t_hi = jnp.transpose(jnp.concatenate(hi_parts, axis=0))
    t_lo = jnp.transpose(jnp.concatenate(lo_parts, axis=0))
    hi = jnp.bitwise_and(_round_bf16(lax.bitcast_convert_type(t_hi, jnp.int32)),
                         jnp.int32(-65536))
    lo = lax.shift_right_logical(
        _round_bf16(lax.bitcast_convert_type(t_lo, jnp.int32)), 16)
    fused_ref[...] = jnp.bitwise_or(hi, lo)


def _repack(ceT, coT):
    return pl.pallas_call(
        _repack_body,
        grid=(RGRID,),
        in_specs=[pl.BlockSpec((D, RB), lambda i: (0, i)),
                  pl.BlockSpec((D, RB), lambda i: (0, i))],
        out_specs=pl.BlockSpec((RB4, 4 * D), lambda i: (i, 0)),
        out_shape=jax.ShapeDtypeStruct((RROWS, 4 * D), jnp.int32),
        compiler_params=pltpu.CompilerParams(
            fuse_transposed_lhs_in_matmul=True),
    )(ceT, coT)


def _sqrt16(x):
    xs = jnp.maximum(x, jnp.float32(1e-30))
    i = lax.bitcast_convert_type(xs, jnp.int32)
    i = jnp.int32(0x5F3759DF) - lax.shift_right_logical(i, 1)
    y = lax.bitcast_convert_type(i, jnp.float32)
    half = jnp.float32(0.5) * xs
    for _ in range(3):
        y = y * (jnp.float32(1.5) - half * y * y)
    return x * y


def _body(heads_hbm, rels_hbm, tails_hbm, fused_hbm, rel_hbm, out_hbm,
          hv, rv, tv, hrow, trow, h0, t0, r0, h1, t1, r1,
          out_v, sem0, sem1):
    cid = lax.axis_index("c")
    sid = lax.axis_index("s")
    wid = sid * NC + cid
    base = wid * BPW

    pltpu.sync_copy(heads_hbm.at[pl.ds(base, BPW)], hv)
    pltpu.sync_copy(rels_hbm.at[pl.ds(base, BPW)], rv)
    pltpu.sync_copy(tails_hbm.at[pl.ds(base, BPW)], tv)

    def rowify(k, carry):
        sl = pl.ds(k * L, L)
        h = hv[sl]
        t = tv[sl]
        hrow[sl] = lax.shift_left(lax.shift_right_logical(h, RB_LOG), S_LOG) + \
            jnp.bitwise_and(h, S_MASK)
        trow[sl] = lax.shift_left(lax.shift_right_logical(t, RB_LOG), S_LOG) + \
            jnp.bitwise_and(t, S_MASK)
        return carry
    lax.fori_loop(0, BPW // L, rowify, 0)

    lanes = lax.iota(jnp.int32, L)
    bufsets = ((h0, t0, r0, sem0), (h1, t1, r1, sem1))

    def fire(c, bs):
        h_buf, t_buf, r_buf, sem = bs
        isl = pl.ds(c * CHUNK, CHUNK)
        pltpu.async_copy(fused_hbm.at[hrow.at[isl]], h_buf, sem)
        pltpu.async_copy(fused_hbm.at[trow.at[isl]], t_buf, sem)
        pltpu.async_copy(rel_hbm.at[rv.at[isl]], r_buf, sem)

    def drain(c, bs):
        h_buf, t_buf, r_buf, sem = bs
        isl = pl.ds(c * CHUNK, CHUNK)
        pltpu.make_async_copy(fused_hbm.at[hrow.at[isl]], h_buf, sem).wait()
        pltpu.make_async_copy(fused_hbm.at[trow.at[isl]], t_buf, sem).wait()
        pltpu.make_async_copy(rel_hbm.at[rv.at[isl]], r_buf, sem).wait()

    def compute(j, bs):
        h_buf, t_buf, r_buf, _ = bs

        def group(g, gcarry):
            rows = g * L + lanes
            sl = pl.ds(j * CHUNK + g * L, L)
            h = hv[sl]
            t = tv[sl]
            hq = lax.shift_left(
                jnp.bitwise_and(lax.shift_right_logical(h, S_LOG), 3), 5)
            tq = lax.shift_left(
                jnp.bitwise_and(lax.shift_right_logical(t, S_LOG), 3), 5)

            def widen(xi, is_hi):
                if is_hi:
                    bits = jnp.bitwise_and(xi, jnp.int32(-65536))
                else:
                    bits = lax.shift_left(xi, 16)
                return lax.bitcast_convert_type(bits, jnp.float32)

            acc_o = jnp.zeros((L,), jnp.float32)
            acc_i = jnp.zeros((L,), jnp.float32)
            for d in range(D):
                is_hi = d < 16
                k = d & 15
                cc = widen(plsc.load_gather(h_buf, [rows, hq + k]), is_hi)
                oo = widen(plsc.load_gather(h_buf, [rows, hq + 16 + k]), is_hi)
                aa = widen(plsc.load_gather(t_buf, [rows, tq + k]), is_hi)
                rt = plsc.load_gather(r_buf, [rows, jnp.full((L,), d, jnp.int32)])
                rf = plsc.load_gather(r_buf, [rows, jnp.full((L,), D + d, jnp.int32)])
                rs = plsc.load_gather(r_buf, [rows, jnp.full((L,), 2 * D + d, jnp.int32)])
                rb = plsc.load_gather(r_buf, [rows, jnp.full((L,), 3 * D + d, jnp.int32)])
                cc = cc * rf + rt
                off = jnp.abs(oo) * jnp.abs(rs) + jnp.abs(rb)
                delta = jnp.abs(cc - aa)
                dout = jnp.maximum(delta - off, jnp.float32(0.0))
                din = jnp.minimum(delta, off)
                acc_o = acc_o + dout * dout
                acc_i = acc_i + din * din
            dist = _sqrt16(acc_o) + jnp.float32(0.5) * _sqrt16(acc_i)
            out_v[pl.ds(j * CHUNK + g * L, L)] = jnp.float32(GAMMA) - dist
            return gcarry

        lax.fori_loop(0, GPC, group, 0)

    fire(0, bufsets[0])

    def pair(j2, carry):
        c0 = j2 * 2
        fire(c0 + 1, bufsets[1])
        drain(c0, bufsets[0])
        compute(c0, bufsets[0])

        @pl.when(j2 < NCHUNK // 2 - 1)
        def _():
            fire(c0 + 2, bufsets[0])

        drain(c0 + 1, bufsets[1])
        compute(c0 + 1, bufsets[1])
        return carry

    lax.fori_loop(0, NCHUNK // 2, pair, 0)

    pltpu.sync_copy(out_v, out_hbm.at[pl.ds(base, BPW)])


@jax.jit
def _run(heads, rels, tails, fused, rel_all):
    mesh = plsc.VectorSubcoreMesh(core_axis_name="c", subcore_axis_name="s")
    k = functools.partial(
        pl.kernel,
        out_type=jax.ShapeDtypeStruct((B,), jnp.float32),
        mesh=mesh,
        compiler_params=pltpu.CompilerParams(
            needs_layout_passes=False, use_tc_tiling_on_sc=True),
        scratch_types=[
            pltpu.VMEM((BPW,), jnp.int32),
            pltpu.VMEM((BPW,), jnp.int32),
            pltpu.VMEM((BPW,), jnp.int32),
            pltpu.VMEM((BPW,), jnp.int32),
            pltpu.VMEM((BPW,), jnp.int32),
            pltpu.VMEM((CHUNK, 4 * D), jnp.int32),
            pltpu.VMEM((CHUNK, 4 * D), jnp.int32),
            pltpu.VMEM((CHUNK, 4 * D), jnp.float32),
            pltpu.VMEM((CHUNK, 4 * D), jnp.int32),
            pltpu.VMEM((CHUNK, 4 * D), jnp.int32),
            pltpu.VMEM((CHUNK, 4 * D), jnp.float32),
            pltpu.VMEM((BPW,), jnp.float32),
            pltpu.SemaphoreType.DMA,
            pltpu.SemaphoreType.DMA,
        ],
    )(_body)
    return k(heads, rels, tails, fused, rel_all)


def kernel(heads, rels, tails, class_embed, class_offset, rel_embed,
           rel_factor, scale_embed, scale_bias):
    fused = _repack(class_embed.T, class_offset.T)
    rel_all = jnp.concatenate(
        [rel_embed, rel_factor, scale_embed, scale_bias], axis=1)
    return _run(heads.astype(jnp.int32), rels.astype(jnp.int32),
                tails.astype(jnp.int32), fused, rel_all)

# --- scband reference (transcript-rebuilt; emitter-appended) ---
"""Pipeline reference for scband-elbeqamodule-45913200394305 (READ-ONLY COPY).

The authoritative reference and input builder live on the scoring server;
editing this copy changes nothing except your own understanding.
"""

import jax, jax.numpy as jnp
import numpy as np

NB_CLASSES = 1000000
NB_RELS = 1000
EMBED_DIM = 32
B = 16384
GAMMA = 10.0
EPSILON = 2.0
ER = (GAMMA + EPSILON) / EMBED_DIM  # embedding_range


def setup_inputs(seed: int = 0) -> dict:
    key = jax.random.key(seed)
    ks = jax.random.split(key, 9)
    heads = jax.random.randint(ks[0], (B,), 0, NB_CLASSES, dtype=jnp.int64 if jax.config.jax_enable_x64 else jnp.int32)
    rels = jax.random.randint(ks[1], (B,), 0, NB_RELS, dtype=jnp.int64 if jax.config.jax_enable_x64 else jnp.int32)
    tails = jax.random.randint(ks[2], (B,), 0, NB_CLASSES, dtype=jnp.int64 if jax.config.jax_enable_x64 else jnp.int32)
    class_embed = jax.random.uniform(ks[3], (NB_CLASSES, EMBED_DIM), minval=-ER, maxval=ER, dtype=jnp.float32)
    class_offset = jax.random.uniform(ks[4], (NB_CLASSES, EMBED_DIM), minval=0.0, maxval=ER, dtype=jnp.float32)
    rel_embed = jax.random.uniform(ks[5], (NB_RELS, EMBED_DIM), minval=-ER, maxval=ER, dtype=jnp.float32)
    rel_factor = jax.random.uniform(ks[6], (NB_RELS, EMBED_DIM), minval=-ER, maxval=ER, dtype=jnp.float32)
    scale_embed = jax.random.uniform(ks[7], (NB_RELS, EMBED_DIM), minval=-ER, maxval=ER, dtype=jnp.float32)
    scale_bias = jax.random.uniform(ks[8], (NB_RELS, EMBED_DIM), minval=-ER, maxval=ER, dtype=jnp.float32)
    return {
        'heads': heads, 'rels': rels, 'tails': tails,
        'class_embed': class_embed, 'class_offset': class_offset,
        'rel_embed': rel_embed, 'rel_factor': rel_factor,
        'scale_embed': scale_embed, 'scale_bias': scale_bias,
    }


def reference(heads, rels, tails, class_embed, class_offset, rel_embed, rel_factor, scale_embed, scale_bias):
    # ELBE-style 1p query answering (box embedding lookup + relation transform + box distance score).
    # Gather head box
    c = jnp.take(class_embed, heads, axis=0)          # [B, d] box center
    off = jnp.abs(jnp.take(class_offset, heads, axis=0))  # [B, d] box offset (nonneg)
    # Gather relation parameters
    r_trans = jnp.take(rel_embed, rels, axis=0)
    r_fact = jnp.take(rel_factor, rels, axis=0)
    r_scale = jnp.take(scale_embed, rels, axis=0)
    r_sbias = jnp.take(scale_bias, rels, axis=0)
    # Apply relation: element-wise scaling + translation of the box
    c = c * r_fact + r_trans
    off = off * jnp.abs(r_scale) + jnp.abs(r_sbias)
    # Gather answer entity embedding
    ans = jnp.take(class_embed, tails, axis=0)
    # Box distance score (query2box-style inside/outside distance)
    delta = jnp.abs(c - ans)
    dist_out = jax.nn.relu(delta - off)
    dist_in = jnp.minimum(delta, off)
    dist = jnp.linalg.norm(dist_out, axis=-1) + 0.5 * jnp.linalg.norm(dist_in, axis=-1)
    score = GAMMA - dist  # [B]
    return score

if __name__ == "__main__":
    import jax
    _d = setup_inputs()
    print(jax.jit(kernel)(*tuple(_d.values())))

</pallas_src>

<mosaic_0001>
#map = affine_map<(d0, d1) -> (0)>
#map1 = affine_map<(d0, d1) -> (0, 0)>
module attributes {stable_mosaic.version = 14 : i64} {
  func.func @_body(%arg0: i32, %arg1: i32, %arg2: memref<16384xi32, #tpu.memory_space<hbm>>, %arg3: memref<16384xi32, #tpu.memory_space<hbm>>, %arg4: memref<16384xi32, #tpu.memory_space<hbm>>, %arg5: memref<253952x128xi32, #tpu.memory_space<hbm>>, %arg6: memref<1000x128xf32, #tpu.memory_space<hbm>>, %arg7: memref<16384xf32, #tpu.memory_space<hbm>>, %arg8: memref<512xi32, #tpu.memory_space<vmem>>, %arg9: memref<512xi32, #tpu.memory_space<vmem>>, %arg10: memref<512xi32, #tpu.memory_space<vmem>>, %arg11: memref<512xi32, #tpu.memory_space<vmem>>, %arg12: memref<512xi32, #tpu.memory_space<vmem>>, %arg13: memref<64x128xi32, #tpu.memory_space<vmem>>, %arg14: memref<64x128xi32, #tpu.memory_space<vmem>>, %arg15: memref<64x128xf32, #tpu.memory_space<vmem>>, %arg16: memref<64x128xi32, #tpu.memory_space<vmem>>, %arg17: memref<64x128xi32, #tpu.memory_space<vmem>>, %arg18: memref<64x128xf32, #tpu.memory_space<vmem>>, %arg19: memref<512xf32, #tpu.memory_space<vmem>>, %arg20: memref<!tpu.dma_semaphore, #tpu.memory_space<semaphore_mem>>, %arg21: memref<!tpu.dma_semaphore, #tpu.memory_space<semaphore_mem>>) attributes {dimension_semantics = [#tpu.dimension_semantics<core_parallel>, #tpu.dimension_semantics<subcore_parallel>], iteration_bounds = array<i64: 2, 16>, scalar_prefetch = 0 : i64, scratch_operands = 14 : i64, tpu.core_type = #tpu.core_type<sc_vector_subcore>, window_params = [{transform_indices = #map}, {transform_indices = #map}, {transform_indices = #map}, {transform_indices = #map1}, {transform_indices = #map1}, {transform_indices = #map}]} {
    %mul3A = arith.constant 2 : i32
    %mul3A_0 = arith.muli %arg1, %mul3A : i32
    %add3A = arith.addi %mul3A_0, %arg0 : i32
    %mul3A_1 = arith.constant 512 : i32
    %mul3A_2 = arith.muli %add3A, %mul3A_1 : i32
    "tpu.region"() ({
      %run_scoped3A = tpu.sem_alloc : memref<!tpu.dma_semaphore, #tpu.memory_space<semaphore_mem>>
      %dma_start3A_28 = tpu.memref_slice %arg2[%mul3A_2] : memref<16384xi32, #tpu.memory_space<hbm>> -> memref<512xi32, #tpu.memory_space<hbm>>
      %dma_start3A_29 = tpu.memref_slice %arg2[%mul3A_2] : memref<16384xi32, #tpu.memory_space<hbm>> -> memref<512xi32, #tpu.memory_space<hbm>>
      tpu.enqueue_dma source(%dma_start3A_29 : memref<512xi32, #tpu.memory_space<hbm>>) target(%arg8 : memref<512xi32, #tpu.memory_space<vmem>>) target_semaphore(%run_scoped3A : memref<!tpu.dma_semaphore, #tpu.memory_space<semaphore_mem>>)
      %dma_wait3A = tpu.memref_slice %arg2[%mul3A_2] : memref<16384xi32, #tpu.memory_space<hbm>> -> memref<512xi32, #tpu.memory_space<hbm>>
      %dma_wait3A_30 = tpu.memref_slice %arg2[%mul3A_2] : memref<16384xi32, #tpu.memory_space<hbm>> -> memref<512xi32, #tpu.memory_space<hbm>>
      tpu.wait_dma2 semaphore(%run_scoped3A : memref<!tpu.dma_semaphore, #tpu.memory_space<semaphore_mem>>) src(%dma_wait3A_30 : memref<512xi32, #tpu.memory_space<hbm>>) dst(%arg8 : memref<512xi32, #tpu.memory_space<vmem>>)
      tpu.yield
    }) : () -> ()
    "tpu.region"() ({
      %run_scoped3A = tpu.sem_alloc : memref<!tpu.dma_semaphore, #tpu.memory_space<semaphore_mem>>
      %dma_start3A_28 = tpu.memref_slice %arg3[%mul3A_2] : memref<16384xi32, #tpu.memory_space<hbm>> -> memref<512xi32, #tpu.memory_space<hbm>>
      %dma_start3A_29 = tpu.memref_slice %arg3[%mul3A_2] : memref<16384xi32, #tpu.memory_space<hbm>> -> memref<512xi32, #tpu.memory_space<hbm>>
      tpu.enqueue_dma source(%dma_start3A_29 : memref<512xi32, #tpu.memory_space<hbm>>) target(%arg9 : memref<512xi32, #tpu.memory_space<vmem>>) target_semaphore(%run_scoped3A : memref<!tpu.dma_semaphore, #tpu.memory_space<semaphore_mem>>)
      %dma_wait3A = tpu.memref_slice %arg3[%mul3A_2] : memref<16384xi32, #tpu.memory_space<hbm>> -> memref<512xi32, #tpu.memory_space<hbm>>
      %dma_wait3A_30 = tpu.memref_slice %arg3[%mul3A_2] : memref<16384xi32, #tpu.memory_space<hbm>> -> memref<512xi32, #tpu.memory_space<hbm>>
      tpu.wait_dma2 semaphore(%run_scoped3A : memref<!tpu.dma_semaphore, #tpu.memory_space<semaphore_mem>>) src(%dma_wait3A_30 : memref<512xi32, #tpu.memory_space<hbm>>) dst(%arg9 : memref<512xi32, #tpu.memory_space<vmem>>)
      tpu.yield
    }) : () -> ()
    "tpu.region"() ({
      %run_scoped3A = tpu.sem_alloc : memref<!tpu.dma_semaphore, #tpu.memory_space<semaphore_mem>>
      %dma_start3A_28 = tpu.memref_slice %arg4[%mul3A_2] : memref<16384xi32, #tpu.memory_space<hbm>> -> memref<512xi32, #tpu.memory_space<hbm>>
      %dma_start3A_29 = tpu.memref_slice %arg4[%mul3A_2] : memref<16384xi32, #tpu.memory_space<hbm>> -> memref<512xi32, #tpu.memory_space<hbm>>
      tpu.enqueue_dma source(%dma_start3A_29 : memref<512xi32, #tpu.memory_space<hbm>>) target(%arg10 : memref<512xi32, #tpu.memory_space<vmem>>) target_semaphore(%run_scoped3A : memref<!tpu.dma_semaphore, #tpu.memory_space<semaphore_mem>>)
      %dma_wait3A = tpu.memref_slice %arg4[%mul3A_2] : memref<16384xi32, #tpu.memory_space<hbm>> -> memref<512xi32, #tpu.memory_space<hbm>>
      %dma_wait3A_30 = tpu.memref_slice %arg4[%mul3A_2] : memref<16384xi32, #tpu.memory_space<hbm>> -> memref<512xi32, #tpu.memory_space<hbm>>
      tpu.wait_dma2 semaphore(%run_scoped3A : memref<!tpu.dma_semaphore, #tpu.memory_space<semaphore_mem>>) src(%dma_wait3A_30 : memref<512xi32, #tpu.memory_space<hbm>>) dst(%arg10 : memref<512xi32, #tpu.memory_space<vmem>>)
      tpu.yield
    }) : () -> ()
    %scan3A = arith.constant 0 : i32
    %scan3A_3 = arith.constant 0 : i32
    %scan3A_4 = arith.constant 32 : i32
    %scan3A_5 = arith.addi %scan3A_3, %scan3A_4 : i32
    %scan3A_6 = arith.constant 1 : i32
    scf.for %scan3A_28 = %scan3A_3 to %scan3A_5 step %scan3A_6  : i32 {
      %mul3A_29 = arith.constant 16 : i32
      %mul3A_30 = arith.muli %scan3A_28, %mul3A_29 : i32
      %get3A = arith.index_cast %mul3A_30 : i32 to index
      %get3A_31 = tpu.vector_load %arg8[%get3A] {strides = array<i32>} : memref<512xi32, #tpu.memory_space<vmem>>, vector<16xi32>,
      %get3A_32 = arith.index_cast %mul3A_30 : i32 to index
      %get3A_33 = tpu.vector_load %arg10[%get3A_32] {strides = array<i32>} : memref<512xi32, #tpu.memory_space<vmem>>, vector<16xi32>,
      %shift_right_logical3A = arith.constant 15 : i32
      %shift_right_logical3A_34 = vector.broadcast %shift_right_logical3A : i32 to vector<16xi32>
      %shift_right_logical3A_35 = arith.shrui %get3A_31, %shift_right_logical3A_34 : vector<16xi32>
      %shift_left3A = arith.constant 13 : i32
      %shift_left3A_36 = vector.broadcast %shift_left3A : i32 to vector<16xi32>
      %shift_left3A_37 = arith.shli %shift_right_logical3A_35, %shift_left3A_36 : vector<16xi32>
      %and3A = arith.constant 8191 : i32
      %and3A_38 = vector.broadcast %and3A : i32 to vector<16xi32>
      %and3A_39 = arith.andi %get3A_31, %and3A_38 : vector<16xi32>
      %add3A_40 = arith.addi %shift_left3A_37, %and3A_39 : vector<16xi32>
      %swap3A = arith.index_cast %mul3A_30 : i32 to index
      %swap3A_41 = tpu.vector_load %arg11[%swap3A] {strides = array<i32>} : memref<512xi32, #tpu.memory_space<vmem>>, vector<16xi32>,
      tpu.vector_store %arg11[%swap3A], %add3A_40 {strides = array<i32>} : memref<512xi32, #tpu.memory_space<vmem>>, vector<16xi32>,
      %shift_right_logical3A_42 = arith.constant 15 : i32
      %shift_right_logical3A_43 = vector.broadcast %shift_right_logical3A_42 : i32 to vector<16xi32>
      %shift_right_logical3A_44 = arith.shrui %get3A_33, %shift_right_logical3A_43 : vector<16xi32>
      %shift_left3A_45 = arith.constant 13 : i32
      %shift_left3A_46 = vector.broadcast %shift_left3A_45 : i32 to vector<16xi32>
      %shift_left3A_47 = arith.shli %shift_right_logical3A_44, %shift_left3A_46 : vector<16xi32>
      %and3A_48 = arith.constant 8191 : i32
      %and3A_49 = vector.broadcast %and3A_48 : i32 to vector<16xi32>
      %and3A_50 = arith.andi %get3A_33, %and3A_49 : vector<16xi32>
      %add3A_51 = arith.addi %shift_left3A_47, %and3A_50 : vector<16xi32>
      %swap3A_52 = arith.index_cast %mul3A_30 : i32 to index
      %swap3A_53 = tpu.vector_load %arg12[%swap3A_52] {strides = array<i32>} : memref<512xi32, #tpu.memory_space<vmem>>, vector<16xi32>,
      tpu.vector_store %arg12[%swap3A_52], %add3A_51 {strides = array<i32>} : memref<512xi32, #tpu.memory_space<vmem>>, vector<16xi32>,
    }
    %scan3A_7 = arith.constant 32 : i32
    %iota3A = tpu.iota {dimensions = array<i32: 0>} : vector<16xi32>
    %dma_start3A = arith.constant 0 : i32
    %dma_start3A_8 = tpu.memref_slice %arg11[%dma_start3A] : memref<512xi32, #tpu.memory_space<vmem>> -> memref<64xi32, #tpu.memory_space<vmem>>
    %dma_start3A_9 = arith.constant 0 : i32
    %dma_start3A_10 = arith.constant 0 : i32
    %dma_start3A_11 = tpu.memref_slice %arg5[%dma_start3A_9, %dma_start3A_10] : memref<253952x128xi32, #tpu.memory_space<hbm>> -> memref<253952x128xi32, #tpu.memory_space<hbm>>
    tpu.enqueue_indirect_dma source(%dma_start3A_11 : memref<253952x128xi32, #tpu.memory_space<hbm>>) target(%arg13 : memref<64x128xi32, #tpu.memory_space<vmem>>) offsets(%dma_start3A_8 : memref<64xi32, #tpu.memory_space<vmem>>) semaphore(%arg20 : memref<!tpu.dma_semaphore, #tpu.memory_space<semaphore_mem>>)
    %dma_start3A_12 = arith.constant 0 : i32
    %dma_start3A_13 = tpu.memref_slice %arg12[%dma_start3A_12] : memref<512xi32, #tpu.memory_space<vmem>> -> memref<64xi32, #tpu.memory_space<vmem>>
    %dma_start3A_14 = arith.constant 0 : i32
    %dma_start3A_15 = arith.constant 0 : i32
    %dma_start3A_16 = tpu.memref_slice %arg5[%dma_start3A_14, %dma_start3A_15] : memref<253952x128xi32, #tpu.memory_space<hbm>> -> memref<253952x128xi32, #tpu.memory_space<hbm>>
    tpu.enqueue_indirect_dma source(%dma_start3A_16 : memref<253952x128xi32, #tpu.memory_space<hbm>>) target(%arg14 : memref<64x128xi32, #tpu.memory_space<vmem>>) offsets(%dma_start3A_13 : memref<64xi32, #tpu.memory_space<vmem>>) semaphore(%arg20 : memref<!tpu.dma_semaphore, #tpu.memory_space<semaphore_mem>>)
    %dma_start3A_17 = arith.constant 0 : i32
    %dma_start3A_18 = tpu.memref_slice %arg9[%dma_start3A_17] : memref<512xi32, #tpu.memory_space<vmem>> -> memref<64xi32, #tpu.memory_space<vmem>>
    %dma_start3A_19 = arith.constant 0 : i32
    %dma_start3A_20 = arith.constant 0 : i32
    %dma_start3A_21 = tpu.memref_slice %arg6[%dma_start3A_19, %dma_start3A_20] : memref<1000x128xf32, #tpu.memory_space<hbm>> -> memref<1000x128xf32, #tpu.memory_space<hbm>>
    tpu.enqueue_indirect_dma source(%dma_start3A_21 : memref<1000x128xf32, #tpu.memory_space<hbm>>) target(%arg15 : memref<64x128xf32, #tpu.memory_space<vmem>>) offsets(%dma_start3A_18 : memref<64xi32, #tpu.memory_space<vmem>>) semaphore(%arg20 : memref<!tpu.dma_semaphore, #tpu.memory_space<semaphore_mem>>)
    %scan3A_22 = arith.constant 0 : i32
    %scan3A_23 = arith.constant 0 : i32
    %scan3A_24 = arith.constant 4 : i32
    %scan3A_25 = arith.addi %scan3A_23, %scan3A_24 : i32
    %scan3A_26 = arith.constant 1 : i32
    scf.for %scan3A_28 = %scan3A_23 to %scan3A_25 step %scan3A_26  : i32 {
      %mul3A_29 = arith.constant 2 : i32
      %mul3A_30 = arith.muli %scan3A_28, %mul3A_29 : i32
      %add3A_31 = arith.constant 1 : i32
      %add3A_32 = arith.addi %mul3A_30, %add3A_31 : i32
      %mul3A_33 = arith.constant 64 : i32
      %mul3A_34 = arith.muli %add3A_32, %mul3A_33 : i32
      %dma_start3A_35 = tpu.memref_slice %arg11[%mul3A_34] : memref<512xi32, #tpu.memory_space<vmem>> -> memref<64xi32, #tpu.memory_space<vmem>>
      %dma_start3A_36 = arith.constant 0 : i32
      %dma_start3A_37 = arith.constant 0 : i32
      %dma_start3A_38 = tpu.memref_slice %arg5[%dma_start3A_36, %dma_start3A_37] : memref<253952x128xi32, #tpu.memory_space<hbm>> -> memref<253952x128xi32, #tpu.memory_space<hbm>>
      tpu.enqueue_indirect_dma source(%dma_start3A_38 : memref<253952x128xi32, #tpu.memory_space<hbm>>) target(%arg16 : memref<64x128xi32, #tpu.memory_space<vmem>>) offsets(%dma_start3A_35 : memref<64xi32, #tpu.memory_space<vmem>>) semaphore(%arg21 : memref<!tpu.dma_semaphore, #tpu.memory_space<semaphore_mem>>)
      %dma_start3A_39 = tpu.memref_slice %arg12[%mul3A_34] : memref<512xi32, #tpu.memory_space<vmem>> -> memref<64xi32, #tpu.memory_space<vmem>>
      %dma_start3A_40 = arith.constant 0 : i32
      %dma_start3A_41 = arith.constant 0 : i32
      %dma_start3A_42 = tpu.memref_slice %arg5[%dma_start3A_40, %dma_start3A_41] : memref<253952x128xi32, #tpu.memory_space<hbm>> -> memref<253952x128xi32, #tpu.memory_space<hbm>>
      tpu.enqueue_indirect_dma source(%dma_start3A_42 : memref<253952x128xi32, #tpu.memory_space<hbm>>) target(%arg17 : memref<64x128xi32, #tpu.memory_space<vmem>>) offsets(%dma_start3A_39 : memref<64xi32, #tpu.memory_space<vmem>>) semaphore(%arg21 : memref<!tpu.dma_semaphore, #tpu.memory_space<semaphore_mem>>)
      %dma_start3A_43 = tpu.memref_slice %arg9[%mul3A_34] : memref<512xi32, #tpu.memory_space<vmem>> -> memref<64xi32, #tpu.memory_space<vmem>>
      %dma_start3A_44 = arith.constant 0 : i32
      %dma_start3A_45 = arith.constant 0 : i32
      %dma_start3A_46 = tpu.memref_slice %arg6[%dma_start3A_44, %dma_start3A_45] : memref<1000x128xf32, #tpu.memory_space<hbm>> -> memref<1000x128xf32, #tpu.memory_space<hbm>>
      tpu.enqueue_indirect_dma source(%dma_start3A_46 : memref<1000x128xf32, #tpu.memory_space<hbm>>) target(%arg18 : memref<64x128xf32, #tpu.memory_space<vmem>>) offsets(%dma_start3A_43 : memref<64xi32, #tpu.memory_space<vmem>>) semaphore(%arg21 : memref<!tpu.dma_semaphore, #tpu.memory_space<semaphore_mem>>)
      %mul3A_47 = arith.constant 64 : i32
      %mul3A_48 = arith.muli %mul3A_30, %mul3A_47 : i32
      %dma_wait3A = tpu.memref_slice %arg11[%mul3A_48] : memref<512xi32, #tpu.memory_space<vmem>> -> memref<64xi32, #tpu.memory_space<vmem>>
      %dma_wait3A_49 = arith.constant 0 : i32
      %dma_wait3A_50 = arith.constant 0 : i32
      %dma_wait3A_51 = tpu.memref_slice %arg5[%dma_wait3A_49, %dma_wait3A_50] : memref<253952x128xi32, #tpu.memory_space<hbm>> -> memref<253952x128xi32, #tpu.memory_space<hbm>>
      tpu.wait_indirect_dma semaphore(%arg20 : memref<!tpu.dma_semaphore, #tpu.memory_space<semaphore_mem>>) src(%dma_wait3A_51 : memref<253952x128xi32, #tpu.memory_space<hbm>>) dst(%arg13 : memref<64x128xi32, #tpu.memory_space<vmem>>)
      %dma_wait3A_52 = tpu.memref_slice %arg12[%mul3A_48] : memref<512xi32, #tpu.memory_space<vmem>> -> memref<64xi32, #tpu.memory_space<vmem>>
      %dma_wait3A_53 = arith.constant 0 : i32
      %dma_wait3A_54 = arith.constant 0 : i32
      %dma_wait3A_55 = tpu.memref_slice %arg5[%dma_wait3A_53, %dma_wait3A_54] : memref<253952x128xi32, #tpu.memory_space<hbm>> -> memref<253952x128xi32, #tpu.memory_space<hbm>>
      tpu.wait_indirect_dma semaphore(%arg20 : memref<!tpu.dma_semaphore, #tpu.memory_space<semaphore_mem>>) src(%dma_wait3A_55 : memref<253952x128xi32, #tpu.memory_space<hbm>>) dst(%arg14 : memref<64x128xi32, #tpu.memory_space<vmem>>)
      %dma_wait3A_56 = tpu.memref_slice %arg9[%mul3A_48] : memref<512xi32, #tpu.memory_space<vmem>> -> memref<64xi32, #tpu.memory_space<vmem>>
      %dma_wait3A_57 = arith.constant 0 : i32
      %dma_wait3A_58 = arith.constant 0 : i32
      %dma_wait3A_59 = tpu.memref_slice %arg6[%dma_wait3A_57, %dma_wait3A_58] : memref<1000x128xf32, #tpu.memory_space<hbm>> -> memref<1000x128xf32, #tpu.memory_space<hbm>>
      tpu.wait_indirect_dma semaphore(%arg20 : memref<!tpu.dma_semaphore, #tpu.memory_space<semaphore_mem>>) src(%dma_wait3A_59 : memref<1000x128xf32, #tpu.memory_space<hbm>>) dst(%arg15 : memref<64x128xf32, #tpu.memory_space<vmem>>)
      %scan3A_60 = arith.constant 0 : i32
      %scan3A_61 = arith.constant 0 : i32
      %scan3A_62 = arith.constant 4 : i32
      %scan3A_63 = arith.addi %scan3A_61, %scan3A_62 : i32
      %scan3A_64 = arith.constant 1 : i32
      scf.for %scan3A_92 = %scan3A_61 to %scan3A_63 step %scan3A_64  : i32 {
        %mul3A_93 = arith.constant 16 : i32
        %mul3A_94 = arith.muli %scan3A_92, %mul3A_93 : i32
        %add3A_95 = vector.broadcast %mul3A_94 : i32 to vector<16xi32>
        %add3A_96 = arith.addi %add3A_95, %iota3A : vector<16xi32>
        %mul3A_97 = arith.constant 64 : i32
        %mul3A_98 = arith.muli %mul3A_30, %mul3A_97 : i32
        %mul3A_99 = arith.constant 16 : i32
        %mul3A_100 = arith.muli %scan3A_92, %mul3A_99 : i32
        %add3A_101 = arith.addi %mul3A_98, %mul3A_100 : i32
        %get3A = arith.index_cast %add3A_101 : i32 to index
        %get3A_102 = tpu.vector_load %arg8[%get3A] {strides = array<i32>} : memref<512xi32, #tpu.memory_space<vmem>>, vector<16xi32>,
        %get3A_103 = arith.index_cast %add3A_101 : i32 to index
        %get3A_104 = tpu.vector_load %arg10[%get3A_103] {strides = array<i32>} : memref<512xi32, #tpu.memory_space<vmem>>, vector<16xi32>,
        %shift_right_logical3A = arith.constant 13 : i32
        %shift_right_logical3A_105 = vector.broadcast %shift_right_logical3A : i32 to vector<16xi32>
        %shift_right_logical3A_106 = arith.shrui %get3A_102, %shift_right_logical3A_105 : vector<16xi32>
        %and3A = arith.constant 3 : i32
        %and3A_107 = vector.broadcast %and3A : i32 to vector<16xi32>
        %and3A_108 = arith.andi %shift_right_logical3A_106, %and3A_107 : vector<16xi32>
        %shift_left3A = arith.constant 5 : i32
        %shift_left3A_109 = vector.broadcast %shift_left3A : i32 to vector<16xi32>
        %shift_left3A_110 = arith.shli %and3A_108, %shift_left3A_109 : vector<16xi32>
        %shift_right_logical3A_111 = arith.constant 13 : i32
        %shift_right_logical3A_112 = vector.broadcast %shift_right_logical3A_111 : i32 to vector<16xi32>
        %shift_right_logical3A_113 = arith.shrui %get3A_104, %shift_right_logical3A_112 : vector<16xi32>
        %and3A_114 = arith.constant 3 : i32
        %and3A_115 = vector.broadcast %and3A_114 : i32 to vector<16xi32>
        %and3A_116 = arith.andi %shift_right_logical3A_113, %and3A_115 : vector<16xi32>
        %shift_left3A_117 = arith.constant 5 : i32
        %shift_left3A_118 = vector.broadcast %shift_left3A_117 : i32 to vector<16xi32>
        %shift_left3A_119 = arith.shli %and3A_116, %shift_left3A_118 : vector<16xi32>
        %broadcast_in_dim3A = arith.constant 0.000000e+00 : f32
        %broadcast_in_dim3A_120 = vector.broadcast %broadcast_in_dim3A : f32 to vector<16xf32>
        %broadcast_in_dim3A_121 = arith.constant 0.000000e+00 : f32
        %broadcast_in_dim3A_122 = vector.broadcast %broadcast_in_dim3A_121 : f32 to vector<16xf32>
        %add3A_123 = arith.constant 0 : i32
        %add3A_124 = vector.broadcast %add3A_123 : i32 to vector<16xi32>
        %add3A_125 = arith.addi %shift_left3A_110, %add3A_124 : vector<16xi32>
        %gather3A = tpu.vector_load_idx %arg13[%add3A_96, %add3A_125] : memref<64x128xi32, #tpu.memory_space<vmem>>[vector<16xi32>, vector<16xi32>], vector<16xi32>,
        %and3A_126 = arith.constant -65536 : i32
        %and3A_127 = vector.broadcast %and3A_126 : i32 to vector<16xi32>
        %and3A_128 = arith.andi %gather3A, %and3A_127 : vector<16xi32>
        %bitcast_convert_type3A = tpu.bitcast %and3A_128 : vector<16xi32> -> vector<16xf32>
        %add3A_129 = arith.constant 16 : i32
        %add3A_130 = vector.broadcast %add3A_129 : i32 to vector<16xi32>
        %add3A_131 = arith.addi %shift_left3A_110, %add3A_130 : vector<16xi32>
        %add3A_132 = arith.constant 0 : i32
        %add3A_133 = vector.broadcast %add3A_132 : i32 to vector<16xi32>
        %add3A_134 = arith.addi %add3A_131, %add3A_133 : vector<16xi32>
        %gather3A_135 = tpu.vector_load_idx %arg13[%add3A_96, %add3A_134] : memref<64x128xi32, #tpu.memory_space<vmem>>[vector<16xi32>, vector<16xi32>], vector<16xi32>,
        %and3A_136 = arith.constant -65536 : i32
        %and3A_137 = vector.broadcast %and3A_136 : i32 to vector<16xi32>
        %and3A_138 = arith.andi %gather3A_135, %and3A_137 : vector<16xi32>
        %bitcast_convert_type3A_139 = tpu.bitcast %and3A_138 : vector<16xi32> -> vector<16xf32>
        %add3A_140 = arith.constant 0 : i32
        %add3A_141 = vector.broadcast %add3A_140 : i32 to vector<16xi32>
        %add3A_142 = arith.addi %shift_left3A_119, %add3A_141 : vector<16xi32>
        %gather3A_143 = tpu.vector_load_idx %arg14[%add3A_96, %add3A_142] : memref<64x128xi32, #tpu.memory_space<vmem>>[vector<16xi32>, vector<16xi32>], vector<16xi32>,
        %and3A_144 = arith.constant -65536 : i32
        %and3A_145 = vector.broadcast %and3A_144 : i32 to vector<16xi32>
        %and3A_146 = arith.andi %gather3A_143, %and3A_145 : vector<16xi32>
        %bitcast_convert_type3A_147 = tpu.bitcast %and3A_146 : vector<16xi32> -> vector<16xf32>
        %broadcast_in_dim3A_148 = arith.constant 0 : i32
        %broadcast_in_dim3A_149 = vector.broadcast %broadcast_in_dim3A_148 : i32 to vector<16xi32>
        %gather3A_150 = tpu.vector_load_idx %arg15[%add3A_96, %broadcast_in_dim3A_149] : memref<64x128xf32, #tpu.memory_space<vmem>>[vector<16xi32>, vector<16xi32>], vector<16xf32>,
        %broadcast_in_dim3A_151 = arith.constant 32 : i32
        %broadcast_in_dim3A_152 = vector.broadcast %broadcast_in_dim3A_151 : i32 to vector<16xi32>
        %gather3A_153 = tpu.vector_load_idx %arg15[%add3A_96, %broadcast_in_dim3A_152] : memref<64x128xf32, #tpu.memory_space<vmem>>[vector<16xi32>, vector<16xi32>], vector<16xf32>,
        %broadcast_in_dim3A_154 = arith.constant 64 : i32
        %broadcast_in_dim3A_155 = vector.broadcast %broadcast_in_dim3A_154 : i32 to vector<16xi32>
        %gather3A_156 = tpu.vector_load_idx %arg15[%add3A_96, %broadcast_in_dim3A_155] : memref<64x128xf32, #tpu.memory_space<vmem>>[vector<16xi32>, vector<16xi32>], vector<16xf32>,
        %broadcast_in_dim3A_157 = arith.constant 96 : i32
        %broadcast_in_dim3A_158 = vector.broadcast %broadcast_in_dim3A_157 : i32 to vector<16xi32>
        %gather3A_159 = tpu.vector_load_idx %arg15[%add3A_96, %broadcast_in_dim3A_158] : memref<64x128xf32, #tpu.memory_space<vmem>>[vector<16xi32>, vector<16xi32>], vector<16xf32>,
        %mul3A_160 = arith.mulf %bitcast_convert_type3A, %gather3A_153 : vector<16xf32>
        %add3A_161 = arith.addf %mul3A_160, %gather3A_150 : vector<16xf32>
        %abs3A = math.absf %bitcast_convert_type3A_139 : vector<16xf32>
        %abs3A_162 = math.absf %gather3A_156 : vector<16xf32>
        %mul3A_163 = arith.mulf %abs3A, %abs3A_162 : vector<16xf32>
        %abs3A_164 = math.absf %gather3A_159 : vector<16xf32>
        %add3A_165 = arith.addf %mul3A_163, %abs3A_164 : vector<16xf32>
        %sub3A = arith.subf %add3A_161, %bitcast_convert_type3A_147 : vector<16xf32>
        %abs3A_166 = math.absf %sub3A : vector<16xf32>
        %sub3A_167 = arith.subf %abs3A_166, %add3A_165 : vector<16xf32>
        %max3A = arith.constant 0.000000e+00 : f32
        %max3A_168 = vector.broadcast %max3A : f32 to vector<16xf32>
        %max3A_169 = arith.maximumf %sub3A_167, %max3A_168 : vector<16xf32>
        %min3A = arith.minimumf %abs3A_166, %add3A_165 : vector<16xf32>
        %mul3A_170 = arith.mulf %max3A_169, %max3A_169 : vector<16xf32>
        %add3A_171 = arith.addf %broadcast_in_dim3A_120, %mul3A_170 : vector<16xf32>
        %mul3A_172 = arith.mulf %min3A, %min3A : vector<16xf32>
        %add3A_173 = arith.addf %broadcast_in_dim3A_122, %mul3A_172 : vector<16xf32>
        %add3A_174 = arith.constant 1 : i32
        %add3A_175 = vector.broadcast %add3A_174 : i32 to vector<16xi32>
        %add3A_176 = arith.addi %shift_left3A_110, %add3A_175 : vector<16xi32>
        %gather3A_177 = tpu.vector_load_idx %arg13[%add3A_96, %add3A_176] : memref<64x128xi32, #tpu.memory_space<vmem>>[vector<16xi32>, vector<16xi32>], vector<16xi32>,
        %and3A_178 = arith.constant -65536 : i32
        %and3A_179 = vector.broadcast %and3A_178 : i32 to vector<16xi32>
        %and3A_180 = arith.andi %gather3A_177, %and3A_179 : vector<16xi32>
        %bitcast_convert_type3A_181 = tpu.bitcast %and3A_180 : vector<16xi32> -> vector<16xf32>
        %add3A_182 = arith.constant 16 : i32
        %add3A_183 = vector.broadcast %add3A_182 : i32 to vector<16xi32>
        %add3A_184 = arith.addi %shift_left3A_110, %add3A_183 : vector<16xi32>
        %add3A_185 = arith.constant 1 : i32
        %add3A_186 = vector.broadcast %add3A_185 : i32 to vector<16xi32>
        %add3A_187 = arith.addi %add3A_184, %add3A_186 : vector<16xi32>
        %gather3A_188 = tpu.vector_load_idx %arg13[%add3A_96, %add3A_187] : memref<64x128xi32, #tpu.memory_space<vmem>>[vector<16xi32>, vector<16xi32>], vector<16xi32>,
        %and3A_189 = arith.constant -65536 : i32
        %and3A_190 = vector.broadcast %and3A_189 : i32 to vector<16xi32>
        %and3A_191 = arith.andi %gather3A_188, %and3A_190 : vector<16xi32>
        %bitcast_convert_type3A_192 = tpu.bitcast %and3A_191 : vector<16xi32> -> vector<16xf32>
        %add3A_193 = arith.constant 1 : i32
        %add3A_194 = vector.broadcast %add3A_193 : i32 to vector<16xi32>
        %add3A_195 = arith.addi %shift_left3A_119, %add3A_194 : vector<16xi32>
        %gather3A_196 = tpu.vector_load_idx %arg14[%add3A_96, %add3A_195] : memref<64x128xi32, #tpu.memory_space<vmem>>[vector<16xi32>, vector<16xi32>], vector<16xi32>,
        %and3A_197 = arith.constant -65536 : i32
        %and3A_198 = vector.broadcast %and3A_197 : i32 to vector<16xi32>
        %and3A_199 = arith.andi %gather3A_196, %and3A_198 : vector<16xi32>
        %bitcast_convert_type3A_200 = tpu.bitcast %and3A_199 : vector<16xi32> -> vector<16xf32>
        %broadcast_in_dim3A_201 = arith.constant 1 : i32
        %broadcast_in_dim3A_202 = vector.broadcast %broadcast_in_dim3A_201 : i32 to vector<16xi32>
        %gather3A_203 = tpu.vector_load_idx %arg15[%add3A_96, %broadcast_in_dim3A_202] : memref<64x128xf32, #tpu.memory_space<vmem>>[vector<16xi32>, vector<16xi32>], vector<16xf32>,
        %broadcast_in_dim3A_204 = arith.constant 33 : i32
        %broadcast_in_dim3A_205 = vector.broadcast %broadcast_in_dim3A_204 : i32 to vector<16xi32>
        %gather3A_206 = tpu.vector_load_idx %arg15[%add3A_96, %broadcast_in_dim3A_205] : memref<64x128xf32, #tpu.memory_space<vmem>>[vector<16xi32>, vector<16xi32>], vector<16xf32>,
        %broadcast_in_dim3A_207 = arith.constant 65 : i32
        %broadcast_in_dim3A_208 = vector.broadcast %broadcast_in_dim3A_207 : i32 to vector<16xi32>
        %gather3A_209 = tpu.vector_load_idx %arg15[%add3A_96, %broadcast_in_dim3A_208] : memref<64x128xf32, #tpu.memory_space<vmem>>[vector<16xi32>, vector<16xi32>], vector<16xf32>,
        %broadcast_in_dim3A_210 = arith.constant 97 : i32
        %broadcast_in_dim3A_211 = vector.broadcast %broadcast_in_dim3A_210 : i32 to vector<16xi32>
        %gather3A_212 = tpu.vector_load_idx %arg15[%add3A_96, %broadcast_in_dim3A_211] : memref<64x128xf32, #tpu.memory_space<vmem>>[vector<16xi32>, vector<16xi32>], vector<16xf32>,
        %mul3A_213 = arith.mulf %bitcast_convert_type3A_181, %gather3A_206 : vector<16xf32>
        %add3A_214 = arith.addf %mul3A_213, %gather3A_203 : vector<16xf32>
        %abs3A_215 = math.absf %bitcast_convert_type3A_192 : vector<16xf32>
        %abs3A_216 = math.absf %gather3A_209 : vector<16xf32>
        %mul3A_217 = arith.mulf %abs3A_215, %abs3A_216 : vector<16xf32>
        %abs3A_218 = math.absf %gather3A_212 : vector<16xf32>
        %add3A_219 = arith.addf %mul3A_217, %abs3A_218 : vector<16xf32>
        %sub3A_220 = arith.subf %add3A_214, %bitcast_convert_type3A_200 : vector<16xf32>
        %abs3A_221 = math.absf %sub3A_220 : vector<16xf32>
        %sub3A_222 = arith.subf %abs3A_221, %add3A_219 : vector<16xf32>
        %max3A_223 = arith.constant 0.000000e+00 : f32
        %max3A_224 = vector.broadcast %max3A_223 : f32 to vector<16xf32>
        %max3A_225 = arith.maximumf %sub3A_222, %max3A_224 : vector<16xf32>
        %min3A_226 = arith.minimumf %abs3A_221, %add3A_219 : vector<16xf32>
        %mul3A_227 = arith.mulf %max3A_225, %max3A_225 : vector<16xf32>
        %add3A_228 = arith.addf %add3A_171, %mul3A_227 : vector<16xf32>
        %mul3A_229 = arith.mulf %min3A_226, %min3A_226 : vector<16xf32>
        %add3A_230 = arith.addf %add3A_173, %mul3A_229 : vector<16xf32>
        %add3A_231 = arith.constant 2 : i32
        %add3A_232 = vector.broadcast %add3A_231 : i32 to vector<16xi32>
        %add3A_233 = arith.addi %shift_left3A_110, %add3A_232 : vector<16xi32>
        %gather3A_234 = tpu.vector_load_idx %arg13[%add3A_96, %add3A_233] : memref<64x128xi32, #tpu.memory_space<vmem>>[vector<16xi32>, vector<16xi32>], vector<16xi32>,
        %and3A_235 = arith.constant -65536 : i32
        %and3A_236 = vector.broadcast %and3A_235 : i32 to vector<16xi32>
        %and3A_237 = arith.andi %gather3A_234, %and3A_236 : vector<16xi32>
        %bitcast_convert_type3A_238 = tpu.bitcast %and3A_237 : vector<16xi32> -> vector<16xf32>
        %add3A_239 = arith.constant 16 : i32
        %add3A_240 = vector.broadcast %add3A_239 : i32 to vector<16xi32>
        %add3A_241 = arith.addi %shift_left3A_110, %add3A_240 : vector<16xi32>
        %add3A_242 = arith.constant 2 : i32
        %add3A_243 = vector.broadcast %add3A_242 : i32 to vector<16xi32>
        %add3A_244 = arith.addi %add3A_241, %add3A_243 : vector<16xi32>
        %gather3A_245 = tpu.vector_load_idx %arg13[%add3A_96, %add3A_244] : memref<64x128xi32, #tpu.memory_space<vmem>>[vector<16xi32>, vector<16xi32>], vector<16xi32>,
        %and3A_246 = arith.constant -65536 : i32
        %and3A_247 = vector.broadcast %and3A_246 : i32 to vector<16xi32>
        %and3A_248 = arith.andi %gather3A_245, %and3A_247 : vector<16xi32>
        %bitcast_convert_type3A_249 = tpu.bitcast %and3A_248 : vector<16xi32> -> vector<16xf32>
        %add3A_250 = arith.constant 2 : i32
        %add3A_251 = vector.broadcast %add3A_250 : i32 to vector<16xi32>
        %add3A_252 = arith.addi %shift_left3A_119, %add3A_251 : vector<16xi32>
        %gather3A_253 = tpu.vector_load_idx %arg14[%add3A_96, %add3A_252] : memref<64x128xi32, #tpu.memory_space<vmem>>[vector<16xi32>, vector<16xi32>], vector<16xi32>,
        %and3A_254 = arith.constant -65536 : i32
        %and3A_255 = vector.broadcast %and3A_254 : i32 to vector<16xi32>
        %and3A_256 = arith.andi %gather3A_253, %and3A_255 : vector<16xi32>
        %bitcast_convert_type3A_257 = tpu.bitcast %and3A_256 : vector<16xi32> -> vector<16xf32>
        %broadcast_in_dim3A_258 = arith.constant 2 : i32
        %broadcast_in_dim3A_259 = vector.broadcast %broadcast_in_dim3A_258 : i32 to vector<16xi32>
        %gather3A_260 = tpu.vector_load_idx %arg15[%add3A_96, %broadcast_in_dim3A_259] : memref<64x128xf32, #tpu.memory_space<vmem>>[vector<16xi32>, vector<16xi32>], vector<16xf32>,
        %broadcast_in_dim3A_261 = arith.constant 34 : i32
        %broadcast_in_dim3A_262 = vector.broadcast %broadcast_in_dim3A_261 : i32 to vector<16xi32>
        %gather3A_263 = tpu.vector_load_idx %arg15[%add3A_96, %broadcast_in_dim3A_262] : memref<64x128xf32, #tpu.memory_space<vmem>>[vector<16xi32>, vector<16xi32>], vector<16xf32>,
        %broadcast_in_dim3A_264 = arith.constant 66 : i32
        %broadcast_in_dim3A_265 = vector.broadcast %broadcast_in_dim3A_264 : i32 to vector<16xi32>
        %gather3A_266 = tpu.vector_load_idx %arg15[%add3A_96, %broadcast_in_dim3A_265] : memref<64x128xf32, #tpu.memory_space<vmem>>[vector<16xi32>, vector<16xi32>], vector<16xf32>,
        %broadcast_in_dim3A_267 = arith.constant 98 : i32
        %broadcast_in_dim3A_268 = vector.broadcast %broadcast_in_dim3A_267 : i32 to vector<16xi32>
        %gather3A_269 = tpu.vector_load_idx %arg15[%add3A_96, %broadcast_in_dim3A_268] : memref<64x128xf32, #tpu.memory_space<vmem>>[vector<16xi32>, vector<16xi32>], vector<16xf32>,
        %mul3A_270 = arith.mulf %bitcast_convert_type3A_238, %gather3A_263 : vector<16xf32>
        %add3A_271 = arith.addf %mul3A_270, %gather3A_260 : vector<16xf32>
        %abs3A_272 = math.absf %bitcast_convert_type3A_249 : vector<16xf32>
        %abs3A_273 = math.absf %gather3A_266 : vector<16xf32>
        %mul3A_274 = arith.mulf %abs3A_272, %abs3A_273 : vector<16xf32>
        %abs3A_275 = math.absf %gather3A_269 : vector<16xf32>
        %add3A_276 = arith.addf %mul3A_274, %abs3A_275 : vector<16xf32>
        %sub3A_277 = arith.subf %add3A_271, %bitcast_convert_type3A_257 : vector<16xf32>
        %abs3A_278 = math.absf %sub3A_277 : vector<16xf32>
        %sub3A_279 = arith.subf %abs3A_278, %add3A_276 : vector<16xf32>
        %max3A_280 = arith.constant 0.000000e+00 : f32
        %max3A_281 = vector.broadcast %max3A_280 : f32 to vector<16xf32>
        %max3A_282 = arith.maximumf %sub3A_279, %max3A_281 : vector<16xf32>
        %min3A_283 = arith.minimumf %abs3A_278, %add3A_276 : vector<16xf32>
        %mul3A_284 = arith.mulf %max3A_282, %max3A_282 : vector<16xf32>
        %add3A_285 = arith.addf %add3A_228, %mul3A_284 : vector<16xf32>
        %mul3A_286 = arith.mulf %min3A_283, %min3A_283 : vector<16xf32>
        %add3A_287 = arith.addf %add3A_230, %mul3A_286 : vector<16xf32>
        %add3A_288 = arith.constant 3 : i32
        %add3A_289 = vector.broadcast %add3A_288 : i32 to vector<16xi32>
        %add3A_290 = arith.addi %shift_left3A_110, %add3A_289 : vector<16xi32>
        %gather3A_291 = tpu.vector_load_idx %arg13[%add3A_96, %add3A_290] : memref<64x128xi32, #tpu.memory_space<vmem>>[vector<16xi32>, vector<16xi32>], vector<16xi32>,
        %and3A_292 = arith.constant -65536 : i32
        %and3A_293 = vector.broadcast %and3A_292 : i32 to vector<16xi32>
        %and3A_294 = arith.andi %gather3A_291, %and3A_293 : vector<16xi32>
        %bitcast_convert_type3A_295 = tpu.bitcast %and3A_294 : vector<16xi32> -> vector<16xf32>
        %add3A_296 = arith.constant 16 : i32
        %add3A_297 = vector.broadcast %add3A_296 : i32 to vector<16xi32>
        %add3A_298 = arith.addi %shift_left3A_110, %add3A_297 : vector<16xi32>
        %add3A_299 = arith.constant 3 : i32
        %add3A_300 = vector.broadcast %add3A_299 : i32 to vector<16xi32>
        %add3A_301 = arith.addi %add3A_298, %add3A_300 : vector<16xi32>
        %gather3A_302 = tpu.vector_load_idx %arg13[%add3A_96, %add3A_301] : memref<64x128xi32, #tpu.memory_space<vmem>>[vector<16xi32>, vector<16xi32>], vector<16xi32>,
        %and3A_303 = arith.constant -65536 : i32
        %and3A_304 = vector.broadcast %and3A_303 : i32 to vector<16xi32>
        %and3A_305 = arith.andi %gather3A_302, %and3A_304 : vector<16xi32>
        %bitcast_convert_type3A_306 = tpu.bitcast %and3A_305 : vector<16xi32> -> vector<16xf32>
        %add3A_307 = arith.constant 3 : i32
        %add3A_308 = vector.broadcast %add3A_307 : i32 to vector<16xi32>
        %add3A_309 = arith.addi %shift_left3A_119, %add3A_308 : vector<16xi32>
        %gather3A_310 = tpu.vector_load_idx %arg14[%add3A_96, %add3A_309] : memref<64x128xi32, #tpu.memory_space<vmem>>[vector<16xi32>, vector<16xi32>], vector<16xi32>,
        %and3A_311 = arith.constant -65536 : i32
        %and3A_312 = vector.broadcast %and3A_311 : i32 to vector<16xi32>
        %and3A_313 = arith.andi %gather3A_310, %and3A_312 : vector<16xi32>
        %bitcast_convert_type3A_314 = tpu.bitcast %and3A_313 : vector<16xi32> -> vector<16xf32>
        %broadcast_in_dim3A_315 = arith.constant 3 : i32
        %broadcast_in_dim3A_316 = vector.broadcast %broadcast_in_dim3A_315 : i32 to vector<16xi32>
        %gather3A_317 = tpu.vector_load_idx %arg15[%add3A_96, %broadcast_in_dim3A_316] : memref<64x128xf32, #tpu.memory_space<vmem>>[vector<16xi32>, vector<16xi32>], vector<16xf32>,
        %broadcast_in_dim3A_318 = arith.constant 35 : i32
        %broadcast_in_dim3A_319 = vector.broadcast %broadcast_in_dim3A_318 : i32 to vector<16xi32>
        %gather3A_320 = tpu.vector_load_idx %arg15[%add3A_96, %broadcast_in_dim3A_319] : memref<64x128xf32, #tpu.memory_space<vmem>>[vector<16xi32>, vector<16xi32>], vector<16xf32>,
        %broadcast_in_dim3A_321 = arith.constant 67 : i32
        %broadcast_in_dim3A_322 = vector.broadcast %broadcast_in_dim3A_321 : i32 to vector<16xi32>
        %gather3A_323 = tpu.vector_load_idx %arg15[%add3A_96, %broadcast_in_dim3A_322] : memref<64x128xf32, #tpu.memory_space<vmem>>[vector<16xi32>, vector<16xi32>], vector<16xf32>,
        %broadcast_in_dim3A_324 = arith.constant 99 : i32
        %broadcast_in_dim3A_325 = vector.broadcast %broadcast_in_dim3A_324 : i32 to vector<16xi32>
        %gather3A_326 = tpu.vector_load_idx %arg15[%add3A_96, %broadcast_in_dim3A_325] : memref<64x128xf32, #tpu.memory_space<vmem>>[vector<16xi32>, vector<16xi32>], vector<16xf32>,
        %mul3A_327 = arith.mulf %bitcast_convert_type3A_295, %gather3A_320 : vector<16xf32>
        %add3A_328 = arith.addf %mul3A_327, %gather3A_317 : vector<16xf32>
        %abs3A_329 = math.absf %bitcast_convert_type3A_306 : vector<16xf32>
        %abs3A_330 = math.absf %gather3A_323 : vector<16xf32>
        %mul3A_331 = arith.mulf %abs3A_329, %abs3A_330 : vector<16xf32>
        %abs3A_332 = math.absf %gather3A_326 : vector<16xf32>
        %add3A_333 = arith.addf %mul3A_331, %abs3A_332 : vector<16xf32>
        %sub3A_334 = arith.subf %add3A_328, %bitcast_convert_type3A_314 : vector<16xf32>
        %abs3A_335 = math.absf %sub3A_334 : vector<16xf32>
        %sub3A_336 = arith.subf %abs3A_335, %add3A_333 : vector<16xf32>
        %max3A_337 = arith.constant 0.000000e+00 : f32
        %max3A_338 = vector.broadcast %max3A_337 : f32 to vector<16xf32>
        %max3A_339 = arith.maximumf %sub3A_336, %max3A_338 : vector<16xf32>
        %min3A_340 = arith.minimumf %abs3A_335, %add3A_333 : vector<16xf32>
        %mul3A_341 = arith.mulf %max3A_339, %max3A_339 : vector<16xf32>
        %add3A_342 = arith.addf %add3A_285, %mul3A_341 : vector<16xf32>
        %mul3A_343 = arith.mulf %min3A_340, %min3A_340 : vector<16xf32>
        %add3A_344 = arith.addf %add3A_287, %mul3A_343 : vector<16xf32>
        %add3A_345 = arith.constant 4 : i32
        %add3A_346 = vector.broadcast %add3A_345 : i32 to vector<16xi32>
        %add3A_347 = arith.addi %shift_left3A_110, %add3A_346 : vector<16xi32>
        %gather3A_348 = tpu.vector_load_idx %arg13[%add3A_96, %add3A_347] : memref<64x128xi32, #tpu.memory_space<vmem>>[vector<16xi32>, vector<16xi32>], vector<16xi32>,
        %and3A_349 = arith.constant -65536 : i32
        %and3A_350 = vector.broadcast %and3A_349 : i32 to vector<16xi32>
        %and3A_351 = arith.andi %gather3A_348, %and3A_350 : vector<16xi32>
        %bitcast_convert_type3A_352 = tpu.bitcast %and3A_351 : vector<16xi32> -> vector<16xf32>
        %add3A_353 = arith.constant 16 : i32
        %add3A_354 = vector.broadcast %add3A_353 : i32 to vector<16xi32>
        %add3A_355 = arith.addi %shift_left3A_110, %add3A_354 : vector<16xi32>
        %add3A_356 = arith.constant 4 : i32
        %add3A_357 = vector.broadcast %add3A_356 : i32 to vector<16xi32>
        %add3A_358 = arith.addi %add3A_355, %add3A_357 : vector<16xi32>
        %gather3A_359 = tpu.vector_load_idx %arg13[%add3A_96, %add3A_358] : memref<64x128xi32, #tpu.memory_space<vmem>>[vector<16xi32>, vector<16xi32>], vector<16xi32>,
        %and3A_360 = arith.constant -65536 : i32
        %and3A_361 = vector.broadcast %and3A_360 : i32 to vector<16xi32>
        %and3A_362 = arith.andi %gather3A_359, %and3A_361 : vector<16xi32>
        %bitcast_convert_type3A_363 = tpu.bitcast %and3A_362 : vector<16xi32> -> vector<16xf32>
        %add3A_364 = arith.constant 4 : i32
        %add3A_365 = vector.broadcast %add3A_364 : i32 to vector<16xi32>
        %add3A_366 = arith.addi %shift_left3A_119, %add3A_365 : vector<16xi32>
        %gather3A_367 = tpu.vector_load_idx %arg14[%add3A_96, %add3A_366] : memref<64x128xi32, #tpu.memory_space<vmem>>[vector<16xi32>, vector<16xi32>], vector<16xi32>,
        %and3A_368 = arith.constant -65536 : i32
        %and3A_369 = vector.broadcast %and3A_368 : i32 to vector<16xi32>
        %and3A_370 = arith.andi %gather3A_367, %and3A_369 : vector<16xi32>
        %bitcast_convert_type3A_371 = tpu.bitcast %and3A_370 : vector<16xi32> -> vector<16xf32>
        %broadcast_in_dim3A_372 = arith.constant 4 : i32
        %broadcast_in_dim3A_373 = vector.broadcast %broadcast_in_dim3A_372 : i32 to vector<16xi32>
        %gather3A_374 = tpu.vector_load_idx %arg15[%add3A_96, %broadcast_in_dim3A_373] : memref<64x128xf32, #tpu.memory_space<vmem>>[vector<16xi32>, vector<16xi32>], vector<16xf32>,
        %broadcast_in_dim3A_375 = arith.constant 36 : i32
        %broadcast_in_dim3A_376 = vector.broadcast %broadcast_in_dim3A_375 : i32 to vector<16xi32>
        %gather3A_377 = tpu.vector_load_idx %arg15[%add3A_96, %broadcast_in_dim3A_376] : memref<64x128xf32, #tpu.memory_space<vmem>>[vector<16xi32>, vector<16xi32>], vector<16xf32>,
        %broadcast_in_dim3A_378 = arith.constant 68 : i32
        %broadcast_in_dim3A_379 = vector.broadcast %broadcast_in_dim3A_378 : i32 to vector<16xi32>
        %gather3A_380 = tpu.vector_load_idx %arg15[%add3A_96, %broadcast_in_dim3A_379] : memref<64x128xf32, #tpu.memory_space<vmem>>[vector<16xi32>, vector<16xi32>], vector<16xf32>,
        %broadcast_in_dim3A_381 = arith.constant 100 : i32
        %broadcast_in_dim3A_382 = vector.broadcast %broadcast_in_dim3A_381 : i32 to vector<16xi32>
        %gather3A_383 = tpu.vector_load_idx %arg15[%add3A_96, %broadcast_in_dim3A_382] : memref<64x128xf32, #tpu.memory_space<vmem>>[vector<16xi32>, vector<16xi32>], vector<16xf32>,
        %mul3A_384 = arith.mulf %bitcast_convert_type3A_352, %gather3A_377 : vector<16xf32>
        %add3A_385 = arith.addf %mul3A_384, %gather3A_374 : vector<16xf32>
        %abs3A_386 = math.absf %bitcast_convert_type3A_363 : vector<16xf32>
        %abs3A_387 = math.absf %gather3A_380 : vector<16xf32>
        %mul3A_388 = arith.mulf %abs3A_386, %abs3A_387 : vector<16xf32>
        %abs3A_389 = math.absf %gather3A_383 : vector<16xf32>
        %add3A_390 = arith.addf %mul3A_388, %abs3A_389 : vector<16xf32>
        %sub3A_391 = arith.subf %add3A_385, %bitcast_convert_type3A_371 : vector<16xf32>
        %abs3A_392 = math.absf %sub3A_391 : vector<16xf32>
        %sub3A_393 = arith.subf %abs3A_392, %add3A_390 : vector<16xf32>
        %max3A_394 = arith.constant 0.000000e+00 : f32
        %max3A_395 = vector.broadcast %max3A_394 : f32 to vector<16xf32>
        %max3A_396 = arith.maximumf %sub3A_393, %max3A_395 : vector<16xf32>
        %min3A_397 = arith.minimumf %abs3A_392, %add3A_390 : vector<16xf32>
        %mul3A_398 = arith.mulf %max3A_396, %max3A_396 : vector<16xf32>
        %add3A_399 = arith.addf %add3A_342, %mul3A_398 : vector<16xf32>
        %mul3A_400 = arith.mulf %min3A_397, %min3A_397 : vector<16xf32>
        %add3A_401 = arith.addf %add3A_344, %mul3A_400 : vector<16xf32>
        %add3A_402 = arith.constant 5 : i32
        %add3A_403 = vector.broadcast %add3A_402 : i32 to vector<16xi32>
        %add3A_404 = arith.addi %shift_left3A_110, %add3A_403 : vector<16xi32>
        %gather3A_405 = tpu.vector_load_idx %arg13[%add3A_96, %add3A_404] : memref<64x128xi32, #tpu.memory_space<vmem>>[vector<16xi32>, vector<16xi32>], vector<16xi32>,
        %and3A_406 = arith.constant -65536 : i32
        %and3A_407 = vector.broadcast %and3A_406 : i32 to vector<16xi32>
        %and3A_408 = arith.andi %gather3A_405, %and3A_407 : vector<16xi32>
        %bitcast_convert_type3A_409 = tpu.bitcast %and3A_408 : vector<16xi32> -> vector<16xf32>
        %add3A_410 = arith.constant 16 : i32
        %add3A_411 = vector.broadcast %add3A_410 : i32 to vector<16xi32>
        %add3A_412 = arith.addi %shift_left3A_110, %add3A_411 : vector<16xi32>
        %add3A_413 = arith.constant 5 : i32
        %add3A_414 = vector.broadcast %add3A_413 : i32 to vector<16xi32>
        %add3A_415 = arith.addi %add3A_412, %add3A_414 : vector<16xi32>
        %gather3A_416 = tpu.vector_load_idx %arg13[%add3A_96, %add3A_415] : memref<64x128xi32, #tpu.memory_space<vmem>>[vector<16xi32>, vector<16xi32>], vector<16xi32>,
        %and3A_417 = arith.constant -65536 : i32
        %and3A_418 = vector.broadcast %and3A_417 : i32 to vector<16xi32>
        %and3A_419 = arith.andi %gather3A_416, %and3A_418 : vector<16xi32>
        %bitcast_convert_type3A_420 = tpu.bitcast %and3A_419 : vector<16xi32> -> vector<16xf32>
        %add3A_421 = arith.constant 5 : i32
        %add3A_422 = vector.broadcast %add3A_421 : i32 to vector<16xi32>
        %add3A_423 = arith.addi %shift_left3A_119, %add3A_422 : vector<16xi32>
        %gather3A_424 = tpu.vector_load_idx %arg14[%add3A_96, %add3A_423] : memref<64x128xi32, #tpu.memory_space<vmem>>[vector<16xi32>, vector<16xi32>], vector<16xi32>,
        %and3A_425 = arith.constant -65536 : i32
        %and3A_426 = vector.broadcast %and3A_425 : i32 to vector<16xi32>
        %and3A_427 = arith.andi %gather3A_424, %and3A_426 : vector<16xi32>
        %bitcast_convert_type3A_428 = tpu.bitcast %and3A_427 : vector<16xi32> -> vector<16xf32>
        %broadcast_in_dim3A_429 = arith.constant 5 : i32
        %broadcast_in_dim3A_430 = vector.broadcast %broadcast_in_dim3A_429 : i32 to vector<16xi32>
        %gather3A_431 = tpu.vector_load_idx %arg15[%add3A_96, %broadcast_in_dim3A_430] : memref<64x128xf32, #tpu.memory_space<vmem>>[vector<16xi32>, vector<16xi32>], vector<16xf32>,
        %broadcast_in_dim3A_432 = arith.constant 37 : i32
        %broadcast_in_dim3A_433 = vector.broadcast %broadcast_in_dim3A_432 : i32 to vector<16xi32>
        %gather3A_434 = tpu.vector_load_idx %arg15[%add3A_96, %broadcast_in_dim3A_433] : memref<64x128xf32, #tpu.memory_space<vmem>>[vector<16xi32>, vector<16xi32>], vector<16xf32>,
        %broadcast_in_dim3A_435 = arith.constant 69 : i32
        %broadcast_in_dim3A_436 = vector.broadcast %broadcast_in_dim3A_435 : i32 to vector<16xi32>
        %gather3A_437 = tpu.vector_load_idx %arg15[%add3A_96, %broadcast_in_dim3A_436] : memref<64x128xf32, #tpu.memory_space<vmem>>[vector<16xi32>, vector<16xi32>], vector<16xf32>,
        %broadcast_in_dim3A_438 = arith.constant 101 : i32
        %broadcast_in_dim3A_439 = vector.broadcast %broadcast_in_dim3A_438 : i32 to vector<16xi32>
        %gather3A_440 = tpu.vector_load_idx %arg15[%add3A_96, %broadcast_in_dim3A_439] : memref<64x128xf32, #tpu.memory_space<vmem>>[vector<16xi32>, vector<16xi32>], vector<16xf32>,
        %mul3A_441 = arith.mulf %bitcast_convert_type3A_409, %gather3A_434 : vector<16xf32>
        %add3A_442 = arith.addf %mul3A_441, %gather3A_431 : vector<16xf32>
        %abs3A_443 = math.absf %bitcast_convert_type3A_420 : vector<16xf32>
        %abs3A_444 = math.absf %gather3A_437 : vector<16xf32>
        %mul3A_445 = arith.mulf %abs3A_443, %abs3A_444 : vector<16xf32>
        %abs3A_446 = math.absf %gather3A_440 : vector<16xf32>
        %add3A_447 = arith.addf %mul3A_445, %abs3A_446 : vector<16xf32>
        %sub3A_448 = arith.subf %add3A_442, %bitcast_convert_type3A_428 : vector<16xf32>
        %abs3A_449 = math.absf %sub3A_448 : vector<16xf32>
        %sub3A_450 = arith.subf %abs3A_449, %add3A_447 : vector<16xf32>
        %max3A_451 = arith.constant 0.000000e+00 : f32
        %max3A_452 = vector.broadcast %max3A_451 : f32 to vector<16xf32>
        %max3A_453 = arith.maximumf %sub3A_450, %max3A_452 : vector<16xf32>
        %min3A_454 = arith.minimumf %abs3A_449, %add3A_447 : vector<16xf32>
        %mul3A_455 = arith.mulf %max3A_453, %max3A_453 : vector<16xf32>
        %add3A_456 = arith.addf %add3A_399, %mul3A_455 : vector<16xf32>
        %mul3A_457 = arith.mulf %min3A_454, %min3A_454 : vector<16xf32>
        %add3A_458 = arith.addf %add3A_401, %mul3A_457 : vector<16xf32>
        %add3A_459 = arith.constant 6 : i32
        %add3A_460 = vector.broadcast %add3A_459 : i32 to vector<16xi32>
        %add3A_461 = arith.addi %shift_left3A_110, %add3A_460 : vector<16xi32>
        %gather3A_462 = tpu.vector_load_idx %arg13[%add3A_96, %add3A_461] : memref<64x128xi32, #tpu.memory_space<vmem>>[vector<16xi32>, vector<16xi32>], vector<16xi32>,
        %and3A_463 = arith.constant -65536 : i32
        %and3A_464 = vector.broadcast %and3A_463 : i32 to vector<16xi32>
        %and3A_465 = arith.andi %gather3A_462, %and3A_464 : vector<16xi32>
        %bitcast_convert_type3A_466 = tpu.bitcast %and3A_465 : vector<16xi32> -> vector<16xf32>
        %add3A_467 = arith.constant 16 : i32
        %add3A_468 = vector.broadcast %add3A_467 : i32 to vector<16xi32>
        %add3A_469 = arith.addi %shift_left3A_110, %add3A_468 : vector<16xi32>
        %add3A_470 = arith.constant 6 : i32
        %add3A_471 = vector.broadcast %add3A_470 : i32 to vector<16xi32>
        %add3A_472 = arith.addi %add3A_469, %add3A_471 : vector<16xi32>
        %gather3A_473 = tpu.vector_load_idx %arg13[%add3A_96, %add3A_472] : memref<64x128xi32, #tpu.memory_space<vmem>>[vector<16xi32>, vector<16xi32>], vector<16xi32>,
        %and3A_474 = arith.constant -65536 : i32
        %and3A_475 = vector.broadcast %and3A_474 : i32 to vector<16xi32>
        %and3A_476 = arith.andi %gather3A_473, %and3A_475 : vector<16xi32>
        %bitcast_convert_type3A_477 = tpu.bitcast %and3A_476 : vector<16xi32> -> vector<16xf32>
        %add3A_478 = arith.constant 6 : i32
        %add3A_479 = vector.broadcast %add3A_478 : i32 to vector<16xi32>
        %add3A_480 = arith.addi %shift_left3A_119, %add3A_479 : vector<16xi32>
        %gather3A_481 = tpu.vector_load_idx %arg14[%add3A_96, %add3A_480] : memref<64x128xi32, #tpu.memory_space<vmem>>[vector<16xi32>, vector<16xi32>], vector<16xi32>,
        %and3A_482 = arith.constant -65536 : i32
        %and3A_483 = vector.broadcast %and3A_482 : i32 to vector<16xi32>
        %and3A_484 = arith.andi %gather3A_481, %and3A_483 : vector<16xi32>
        %bitcast_convert_type3A_485 = tpu.bitcast %and3A_484 : vector<16xi32> -> vector<16xf32>
        %broadcast_in_dim3A_486 = arith.constant 6 : i32
        %broadcast_in_dim3A_487 = vector.broadcast %broadcast_in_dim3A_486 : i32 to vector<16xi32>
        %gather3A_488 = tpu.vector_load_idx %arg15[%add3A_96, %broadcast_in_dim3A_487] : memref<64x128xf32, #tpu.memory_space<vmem>>[vector<16xi32>, vector<16xi32>], vector<16xf32>,
        %broadcast_in_dim3A_489 = arith.constant 38 : i32
        %broadcast_in_dim3A_490 = vector.broadcast %broadcast_in_dim3A_489 : i32 to vector<16xi32>
        %gather3A_491 = tpu.vector_load_idx %arg15[%add3A_96, %broadcast_in_dim3A_490] : memref<64x128xf32, #tpu.memory_space<vmem>>[vector<16xi32>, vector<16xi32>], vector<16xf32>,
        %broadcast_in_dim3A_492 = arith.constant 70 : i32
        %broadcast_in_dim3A_493 = vector.broadcast %broadcast_in_dim3A_492 : i32 to vector<16xi32>
        %gather3A_494 = tpu.vector_load_idx %arg15[%add3A_96, %broadcast_in_dim3A_493] : memref<64x128xf32, #tpu.memory_space<vmem>>[vector<16xi32>, vector<16xi32>], vector<16xf32>,
        %broadcast_in_dim3A_495 = arith.constant 102 : i32
        %broadcast_in_dim3A_496 = vector.broadcast %broadcast_in_dim3A_495 : i32 to vector<16xi32>
        %gather3A_497 = tpu.vector_load_idx %arg15[%add3A_96, %broadcast_in_dim3A_496] : memref<64x128xf32, #tpu.memory_space<vmem>>[vector<16xi32>, vector<16xi32>], vector<16xf32>,
        %mul3A_498 = arith.mulf %bitcast_convert_type3A_466, %gather3A_491 : vector<16xf32>
        %add3A_499 = arith.addf %mul3A_498, %gather3A_488 : vector<16xf32>
        %abs3A_500 = math.absf %bitcast_convert_type3A_477 : vector<16xf32>
        %abs3A_501 = math.absf %gather3A_494 : vector<16xf32>
        %mul3A_502 = arith.mulf %abs3A_500, %abs3A_501 : vector<16xf32>
        %abs3A_503 = math.absf %gather3A_497 : vector<16xf32>
        %add3A_504 = arith.addf %mul3A_502, %abs3A_503 : vector<16xf32>
        %sub3A_505 = arith.subf %add3A_499, %bitcast_convert_type3A_485 : vector<16xf32>
        %abs3A_506 = math.absf %sub3A_505 : vector<16xf32>
        %sub3A_507 = arith.subf %abs3A_506, %add3A_504 : vector<16xf32>
        %max3A_508 = arith.constant 0.000000e+00 : f32
        %max3A_509 = vector.broadcast %max3A_508 : f32 to vector<16xf32>
        %max3A_510 = arith.maximumf %sub3A_507, %max3A_509 : vector<16xf32>
        %min3A_511 = arith.minimumf %abs3A_506, %add3A_504 : vector<16xf32>
        %mul3A_512 = arith.mulf %max3A_510, %max3A_510 : vector<16xf32>
        %add3A_513 = arith.addf %add3A_456, %mul3A_512 : vector<16xf32>
        %mul3A_514 = arith.mulf %min3A_511, %min3A_511 : vector<16xf32>
        %add3A_515 = arith.addf %add3A_458, %mul3A_514 : vector<16xf32>
        %add3A_516 = arith.constant 7 : i32
        %add3A_517 = vector.broadcast %add3A_516 : i32 to vector<16xi32>
        %add3A_518 = arith.addi %shift_left3A_110, %add3A_517 : vector<16xi32>
        %gather3A_519 = tpu.vector_load_idx %arg13[%add3A_96, %add3A_518] : memref<64x128xi32, #tpu.memory_space<vmem>>[vector<16xi32>, vector<16xi32>], vector<16xi32>,
        %and3A_520 = arith.constant -65536 : i32
        %and3A_521 = vector.broadcast %and3A_520 : i32 to vector<16xi32>
        %and3A_522 = arith.andi %gather3A_519, %and3A_521 : vector<16xi32>
        %bitcast_convert_type3A_523 = tpu.bitcast %and3A_522 : vector<16xi32> -> vector<16xf32>
        %add3A_524 = arith.constant 16 : i32
        %add3A_525 = vector.broadcast %add3A_524 : i32 to vector<16xi32>
        %add3A_526 = arith.addi %shift_left3A_110, %add3A_525 : vector<16xi32>
        %add3A_527 = arith.constant 7 : i32
        %add3A_528 = vector.broadcast %add3A_527 : i32 to vector<16xi32>
        %add3A_529 = arith.addi %add3A_526, %add3A_528 : vector<16xi32>
        %gather3A_530 = tpu.vector_load_idx %arg13[%add3A_96, %add3A_529] : memref<64x128xi32, #tpu.memory_space<vmem>>[vector<16xi32>, vector<16xi32>], vector<16xi32>,
        %and3A_531 = arith.constant -65536 : i32
        %and3A_532 = vector.broadcast %and3A_531 : i32 to vector<16xi32>
        %and3A_533 = arith.andi %gather3A_530, %and3A_532 : vector<16xi32>
        %bitcast_convert_type3A_534 = tpu.bitcast %and3A_533 : vector<16xi32> -> vector<16xf32>
        %add3A_535 = arith.constant 7 : i32
        %add3A_536 = vector.broadcast %add3A_535 : i32 to vector<16xi32>
        %add3A_537 = arith.addi %shift_left3A_119, %add3A_536 : vector<16xi32>
        %gather3A_538 = tpu.vector_load_idx %arg14[%add3A_96, %add3A_537] : memref<64x128xi32, #tpu.memory_space<vmem>>[vector<16xi32>, vector<16xi32>], vector<16xi32>,
        %and3A_539 = arith.constant -65536 : i32
        %and3A_540 = vector.broadcast %and3A_539 : i32 to vector<16xi32>
        %and3A_541 = arith.andi %gather3A_538, %and3A_540 : vector<16xi32>
        %bitcast_convert_type3A_542 = tpu.bitcast %and3A_541 : vector<16xi32> -> vector<16xf32>
        %broadcast_in_dim3A_543 = arith.constant 7 : i32
        %broadcast_in_dim3A_544 = vector.broadcast %broadcast_in_dim3A_543 : i32 to vector<16xi32>
        %gather3A_545 = tpu.vector_load_idx %arg15[%add3A_96, %broadcast_in_dim3A_544] : memref<64x128xf32, #tpu.memory_space<vmem>>[vector<16xi32>, vector<16xi32>], vector<16xf32>,
        %broadcast_in_dim3A_546 = arith.constant 39 : i32
        %broadcast_in_dim3A_547 = vector.broadcast %broadcast_in_dim3A_546 : i32 to vector<16xi32>
        %gather3A_548 = tpu.vector_load_idx %arg15[%add3A_96, %broadcast_in_dim3A_547] : memref<64x128xf32, #tpu.memory_space<vmem>>[vector<16xi32>, vector<16xi32>], vector<16xf32>,
        %broadcast_in_dim3A_549 = arith.constant 71 : i32
        %broadcast_in_dim3A_550 = vector.broadcast %broadcast_in_dim3A_549 : i32 to vector<16xi32>
        %gather3A_551 = tpu.vector_load_idx %arg15[%add3A_96, %broadcast_in_dim3A_550] : memref<64x128xf32, #tpu.memory_space<vmem>>[vector<16xi32>, vector<16xi32>], vector<16xf32>,
        %broadcast_in_dim3A_552 = arith.constant 103 : i32
        %broadcast_in_dim3A_553 = vector.broadcast %broadcast_in_dim3A_552 : i32 to vector<16xi32>
        %gather3A_554 = tpu.vector_load_idx %arg15[%add3A_96, %broadcast_in_dim3A_553] : memref<64x128xf32, #tpu.memory_space<vmem>>[vector<16xi32>, vector<16xi32>], vector<16xf32>,
        %mul3A_555 = arith.mulf %bitcast_convert_type3A_523, %gather3A_548 : vector<16xf32>
        %add3A_556 = arith.addf %mul3A_555, %gather3A_545 : vector<16xf32>
        %abs3A_557 = math.absf %bitcast_convert_type3A_534 : vector<16xf32>
        %abs3A_558 = math.absf %gather3A_551 : vector<16xf32>
        %mul3A_559 = arith.mulf %abs3A_557, %abs3A_558 : vector<16xf32>
        %abs3A_560 = math.absf %gather3A_554 : vector<16xf32>
        %add3A_561 = arith.addf %mul3A_559, %abs3A_560 : vector<16xf32>
        %sub3A_562 = arith.subf %add3A_556, %bitcast_convert_type3A_542 : vector<16xf32>
        %abs3A_563 = math.absf %sub3A_562 : vector<16xf32>
        %sub3A_564 = arith.subf %abs3A_563, %add3A_561 : vector<16xf32>
        %max3A_565 = arith.constant 0.000000e+00 : f32
        %max3A_566 = vector.broadcast %max3A_565 : f32 to vector<16xf32>
        %max3A_567 = arith.maximumf %sub3A_564, %max3A_566 : vector<16xf32>
        %min3A_568 = arith.minimumf %abs3A_563, %add3A_561 : vector<16xf32>
        %mul3A_569 = arith.mulf %max3A_567, %max3A_567 : vector<16xf32>
        %add3A_570 = arith.addf %add3A_513, %mul3A_569 : vector<16xf32>
        %mul3A_571 = arith.mulf %min3A_568, %min3A_568 : vector<16xf32>
        %add3A_572 = arith.addf %add3A_515, %mul3A_571 : vector<16xf32>
        %add3A_573 = arith.constant 8 : i32
        %add3A_574 = vector.broadcast %add3A_573 : i32 to vector<16xi32>
        %add3A_575 = arith.addi %shift_left3A_110, %add3A_574 : vector<16xi32>
        %gather3A_576 = tpu.vector_load_idx %arg13[%add3A_96, %add3A_575] : memref<64x128xi32, #tpu.memory_space<vmem>>[vector<16xi32>, vector<16xi32>], vector<16xi32>,
        %and3A_577 = arith.constant -65536 : i32
        %and3A_578 = vector.broadcast %and3A_577 : i32 to vector<16xi32>
        %and3A_579 = arith.andi %gather3A_576, %and3A_578 : vector<16xi32>
        %bitcast_convert_type3A_580 = tpu.bitcast %and3A_579 : vector<16xi32> -> vector<16xf32>
        %add3A_581 = arith.constant 16 : i32
        %add3A_582 = vector.broadcast %add3A_581 : i32 to vector<16xi32>
        %add3A_583 = arith.addi %shift_left3A_110, %add3A_582 : vector<16xi32>
        %add3A_584 = arith.constant 8 : i32
        %add3A_585 = vector.broadcast %add3A_584 : i32 to vector<16xi32>
        %add3A_586 = arith.addi %add3A_583, %add3A_585 : vector<16xi32>
        %gather3A_587 = tpu.vector_load_idx %arg13[%add3A_96, %add3A_586] : memref<64x128xi32, #tpu.memory_space<vmem>>[vector<16xi32>, vector<16xi32>], vector<16xi32>,
        %and3A_588 = arith.constant -65536 : i32
        %and3A_589 = vector.broadcast %and3A_588 : i32 to vector<16xi32>
        %and3A_590 = arith.andi %gather3A_587, %and3A_589 : vector<16xi32>
        %bitcast_convert_type3A_591 = tpu.bitcast %and3A_590 : vector<16xi32> -> vector<16xf32>
        %add3A_592 = arith.constant 8 : i32
        %add3A_593 = vector.broadcast %add3A_592 : i32 to vector<16xi32>
        %add3A_594 = arith.addi %shift_left3A_119, %add3A_593 : vector<16xi32>
        %gather3A_595 = tpu.vector_load_idx %arg14[%add3A_96, %add3A_594] : memref<64x128xi32, #tpu.memory_space<vmem>>[vector<16xi32>, vector<16xi32>], vector<16xi32>,
        %and3A_596 = arith.constant -65536 : i32
        %and3A_597 = vector.broadcast %and3A_596 : i32 to vector<16xi32>
        %and3A_598 = arith.andi %gather3A_595, %and3A_597 : vector<16xi32>
        %bitcast_convert_type3A_599 = tpu.bitcast %and3A_598 : vector<16xi32> -> vector<16xf32>
        %broadcast_in_dim3A_600 = arith.constant 8 : i32
        %broadcast_in_dim3A_601 = vector.broadcast %broadcast_in_dim3A_600 : i32 to vector<16xi32>
        %gather3A_602 = tpu.vector_load_idx %arg15[%add3A_96, %broadcast_in_dim3A_601] : memref<64x128xf32, #tpu.memory_space<vmem>>[vector<16xi32>, vector<16xi32>], vector<16xf32>,
        %broadcast_in_dim3A_603 = arith.constant 40 : i32
        %broadcast_in_dim3A_604 = vector.broadcast %broadcast_in_dim3A_603 : i32 to vector<16xi32>
        %gather3A_605 = tpu.vector_load_idx %arg15[%add3A_96, %broadcast_in_dim3A_604] : memref<64x128xf32, #tpu.memory_space<vmem>>[vector<16xi32>, vector<16xi32>], vector<16xf32>,
        %broadcast_in_dim3A_606 = arith.constant 72 : i32
        %broadcast_in_dim3A_607 = vector.broadcast %broadcast_in_dim3A_606 : i32 to vector<16xi32>
        %gather3A_608 = tpu.vector_load_idx %arg15[%add3A_96, %broadcast_in_dim3A_607] : memref<64x128xf32, #tpu.memory_space<vmem>>[vector<16xi32>, vector<16xi32>], vector<16xf32>,
        %broadcast_in_dim3A_609 = arith.constant 104 : i32
        %broadcast_in_dim3A_610 = vector.broadcast %broadcast_in_dim3A_609 : i32 to vector<16xi32>
        %gather3A_611 = tpu.vector_load_idx %arg15[%add3A_96, %broadcast_in_dim3A_610] : memref<64x128xf32, #tpu.memory_space<vmem>>[vector<16xi32>, vector<16xi32>], vector<16xf32>,
        %mul3A_612 = arith.mulf %bitcast_convert_type3A_580, %gather3A_605 : vector<16xf32>
        %add3A_613 = arith.addf %mul3A_612, %gather3A_602 : vector<16xf32>
        %abs3A_614 = math.absf %bitcast_convert_type3A_591 : vector<16xf32>
        %abs3A_615 = math.absf %gather3A_608 : vector<16xf32>
        %mul3A_616 = arith.mulf %abs3A_614, %abs3A_615 : vector<16xf32>
        %abs3A_617 = math.absf %gather3A_611 : vector<16xf32>
        %add3A_618 = arith.addf %mul3A_616, %abs3A_617 : vector<16xf32>
        %sub3A_619 = arith.subf %add3A_613, %bitcast_convert_type3A_599 : vector<16xf32>
        %abs3A_620 = math.absf %sub3A_619 : vector<16xf32>
        %sub3A_621 = arith.subf %abs3A_620, %add3A_618 : vector<16xf32>
        %max3A_622 = arith.constant 0.000000e+00 : f32
        %max3A_623 = vector.broadcast %max3A_622 : f32 to vector<16xf32>
        %max3A_624 = arith.maximumf %sub3A_621, %max3A_623 : vector<16xf32>
        %min3A_625 = arith.minimumf %abs3A_620, %add3A_618 : vector<16xf32>
        %mul3A_626 = arith.mulf %max3A_624, %max3A_624 : vector<16xf32>
        %add3A_627 = arith.addf %add3A_570, %mul3A_626 : vector<16xf32>
        %mul3A_628 = arith.mulf %min3A_625, %min3A_625 : vector<16xf32>
        %add3A_629 = arith.addf %add3A_572, %mul3A_628 : vector<16xf32>
        %add3A_630 = arith.constant 9 : i32
        %add3A_631 = vector.broadcast %add3A_630 : i32 to vector<16xi32>
        %add3A_632 = arith.addi %shift_left3A_110, %add3A_631 : vector<16xi32>
        %gather3A_633 = tpu.vector_load_idx %arg13[%add3A_96, %add3A_632] : memref<64x128xi32, #tpu.memory_space<vmem>>[vector<16xi32>, vector<16xi32>], vector<16xi32>,
        %and3A_634 = arith.constant -65536 : i32
        %and3A_635 = vector.broadcast %and3A_634 : i32 to vector<16xi32>
        %and3A_636 = arith.andi %gather3A_633, %and3A_635 : vector<16xi32>
        %bitcast_convert_type3A_637 = tpu.bitcast %and3A_636 : vector<16xi32> -> vector<16xf32>
        %add3A_638 = arith.constant 16 : i32
        %add3A_639 = vector.broadcast %add3A_638 : i32 to vector<16xi32>
        %add3A_640 = arith.addi %shift_left3A_110, %add3A_639 : vector<16xi32>
        %add3A_641 = arith.constant 9 : i32
        %add3A_642 = vector.broadcast %add3A_641 : i32 to vector<16xi32>
        %add3A_643 = arith.addi %add3A_640, %add3A_642 : vector<16xi32>
        %gather3A_644 = tpu.vector_load_idx %arg13[%add3A_96, %add3A_643] : memref<64x128xi32, #tpu.memory_space<vmem>>[vector<16xi32>, vector<16xi32>], vector<16xi32>,
        %and3A_645 = arith.constant -65536 : i32
        %and3A_646 = vector.broadcast %and3A_645 : i32 to vector<16xi32>
        %and3A_647 = arith.andi %gather3A_644, %and3A_646 : vector<16xi32>
        %bitcast_convert_type3A_648 = tpu.bitcast %and3A_647 : vector<16xi32> -> vector<16xf32>
        %add3A_649 = arith.constant 9 : i32
        %add3A_650 = vector.broadcast %add3A_649 : i32 to vector<16xi32>
        %add3A_651 = arith.addi %shift_left3A_119, %add3A_650 : vector<16xi32>
        %gather3A_652 = tpu.vector_load_idx %arg14[%add3A_96, %add3A_651] : memref<64x128xi32, #tpu.memory_space<vmem>>[vector<16xi32>, vector<16xi32>], vector<16xi32>,
        %and3A_653 = arith.constant -65536 : i32
        %and3A_654 = vector.broadcast %and3A_653 : i32 to vector<16xi32>
        %and3A_655 = arith.andi %gather3A_652, %and3A_654 : vector<16xi32>
        %bitcast_convert_type3A_656 = tpu.bitcast %and3A_655 : vector<16xi32> -> vector<16xf32>
        %broadcast_in_dim3A_657 = arith.constant 9 : i32
        %broadcast_in_dim3A_658 = vector.broadcast %broadcast_in_dim3A_657 : i32 to vector<16xi32>
        %gather3A_659 = tpu.vector_load_idx %arg15[%add3A_96, %broadcast_in_dim3A_658] : memref<64x128xf32, #tpu.memory_space<vmem>>[vector<16xi32>, vector<16xi32>], vector<16xf32>,
        %broadcast_in_dim3A_660 = arith.constant 41 : i32
        %broadcast_in_dim3A_661 = vector.broadcast %broadcast_in_dim3A_660 : i32 to vector<16xi32>
        %gather3A_662 = tpu.vector_load_idx %arg15[%add3A_96, %broadcast_in_dim3A_661] : memref<64x128xf32, #tpu.memory_space<vmem>>[vector<16xi32>, vector<16xi32>], vector<16xf32>,
        %broadcast_in_dim3A_663 = arith.constant 73 : i32
        %broadcast_in_dim3A_664 = vector.broadcast %broadcast_in_dim3A_663 : i32 to vector<16xi32>
        %gather3A_665 = tpu.vector_load_idx %arg15[%add3A_96, %broadcast_in_dim3A_664] : memref<64x128xf32, #tpu.memory_space<vmem>>[vector<16xi32>, vector<16xi32>], vector<16xf32>,
        %broadcast_in_dim3A_666 = arith.constant 105 : i32
        %broadcast_in_dim3A_667 = vector.broadcast %broadcast_in_dim3A_666 : i32 to vector<16xi32>
        %gather3A_668 = tpu.vector_load_idx %arg15[%add3A_96, %broadcast_in_dim3A_667] : memref<64x128xf32, #tpu.memory_space<vmem>>[vector<16xi32>, vector<16xi32>], vector<16xf32>,
        %mul3A_669 = arith.mulf %bitcast_convert_type3A_637, %gather3A_662 : vector<16xf32>
        %add3A_670 = arith.addf %mul3A_669, %gather3A_659 : vector<16xf32>
        %abs3A_671 = math.absf %bitcast_convert_type3A_648 : vector<16xf32>
        %abs3A_672 = math.absf %gather3A_665 : vector<16xf32>
        %mul3A_673 = arith.mulf %abs3A_671, %abs3A_672 : vector<16xf32>
        %abs3A_674 = math.absf %gather3A_668 : vector<16xf32>
        %add3A_675 = arith.addf %mul3A_673, %abs3A_674 : vector<16xf32>
        %sub3A_676 = arith.subf %add3A_670, %bitcast_convert_type3A_656 : vector<16xf32>
        %abs3A_677 = math.absf %sub3A_676 : vector<16xf32>
        %sub3A_678 = arith.subf %abs3A_677, %add3A_675 : vector<16xf32>
        %max3A_679 = arith.constant 0.000000e+00 : f32
        %max3A_680 = vector.broadcast %max3A_679 : f32 to vector<16xf32>
        %max3A_681 = arith.maximumf %sub3A_678, %max3A_680 : vector<16xf32>
        %min3A_682 = arith.minimumf %abs3A_677, %add3A_675 : vector<16xf32>
        %mul3A_683 = arith.mulf %max3A_681, %max3A_681 : vector<16xf32>
        %add3A_684 = arith.addf %add3A_627, %mul3A_683 : vector<16xf32>
        %mul3A_685 = arith.mulf %min3A_682, %min3A_682 : vector<16xf32>
        %add3A_686 = arith.addf %add3A_629, %mul3A_685 : vector<16xf32>
        %add3A_687 = arith.constant 10 : i32
        %add3A_688 = vector.broadcast %add3A_687 : i32 to vector<16xi32>
        %add3A_689 = arith.addi %shift_left3A_110, %add3A_688 : vector<16xi32>
        %gather3A_690 = tpu.vector_load_idx %arg13[%add3A_96, %add3A_689] : memref<64x128xi32, #tpu.memory_space<vmem>>[vector<16xi32>, vector<16xi32>], vector<16xi32>,
        %and3A_691 = arith.constant -65536 : i32
        %and3A_692 = vector.broadcast %and3A_691 : i32 to vector<16xi32>
        %and3A_693 = arith.andi %gather3A_690, %and3A_692 : vector<16xi32>
        %bitcast_convert_type3A_694 = tpu.bitcast %and3A_693 : vector<16xi32> -> vector<16xf32>
        %add3A_695 = arith.constant 16 : i32
        %add3A_696 = vector.broadcast %add3A_695 : i32 to vector<16xi32>
        %add3A_697 = arith.addi %shift_left3A_110, %add3A_696 : vector<16xi32>
        %add3A_698 = arith.constant 10 : i32
        %add3A_699 = vector.broadcast %add3A_698 : i32 to vector<16xi32>
        %add3A_700 = arith.addi %add3A_697, %add3A_699 : vector<16xi32>
        %gather3A_701 = tpu.vector_load_idx %arg13[%add3A_96, %add3A_700] : memref<64x128xi32, #tpu.memory_space<vmem>>[vector<16xi32>, vector<16xi32>], vector<16xi32>,
        %and3A_702 = arith.constant -65536 : i32
        %and3A_703 = vector.broadcast %and3A_702 : i32 to vector<16xi32>
        %and3A_704 = arith.andi %gather3A_701, %and3A_703 : vector<16xi32>
        %bitcast_convert_type3A_705 = tpu.bitcast %and3A_704 : vector<16xi32> -> vector<16xf32>
        %add3A_706 = arith.constant 10 : i32
        %add3A_707 = vector.broadcast %add3A_706 : i32 to vector<16xi32>
        %add3A_708 = arith.addi %shift_left3A_119, %add3A_707 : vector<16xi32>
        %gather3A_709 = tpu.vector_load_idx %arg14[%add3A_96, %add3A_708] : memref<64x128xi32, #tpu.memory_space<vmem>>[vector<16xi32>, vector<16xi32>], vector<16xi32>,
        %and3A_710 = arith.constant -65536 : i32
        %and3A_711 = vector.broadcast %and3A_710 : i32 to vector<16xi32>
        %and3A_712 = arith.andi %gather3A_709, %and3A_711 : vector<16xi32>
        %bitcast_convert_type3A_713 = tpu.bitcast %and3A_712 : vector<16xi32> -> vector<16xf32>
        %broadcast_in_dim3A_714 = arith.constant 10 : i32
        %broadcast_in_dim3A_715 = vector.broadcast %broadcast_in_dim3A_714 : i32 to vector<16xi32>
        %gather3A_716 = tpu.vector_load_idx %arg15[%add3A_96, %broadcast_in_dim3A_715] : memref<64x128xf32, #tpu.memory_space<vmem>>[vector<16xi32>, vector<16xi32>], vector<16xf32>,
        %broadcast_in_dim3A_717 = arith.constant 42 : i32
        %broadcast_in_dim3A_718 = vector.broadcast %broadcast_in_dim3A_717 : i32 to vector<16xi32>
        %gather3A_719 = tpu.vector_load_idx %arg15[%add3A_96, %broadcast_in_dim3A_718] : memref<64x128xf32, #tpu.memory_space<vmem>>[vector<16xi32>, vector<16xi32>], vector<16xf32>,
        %broadcast_in_dim3A_720 = arith.constant 74 : i32
        %broadcast_in_dim3A_721 = vector.broadcast %broadcast_in_dim3A_720 : i32 to vector<16xi32>
        %gather3A_722 = tpu.vector_load_idx %arg15[%add3A_96, %broadcast_in_dim3A_721] : memref<64x128xf32, #tpu.memory_space<vmem>>[vector<16xi32>, vector<16xi32>], vector<16xf32>,
        %broadcast_in_dim3A_723 = arith.constant 106 : i32
        %broadcast_in_dim3A_724 = vector.broadcast %broadcast_in_dim3A_723 : i32 to vector<16xi32>
        %gather3A_725 = tpu.vector_load_idx %arg15[%add3A_96, %broadcast_in_dim3A_724] : memref<64x128xf32, #tpu.memory_space<vmem>>[vector<16xi32>, vector<16xi32>], vector<16xf32>,
        %mul3A_726 = arith.mulf %bitcast_convert_type3A_694, %gather3A_719 : vector<16xf32>
        %add3A_727 = arith.addf %mul3A_726, %gather3A_716 : vector<16xf32>
        %abs3A_728 = math.absf %bitcast_convert_type3A_705 : vector<16xf32>
        %abs3A_729 = math.absf %gather3A_722 : vector<16xf32>
        %mul3A_730 = arith.mulf %abs3A_728, %abs3A_729 : vector<16xf32>
        %abs3A_731 = math.absf %gather3A_725 : vector<16xf32>
        %add3A_732 = arith.addf %mul3A_730, %abs3A_731 : vector<16xf32>
        %sub3A_733 = arith.subf %add3A_727, %bitcast_convert_type3A_713 : vector<16xf32>
        %abs3A_734 = math.absf %sub3A_733 : vector<16xf32>
        %sub3A_735 = arith.subf %abs3A_734, %add3A_732 : vector<16xf32>
        %max3A_736 = arith.constant 0.000000e+00 : f32
        %max3A_737 = vector.broadcast %max3A_736 : f32 to vector<16xf32>
        %max3A_738 = arith.maximumf %sub3A_735, %max3A_737 : vector<16xf32>
        %min3A_739 = arith.minimumf %abs3A_734, %add3A_732 : vector<16xf32>
        %mul3A_740 = arith.mulf %max3A_738, %max3A_738 : vector<16xf32>
        %add3A_741 = arith.addf %add3A_684, %mul3A_740 : vector<16xf32>
        %mul3A_742 = arith.mulf %min3A_739, %min3A_739 : vector<16xf32>
        %add3A_743 = arith.addf %add3A_686, %mul3A_742 : vector<16xf32>
        %add3A_744 = arith.constant 11 : i32
        %add3A_745 = vector.broadcast %add3A_744 : i32 to vector<16xi32>
        %add3A_746 = arith.addi %shift_left3A_110, %add3A_745 : vector<16xi32>
        %gather3A_747 = tpu.vector_load_idx %arg13[%add3A_96, %add3A_746] : memref<64x128xi32, #tpu.memory_space<vmem>>[vector<16xi32>, vector<16xi32>], vector<16xi32>,
        %and3A_748 = arith.constant -65536 : i32
        %and3A_749 = vector.broadcast %and3A_748 : i32 to vector<16xi32>
        %and3A_750 = arith.andi %gather3A_747, %and3A_749 : vector<16xi32>
        %bitcast_convert_type3A_751 = tpu.bitcast %and3A_750 : vector<16xi32> -> vector<16xf32>
        %add3A_752 = arith.constant 16 : i32
        %add3A_753 = vector.broadcast %add3A_752 : i32 to vector<16xi32>
        %add3A_754 = arith.addi %shift_left3A_110, %add3A_753 : vector<16xi32>
        %add3A_755 = arith.constant 11 : i32
        %add3A_756 = vector.broadcast %add3A_755 : i32 to vector<16xi32>
        %add3A_757 = arith.addi %add3A_754, %add3A_756 : vector<16xi32>
        %gather3A_758 = tpu.vector_load_idx %arg13[%add3A_96, %add3A_757] : memref<64x128xi32, #tpu.memory_space<vmem>>[vector<16xi32>, vector<16xi32>], vector<16xi32>,
        %and3A_759 = arith.constant -65536 : i32
        %and3A_760 = vector.broadcast %and3A_759 : i32 to vector<16xi32>
        %and3A_761 = arith.andi %gather3A_758, %and3A_760 : vector<16xi32>
        %bitcast_convert_type3A_762 = tpu.bitcast %and3A_761 : vector<16xi32> -> vector<16xf32>
        %add3A_763 = arith.constant 11 : i32
        %add3A_764 = vector.broadcast %add3A_763 : i32 to vector<16xi32>
        %add3A_765 = arith.addi %shift_left3A_119, %add3A_764 : vector<16xi32>
        %gather3A_766 = tpu.vector_load_idx %arg14[%add3A_96, %add3A_765] : memref<64x128xi32, #tpu.memory_space<vmem>>[vector<16xi32>, vector<16xi32>], vector<16xi32>,
        %and3A_767 = arith.constant -65536 : i32
        %and3A_768 = vector.broadcast %and3A_767 : i32 to vector<16xi32>
        %and3A_769 = arith.andi %gather3A_766, %and3A_768 : vector<16xi32>
        %bitcast_convert_type3A_770 = tpu.bitcast %and3A_769 : vector<16xi32> -> vector<16xf32>
        %broadcast_in_dim3A_771 = arith.constant 11 : i32
        %broadcast_in_dim3A_772 = vector.broadcast %broadcast_in_dim3A_771 : i32 to vector<16xi32>
        %gather3A_773 = tpu.vector_load_idx %arg15[%add3A_96, %broadcast_in_dim3A_772] : memref<64x128xf32, #tpu.memory_space<vmem>>[vector<16xi32>, vector<16xi32>], vector<16xf32>,
        %broadcast_in_dim3A_774 = arith.constant 43 : i32
        %broadcast_in_dim3A_775 = vector.broadcast %broadcast_in_dim3A_774 : i32 to vector<16xi32>
        %gather3A_776 = tpu.vector_load_idx %arg15[%add3A_96, %broadcast_in_dim3A_775] : memref<64x128xf32, #tpu.memory_space<vmem>>[vector<16xi32>, vector<16xi32>], vector<16xf32>,
        %broadcast_in_dim3A_777 = arith.constant 75 : i32
        %broadcast_in_dim3A_778 = vector.broadcast %broadcast_in_dim3A_777 : i32 to vector<16xi32>
        %gather3A_779 = tpu.vector_load_idx %arg15[%add3A_96, %broadcast_in_dim3A_778] : memref<64x128xf32, #tpu.memory_space<vmem>>[vector<16xi32>, vector<16xi32>], vector<16xf32>,
        %broadcast_in_dim3A_780 = arith.constant 107 : i32
        %broadcast_in_dim3A_781 = vector.broadcast %broadcast_in_dim3A_780 : i32 to vector<16xi32>
        %gather3A_782 = tpu.vector_load_idx %arg15[%add3A_96, %broadcast_in_dim3A_781] : memref<64x128xf32, #tpu.memory_space<vmem>>[vector<16xi32>, vector<16xi32>], vector<16xf32>,
        %mul3A_783 = arith.mulf %bitcast_convert_type3A_751, %gather3A_776 : vector<16xf32>
        %add3A_784 = arith.addf %mul3A_783, %gather3A_773 : vector<16xf32>
        %abs3A_785 = math.absf %bitcast_convert_type3A_762 : vector<16xf32>
        %abs3A_786 = math.absf %gather3A_779 : vector<16xf32>
        %mul3A_787 = arith.mulf %abs3A_785, %abs3A_786 : vector<16xf32>
        %abs3A_788 = math.absf %gather3A_782 : vector<16xf32>
        %add3A_789 = arith.addf %mul3A_787, %abs3A_788 : vector<16xf32>
        %sub3A_790 = arith.subf %add3A_784, %bitcast_convert_type3A_770 : vector<16xf32>
        %abs3A_791 = math.absf %sub3A_790 : vector<16xf32>
        %sub3A_792 = arith.subf %abs3A_791, %add3A_789 : vector<16xf32>
        %max3A_793 = arith.constant 0.000000e+00 : f32
        %max3A_794 = vector.broadcast %max3A_793 : f32 to vector<16xf32>
        %max3A_795 = arith.maximumf %sub3A_792, %max3A_794 : vector<16xf32>
        %min3A_796 = arith.minimumf %abs3A_791, %add3A_789 : vector<16xf32>
        %mul3A_797 = arith.mulf %max3A_795, %max3A_795 : vector<16xf32>
        %add3A_798 = arith.addf %add3A_741, %mul3A_797 : vector<16xf32>
        %mul3A_799 = arith.mulf %min3A_796, %min3A_796 : vector<16xf32>
        %add3A_800 = arith.addf %add3A_743, %mul3A_799 : vector<16xf32>
        %add3A_801 = arith.constant 12 : i32
        %add3A_802 = vector.broadcast %add3A_801 : i32 to vector<16xi32>
        %add3A_803 = arith.addi %shift_left3A_110, %add3A_802 : vector<16xi32>
        %gather3A_804 = tpu.vector_load_idx %arg13[%add3A_96, %add3A_803] : memref<64x128xi32, #tpu.memory_space<vmem>>[vector<16xi32>, vector<16xi32>], vector<16xi32>,
        %and3A_805 = arith.constant -65536 : i32
        %and3A_806 = vector.broadcast %and3A_805 : i32 to vector<16xi32>
        %and3A_807 = arith.andi %gather3A_804, %and3A_806 : vector<16xi32>
        %bitcast_convert_type3A_808 = tpu.bitcast %and3A_807 : vector<16xi32> -> vector<16xf32>
        %add3A_809 = arith.constant 16 : i32
        %add3A_810 = vector.broadcast %add3A_809 : i32 to vector<16xi32>
        %add3A_811 = arith.addi %shift_left3A_110, %add3A_810 : vector<16xi32>
        %add3A_812 = arith.constant 12 : i32
        %add3A_813 = vector.broadcast %add3A_812 : i32 to vector<16xi32>
        %add3A_814 = arith.addi %add3A_811, %add3A_813 : vector<16xi32>
        %gather3A_815 = tpu.vector_load_idx %arg13[%add3A_96, %add3A_814] : memref<64x128xi32, #tpu.memory_space<vmem>>[vector<16xi32>, vector<16xi32>], vector<16xi32>,
        %and3A_816 = arith.constant -65536 : i32
        %and3A_817 = vector.broadcast %and3A_816 : i32 to vector<16xi32>
        %and3A_818 = arith.andi %gather3A_815, %and3A_817 : vector<16xi32>
        %bitcast_convert_type3A_819 = tpu.bitcast %and3A_818 : vector<16xi32> -> vector<16xf32>
        %add3A_820 = arith.constant 12 : i32
        %add3A_821 = vector.broadcast %add3A_820 : i32 to vector<16xi32>
        %add3A_822 = arith.addi %shift_left3A_119, %add3A_821 : vector<16xi32>
        %gather3A_823 = tpu.vector_load_idx %arg14[%add3A_96, %add3A_822] : memref<64x128xi32, #tpu.memory_space<vmem>>[vector<16xi32>, vector<16xi32>], vector<16xi32>,
        %and3A_824 = arith.constant -65536 : i32
        %and3A_825 = vector.broadcast %and3A_824 : i32 to vector<16xi32>
        %and3A_826 = arith.andi %gather3A_823, %and3A_825 : vector<16xi32>
        %bitcast_convert_type3A_827 = tpu.bitcast %and3A_826 : vector<16xi32> -> vector<16xf32>
        %broadcast_in_dim3A_828 = arith.constant 12 : i32
        %broadcast_in_dim3A_829 = vector.broadcast %broadcast_in_dim3A_828 : i32 to vector<16xi32>
        %gather3A_830 = tpu.vector_load_idx %arg15[%add3A_96, %broadcast_in_dim3A_829] : memref<64x128xf32, #tpu.memory_space<vmem>>[vector<16xi32>, vector<16xi32>], vector<16xf32>,
        %broadcast_in_dim3A_831 = arith.constant 44 : i32
        %broadcast_in_dim3A_832 = vector.broadcast %broadcast_in_dim3A_831 : i32 to vector<16xi32>
        %gather3A_833 = tpu.vector_load_idx %arg15[%add3A_96, %broadcast_in_dim3A_832] : memref<64x128xf32, #tpu.memory_space<vmem>>[vector<16xi32>, vector<16xi32>], vector<16xf32>,
        %broadcast_in_dim3A_834 = arith.constant 76 : i32
        %broadcast_in_dim3A_835 = vector.broadcast %broadcast_in_dim3A_834 : i32 to vector<16xi32>
        %gather3A_836 = tpu.vector_load_idx %arg15[%add3A_96, %broadcast_in_dim3A_835] : memref<64x128xf32, #tpu.memory_space<vmem>>[vector<16xi32>, vector<16xi32>], vector<16xf32>,
        %broadcast_in_dim3A_837 = arith.constant 108 : i32
        %broadcast_in_dim3A_838 = vector.broadcast %broadcast_in_dim3A_837 : i32 to vector<16xi32>
        %gather3A_839 = tpu.vector_load_idx %arg15[%add3A_96, %broadcast_in_dim3A_838] : memref<64x128xf32, #tpu.memory_space<vmem>>[vector<16xi32>, vector<16xi32>], vector<16xf32>,
        %mul3A_840 = arith.mulf %bitcast_convert_type3A_808, %gather3A_833 : vector<16xf32>
        %add3A_841 = arith.addf %mul3A_840, %gather3A_830 : vector<16xf32>
        %abs3A_842 = math.absf %bitcast_convert_type3A_819 : vector<16xf32>
        %abs3A_843 = math.absf %gather3A_836 : vector<16xf32>
        %mul3A_844 = arith.mulf %abs3A_842, %abs3A_843 : vector<16xf32>
        %abs3A_845 = math.absf %gather3A_839 : vector<16xf32>
        %add3A_846 = arith.addf %mul3A_844, %abs3A_845 : vector<16xf32>
        %sub3A_847 = arith.subf %add3A_841, %bitcast_convert_type3A_827 : vector<16xf32>
        %abs3A_848 = math.absf %sub3A_847 : vector<16xf32>
        %sub3A_849 = arith.subf %abs3A_848, %add3A_846 : vector<16xf32>
        %max3A_850 = arith.constant 0.000000e+00 : f32
        %max3A_851 = vector.broadcast %max3A_850 : f32 to vector<16xf32>
        %max3A_852 = arith.maximumf %sub3A_849, %max3A_851 : vector<16xf32>
        %min3A_853 = arith.minimumf %abs3A_848, %add3A_846 : vector<16xf32>
        %mul3A_854 = arith.mulf %max3A_852, %max3A_852 : vector<16xf32>
        %add3A_855 = arith.addf %add3A_798, %mul3A_854 : vector<16xf32>
        %mul3A_856 = arith.mulf %min3A_853, %min3A_853 : vector<16xf32>
        %add3A_857 = arith.addf %add3A_800, %mul3A_856 : vector<16xf32>
        %add3A_858 = arith.constant 13 : i32
        %add3A_859 = vector.broadcast %add3A_858 : i32 to vector<16xi32>
        %add3A_860 = arith.addi %shift_left3A_110, %add3A_859 : vector<16xi32>
        %gather3A_861 = tpu.vector_load_idx %arg13[%add3A_96, %add3A_860] : memref<64x128xi32, #tpu.memory_space<vmem>>[vector<16xi32>, vector<16xi32>], vector<16xi32>,
        %and3A_862 = arith.constant -65536 : i32
        %and3A_863 = vector.broadcast %and3A_862 : i32 to vector<16xi32>
        %and3A_864 = arith.andi %gather3A_861, %and3A_863 : vector<16xi32>
        %bitcast_convert_type3A_865 = tpu.bitcast %and3A_864 : vector<16xi32> -> vector<16xf32>
        %add3A_866 = arith.constant 16 : i32
        %add3A_867 = vector.broadcast %add3A_866 : i32 to vector<16xi32>
        %add3A_868 = arith.addi %shift_left3A_110, %add3A_867 : vector<16xi32>
        %add3A_869 = arith.constant 13 : i32
        %add3A_870 = vector.broadcast %add3A_869 : i32 to vector<16xi32>
        %add3A_871 = arith.addi %add3A_868, %add3A_870 : vector<16xi32>
        %gather3A_872 = tpu.vector_load_idx %arg13[%add3A_96, %add3A_871] : memref<64x128xi32, #tpu.memory_space<vmem>>[vector<16xi32>, vector<16xi32>], vector<16xi32>,
        %and3A_873 = arith.constant -65536 : i32
        %and3A_874 = vector.broadcast %and3A_873 : i32 to vector<16xi32>
        %and3A_875 = arith.andi %gather3A_872, %and3A_874 : vector<16xi32>
        %bitcast_convert_type3A_876 = tpu.bitcast %and3A_875 : vector<16xi32> -> vector<16xf32>
        %add3A_877 = arith.constant 13 : i32
        %add3A_878 = vector.broadcast %add3A_877 : i32 to vector<16xi32>
        %add3A_879 = arith.addi %shift_left3A_119, %add3A_878 : vector<16xi32>
        %gather3A_880 = tpu.vector_load_idx %arg14[%add3A_96, %add3A_879] : memref<64x128xi32, #tpu.memory_space<vmem>>[vector<16xi32>, vector<16xi32>], vector<16xi32>,
        %and3A_881 = arith.constant -65536 : i32
        %and3A_882 = vector.broadcast %and3A_881 : i32 to vector<16xi32>
        %and3A_883 = arith.andi %gather3A_880, %and3A_882 : vector<16xi32>
        %bitcast_convert_type3A_884 = tpu.bitcast %and3A_883 : vector<16xi32> -> vector<16xf32>
        %broadcast_in_dim3A_885 = arith.constant 13 : i32
        %broadcast_in_dim3A_886 = vector.broadcast %broadcast_in_dim3A_885 : i32 to vector<16xi32>
        %gather3A_887 = tpu.vector_load_idx %arg15[%add3A_96, %broadcast_in_dim3A_886] : memref<64x128xf32, #tpu.memory_space<vmem>>[vector<16xi32>, vector<16xi32>], vector<16xf32>,
        %broadcast_in_dim3A_888 = arith.constant 45 : i32
        %broadcast_in_dim3A_889 = vector.broadcast %broadcast_in_dim3A_888 : i32 to vector<16xi32>
        %gather3A_890 = tpu.vector_load_idx %arg15[%add3A_96, %broadcast_in_dim3A_889] : memref<64x128xf32, #tpu.memory_space<vmem>>[vector<16xi32>, vector<16xi32>], vector<16xf32>,
        %broadcast_in_dim3A_891 = arith.constant 77 : i32
        %broadcast_in_dim3A_892 = vector.broadcast %broadcast_in_dim3A_891 : i32 to vector<16xi32>
        %gather3A_893 = tpu.vector_load_idx %arg15[%add3A_96, %broadcast_in_dim3A_892] : memref<64x128xf32, #tpu.memory_space<vmem>>[vector<16xi32>, vector<16xi32>], vector<16xf32>,
        %broadcast_in_dim3A_894 = arith.constant 109 : i32
        %broadcast_in_dim3A_895 = vector.broadcast %broadcast_in_dim3A_894 : i32 to vector<16xi32>
        %gather3A_896 = tpu.vector_load_idx %arg15[%add3A_96, %broadcast_in_dim3A_895] : memref<64x128xf32, #tpu.memory_space<vmem>>[vector<16xi32>, vector<16xi32>], vector<16xf32>,
        %mul3A_897 = arith.mulf %bitcast_convert_type3A_865, %gather3A_890 : vector<16xf32>
        %add3A_898 = arith.addf %mul3A_897, %gather3A_887 : vector<16xf32>
        %abs3A_899 = math.absf %bitcast_convert_type3A_876 : vector<16xf32>
        %abs3A_900 = math.absf %gather3A_893 : vector<16xf32>
        %mul3A_901 = arith.mulf %abs3A_899, %abs3A_900 : vector<16xf32>
        %abs3A_902 = math.absf %gather3A_896 : vector<16xf32>
        %add3A_903 = arith.addf %mul3A_901, %abs3A_902 : vector<16xf32>
        %sub3A_904 = arith.subf %add3A_898, %bitcast_convert_type3A_884 : vector<16xf32>
        %abs3A_905 = math.absf %sub3A_904 : vector<16xf32>
        %sub3A_906 = arith.subf %abs3A_905, %add3A_903 : vector<16xf32>
        %max3A_907 = arith.constant 0.000000e+00 : f32
        %max3A_908 = vector.broadcast %max3A_907 : f32 to vector<16xf32>
        %max3A_909 = arith.maximumf %sub3A_906, %max3A_908 : vector<16xf32>
        %min3A_910 = arith.minimumf %abs3A_905, %add3A_903 : vector<16xf32>
        %mul3A_911 = arith.mulf %max3A_909, %max3A_909 : vector<16xf32>
        %add3A_912 = arith.addf %add3A_855, %mul3A_911 : vector<16xf32>
        %mul3A_913 = arith.mulf %min3A_910, %min3A_910 : vector<16xf32>
        %add3A_914 = arith.addf %add3A_857, %mul3A_913 : vector<16xf32>
        %add3A_915 = arith.constant 14 : i32
        %add3A_916 = vector.broadcast %add3A_915 : i32 to vector<16xi32>
        %add3A_917 = arith.addi %shift_left3A_110, %add3A_916 : vector<16xi32>
        %gather3A_918 = tpu.vector_load_idx %arg13[%add3A_96, %add3A_917] : memref<64x128xi32, #tpu.memory_space<vmem>>[vector<16xi32>, vector<16xi32>], vector<16xi32>,
        %and3A_919 = arith.constant -65536 : i32
        %and3A_920 = vector.broadcast %and3A_919 : i32 to vector<16xi32>
        %and3A_921 = arith.andi %gather3A_918, %and3A_920 : vector<16xi32>
        %bitcast_convert_type3A_922 = tpu.bitcast %and3A_921 : vector<16xi32> -> vector<16xf32>
        %add3A_923 = arith.constant 16 : i32
        %add3A_924 = vector.broadcast %add3A_923 : i32 to vector<16xi32>
        %add3A_925 = arith.addi %shift_left3A_110, %add3A_924 : vector<16xi32>
        %add3A_926 = arith.constant 14 : i32
        %add3A_927 = vector.broadcast %add3A_926 : i32 to vector<16xi32>
        %add3A_928 = arith.addi %add3A_925, %add3A_927 : vector<16xi32>
        %gather3A_929 = tpu.vector_load_idx %arg13[%add3A_96, %add3A_928] : memref<64x128xi32, #tpu.memory_space<vmem>>[vector<16xi32>, vector<16xi32>], vector<16xi32>,
        %and3A_930 = arith.constant -65536 : i32
        %and3A_931 = vector.broadcast %and3A_930 : i32 to vector<16xi32>
        %and3A_932 = arith.andi %gather3A_929, %and3A_931 : vector<16xi32>
        %bitcast_convert_type3A_933 = tpu.bitcast %and3A_932 : vector<16xi32> -> vector<16xf32>
        %add3A_934 = arith.constant 14 : i32
        %add3A_935 = vector.broadcast %add3A_934 : i32 to vector<16xi32>
        %add3A_936 = arith.addi %shift_left3A_119, %add3A_935 : vector<16xi32>
        %gather3A_937 = tpu.vector_load_idx %arg14[%add3A_96, %add3A_936] : memref<64x128xi32, #tpu.memory_space<vmem>>[vector<16xi32>, vector<16xi32>], vector<16xi32>,
        %and3A_938 = arith.constant -65536 : i32
        %and3A_939 = vector.broadcast %and3A_938 : i32 to vector<16xi32>
        %and3A_940 = arith.andi %gather3A_937, %and3A_939 : vector<16xi32>
        %bitcast_convert_type3A_941 = tpu.bitcast %and3A_940 : vector<16xi32> -> vector<16xf32>
        %broadcast_in_dim3A_942 = arith.constant 14 : i32
        %broadcast_in_dim3A_943 = vector.broadcast %broadcast_in_dim3A_942 : i32 to vector<16xi32>
        %gather3A_944 = tpu.vector_load_idx %arg15[%add3A_96, %broadcast_in_dim3A_943] : memref<64x128xf32, #tpu.memory_space<vmem>>[vector<16xi32>, vector<16xi32>], vector<16xf32>,
        %broadcast_in_dim3A_945 = arith.constant 46 : i32
        %broadcast_in_dim3A_946 = vector.broadcast %broadcast_in_dim3A_945 : i32 to vector<16xi32>
        %gather3A_947 = tpu.vector_load_idx %arg15[%add3A_96, %broadcast_in_dim3A_946] : memref<64x128xf32, #tpu.memory_space<vmem>>[vector<16xi32>, vector<16xi32>], vector<16xf32>,
        %broadcast_in_dim3A_948 = arith.constant 78 : i32
        %broadcast_in_dim3A_949 = vector.broadcast %broadcast_in_dim3A_948 : i32 to vector<16xi32>
        %gather3A_950 = tpu.vector_load_idx %arg15[%add3A_96, %broadcast_in_dim3A_949] : memref<64x128xf32, #tpu.memory_space<vmem>>[vector<16xi32>, vector<16xi32>], vector<16xf32>,
        %broadcast_in_dim3A_951 = arith.constant 110 : i32
        %broadcast_in_dim3A_952 = vector.broadcast %broadcast_in_dim3A_951 : i32 to vector<16xi32>
        %gather3A_953 = tpu.vector_load_idx %arg15[%add3A_96, %broadcast_in_dim3A_952] : memref<64x128xf32, #tpu.memory_space<vmem>>[vector<16xi32>, vector<16xi32>], vector<16xf32>,
        %mul3A_954 = arith.mulf %bitcast_convert_type3A_922, %gather3A_947 : vector<16xf32>
        %add3A_955 = arith.addf %mul3A_954, %gather3A_944 : vector<16xf32>
        %abs3A_956 = math.absf %bitcast_convert_type3A_933 : vector<16xf32>
        %abs3A_957 = math.absf %gather3A_950 : vector<16xf32>
        %mul3A_958 = arith.mulf %abs3A_956, %abs3A_957 : vector<16xf32>
        %abs3A_959 = math.absf %gather3A_953 : vector<16xf32>
        %add3A_960 = arith.addf %mul3A_958, %abs3A_959 : vector<16xf32>
        %sub3A_961 = arith.subf %add3A_955, %bitcast_convert_type3A_941 : vector<16xf32>
        %abs3A_962 = math.absf %sub3A_961 : vector<16xf32>
        %sub3A_963 = arith.subf %abs3A_962, %add3A_960 : vector<16xf32>
        %max3A_964 = arith.constant 0.000000e+00 : f32
        %max3A_965 = vector.broadcast %max3A_964 : f32 to vector<16xf32>
        %max3A_966 = arith.maximumf %sub3A_963, %max3A_965 : vector<16xf32>
        %min3A_967 = arith.minimumf %abs3A_962, %add3A_960 : vector<16xf32>
        %mul3A_968 = arith.mulf %max3A_966, %max3A_966 : vector<16xf32>
        %add3A_969 = arith.addf %add3A_912, %mul3A_968 : vector<16xf32>
        %mul3A_970 = arith.mulf %min3A_967, %min3A_967 : vector<16xf32>
        %add3A_971 = arith.addf %add3A_914, %mul3A_970 : vector<16xf32>
        %add3A_972 = arith.constant 15 : i32
        %add3A_973 = vector.broadcast %add3A_972 : i32 to vector<16xi32>
        %add3A_974 = arith.addi %shift_left3A_110, %add3A_973 : vector<16xi32>
        %gather3A_975 = tpu.vector_load_idx %arg13[%add3A_96, %add3A_974] : memref<64x128xi32, #tpu.memory_space<vmem>>[vector<16xi32>, vector<16xi32>], vector<16xi32>,
        %and3A_976 = arith.constant -65536 : i32
        %and3A_977 = vector.broadcast %and3A_976 : i32 to vector<16xi32>
        %and3A_978 = arith.andi %gather3A_975, %and3A_977 : vector<16xi32>
        %bitcast_convert_type3A_979 = tpu.bitcast %and3A_978 : vector<16xi32> -> vector<16xf32>
        %add3A_980 = arith.constant 16 : i32
        %add3A_981 = vector.broadcast %add3A_980 : i32 to vector<16xi32>
        %add3A_982 = arith.addi %shift_left3A_110, %add3A_981 : vector<16xi32>
        %add3A_983 = arith.constant 15 : i32
        %add3A_984 = vector.broadcast %add3A_983 : i32 to vector<16xi32>
        %add3A_985 = arith.addi %add3A_982, %add3A_984 : vector<16xi32>
        %gather3A_986 = tpu.vector_load_idx %arg13[%add3A_96, %add3A_985] : memref<64x128xi32, #tpu.memory_space<vmem>>[vector<16xi32>, vector<16xi32>], vector<16xi32>,
        %and3A_987 = arith.constant -65536 : i32
        %and3A_988 = vector.broadcast %and3A_987 : i32 to vector<16xi32>
        %and3A_989 = arith.andi %gather3A_986, %and3A_988 : vector<16xi32>
        %bitcast_convert_type3A_990 = tpu.bitcast %and3A_989 : vector<16xi32> -> vector<16xf32>
        %add3A_991 = arith.constant 15 : i32
        %add3A_992 = vector.broadcast %add3A_991 : i32 to vector<16xi32>
        %add3A_993 = arith.addi %shift_left3A_119, %add3A_992 : vector<16xi32>
        %gather3A_994 = tpu.vector_load_idx %arg14[%add3A_96, %add3A_993] : memref<64x128xi32, #tpu.memory_space<vmem>>[vector<16xi32>, vector<16xi32>], vector<16xi32>,
        %and3A_995 = arith.constant -65536 : i32
        %and3A_996 = vector.broadcast %and3A_995 : i32 to vector<16xi32>
        %and3A_997 = arith.andi %gather3A_994, %and3A_996 : vector<16xi32>
        %bitcast_convert_type3A_998 = tpu.bitcast %and3A_997 : vector<16xi32> -> vector<16xf32>
        %broadcast_in_dim3A_999 = arith.constant 15 : i32
        %broadcast_in_dim3A_1000 = vector.broadcast %broadcast_in_dim3A_999 : i32 to vector<16xi32>
        %gather3A_1001 = tpu.vector_load_idx %arg15[%add3A_96, %broadcast_in_dim3A_1000] : memref<64x128xf32, #tpu.memory_space<vmem>>[vector<16xi32>, vector<16xi32>], vector<16xf32>,
        %broadcast_in_dim3A_1002 = arith.constant 47 : i32
        %broadcast_in_dim3A_1003 = vector.broadcast %broadcast_in_dim3A_1002 : i32 to vector<16xi32>
        %gather3A_1004 = tpu.vector_load_idx %arg15[%add3A_96, %broadcast_in_dim3A_1003] : memref<64x128xf32, #tpu.memory_space<vmem>>[vector<16xi32>, vector<16xi32>], vector<16xf32>,
        %broadcast_in_dim3A_1005 = arith.constant 79 : i32
        %broadcast_in_dim3A_1006 = vector.broadcast %broadcast_in_dim3A_1005 : i32 to vector<16xi32>
        %gather3A_1007 = tpu.vector_load_idx %arg15[%add3A_96, %broadcast_in_dim3A_1006] : memref<64x128xf32, #tpu.memory_space<vmem>>[vector<16xi32>, vector<16xi32>], vector<16xf32>,
        %broadcast_in_dim3A_1008 = arith.constant 111 : i32
        %broadcast_in_dim3A_1009 = vector.broadcast %broadcast_in_dim3A_1008 : i32 to vector<16xi32>
        %gather3A_1010 = tpu.vector_load_idx %arg15[%add3A_96, %broadcast_in_dim3A_1009] : memref<64x128xf32, #tpu.memory_space<vmem>>[vector<16xi32>, vector<16xi32>], vector<16xf32>,
        %mul3A_1011 = arith.mulf %bitcast_convert_type3A_979, %gather3A_1004 : vector<16xf32>
        %add3A_1012 = arith.addf %mul3A_1011, %gather3A_1001 : vector<16xf32>
        %abs3A_1013 = math.absf %bitcast_convert_type3A_990 : vector<16xf32>
        %abs3A_1014 = math.absf %gather3A_1007 : vector<16xf32>
        %mul3A_1015 = arith.mulf %abs3A_1013, %abs3A_1014 : vector<16xf32>
        %abs3A_1016 = math.absf %gather3A_1010 : vector<16xf32>
        %add3A_1017 = arith.addf %mul3A_1015, %abs3A_1016 : vector<16xf32>
        %sub3A_1018 = arith.subf %add3A_1012, %bitcast_convert_type3A_998 : vector<16xf32>
        %abs3A_1019 = math.absf %sub3A_1018 : vector<16xf32>
        %sub3A_1020 = arith.subf %abs3A_1019, %add3A_1017 : vector<16xf32>
        %max3A_1021 = arith.constant 0.000000e+00 : f32
        %max3A_1022 = vector.broadcast %max3A_1021 : f32 to vector<16xf32>
        %max3A_1023 = arith.maximumf %sub3A_1020, %max3A_1022 : vector<16xf32>
        %min3A_1024 = arith.minimumf %abs3A_1019, %add3A_1017 : vector<16xf32>
        %mul3A_1025 = arith.mulf %max3A_1023, %max3A_1023 : vector<16xf32>
        %add3A_1026 = arith.addf %add3A_969, %mul3A_1025 : vector<16xf32>
        %mul3A_1027 = arith.mulf %min3A_1024, %min3A_1024 : vector<16xf32>
        %add3A_1028 = arith.addf %add3A_971, %mul3A_1027 : vector<16xf32>
        %add3A_1029 = arith.constant 0 : i32
        %add3A_1030 = vector.broadcast %add3A_1029 : i32 to vector<16xi32>
        %add3A_1031 = arith.addi %shift_left3A_110, %add3A_1030 : vector<16xi32>
        %gather3A_1032 = tpu.vector_load_idx %arg13[%add3A_96, %add3A_1031] : memref<64x128xi32, #tpu.memory_space<vmem>>[vector<16xi32>, vector<16xi32>], vector<16xi32>,
        %shift_left3A_1033 = arith.constant 16 : i32
        %shift_left3A_1034 = vector.broadcast %shift_left3A_1033 : i32 to vector<16xi32>
        %shift_left3A_1035 = arith.shli %gather3A_1032, %shift_left3A_1034 : vector<16xi32>
        %bitcast_convert_type3A_1036 = tpu.bitcast %shift_left3A_1035 : vector<16xi32> -> vector<16xf32>
        %add3A_1037 = arith.constant 16 : i32
        %add3A_1038 = vector.broadcast %add3A_1037 : i32 to vector<16xi32>
        %add3A_1039 = arith.addi %shift_left3A_110, %add3A_1038 : vector<16xi32>
        %add3A_1040 = arith.constant 0 : i32
        %add3A_1041 = vector.broadcast %add3A_1040 : i32 to vector<16xi32>
        %add3A_1042 = arith.addi %add3A_1039, %add3A_1041 : vector<16xi32>
        %gather3A_1043 = tpu.vector_load_idx %arg13[%add3A_96, %add3A_1042] : memref<64x128xi32, #tpu.memory_space<vmem>>[vector<16xi32>, vector<16xi32>], vector<16xi32>,
        %shift_left3A_1044 = arith.constant 16 : i32
        %shift_left3A_1045 = vector.broadcast %shift_left3A_1044 : i32 to vector<16xi32>
        %shift_left3A_1046 = arith.shli %gather3A_1043, %shift_left3A_1045 : vector<16xi32>
        %bitcast_convert_type3A_1047 = tpu.bitcast %shift_left3A_1046 : vector<16xi32> -> vector<16xf32>
        %add3A_1048 = arith.constant 0 : i32
        %add3A_1049 = vector.broadcast %add3A_1048 : i32 to vector<16xi32>
        %add3A_1050 = arith.addi %shift_left3A_119, %add3A_1049 : vector<16xi32>
        %gather3A_1051 = tpu.vector_load_idx %arg14[%add3A_96, %add3A_1050] : memref<64x128xi32, #tpu.memory_space<vmem>>[vector<16xi32>, vector<16xi32>], vector<16xi32>,
        %shift_left3A_1052 = arith.constant 16 : i32
        %shift_left3A_1053 = vector.broadcast %shift_left3A_1052 : i32 to vector<16xi32>
        %shift_left3A_1054 = arith.shli %gather3A_1051, %shift_left3A_1053 : vector<16xi32>
        %bitcast_convert_type3A_1055 = tpu.bitcast %shift_left3A_1054 : vector<16xi32> -> vector<16xf32>
        %broadcast_in_dim3A_1056 = arith.constant 16 : i32
        %broadcast_in_dim3A_1057 = vector.broadcast %broadcast_in_dim3A_1056 : i32 to vector<16xi32>
        %gather3A_1058 = tpu.vector_load_idx %arg15[%add3A_96, %broadcast_in_dim3A_1057] : memref<64x128xf32, #tpu.memory_space<vmem>>[vector<16xi32>, vector<16xi32>], vector<16xf32>,
        %broadcast_in_dim3A_1059 = arith.constant 48 : i32
        %broadcast_in_dim3A_1060 = vector.broadcast %broadcast_in_dim3A_1059 : i32 to vector<16xi32>
        %gather3A_1061 = tpu.vector_load_idx %arg15[%add3A_96, %broadcast_in_dim3A_1060] : memref<64x128xf32, #tpu.memory_space<vmem>>[vector<16xi32>, vector<16xi32>], vector<16xf32>,
        %broadcast_in_dim3A_1062 = arith.constant 80 : i32
        %broadcast_in_dim3A_1063 = vector.broadcast %broadcast_in_dim3A_1062 : i32 to vector<16xi32>
        %gather3A_1064 = tpu.vector_load_idx %arg15[%add3A_96, %broadcast_in_dim3A_1063] : memref<64x128xf32, #tpu.memory_space<vmem>>[vector<16xi32>, vector<16xi32>], vector<16xf32>,
        %broadcast_in_dim3A_1065 = arith.constant 112 : i32
        %broadcast_in_dim3A_1066 = vector.broadcast %broadcast_in_dim3A_1065 : i32 to vector<16xi32>
        %gather3A_1067 = tpu.vector_load_idx %arg15[%add3A_96, %broadcast_in_dim3A_1066] : memref<64x128xf32, #tpu.memory_space<vmem>>[vector<16xi32>, vector<16xi32>], vector<16xf32>,
        %mul3A_1068 = arith.mulf %bitcast_convert_type3A_1036, %gather3A_1061 : vector<16xf32>
        %add3A_1069 = arith.addf %mul3A_1068, %gather3A_1058 : vector<16xf32>
        %abs3A_1070 = math.absf %bitcast_convert_type3A_1047 : vector<16xf32>
        %abs3A_1071 = math.absf %gather3A_1064 : vector<16xf32>
        %mul3A_1072 = arith.mulf %abs3A_1070, %abs3A_1071 : vector<16xf32>
        %abs3A_1073 = math.absf %gather3A_1067 : vector<16xf32>
        %add3A_1074 = arith.addf %mul3A_1072, %abs3A_1073 : vector<16xf32>
        %sub3A_1075 = arith.subf %add3A_1069, %bitcast_convert_type3A_1055 : vector<16xf32>
        %abs3A_1076 = math.absf %sub3A_1075 : vector<16xf32>
        %sub3A_1077 = arith.subf %abs3A_1076, %add3A_1074 : vector<16xf32>
        %max3A_1078 = arith.constant 0.000000e+00 : f32
        %max3A_1079 = vector.broadcast %max3A_1078 : f32 to vector<16xf32>
        %max3A_1080 = arith.maximumf %sub3A_1077, %max3A_1079 : vector<16xf32>
        %min3A_1081 = arith.minimumf %abs3A_1076, %add3A_1074 : vector<16xf32>
        %mul3A_1082 = arith.mulf %max3A_1080, %max3A_1080 : vector<16xf32>
        %add3A_1083 = arith.addf %add3A_1026, %mul3A_1082 : vector<16xf32>
        %mul3A_1084 = arith.mulf %min3A_1081, %min3A_1081 : vector<16xf32>
        %add3A_1085 = arith.addf %add3A_1028, %mul3A_1084 : vector<16xf32>
        %add3A_1086 = arith.constant 1 : i32
        %add3A_1087 = vector.broadcast %add3A_1086 : i32 to vector<16xi32>
        %add3A_1088 = arith.addi %shift_left3A_110, %add3A_1087 : vector<16xi32>
        %gather3A_1089 = tpu.vector_load_idx %arg13[%add3A_96, %add3A_1088] : memref<64x128xi32, #tpu.memory_space<vmem>>[vector<16xi32>, vector<16xi32>], vector<16xi32>,
        %shift_left3A_1090 = arith.constant 16 : i32
        %shift_left3A_1091 = vector.broadcast %shift_left3A_1090 : i32 to vector<16xi32>
        %shift_left3A_1092 = arith.shli %gather3A_1089, %shift_left3A_1091 : vector<16xi32>
        %bitcast_convert_type3A_1093 = tpu.bitcast %shift_left3A_1092 : vector<16xi32> -> vector<16xf32>
        %add3A_1094 = arith.constant 16 : i32
        %add3A_1095 = vector.broadcast %add3A_1094 : i32 to vector<16xi32>
        %add3A_1096 = arith.addi %shift_left3A_110, %add3A_1095 : vector<16xi32>
        %add3A_1097 = arith.constant 1 : i32
        %add3A_1098 = vector.broadcast %add3A_1097 : i32 to vector<16xi32>
        %add3A_1099 = arith.addi %add3A_1096, %add3A_1098 : vector<16xi32>
        %gather3A_1100 = tpu.vector_load_idx %arg13[%add3A_96, %add3A_1099] : memref<64x128xi32, #tpu.memory_space<vmem>>[vector<16xi32>, vector<16xi32>], vector<16xi32>,
        %shift_left3A_1101 = arith.constant 16 : i32
        %shift_left3A_1102 = vector.broadcast %shift_left3A_1101 : i32 to vector<16xi32>
        %shift_left3A_1103 = arith.shli %gather3A_1100, %shift_left3A_1102 : vector<16xi32>
        %bitcast_convert_type3A_1104 = tpu.bitcast %shift_left3A_1103 : vector<16xi32> -> vector<16xf32>
        %add3A_1105 = arith.constant 1 : i32
        %add3A_1106 = vector.broadcast %add3A_1105 : i32 to vector<16xi32>
        %add3A_1107 = arith.addi %shift_left3A_119, %add3A_1106 : vector<16xi32>
        %gather3A_1108 = tpu.vector_load_idx %arg14[%add3A_96, %add3A_1107] : memref<64x128xi32, #tpu.memory_space<vmem>>[vector<16xi32>, vector<16xi32>], vector<16xi32>,
        %shift_left3A_1109 = arith.constant 16 : i32
        %shift_left3A_1110 = vector.broadcast %shift_left3A_1109 : i32 to vector<16xi32>
        %shift_left3A_1111 = arith.shli %gather3A_1108, %shift_left3A_1110 : vector<16xi32>
        %bitcast_convert_type3A_1112 = tpu.bitcast %shift_left3A_1111 : vector<16xi32> -> vector<16xf32>
        %broadcast_in_dim3A_1113 = arith.constant 17 : i32
        %broadcast_in_dim3A_1114 = vector.broadcast %broadcast_in_dim3A_1113 : i32 to vector<16xi32>
        %gather3A_1115 = tpu.vector_load_idx %arg15[%add3A_96, %broadcast_in_dim3A_1114] : memref<64x128xf32, #tpu.memory_space<vmem>>[vector<16xi32>, vector<16xi32>], vector<16xf32>,
        %broadcast_in_dim3A_1116 = arith.constant 49 : i32
        %broadcast_in_dim3A_1117 = vector.broadcast %broadcast_in_dim3A_1116 : i32 to vector<16xi32>
        %gather3A_1118 = tpu.vector_load_idx %arg15[%add3A_96, %broadcast_in_dim3A_1117] : memref<64x128xf32, #tpu.memory_space<vmem>>[vector<16xi32>, vector<16xi32>], vector<16xf32>,
        %broadcast_in_dim3A_1119 = arith.constant 81 : i32
        %broadcast_in_dim3A_1120 = vector.broadcast %broadcast_in_dim3A_1119 : i32 to vector<16xi32>
        %gather3A_1121 = tpu.vector_load_idx %arg15[%add3A_96, %broadcast_in_dim3A_1120] : memref<64x128xf32, #tpu.memory_space<vmem>>[vector<16xi32>, vector<16xi32>], vector<16xf32>,
        %broadcast_in_dim3A_1122 = arith.constant 113 : i32
        %broadcast_in_dim3A_1123 = vector.broadcast %broadcast_in_dim3A_1122 : i32 to vector<16xi32>
        %gather3A_1124 = tpu.vector_load_idx %arg15[%add3A_96, %broadcast_in_dim3A_1123] : memref<64x128xf32, #tpu.memory_space<vmem>>[vector<16xi32>, vector<16xi32>], vector<16xf32>,
        %mul3A_1125 = arith.mulf %bitcast_convert_type3A_1093, %gather3A_1118 : vector<16xf32>
        %add3A_1126 = arith.addf %mul3A_1125, %gather3A_1115 : vector<16xf32>
        %abs3A_1127 = math.absf %bitcast_convert_type3A_1104 : vector<16xf32>
        %abs3A_1128 = math.absf %gather3A_1121 : vector<16xf32>
        %mul3A_1129 = arith.mulf %abs3A_1127, %abs3A_1128 : vector<16xf32>
        %abs3A_1130 = math.absf %gather3A_1124 : vector<16xf32>
        %add3A_1131 = arith.addf %mul3A_1129, %abs3A_1130 : vector<16xf32>
        %sub3A_1132 = arith.subf %add3A_1126, %bitcast_convert_type3A_1112 : vector<16xf32>
        %abs3A_1133 = math.absf %sub3A_1132 : vector<16xf32>
        %sub3A_1134 = arith.subf %abs3A_1133, %add3A_1131 : vector<16xf32>
        %max3A_1135 = arith.constant 0.000000e+00 : f32
        %max3A_1136 = vector.broadcast %max3A_1135 : f32 to vector<16xf32>
        %max3A_1137 = arith.maximumf %sub3A_1134, %max3A_1136 : vector<16xf32>
        %min3A_1138 = arith.minimumf %abs3A_1133, %add3A_1131 : vector<16xf32>
        %mul3A_1139 = arith.mulf %max3A_1137, %max3A_1137 : vector<16xf32>
        %add3A_1140 = arith.addf %add3A_1083, %mul3A_1139 : vector<16xf32>
        %mul3A_1141 = arith.mulf %min3A_1138, %min3A_1138 : vector<16xf32>
        %add3A_1142 = arith.addf %add3A_1085, %mul3A_1141 : vector<16xf32>
        %add3A_1143 = arith.constant 2 : i32
        %add3A_1144 = vector.broadcast %add3A_1143 : i32 to vector<16xi32>
        %add3A_1145 = arith.addi %shift_left3A_110, %add3A_1144 : vector<16xi32>
        %gather3A_1146 = tpu.vector_load_idx %arg13[%add3A_96, %add3A_1145] : memref<64x128xi32, #tpu.memory_space<vmem>>[vector<16xi32>, vector<16xi32>], vector<16xi32>,
        %shift_left3A_1147 = arith.constant 16 : i32
        %shift_left3A_1148 = vector.broadcast %shift_left3A_1147 : i32 to vector<16xi32>
        %shift_left3A_1149 = arith.shli %gather3A_1146, %shift_left3A_1148 : vector<16xi32>
        %bitcast_convert_type3A_1150 = tpu.bitcast %shift_left3A_1149 : vector<16xi32> -> vector<16xf32>
        %add3A_1151 = arith.constant 16 : i32
        %add3A_1152 = vector.broadcast %add3A_1151 : i32 to vector<16xi32>
        %add3A_1153 = arith.addi %shift_left3A_110, %add3A_1152 : vector<16xi32>
        %add3A_1154 = arith.constant 2 : i32
        %add3A_1155 = vector.broadcast %add3A_1154 : i32 to vector<16xi32>
        %add3A_1156 = arith.addi %add3A_1153, %add3A_1155 : vector<16xi32>
        %gather3A_1157 = tpu.vector_load_idx %arg13[%add3A_96, %add3A_1156] : memref<64x128xi32, #tpu.memory_space<vmem>>[vector<16xi32>, vector<16xi32>], vector<16xi32>,
        %shift_left3A_1158 = arith.constant 16 : i32
        %shift_left3A_1159 = vector.broadcast %shift_left3A_1158 : i32 to vector<16xi32>
        %shift_left3A_1160 = arith.shli %gather3A_1157, %shift_left3A_1159 : vector<16xi32>
        %bitcast_convert_type3A_1161 = tpu.bitcast %shift_left3A_1160 : vector<16xi32> -> vector<16xf32>
        %add3A_1162 = arith.constant 2 : i32
        %add3A_1163 = vector.broadcast %add3A_1162 : i32 to vector<16xi32>
        %add3A_1164 = arith.addi %shift_left3A_119, %add3A_1163 : vector<16xi32>
        %gather3A_1165 = tpu.vector_load_idx %arg14[%add3A_96, %add3A_1164] : memref<64x128xi32, #tpu.memory_space<vmem>>[vector<16xi32>, vector<16xi32>], vector<16xi32>,
        %shift_left3A_1166 = arith.constant 16 : i32
        %shift_left3A_1167 = vector.broadcast %shift_left3A_1166 : i32 to vector<16xi32>
        %shift_left3A_1168 = arith.shli %gather3A_1165, %shift_left3A_1167 : vector<16xi32>
        %bitcast_convert_type3A_1169 = tpu.bitcast %shift_left3A_1168 : vector<16xi32> -> vector<16xf32>
        %broadcast_in_dim3A_1170 = arith.constant 18 : i32
        %broadcast_in_dim3A_1171 = vector.broadcast %broadcast_in_dim3A_1170 : i32 to vector<16xi32>
        %gather3A_1172 = tpu.vector_load_idx %arg15[%add3A_96, %broadcast_in_dim3A_1171] : memref<64x128xf32, #tpu.memory_space<vmem>>[vector<16xi32>, vector<16xi32>], vector<16xf32>,
        %broadcast_in_dim3A_1173 = arith.constant 50 : i32
        %broadcast_in_dim3A_1174 = vector.broadcast %broadcast_in_dim3A_1173 : i32 to vector<16xi32>
        %gather3A_1175 = tpu.vector_load_idx %arg15[%add3A_96, %broadcast_in_dim3A_1174] : memref<64x128xf32, #tpu.memory_space<vmem>>[vector<16xi32>, vector<16xi32>], vector<16xf32>,
        %broadcast_in_dim3A_1176 = arith.constant 82 : i32
        %broadcast_in_dim3A_1177 = vector.broadcast %broadcast_in_dim3A_1176 : i32 to vector<16xi32>
        %gather3A_1178 = tpu.vector_load_idx %arg15[%add3A_96, %broadcast_in_dim3A_1177] : memref<64x128xf32, #tpu.memory_space<vmem>>[vector<16xi32>, vector<16xi32>], vector<16xf32>,
        %broadcast_in_dim3A_1179 = arith.constant 114 : i32
        %broadcast_in_dim3A_1180 = vector.broadcast %broadcast_in_dim3A_1179 : i32 to vector<16xi32>
        %gather3A_1181 = tpu.vector_load_idx %arg15[%add3A_96, %broadcast_in_dim3A_1180] : memref<64x128xf32, #tpu.memory_space<vmem>>[vector<16xi32>, vector<16xi32>], vector<16xf32>,
        %mul3A_1182 = arith.mulf %bitcast_convert_type3A_1150, %gather3A_1175 : vector<16xf32>
        %add3A_1183 = arith.addf %mul3A_1182, %gather3A_1172 : vector<16xf32>
        %abs3A_1184 = math.absf %bitcast_convert_type3A_1161 : vector<16xf32>
        %abs3A_1185 = math.absf %gather3A_1178 : vector<16xf32>
        %mul3A_1186 = arith.mulf %abs3A_1184, %abs3A_1185 : vector<16xf32>
        %abs3A_1187 = math.absf %gather3A_1181 : vector<16xf32>
        %add3A_1188 = arith.addf %mul3A_1186, %abs3A_1187 : vector<16xf32>
        %sub3A_1189 = arith.subf %add3A_1183, %bitcast_convert_type3A_1169 : vector<16xf32>
        %abs3A_1190 = math.absf %sub3A_1189 : vector<16xf32>
        %sub3A_1191 = arith.subf %abs3A_1190, %add3A_1188 : vector<16xf32>
        %max3A_1192 = arith.constant 0.000000e+00 : f32
        %max3A_1193 = vector.broadcast %max3A_1192 : f32 to vector<16xf32>
        %max3A_1194 = arith.maximumf %sub3A_1191, %max3A_1193 : vector<16xf32>
        %min3A_1195 = arith.minimumf %abs3A_1190, %add3A_1188 : vector<16xf32>
        %mul3A_1196 = arith.mulf %max3A_1194, %max3A_1194 : vector<16xf32>
        %add3A_1197 = arith.addf %add3A_1140, %mul3A_1196 : vector<16xf32>
        %mul3A_1198 = arith.mulf %min3A_1195, %min3A_1195 : vector<16xf32>
        %add3A_1199 = arith.addf %add3A_1142, %mul3A_1198 : vector<16xf32>
        %add3A_1200 = arith.constant 3 : i32
        %add3A_1201 = vector.broadcast %add3A_1200 : i32 to vector<16xi32>
        %add3A_1202 = arith.addi %shift_left3A_110, %add3A_1201 : vector<16xi32>
        %gather3A_1203 = tpu.vector_load_idx %arg13[%add3A_96, %add3A_1202] : memref<64x128xi32, #tpu.memory_space<vmem>>[vector<16xi32>, vector<16xi32>], vector<16xi32>,
        %shift_left3A_1204 = arith.constant 16 : i32
        %shift_left3A_1205 = vector.broadcast %shift_left3A_1204 : i32 to vector<16xi32>
        %shift_left3A_1206 = arith.shli %gather3A_1203, %shift_left3A_1205 : vector<16xi32>
        %bitcast_convert_type3A_1207 = tpu.bitcast %shift_left3A_1206 : vector<16xi32> -> vector<16xf32>
        %add3A_1208 = arith.constant 16 : i32
        %add3A_1209 = vector.broadcast %add3A_1208 : i32 to vector<16xi32>
        %add3A_1210 = arith.addi %shift_left3A_110, %add3A_1209 : vector<16xi32>
        %add3A_1211 = arith.constant 3 : i32
        %add3A_1212 = vector.broadcast %add3A_1211 : i32 to vector<16xi32>
        %add3A_1213 = arith.addi %add3A_1210, %add3A_1212 : vector<16xi32>
        %gather3A_1214 = tpu.vector_load_idx %arg13[%add3A_96, %add3A_1213] : memref<64x128xi32, #tpu.memory_space<vmem>>[vector<16xi32>, vector<16xi32>], vector<16xi32>,
        %shift_left3A_1215 = arith.constant 16 : i32
        %shift_left3A_1216 = vector.broadcast %shift_left3A_1215 : i32 to vector<16xi32>
        %shift_left3A_1217 = arith.shli %gather3A_1214, %shift_left3A_1216 : vector<16xi32>
        %bitcast_convert_type3A_1218 = tpu.bitcast %shift_left3A_1217 : vector<16xi32> -> vector<16xf32>
        %add3A_1219 = arith.constant 3 : i32
        %add3A_1220 = vector.broadcast %add3A_1219 : i32 to vector<16xi32>
        %add3A_1221 = arith.addi %shift_left3A_119, %add3A_1220 : vector<16xi32>
        %gather3A_1222 = tpu.vector_load_idx %arg14[%add3A_96, %add3A_1221] : memref<64x128xi32, #tpu.memory_space<vmem>>[vector<16xi32>, vector<16xi32>], vector<16xi32>,
        %shift_left3A_1223 = arith.constant 16 : i32
        %shift_left3A_1224 = vector.broadcast %shift_left3A_1223 : i32 to vector<16xi32>
        %shift_left3A_1225 = arith.shli %gather3A_1222, %shift_left3A_1224 : vector<16xi32>
        %bitcast_convert_type3A_1226 = tpu.bitcast %shift_left3A_1225 : vector<16xi32> -> vector<16xf32>
        %broadcast_in_dim3A_1227 = arith.constant 19 : i32
        %broadcast_in_dim3A_1228 = vector.broadcast %broadcast_in_dim3A_1227 : i32 to vector<16xi32>
        %gather3A_1229 = tpu.vector_load_idx %arg15[%add3A_96, %broadcast_in_dim3A_1228] : memref<64x128xf32, #tpu.memory_space<vmem>>[vector<16xi32>, vector<16xi32>], vector<16xf32>,
        %broadcast_in_dim3A_1230 = arith.constant 51 : i32
        %broadcast_in_dim3A_1231 = vector.broadcast %broadcast_in_dim3A_1230 : i32 to vector<16xi32>
        %gather3A_1232 = tpu.vector_load_idx %arg15[%add3A_96, %broadcast_in_dim3A_1231] : memref<64x128xf32, #tpu.memory_space<vmem>>[vector<16xi32>, vector<16xi32>], vector<16xf32>,
        %broadcast_in_dim3A_1233 = arith.constant 83 : i32
        %broadcast_in_dim3A_1234 = vector.broadcast %broadcast_in_dim3A_1233 : i32 to vector<16xi32>
        %gather3A_1235 = tpu.vector_load_idx %arg15[%add3A_96, %broadcast_in_dim3A_1234] : memref<64x128xf32, #tpu.memory_space<vmem>>[vector<16xi32>, vector<16xi32>], vector<16xf32>,
        %broadcast_in_dim3A_1236 = arith.constant 115 : i32
        %broadcast_in_dim3A_1237 = vector.broadcast %broadcast_in_dim3A_1236 : i32 to vector<16xi32>
        %gather3A_1238 = tpu.vector_load_idx %arg15[%add3A_96, %broadcast_in_dim3A_1237] : memref<64x128xf32, #tpu.memory_space<vmem>>[vector<16xi32>, vector<16xi32>], vector<16xf32>,
        %mul3A_1239 = arith.mulf %bitcast_convert_type3A_1207, %gather3A_1232 : vector<16xf32>
        %add3A_1240 = arith.addf %mul3A_1239, %gather3A_1229 : vector<16xf32>
        %abs3A_1241 = math.absf %bitcast_convert_type3A_1218 : vector<16xf32>
        %abs3A_1242 = math.absf %gather3A_1235 : vector<16xf32>
        %mul3A_1243 = arith.mulf %abs3A_1241, %abs3A_1242 : vector<16xf32>
        %abs3A_1244 = math.absf %gather3A_1238 : vector<16xf32>
        %add3A_1245 = arith.addf %mul3A_1243, %abs3A_1244 : vector<16xf32>
        %sub3A_1246 = arith.subf %add3A_1240, %bitcast_convert_type3A_1226 : vector<16xf32>
        %abs3A_1247 = math.absf %sub3A_1246 : vector<16xf32>
        %sub3A_1248 = arith.subf %abs3A_1247, %add3A_1245 : vector<16xf32>
        %max3A_1249 = arith.constant 0.000000e+00 : f32
        %max3A_1250 = vector.broadcast %max3A_1249 : f32 to vector<16xf32>
        %max3A_1251 = arith.maximumf %sub3A_1248, %max3A_1250 : vector<16xf32>
        %min3A_1252 = arith.minimumf %abs3A_1247, %add3A_1245 : vector<16xf32>
        %mul3A_1253 = arith.mulf %max3A_1251, %max3A_1251 : vector<16xf32>
        %add3A_1254 = arith.addf %add3A_1197, %mul3A_1253 : vector<16xf32>
        %mul3A_1255 = arith.mulf %min3A_1252, %min3A_1252 : vector<16xf32>
        %add3A_1256 = arith.addf %add3A_1199, %mul3A_1255 : vector<16xf32>
        %add3A_1257 = arith.constant 4 : i32
        %add3A_1258 = vector.broadcast %add3A_1257 : i32 to vector<16xi32>
        %add3A_1259 = arith.addi %shift_left3A_110, %add3A_1258 : vector<16xi32>
        %gather3A_1260 = tpu.vector_load_idx %arg13[%add3A_96, %add3A_1259] : memref<64x128xi32, #tpu.memory_space<vmem>>[vector<16xi32>, vector<16xi32>], vector<16xi32>,
        %shift_left3A_1261 = arith.constant 16 : i32
        %shift_left3A_1262 = vector.broadcast %shift_left3A_1261 : i32 to vector<16xi32>
        %shift_left3A_1263 = arith.shli %gather3A_1260, %shift_left3A_1262 : vector<16xi32>
        %bitcast_convert_type3A_1264 = tpu.bitcast %shift_left3A_1263 : vector<16xi32> -> vector<16xf32>
        %add3A_1265 = arith.constant 16 : i32
        %add3A_1266 = vector.broadcast %add3A_1265 : i32 to vector<16xi32>
        %add3A_1267 = arith.addi %shift_left3A_110, %add3A_1266 : vector<16xi32>
        %add3A_1268 = arith.constant 4 : i32
        %add3A_1269 = vector.broadcast %add3A_1268 : i32 to vector<16xi32>
        %add3A_1270 = arith.addi %add3A_1267, %add3A_1269 : vector<16xi32>
        %gather3A_1271 = tpu.vector_load_idx %arg13[%add3A_96, %add3A_1270] : memref<64x128xi32, #tpu.memory_space<vmem>>[vector<16xi32>, vector<16xi32>], vector<16xi32>,
        %shift_left3A_1272 = arith.constant 16 : i32
        %shift_left3A_1273 = vector.broadcast %shift_left3A_1272 : i32 to vector<16xi32>
        %shift_left3A_1274 = arith.shli %gather3A_1271, %shift_left3A_1273 : vector<16xi32>
        %bitcast_convert_type3A_1275 = tpu.bitcast %shift_left3A_1274 : vector<16xi32> -> vector<16xf32>
        %add3A_1276 = arith.constant 4 : i32
        %add3A_1277 = vector.broadcast %add3A_1276 : i32 to vector<16xi32>
        %add3A_1278 = arith.addi %shift_left3A_119, %add3A_1277 : vector<16xi32>
        %gather3A_1279 = tpu.vector_load_idx %arg14[%add3A_96, %add3A_1278] : memref<64x128xi32, #tpu.memory_space<vmem>>[vector<16xi32>, vector<16xi32>], vector<16xi32>,
        %shift_left3A_1280 = arith.constant 16 : i32
        %shift_left3A_1281 = vector.broadcast %shift_left3A_1280 : i32 to vector<16xi32>
        %shift_left3A_1282 = arith.shli %gather3A_1279, %shift_left3A_1281 : vector<16xi32>
        %bitcast_convert_type3A_1283 = tpu.bitcast %shift_left3A_1282 : vector<16xi32> -> vector<16xf32>
        %broadcast_in_dim3A_1284 = arith.constant 20 : i32
        %broadcast_in_dim3A_1285 = vector.broadcast %broadcast_in_dim3A_1284 : i32 to vector<16xi32>
        %gather3A_1286 = tpu.vector_load_idx %arg15[%add3A_96, %broadcast_in_dim3A_1285] : memref<64x128xf32, #tpu.memory_space<vmem>>[vector<16xi32>, vector<16xi32>], vector<16xf32>,
        %broadcast_in_dim3A_1287 = arith.constant 52 : i32
        %broadcast_in_dim3A_1288 = vector.broadcast %broadcast_in_dim3A_1287 : i32 to vector<16xi32>
        %gather3A_1289 = tpu.vector_load_idx %arg15[%add3A_96, %broadcast_in_dim3A_1288] : memref<64x128xf32, #tpu.memory_space<vmem>>[vector<16xi32>, vector<16xi32>], vector<16xf32>,
        %broadcast_in_dim3A_1290 = arith.constant 84 : i32
        %broadcast_in_dim3A_1291 = vector.broadcast %broadcast_in_dim3A_1290 : i32 to vector<16xi32>
        %gather3A_1292 = tpu.vector_load_idx %arg15[%add3A_96, %broadcast_in_dim3A_1291] : memref<64x128xf32, #tpu.memory_space<vmem>>[vector<16xi32>, vector<16xi32>], vector<16xf32>,
        %broadcast_in_dim3A_1293 = arith.constant 116 : i32
        %broadcast_in_dim3A_1294 = vector.broadcast %broadcast_in_dim3A_1293 : i32 to vector<16xi32>
        %gather3A_1295 = tpu.vector_load_idx %arg15[%add3A_96, %broadcast_in_dim3A_1294] : memref<64x128xf32, #tpu.memory_space<vmem>>[vector<16xi32>, vector<16xi32>], vector<16xf32>,
        %mul3A_1296 = arith.mulf %bitcast_convert_type3A_1264, %gather3A_1289 : vector<16xf32>
        %add3A_1297 = arith.addf %mul3A_1296, %gather3A_1286 : vector<16xf32>
        %abs3A_1298 = math.absf %bitcast_convert_type3A_1275 : vector<16xf32>
        %abs3A_1299 = math.absf %gather3A_1292 : vector<16xf32>
        %mul3A_1300 = arith.mulf %abs3A_1298, %abs3A_1299 : vector<16xf32>
        %abs3A_1301 = math.absf %gather3A_1295 : vector<16xf32>
        %add3A_1302 = arith.addf %mul3A_1300, %abs3A_1301 : vector<16xf32>
        %sub3A_1303 = arith.subf %add3A_1297, %bitcast_convert_type3A_1283 : vector<16xf32>
        %abs3A_1304 = math.absf %sub3A_1303 : vector<16xf32>
        %sub3A_1305 = arith.subf %abs3A_1304, %add3A_1302 : vector<16xf32>
        %max3A_1306 = arith.constant 0.000000e+00 : f32
        %max3A_1307 = vector.broadcast %max3A_1306 : f32 to vector<16xf32>
        %max3A_1308 = arith.maximumf %sub3A_1305, %max3A_1307 : vector<16xf32>
        %min3A_1309 = arith.minimumf %abs3A_1304, %add3A_1302 : vector<16xf32>
        %mul3A_1310 = arith.mulf %max3A_1308, %max3A_1308 : vector<16xf32>
        %add3A_1311 = arith.addf %add3A_1254, %mul3A_1310 : vector<16xf32>
        %mul3A_1312 = arith.mulf %min3A_1309, %min3A_1309 : vector<16xf32>
        %add3A_1313 = arith.addf %add3A_1256, %mul3A_1312 : vector<16xf32>
        %add3A_1314 = arith.constant 5 : i32
        %add3A_1315 = vector.broadcast %add3A_1314 : i32 to vector<16xi32>
        %add3A_1316 = arith.addi %shift_left3A_110, %add3A_1315 : vector<16xi32>
        %gather3A_1317 = tpu.vector_load_idx %arg13[%add3A_96, %add3A_1316] : memref<64x128xi32, #tpu.memory_space<vmem>>[vector<16xi32>, vector<16xi32>], vector<16xi32>,
        %shift_left3A_1318 = arith.constant 16 : i32
        %shift_left3A_1319 = vector.broadcast %shift_left3A_1318 : i32 to vector<16xi32>
        %shift_left3A_1320 = arith.shli %gather3A_1317, %shift_left3A_1319 : vector<16xi32>
        %bitcast_convert_type3A_1321 = tpu.bitcast %shift_left3A_1320 : vector<16xi32> -> vector<16xf32>
        %add3A_1322 = arith.constant 16 : i32
        %add3A_1323 = vector.broadcast %add3A_1322 : i32 to vector<16xi32>
        %add3A_1324 = arith.addi %shift_left3A_110, %add3A_1323 : vector<16xi32>
        %add3A_1325 = arith.constant 5 : i32
        %add3A_1326 = vector.broadcast %add3A_1325 : i32 to vector<16xi32>
        %add3A_1327 = arith.addi %add3A_1324, %add3A_1326 : vector<16xi32>
        %gather3A_1328 = tpu.vector_load_idx %arg13[%add3A_96, %add3A_1327] : memref<64x128xi32, #tpu.memory_space<vmem>>[vector<16xi32>, vector<16xi32>], vector<16xi32>,
        %shift_left3A_1329 = arith.constant 16 : i32
        %shift_left3A_1330 = vector.broadcast %shift_left3A_1329 : i32 to vector<16xi32>
        %shift_left3A_1331 = arith.shli %gather3A_1328, %shift_left3A_1330 : vector<16xi32>
        %bitcast_convert_type3A_1332 = tpu.bitcast %shift_left3A_1331 : vector<16xi32> -> vector<16xf32>
        %add3A_1333 = arith.constant 5 : i32
        %add3A_1334 = vector.broadcast %add3A_1333 : i32 to vector<16xi32>
        %add3A_1335 = arith.addi %shift_left3A_119, %add3A_1334 : vector<16xi32>
        %gather3A_1336 = tpu.vector_load_idx %arg14[%add3A_96, %add3A_1335] : memref<64x128xi32, #tpu.memory_space<vmem>>[vector<16xi32>, vector<16xi32>], vector<16xi32>,
        %shift_left3A_1337 = arith.constant 16 : i32
        %shift_left3A_1338 = vector.broadcast %shift_left3A_1337 : i32 to vector<16xi32>
        %shift_left3A_1339 = arith.shli %gather3A_1336, %shift_left3A_1338 : vector<16xi32>
        %bitcast_convert_type3A_1340 = tpu.bitcast %shift_left3A_1339 : vector<16xi32> -> vector<16xf32>
        %broadcast_in_dim3A_1341 = arith.constant 21 : i32
        %broadcast_in_dim3A_1342 = vector.broadcast %broadcast_in_dim3A_1341 : i32 to vector<16xi32>
        %gather3A_1343 = tpu.vector_load_idx %arg15[%add3A_96, %broadcast_in_dim3A_1342] : memref<64x128xf32, #tpu.memory_space<vmem>>[vector<16xi32>, vector<16xi32>], vector<16xf32>,
        %broadcast_in_dim3A_1344 = arith.constant 53 : i32
        %broadcast_in_dim3A_1345 = vector.broadcast %broadcast_in_dim3A_1344 : i32 to vector<16xi32>
        %gather3A_1346 = tpu.vector_load_idx %arg15[%add3A_96, %broadcast_in_dim3A_1345] : memref<64x128xf32, #tpu.memory_space<vmem>>[vector<16xi32>, vector<16xi32>], vector<16xf32>,
        %broadcast_in_dim3A_1347 = arith.constant 85 : i32
        %broadcast_in_dim3A_1348 = vector.broadcast %broadcast_in_dim3A_1347 : i32 to vector<16xi32>
        %gather3A_1349 = tpu.vector_load_idx %arg15[%add3A_96, %broadcast_in_dim3A_1348] : memref<64x128xf32, #tpu.memory_space<vmem>>[vector<16xi32>, vector<16xi32>], vector<16xf32>,
        %broadcast_in_dim3A_1350 = arith.constant 117 : i32
        %broadcast_in_dim3A_1351 = vector.broadcast %broadcast_in_dim3A_1350 : i32 to vector<16xi32>
        %gather3A_1352 = tpu.vector_load_idx %arg15[%add3A_96, %broadcast_in_dim3A_1351] : memref<64x128xf32, #tpu.memory_space<vmem>>[vector<16xi32>, vector<16xi32>], vector<16xf32>,
        %mul3A_1353 = arith.mulf %bitcast_convert_type3A_1321, %gather3A_1346 : vector<16xf32>
        %add3A_1354 = arith.addf %mul3A_1353, %gather3A_1343 : vector<16xf32>
        %abs3A_1355 = math.absf %bitcast_convert_type3A_1332 : vector<16xf32>
        %abs3A_1356 = math.absf %gather3A_1349 : vector<16xf32>
        %mul3A_1357 = arith.mulf %abs3A_1355, %abs3A_1356 : vector<16xf32>
        %abs3A_1358 = math.absf %gather3A_1352 : vector<16xf32>
        %add3A_1359 = arith.addf %mul3A_1357, %abs3A_1358 : vector<16xf32>
        %sub3A_1360 = arith.subf %add3A_1354, %bitcast_convert_type3A_1340 : vector<16xf32>
        %abs3A_1361 = math.absf %sub3A_1360 : vector<16xf32>
        %sub3A_1362 = arith.subf %abs3A_1361, %add3A_1359 : vector<16xf32>
        %max3A_1363 = arith.constant 0.000000e+00 : f32
        %max3A_1364 = vector.broadcast %max3A_1363 : f32 to vector<16xf32>
        %max3A_1365 = arith.maximumf %sub3A_1362, %max3A_1364 : vector<16xf32>
        %min3A_1366 = arith.minimumf %abs3A_1361, %add3A_1359 : vector<16xf32>
        %mul3A_1367 = arith.mulf %max3A_1365, %max3A_1365 : vector<16xf32>
        %add3A_1368 = arith.addf %add3A_1311, %mul3A_1367 : vector<16xf32>
        %mul3A_1369 = arith.mulf %min3A_1366, %min3A_1366 : vector<16xf32>
        %add3A_1370 = arith.addf %add3A_1313, %mul3A_1369 : vector<16xf32>
        %add3A_1371 = arith.constant 6 : i32
        %add3A_1372 = vector.broadcast %add3A_1371 : i32 to vector<16xi32>
        %add3A_1373 = arith.addi %shift_left3A_110, %add3A_1372 : vector<16xi32>
        %gather3A_1374 = tpu.vector_load_idx %arg13[%add3A_96, %add3A_1373] : memref<64x128xi32, #tpu.memory_space<vmem>>[vector<16xi32>, vector<16xi32>], vector<16xi32>,
        %shift_left3A_1375 = arith.constant 16 : i32
        %shift_left3A_1376 = vector.broadcast %shift_left3A_1375 : i32 to vector<16xi32>
        %shift_left3A_1377 = arith.shli %gather3A_1374, %shift_left3A_1376 : vector<16xi32>
        %bitcast_convert_type3A_1378 = tpu.bitcast %shift_left3A_1377 : vector<16xi32> -> vector<16xf32>
        %add3A_1379 = arith.constant 16 : i32
        %add3A_1380 = vector.broadcast %add3A_1379 : i32 to vector<16xi32>
        %add3A_1381 = arith.addi %shift_left3A_110, %add3A_1380 : vector<16xi32>
        %add3A_1382 = arith.constant 6 : i32
        %add3A_1383 = vector.broadcast %add3A_1382 : i32 to vector<16xi32>
        %add3A_1384 = arith.addi %add3A_1381, %add3A_1383 : vector<16xi32>
        %gather3A_1385 = tpu.vector_load_idx %arg13[%add3A_96, %add3A_1384] : memref<64x128xi32, #tpu.memory_space<vmem>>[vector<16xi32>, vector<16xi32>], vector<16xi32>,
        %shift_left3A_1386 = arith.constant 16 : i32
        %shift_left3A_1387 = vector.broadcast %shift_left3A_1386 : i32 to vector<16xi32>
        %shift_left3A_1388 = arith.shli %gather3A_1385, %shift_left3A_1387 : vector<16xi32>
        %bitcast_convert_type3A_1389 = tpu.bitcast %shift_left3A_1388 : vector<16xi32> -> vector<16xf32>
        %add3A_1390 = arith.constant 6 : i32
        %add3A_1391 = vector.broadcast %add3A_1390 : i32 to vector<16xi32>
        %add3A_1392 = arith.addi %shift_left3A_119, %add3A_1391 : vector<16xi32>
        %gather3A_1393 = tpu.vector_load_idx %arg14[%add3A_96, %add3A_1392] : memref<64x128xi32, #tpu.memory_space<vmem>>[vector<16xi32>, vector<16xi32>], vector<16xi32>,
        %shift_left3A_1394 = arith.constant 16 : i32
        %shift_left3A_1395 = vector.broadcast %shift_left3A_1394 : i32 to vector<16xi32>
        %shift_left3A_1396 = arith.shli %gather3A_1393, %shift_left3A_1395 : vector<16xi32>
        %bitcast_convert_type3A_1397 = tpu.bitcast %shift_left3A_1396 : vector<16xi32> -> vector<16xf32>
        %broadcast_in_dim3A_1398 = arith.constant 22 : i32
        %broadcast_in_dim3A_1399 = vector.broadcast %broadcast_in_dim3A_1398 : i32 to vector<16xi32>
        %gather3A_1400 = tpu.vector_load_idx %arg15[%add3A_96, %broadcast_in_dim3A_1399] : memref<64x128xf32, #tpu.memory_space<vmem>>[vector<16xi32>, vector<16xi32>], vector<16xf32>,
        %broadcast_in_dim3A_1401 = arith.constant 54 : i32
        %broadcast_in_dim3A_1402 = vector.broadcast %broadcast_in_dim3A_1401 : i32 to vector<16xi32>
        %gather3A_1403 = tpu.vector_load_idx %arg15[%add3A_96, %broadcast_in_dim3A_1402] : memref<64x128xf32, #tpu.memory_space<vmem>>[vector<16xi32>, vector<16xi32>], vector<16xf32>,
        %broadcast_in_dim3A_1404 = arith.constant 86 : i32
        %broadcast_in_dim3A_1405 = vector.broadcast %broadcast_in_dim3A_1404 : i32 to vector<16xi32>
        %gather3A_1406 = tpu.vector_load_idx %arg15[%add3A_96, %broadcast_in_dim3A_1405] : memref<64x128xf32, #tpu.memory_space<vmem>>[vector<16xi32>, vector<16xi32>], vector<16xf32>,
        %broadcast_in_dim3A_1407 = arith.constant 118 : i32
        %broadcast_in_dim3A_1408 = vector.broadcast %broadcast_in_dim3A_1407 : i32 to vector<16xi32>
        %gather3A_1409 = tpu.vector_load_idx %arg15[%add3A_96, %broadcast_in_dim3A_1408] : memref<64x128xf32, #tpu.memory_space<vmem>>[vector<16xi32>, vector<16xi32>], vector<16xf32>,
        %mul3A_1410 = arith.mulf %bitcast_convert_type3A_1378, %gather3A_1403 : vector<16xf32>
        %add3A_1411 = arith.addf %mul3A_1410, %gather3A_1400 : vector<16xf32>
        %abs3A_1412 = math.absf %bitcast_convert_type3A_1389 : vector<16xf32>
        %abs3A_1413 = math.absf %gather3A_1406 : vector<16xf32>
        %mul3A_1414 = arith.mulf %abs3A_1412, %abs3A_1413 : vector<16xf32>
        %abs3A_1415 = math.absf %gather3A_1409 : vector<16xf32>
        %add3A_1416 = arith.addf %mul3A_1414, %abs3A_1415 : vector<16xf32>
        %sub3A_1417 = arith.subf %add3A_1411, %bitcast_convert_type3A_1397 : vector<16xf32>
        %abs3A_1418 = math.absf %sub3A_1417 : vector<16xf32>
        %sub3A_1419 = arith.subf %abs3A_1418, %add3A_1416 : vector<16xf32>
        %max3A_1420 = arith.constant 0.000000e+00 : f32
        %max3A_1421 = vector.broadcast %max3A_1420 : f32 to vector<16xf32>
        %max3A_1422 = arith.maximumf %sub3A_1419, %max3A_1421 : vector<16xf32>
        %min3A_1423 = arith.minimumf %abs3A_1418, %add3A_1416 : vector<16xf32>
        %mul3A_1424 = arith.mulf %max3A_1422, %max3A_1422 : vector<16xf32>
        %add3A_1425 = arith.addf %add3A_1368, %mul3A_1424 : vector<16xf32>
        %mul3A_1426 = arith.mulf %min3A_1423, %min3A_1423 : vector<16xf32>
        %add3A_1427 = arith.addf %add3A_1370, %mul3A_1426 : vector<16xf32>
        %add3A_1428 = arith.constant 7 : i32
        %add3A_1429 = vector.broadcast %add3A_1428 : i32 to vector<16xi32>
        %add3A_1430 = arith.addi %shift_left3A_110, %add3A_1429 : vector<16xi32>
        %gather3A_1431 = tpu.vector_load_idx %arg13[%add3A_96, %add3A_1430] : memref<64x128xi32, #tpu.memory_space<vmem>>[vector<16xi32>, vector<16xi32>], vector<16xi32>,
        %shift_left3A_1432 = arith.constant 16 : i32
        %shift_left3A_1433 = vector.broadcast %shift_left3A_1432 : i32 to vector<16xi32>
        %shift_left3A_1434 = arith.shli %gather3A_1431, %shift_left3A_1433 : vector<16xi32>
        %bitcast_convert_type3A_1435 = tpu.bitcast %shift_left3A_1434 : vector<16xi32> -> vector<16xf32>
        %add3A_1436 = arith.constant 16 : i32
        %add3A_1437 = vector.broadcast %add3A_1436 : i32 to vector<16xi32>
        %add3A_1438 = arith.addi %shift_left3A_110, %add3A_1437 : vector<16xi32>
        %add3A_1439 = arith.constant 7 : i32
        %add3A_1440 = vector.broadcast %add3A_1439 : i32 to vector<16xi32>
        %add3A_1441 = arith.addi %add3A_1438, %add3A_1440 : vector<16xi32>
        %gather3A_1442 = tpu.vector_load_idx %arg13[%add3A_96, %add3A_1441] : memref<64x128xi32, #tpu.memory_space<vmem>>[vector<16xi32>, vector<16xi32>], vector<16xi32>,
        %shift_left3A_1443 = arith.constant 16 : i32
        %shift_left3A_1444 = vector.broadcast %shift_left3A_1443 : i32 to vector<16xi32>
        %shift_left3A_1445 = arith.shli %gather3A_1442, %shift_left3A_1444 : vector<16xi32>
        %bitcast_convert_type3A_1446 = tpu.bitcast %shift_left3A_1445 : vector<16xi32> -> vector<16xf32>
        %add3A_1447 = arith.constant 7 : i32
        %add3A_1448 = vector.broadcast %add3A_1447 : i32 to vector<16xi32>
        %add3A_1449 = arith.addi %shift_left3A_119, %add3A_1448 : vector<16xi32>
        %gather3A_1450 = tpu.vector_load_idx %arg14[%add3A_96, %add3A_1449] : memref<64x128xi32, #tpu.memory_space<vmem>>[vector<16xi32>, vector<16xi32>], vector<16xi32>,
        %shift_left3A_1451 = arith.constant 16 : i32
        %shift_left3A_1452 = vector.broadcast %shift_left3A_1451 : i32 to vector<16xi32>
        %shift_left3A_1453 = arith.shli %gather3A_1450, %shift_left3A_1452 : vector<16xi32>
        %bitcast_convert_type3A_1454 = tpu.bitcast %shift_left3A_1453 : vector<16xi32> -> vector<16xf32>
        %broadcast_in_dim3A_1455 = arith.constant 23 : i32
        %broadcast_in_dim3A_1456 = vector.broadcast %broadcast_in_dim3A_1455 : i32 to vector<16xi32>
        %gather3A_1457 = tpu.vector_load_idx %arg15[%add3A_96, %broadcast_in_dim3A_1456] : memref<64x128xf32, #tpu.memory_space<vmem>>[vector<16xi32>, vector<16xi32>], vector<16xf32>,
        %broadcast_in_dim3A_1458 = arith.constant 55 : i32
        %broadcast_in_dim3A_1459 = vector.broadcast %broadcast_in_dim3A_1458 : i32 to vector<16xi32>
        %gather3A_1460 = tpu.vector_load_idx %arg15[%add3A_96, %broadcast_in_dim3A_1459] : memref<64x128xf32, #tpu.memory_space<vmem>>[vector<16xi32>, vector<16xi32>], vector<16xf32>,
        %broadcast_in_dim3A_1461 = arith.constant 87 : i32
        %broadcast_in_dim3A_1462 = vector.broadcast %broadcast_in_dim3A_1461 : i32 to vector<16xi32>
        %gather3A_1463 = tpu.vector_load_idx %arg15[%add3A_96, %broadcast_in_dim3A_1462] : memref<64x128xf32, #tpu.memory_space<vmem>>[vector<16xi32>, vector<16xi32>], vector<16xf32>,
        %broadcast_in_dim3A_1464 = arith.constant 119 : i32
        %broadcast_in_dim3A_1465 = vector.broadcast %broadcast_in_dim3A_1464 : i32 to vector<16xi32>
        %gather3A_1466 = tpu.vector_load_idx %arg15[%add3A_96, %broadcast_in_dim3A_1465] : memref<64x128xf32, #tpu.memory_space<vmem>>[vector<16xi32>, vector<16xi32>], vector<16xf32>,
        %mul3A_1467 = arith.mulf %bitcast_convert_type3A_1435, %gather3A_1460 : vector<16xf32>
        %add3A_1468 = arith.addf %mul3A_1467, %gather3A_1457 : vector<16xf32>
        %abs3A_1469 = math.absf %bitcast_convert_type3A_1446 : vector<16xf32>
        %abs3A_1470 = math.absf %gather3A_1463 : vector<16xf32>
        %mul3A_1471 = arith.mulf %abs3A_1469, %abs3A_1470 : vector<16xf32>
        %abs3A_1472 = math.absf %gather3A_1466 : vector<16xf32>
        %add3A_1473 = arith.addf %mul3A_1471, %abs3A_1472 : vector<16xf32>
        %sub3A_1474 = arith.subf %add3A_1468, %bitcast_convert_type3A_1454 : vector<16xf32>
        %abs3A_1475 = math.absf %sub3A_1474 : vector<16xf32>
        %sub3A_1476 = arith.subf %abs3A_1475, %add3A_1473 : vector<16xf32>
        %max3A_1477 = arith.constant 0.000000e+00 : f32
        %max3A_1478 = vector.broadcast %max3A_1477 : f32 to vector<16xf32>
        %max3A_1479 = arith.maximumf %sub3A_1476, %max3A_1478 : vector<16xf32>
        %min3A_1480 = arith.minimumf %abs3A_1475, %add3A_1473 : vector<16xf32>
        %mul3A_1481 = arith.mulf %max3A_1479, %max3A_1479 : vector<16xf32>
        %add3A_1482 = arith.addf %add3A_1425, %mul3A_1481 : vector<16xf32>
        %mul3A_1483 = arith.mulf %min3A_1480, %min3A_1480 : vector<16xf32>
        %add3A_1484 = arith.addf %add3A_1427, %mul3A_1483 : vector<16xf32>
        %add3A_1485 = arith.constant 8 : i32
        %add3A_1486 = vector.broadcast %add3A_1485 : i32 to vector<16xi32>
        %add3A_1487 = arith.addi %shift_left3A_110, %add3A_1486 : vector<16xi32>
        %gather3A_1488 = tpu.vector_load_idx %arg13[%add3A_96, %add3A_1487] : memref<64x128xi32, #tpu.memory_space<vmem>>[vector<16xi32>, vector<16xi32>], vector<16xi32>,
        %shift_left3A_1489 = arith.constant 16 : i32
        %shift_left3A_1490 = vector.broadcast %shift_left3A_1489 : i32 to vector<16xi32>
        %shift_left3A_1491 = arith.shli %gather3A_1488, %shift_left3A_1490 : vector<16xi32>
        %bitcast_convert_type3A_1492 = tpu.bitcast %shift_left3A_1491 : vector<16xi32> -> vector<16xf32>
        %add3A_1493 = arith.constant 16 : i32
        %add3A_1494 = vector.broadcast %add3A_1493 : i32 to vector<16xi32>
        %add3A_1495 = arith.addi %shift_left3A_110, %add3A_1494 : vector<16xi32>
        %add3A_1496 = arith.constant 8 : i32
        %add3A_1497 = vector.broadcast %add3A_1496 : i32 to vector<16xi32>
        %add3A_1498 = arith.addi %add3A_1495, %add3A_1497 : vector<16xi32>
        %gather3A_1499 = tpu.vector_load_idx %arg13[%add3A_96, %add3A_1498] : memref<64x128xi32, #tpu.memory_space<vmem>>[vector<16xi32>, vector<16xi32>], vector<16xi32>,
        %shift_left3A_1500 = arith.constant 16 : i32
        %shift_left3A_1501 = vector.broadcast %shift_left3A_1500 : i32 to vector<16xi32>
        %shift_left3A_1502 = arith.shli %gather3A_1499, %shift_left3A_1501 : vector<16xi32>
        %bitcast_convert_type3A_1503 = tpu.bitcast %shift_left3A_1502 : vector<16xi32> -> vector<16xf32>
        %add3A_1504 = arith.constant 8 : i32
        %add3A_1505 = vector.broadcast %add3A_1504 : i32 to vector<16xi32>
        %add3A_1506 = arith.addi %shift_left3A_119, %add3A_1505 : vector<16xi32>
        %gather3A_1507 = tpu.vector_load_idx %arg14[%add3A_96, %add3A_1506] : memref<64x128xi32, #tpu.memory_space<vmem>>[vector<16xi32>, vector<16xi32>], vector<16xi32>,
        %shift_left3A_1508 = arith.constant 16 : i32
        %shift_left3A_1509 = vector.broadcast %shift_left3A_1508 : i32 to vector<16xi32>
        %shift_left3A_1510 = arith.shli %gather3A_1507, %shift_left3A_1509 : vector<16xi32>
        %bitcast_convert_type3A_1511 = tpu.bitcast %shift_left3A_1510 : vector<16xi32> -> vector<16xf32>
        %broadcast_in_dim3A_1512 = arith.constant 24 : i32
        %broadcast_in_dim3A_1513 = vector.broadcast %broadcast_in_dim3A_1512 : i32 to vector<16xi32>
        %gather3A_1514 = tpu.vector_load_idx %arg15[%add3A_96, %broadcast_in_dim3A_1513] : memref<64x128xf32, #tpu.memory_space<vmem>>[vector<16xi32>, vector<16xi32>], vector<16xf32>,
        %broadcast_in_dim3A_1515 = arith.constant 56 : i32
        %broadcast_in_dim3A_1516 = vector.broadcast %broadcast_in_dim3A_1515 : i32 to vector<16xi32>
        %gather3A_1517 = tpu.vector_load_idx %arg15[%add3A_96, %broadcast_in_dim3A_1516] : memref<64x128xf32, #tpu.memory_space<vmem>>[vector<16xi32>, vector<16xi32>], vector<16xf32>,
        %broadcast_in_dim3A_1518 = arith.constant 88 : i32
        %broadcast_in_dim3A_1519 = vector.broadcast %broadcast_in_dim3A_1518 : i32 to vector<16xi32>
        %gather3A_1520 = tpu.vector_load_idx %arg15[%add3A_96, %broadcast_in_dim3A_1519] : memref<64x128xf32, #tpu.memory_space<vmem>>[vector<16xi32>, vector<16xi32>], vector<16xf32>,
        %broadcast_in_dim3A_1521 = arith.constant 120 : i32
        %broadcast_in_dim3A_1522 = vector.broadcast %broadcast_in_dim3A_1521 : i32 to vector<16xi32>
        %gather3A_1523 = tpu.vector_load_idx %arg15[%add3A_96, %broadcast_in_dim3A_1522] : memref<64x128xf32, #tpu.memory_space<vmem>>[vector<16xi32>, vector<16xi32>], vector<16xf32>,
        %mul3A_1524 = arith.mulf %bitcast_convert_type3A_1492, %gather3A_1517 : vector<16xf32>
        %add3A_1525 = arith.addf %mul3A_1524, %gather3A_1514 : vector<16xf32>
        %abs3A_1526 = math.absf %bitcast_convert_type3A_1503 : vector<16xf32>
        %abs3A_1527 = math.absf %gather3A_1520 : vector<16xf32>
        %mul3A_1528 = arith.mulf %abs3A_1526, %abs3A_1527 : vector<16xf32>
        %abs3A_1529 = math.absf %gather3A_1523 : vector<16xf32>
        %add3A_1530 = arith.addf %mul3A_1528, %abs3A_1529 : vector<16xf32>
        %sub3A_1531 = arith.subf %add3A_1525, %bitcast_convert_type3A_1511 : vector<16xf32>
        %abs3A_1532 = math.absf %sub3A_1531 : vector<16xf32>
        %sub3A_1533 = arith.subf %abs3A_1532, %add3A_1530 : vector<16xf32>
        %max3A_1534 = arith.constant 0.000000e+00 : f32
        %max3A_1535 = vector.broadcast %max3A_1534 : f32 to vector<16xf32>
        %max3A_1536 = arith.maximumf %sub3A_1533, %max3A_1535 : vector<16xf32>
        %min3A_1537 = arith.minimumf %abs3A_1532, %add3A_1530 : vector<16xf32>
        %mul3A_1538 = arith.mulf %max3A_1536, %max3A_1536 : vector<16xf32>
        %add3A_1539 = arith.addf %add3A_1482, %mul3A_1538 : vector<16xf32>
        %mul3A_1540 = arith.mulf %min3A_1537, %min3A_1537 : vector<16xf32>
        %add3A_1541 = arith.addf %add3A_1484, %mul3A_1540 : vector<16xf32>
        %add3A_1542 = arith.constant 9 : i32
        %add3A_1543 = vector.broadcast %add3A_1542 : i32 to vector<16xi32>
        %add3A_1544 = arith.addi %shift_left3A_110, %add3A_1543 : vector<16xi32>
        %gather3A_1545 = tpu.vector_load_idx %arg13[%add3A_96, %add3A_1544] : memref<64x128xi32, #tpu.memory_space<vmem>>[vector<16xi32>, vector<16xi32>], vector<16xi32>,
        %shift_left3A_1546 = arith.constant 16 : i32
        %shift_left3A_1547 = vector.broadcast %shift_left3A_1546 : i32 to vector<16xi32>
        %shift_left3A_1548 = arith.shli %gather3A_1545, %shift_left3A_1547 : vector<16xi32>
        %bitcast_convert_type3A_1549 = tpu.bitcast %shift_left3A_1548 : vector<16xi32> -> vector<16xf32>
        %add3A_1550 = arith.constant 16 : i32
        %add3A_1551 = vector.broadcast %add3A_1550 : i32 to vector<16xi32>
        %add3A_1552 = arith.addi %shift_left3A_110, %add3A_1551 : vector<16xi32>
        %add3A_1553 = arith.constant 9 : i32
        %add3A_1554 = vector.broadcast %add3A_1553 : i32 to vector<16xi32>
        %add3A_1555 = arith.addi %add3A_1552, %add3A_1554 : vector<16xi32>
        %gather3A_1556 = tpu.vector_load_idx %arg13[%add3A_96, %add3A_1555] : memref<64x128xi32, #tpu.memory_space<vmem>>[vector<16xi32>, vector<16xi32>], vector<16xi32>,
        %shift_left3A_1557 = arith.constant 16 : i32
        %shift_left3A_1558 = vector.broadcast %shift_left3A_1557 : i32 to vector<16xi32>
        %shift_left3A_1559 = arith.shli %gather3A_1556, %shift_left3A_1558 : vector<16xi32>
        %bitcast_convert_type3A_1560 = tpu.bitcast %shift_left3A_1559 : vector<16xi32> -> vector<16xf32>
        %add3A_1561 = arith.constant 9 : i32
        %add3A_1562 = vector.broadcast %add3A_1561 : i32 to vector<16xi32>
        %add3A_1563 = arith.addi %shift_left3A_119, %add3A_1562 : vector<16xi32>
        %gather3A_1564 = tpu.vector_load_idx %arg14[%add3A_96, %add3A_1563] : memref<64x128xi32, #tpu.memory_space<vmem>>[vector<16xi32>, vector<16xi32>], vector<16xi32>,
        %shift_left3A_1565 = arith.constant 16 : i32
        %shift_left3A_1566 = vector.broadcast %shift_left3A_1565 : i32 to vector<16xi32>
        %shift_left3A_1567 = arith.shli %gather3A_1564, %shift_left3A_1566 : vector<16xi32>
        %bitcast_convert_type3A_1568 = tpu.bitcast %shift_left3A_1567 : vector<16xi32> -> vector<16xf32>
        %broadcast_in_dim3A_1569 = arith.constant 25 : i32
        %broadcast_in_dim3A_1570 = vector.broadcast %broadcast_in_dim3A_1569 : i32 to vector<16xi32>
        %gather3A_1571 = tpu.vector_load_idx %arg15[%add3A_96, %broadcast_in_dim3A_1570] : memref<64x128xf32, #tpu.memory_space<vmem>>[vector<16xi32>, vector<16xi32>], vector<16xf32>,
        %broadcast_in_dim3A_1572 = arith.constant 57 : i32
        %broadcast_in_dim3A_1573 = vector.broadcast %broadcast_in_dim3A_1572 : i32 to vector<16xi32>
        %gather3A_1574 = tpu.vector_load_idx %arg15[%add3A_96, %broadcast_in_dim3A_1573] : memref<64x128xf32, #tpu.memory_space<vmem>>[vector<16xi32>, vector<16xi32>], vector<16xf32>,
        %broadcast_in_dim3A_1575 = arith.constant 89 : i32
        %broadcast_in_dim3A_1576 = vector.broadcast %broadcast_in_dim3A_1575 : i32 to vector<16xi32>
        %gather3A_1577 = tpu.vector_load_idx %arg15[%add3A_96, %broadcast_in_dim3A_1576] : memref<64x128xf32, #tpu.memory_space<vmem>>[vector<16xi32>, vector<16xi32>], vector<16xf32>,
        %broadcast_in_dim3A_1578 = arith.constant 121 : i32
        %broadcast_in_dim3A_1579 = vector.broadcast %broadcast_in_dim3A_1578 : i32 to vector<16xi32>
        %gather3A_1580 = tpu.vector_load_idx %arg15[%add3A_96, %broadcast_in_dim3A_1579] : memref<64x128xf32, #tpu.memory_space<vmem>>[vector<16xi32>, vector<16xi32>], vector<16xf32>,
        %mul3A_1581 = arith.mulf %bitcast_convert_type3A_1549, %gather3A_1574 : vector<16xf32>
        %add3A_1582 = arith.addf %mul3A_1581, %gather3A_1571 : vector<16xf32>
        %abs3A_1583 = math.absf %bitcast_convert_type3A_1560 : vector<16xf32>
        %abs3A_1584 = math.absf %gather3A_1577 : vector<16xf32>
        %mul3A_1585 = arith.mulf %abs3A_1583, %abs3A_1584 : vector<16xf32>
        %abs3A_1586 = math.absf %gather3A_1580 : vector<16xf32>
        %add3A_1587 = arith.addf %mul3A_1585, %abs3A_1586 : vector<16xf32>
        %sub3A_1588 = arith.subf %add3A_1582, %bitcast_convert_type3A_1568 : vector<16xf32>
        %abs3A_1589 = math.absf %sub3A_1588 : vector<16xf32>
        %sub3A_1590 = arith.subf %abs3A_1589, %add3A_1587 : vector<16xf32>
        %max3A_1591 = arith.constant 0.000000e+00 : f32
        %max3A_1592 = vector.broadcast %max3A_1591 : f32 to vector<16xf32>
        %max3A_1593 = arith.maximumf %sub3A_1590, %max3A_1592 : vector<16xf32>
        %min3A_1594 = arith.minimumf %abs3A_1589, %add3A_1587 : vector<16xf32>
        %mul3A_1595 = arith.mulf %max3A_1593, %max3A_1593 : vector<16xf32>
        %add3A_1596 = arith.addf %add3A_1539, %mul3A_1595 : vector<16xf32>
        %mul3A_1597 = arith.mulf %min3A_1594, %min3A_1594 : vector<16xf32>
        %add3A_1598 = arith.addf %add3A_1541, %mul3A_1597 : vector<16xf32>
        %add3A_1599 = arith.constant 10 : i32
        %add3A_1600 = vector.broadcast %add3A_1599 : i32 to vector<16xi32>
        %add3A_1601 = arith.addi %shift_left3A_110, %add3A_1600 : vector<16xi32>
        %gather3A_1602 = tpu.vector_load_idx %arg13[%add3A_96, %add3A_1601] : memref<64x128xi32, #tpu.memory_space<vmem>>[vector<16xi32>, vector<16xi32>], vector<16xi32>,
        %shift_left3A_1603 = arith.constant 16 : i32
        %shift_left3A_1604 = vector.broadcast %shift_left3A_1603 : i32 to vector<16xi32>
        %shift_left3A_1605 = arith.shli %gather3A_1602, %shift_left3A_1604 : vector<16xi32>
        %bitcast_convert_type3A_1606 = tpu.bitcast %shift_left3A_1605 : vector<16xi32> -> vector<16xf32>
        %add3A_1607 = arith.constant 16 : i32
        %add3A_1608 = vector.broadcast %add3A_1607 : i32 to vector<16xi32>
        %add3A_1609 = arith.addi %shift_left3A_110, %add3A_1608 : vector<16xi32>
        %add3A_1610 = arith.constant 10 : i32
        %add3A_1611 = vector.broadcast %add3A_1610 : i32 to vector<16xi32>
        %add3A_1612 = arith.addi %add3A_1609, %add3A_1611 : vector<16xi32>
        %gather3A_1613 = tpu.vector_load_idx %arg13[%add3A_96, %add3A_1612] : memref<64x128xi32, #tpu.memory_space<vmem>>[vector<16xi32>, vector<16xi32>], vector<16xi32>,
        %shift_left3A_1614 = arith.constant 16 : i32
        %shift_left3A_1615 = vector.broadcast %shift_left3A_1614 : i32 to vector<16xi32>
        %shift_left3A_1616 = arith.shli %gather3A_1613, %shift_left3A_1615 : vector<16xi32>
        %bitcast_convert_type3A_1617 = tpu.bitcast %shift_left3A_1616 : vector<16xi32> -> vector<16xf32>
        %add3A_1618 = arith.constant 10 : i32
        %add3A_1619 = vector.broadcast %add3A_1618 : i32 to vector<16xi32>
        %add3A_1620 = arith.addi %shift_left3A_119, %add3A_1619 : vector<16xi32>
        %gather3A_1621 = tpu.vector_load_idx %arg14[%add3A_96, %add3A_1620] : memref<64x128xi32, #tpu.memory_space<vmem>>[vector<16xi32>, vector<16xi32>], vector<16xi32>,
        %shift_left3A_1622 = arith.constant 16 : i32
        %shift_left3A_1623 = vector.broadcast %shift_left3A_1622 : i32 to vector<16xi32>
        %shift_left3A_1624 = arith.shli %gather3A_1621, %shift_left3A_1623 : vector<16xi32>
        %bitcast_convert_type3A_1625 = tpu.bitcast %shift_left3A_1624 : vector<16xi32> -> vector<16xf32>
        %broadcast_in_dim3A_1626 = arith.constant 26 : i32
        %broadcast_in_dim3A_1627 = vector.broadcast %broadcast_in_dim3A_1626 : i32 to vector<16xi32>
        %gather3A_1628 = tpu.vector_load_idx %arg15[%add3A_96, %broadcast_in_dim3A_1627] : memref<64x128xf32, #tpu.memory_space<vmem>>[vector<16xi32>, vector<16xi32>], vector<16xf32>,
        %broadcast_in_dim3A_1629 = arith.constant 58 : i32
        %broadcast_in_dim3A_1630 = vector.broadcast %broadcast_in_dim3A_1629 : i32 to vector<16xi32>
        %gather3A_1631 = tpu.vector_load_idx %arg15[%add3A_96, %broadcast_in_dim3A_1630] : memref<64x128xf32, #tpu.memory_space<vmem>>[vector<16xi32>, vector<16xi32>], vector<16xf32>,
        %broadcast_in_dim3A_1632 = arith.constant 90 : i32
        %broadcast_in_dim3A_1633 = vector.broadcast %broadcast_in_dim3A_1632 : i32 to vector<16xi32>
        %gather3A_1634 = tpu.vector_load_idx %arg15[%add3A_96, %broadcast_in_dim3A_1633] : memref<64x128xf32, #tpu.memory_space<vmem>>[vector<16xi32>, vector<16xi32>], vector<16xf32>,
        %broadcast_in_dim3A_1635 = arith.constant 122 : i32
        %broadcast_in_dim3A_1636 = vector.broadcast %broadcast_in_dim3A_1635 : i32 to vector<16xi32>
        %gather3A_1637 = tpu.vector_load_idx %arg15[%add3A_96, %broadcast_in_dim3A_1636] : memref<64x128xf32, #tpu.memory_space<vmem>>[vector<16xi32>, vector<16xi32>], vector<16xf32>,
        %mul3A_1638 = arith.mulf %bitcast_convert_type3A_1606, %gather3A_1631 : vector<16xf32>
        %add3A_1639 = arith.addf %mul3A_1638, %gather3A_1628 : vector<16xf32>
        %abs3A_1640 = math.absf %bitcast_convert_type3A_1617 : vector<16xf32>
        %abs3A_1641 = math.absf %gather3A_1634 : vector<16xf32>
        %mul3A_1642 = arith.mulf %abs3A_1640, %abs3A_1641 : vector<16xf32>
        %abs3A_1643 = math.absf %gather3A_1637 : vector<16xf32>
        %add3A_1644 = arith.addf %mul3A_1642, %abs3A_1643 : vector<16xf32>
        %sub3A_1645 = arith.subf %add3A_1639, %bitcast_convert_type3A_1625 : vector<16xf32>
        %abs3A_1646 = math.absf %sub3A_1645 : vector<16xf32>
        %sub3A_1647 = arith.subf %abs3A_1646, %add3A_1644 : vector<16xf32>
        %max3A_1648 = arith.constant 0.000000e+00 : f32
        %max3A_1649 = vector.broadcast %max3A_1648 : f32 to vector<16xf32>
        %max3A_1650 = arith.maximumf %sub3A_1647, %max3A_1649 : vector<16xf32>
        %min3A_1651 = arith.minimumf %abs3A_1646, %add3A_1644 : vector<16xf32>
        %mul3A_1652 = arith.mulf %max3A_1650, %max3A_1650 : vector<16xf32>
        %add3A_1653 = arith.addf %add3A_1596, %mul3A_1652 : vector<16xf32>
        %mul3A_1654 = arith.mulf %min3A_1651, %min3A_1651 : vector<16xf32>
        %add3A_1655 = arith.addf %add3A_1598, %mul3A_1654 : vector<16xf32>
        %add3A_1656 = arith.constant 11 : i32
        %add3A_1657 = vector.broadcast %add3A_1656 : i32 to vector<16xi32>
        %add3A_1658 = arith.addi %shift_left3A_110, %add3A_1657 : vector<16xi32>
        %gather3A_1659 = tpu.vector_load_idx %arg13[%add3A_96, %add3A_1658] : memref<64x128xi32, #tpu.memory_space<vmem>>[vector<16xi32>, vector<16xi32>], vector<16xi32>,
        %shift_left3A_1660 = arith.constant 16 : i32
        %shift_left3A_1661 = vector.broadcast %shift_left3A_1660 : i32 to vector<16xi32>
        %shift_left3A_1662 = arith.shli %gather3A_1659, %shift_left3A_1661 : vector<16xi32>
        %bitcast_convert_type3A_1663 = tpu.bitcast %shift_left3A_1662 : vector<16xi32> -> vector<16xf32>
        %add3A_1664 = arith.constant 16 : i32
        %add3A_1665 = vector.broadcast %add3A_1664 : i32 to vector<16xi32>
        %add3A_1666 = arith.addi %shift_left3A_110, %add3A_1665 : vector<16xi32>
        %add3A_1667 = arith.constant 11 : i32
        %add3A_1668 = vector.broadcast %add3A_1667 : i32 to vector<16xi32>
        %add3A_1669 = arith.addi %add3A_1666, %add3A_1668 : vector<16xi32>
        %gather3A_1670 = tpu.vector_load_idx %arg13[%add3A_96, %add3A_1669] : memref<64x128xi32, #tpu.memory_space<vmem>>[vector<16xi32>, vector<16xi32>], vector<16xi32>,
        %shift_left3A_1671 = arith.constant 16 : i32
        %shift_left3A_1672 = vector.broadcast %shift_left3A_1671 : i32 to vector<16xi32>
        %shift_left3A_1673 = arith.shli %gather3A_1670, %shift_left3A_1672 : vector<16xi32>
        %bitcast_convert_type3A_1674 = tpu.bitcast %shift_left3A_1673 : vector<16xi32> -> vector<16xf32>
        %add3A_1675 = arith.constant 11 : i32
        %add3A_1676 = vector.broadcast %add3A_1675 : i32 to vector<16xi32>
        %add3A_1677 = arith.addi %shift_left3A_119, %add3A_1676 : vector<16xi32>
        %gather3A_1678 = tpu.vector_load_idx %arg14[%add3A_96, %add3A_1677] : memref<64x128xi32, #tpu.memory_space<vmem>>[vector<16xi32>, vector<16xi32>], vector<16xi32>,
        %shift_left3A_1679 = arith.constant 16 : i32
        %shift_left3A_1680 = vector.broadcast %shift_left3A_1679 : i32 to vector<16xi32>
        %shift_left3A_1681 = arith.shli %gather3A_1678, %shift_left3A_1680 : vector<16xi32>
        %bitcast_convert_type3A_1682 = tpu.bitcast %shift_left3A_1681 : vector<16xi32> -> vector<16xf32>
        %broadcast_in_dim3A_1683 = arith.constant 27 : i32
        %broadcast_in_dim3A_1684 = vector.broadcast %broadcast_in_dim3A_1683 : i32 to vector<16xi32>
        %gather3A_1685 = tpu.vector_load_idx %arg15[%add3A_96, %broadcast_in_dim3A_1684] : memref<64x128xf32, #tpu.memory_space<vmem>>[vector<16xi32>, vector<16xi32>], vector<16xf32>,
        %broadcast_in_dim3A_1686 = arith.constant 59 : i32
        %broadcast_in_dim3A_1687 = vector.broadcast %broadcast_in_dim3A_1686 : i32 to vector<16xi32>
        %gather3A_1688 = tpu.vector_load_idx %arg15[%add3A_96, %broadcast_in_dim3A_1687] : memref<64x128xf32, #tpu.memory_space<vmem>>[vector<16xi32>, vector<16xi32>], vector<16xf32>,
        %broadcast_in_dim3A_1689 = arith.constant 91 : i32
        %broadcast_in_dim3A_1690 = vector.broadcast %broadcast_in_dim3A_1689 : i32 to vector<16xi32>
        %gather3A_1691 = tpu.vector_load_idx %arg15[%add3A_96, %broadcast_in_dim3A_1690] : memref<64x128xf32, #tpu.memory_space<vmem>>[vector<16xi32>, vector<16xi32>], vector<16xf32>,
        %broadcast_in_dim3A_1692 = arith.constant 123 : i32
        %broadcast_in_dim3A_1693 = vector.broadcast %broadcast_in_dim3A_1692 : i32 to vector<16xi32>
        %gather3A_1694 = tpu.vector_load_idx %arg15[%add3A_96, %broadcast_in_dim3A_1693] : memref<64x128xf32, #tpu.memory_space<vmem>>[vector<16xi32>, vector<16xi32>], vector<16xf32>,
        %mul3A_1695 = arith.mulf %bitcast_convert_type3A_1663, %gather3A_1688 : vector<16xf32>
        %add3A_1696 = arith.addf %mul3A_1695, %gather3A_1685 : vector<16xf32>
        %abs3A_1697 = math.absf %bitcast_convert_type3A_1674 : vector<16xf32>
        %abs3A_1698 = math.absf %gather3A_1691 : vector<16xf32>
        %mul3A_1699 = arith.mulf %abs3A_1697, %abs3A_1698 : vector<16xf32>
        %abs3A_1700 = math.absf %gather3A_1694 : vector<16xf32>
        %add3A_1701 = arith.addf %mul3A_1699, %abs3A_1700 : vector<16xf32>
        %sub3A_1702 = arith.subf %add3A_1696, %bitcast_convert_type3A_1682 : vector<16xf32>
        %abs3A_1703 = math.absf %sub3A_1702 : vector<16xf32>
        %sub3A_1704 = arith.subf %abs3A_1703, %add3A_1701 : vector<16xf32>
        %max3A_1705 = arith.constant 0.000000e+00 : f32
        %max3A_1706 = vector.broadcast %max3A_1705 : f32 to vector<16xf32>
        %max3A_1707 = arith.maximumf %sub3A_1704, %max3A_1706 : vector<16xf32>
        %min3A_1708 = arith.minimumf %abs3A_1703, %add3A_1701 : vector<16xf32>
        %mul3A_1709 = arith.mulf %max3A_1707, %max3A_1707 : vector<16xf32>
        %add3A_1710 = arith.addf %add3A_1653, %mul3A_1709 : vector<16xf32>
        %mul3A_1711 = arith.mulf %min3A_1708, %min3A_1708 : vector<16xf32>
        %add3A_1712 = arith.addf %add3A_1655, %mul3A_1711 : vector<16xf32>
        %add3A_1713 = arith.constant 12 : i32
        %add3A_1714 = vector.broadcast %add3A_1713 : i32 to vector<16xi32>
        %add3A_1715 = arith.addi %shift_left3A_110, %add3A_1714 : vector<16xi32>
        %gather3A_1716 = tpu.vector_load_idx %arg13[%add3A_96, %add3A_1715] : memref<64x128xi32, #tpu.memory_space<vmem>>[vector<16xi32>, vector<16xi32>], vector<16xi32>,
        %shift_left3A_1717 = arith.constant 16 : i32
        %shift_left3A_1718 = vector.broadcast %shift_left3A_1717 : i32 to vector<16xi32>
        %shift_left3A_1719 = arith.shli %gather3A_1716, %shift_left3A_1718 : vector<16xi32>
        %bitcast_convert_type3A_1720 = tpu.bitcast %shift_left3A_1719 : vector<16xi32> -> vector<16xf32>
        %add3A_1721 = arith.constant 16 : i32
        %add3A_1722 = vector.broadcast %add3A_1721 : i32 to vector<16xi32>
        %add3A_1723 = arith.addi %shift_left3A_110, %add3A_1722 : vector<16xi32>
        %add3A_1724 = arith.constant 12 : i32
        %add3A_1725 = vector.broadcast %add3A_1724 : i32 to vector<16xi32>
        %add3A_1726 = arith.addi %add3A_1723, %add3A_1725 : vector<16xi32>
        %gather3A_1727 = tpu.vector_load_idx %arg13[%add3A_96, %add3A_1726] : memref<64x128xi32, #tpu.memory_space<vmem>>[vector<16xi32>, vector<16xi32>], vector<16xi32>,
        %shift_left3A_1728 = arith.constant 16 : i32
        %shift_left3A_1729 = vector.broadcast %shift_left3A_1728 : i32 to vector<16xi32>
        %shift_left3A_1730 = arith.shli %gather3A_1727, %shift_left3A_1729 : vector<16xi32>
        %bitcast_convert_type3A_1731 = tpu.bitcast %shift_left3A_1730 : vector<16xi32> -> vector<16xf32>
        %add3A_1732 = arith.constant 12 : i32
        %add3A_1733 = vector.broadcast %add3A_1732 : i32 to vector<16xi32>
        %add3A_1734 = arith.addi %shift_left3A_119, %add3A_1733 : vector<16xi32>
        %gather3A_1735 = tpu.vector_load_idx %arg14[%add3A_96, %add3A_1734] : memref<64x128xi32, #tpu.memory_space<vmem>>[vector<16xi32>, vector<16xi32>], vector<16xi32>,
        %shift_left3A_1736 = arith.constant 16 : i32
        %shift_left3A_1737 = vector.broadcast %shift_left3A_1736 : i32 to vector<16xi32>
        %shift_left3A_1738 = arith.shli %gather3A_1735, %shift_left3A_1737 : vector<16xi32>
        %bitcast_convert_type3A_1739 = tpu.bitcast %shift_left3A_1738 : vector<16xi32> -> vector<16xf32>
        %broadcast_in_dim3A_1740 = arith.constant 28 : i32
        %broadcast_in_dim3A_1741 = vector.broadcast %broadcast_in_dim3A_1740 : i32 to vector<16xi32>
        %gather3A_1742 = tpu.vector_load_idx %arg15[%add3A_96, %broadcast_in_dim3A_1741] : memref<64x128xf32, #tpu.memory_space<vmem>>[vector<16xi32>, vector<16xi32>], vector<16xf32>,
        %broadcast_in_dim3A_1743 = arith.constant 60 : i32
        %broadcast_in_dim3A_1744 = vector.broadcast %broadcast_in_dim3A_1743 : i32 to vector<16xi32>
        %gather3A_1745 = tpu.vector_load_idx %arg15[%add3A_96, %broadcast_in_dim3A_1744] : memref<64x128xf32, #tpu.memory_space<vmem>>[vector<16xi32>, vector<16xi32>], vector<16xf32>,
        %broadcast_in_dim3A_1746 = arith.constant 92 : i32
        %broadcast_in_dim3A_1747 = vector.broadcast %broadcast_in_dim3A_1746 : i32 to vector<16xi32>
        %gather3A_1748 = tpu.vector_load_idx %arg15[%add3A_96, %broadcast_in_dim3A_1747] : memref<64x128xf32, #tpu.memory_space<vmem>>[vector<16xi32>, vector<16xi32>], vector<16xf32>,
        %broadcast_in_dim3A_1749 = arith.constant 124 : i32
        %broadcast_in_dim3A_1750 = vector.broadcast %broadcast_in_dim3A_1749 : i32 to vector<16xi32>
        %gather3A_1751 = tpu.vector_load_idx %arg15[%add3A_96, %broadcast_in_dim3A_1750] : memref<64x128xf32, #tpu.memory_space<vmem>>[vector<16xi32>, vector<16xi32>], vector<16xf32>,
        %mul3A_1752 = arith.mulf %bitcast_convert_type3A_1720, %gather3A_1745 : vector<16xf32>
        %add3A_1753 = arith.addf %mul3A_1752, %gather3A_1742 : vector<16xf32>
        %abs3A_1754 = math.absf %bitcast_convert_type3A_1731 : vector<16xf32>
        %abs3A_1755 = math.absf %gather3A_1748 : vector<16xf32>
        %mul3A_1756 = arith.mulf %abs3A_1754, %abs3A_1755 : vector<16xf32>
        %abs3A_1757 = math.absf %gather3A_1751 : vector<16xf32>
        %add3A_1758 = arith.addf %mul3A_1756, %abs3A_1757 : vector<16xf32>
        %sub3A_1759 = arith.subf %add3A_1753, %bitcast_convert_type3A_1739 : vector<16xf32>
        %abs3A_1760 = math.absf %sub3A_1759 : vector<16xf32>
        %sub3A_1761 = arith.subf %abs3A_1760, %add3A_1758 : vector<16xf32>
        %max3A_1762 = arith.constant 0.000000e+00 : f32
        %max3A_1763 = vector.broadcast %max3A_1762 : f32 to vector<16xf32>
        %max3A_1764 = arith.maximumf %sub3A_1761, %max3A_1763 : vector<16xf32>
        %min3A_1765 = arith.minimumf %abs3A_1760, %add3A_1758 : vector<16xf32>
        %mul3A_1766 = arith.mulf %max3A_1764, %max3A_1764 : vector<16xf32>
        %add3A_1767 = arith.addf %add3A_1710, %mul3A_1766 : vector<16xf32>
        %mul3A_1768 = arith.mulf %min3A_1765, %min3A_1765 : vector<16xf32>
        %add3A_1769 = arith.addf %add3A_1712, %mul3A_1768 : vector<16xf32>
        %add3A_1770 = arith.constant 13 : i32
        %add3A_1771 = vector.broadcast %add3A_1770 : i32 to vector<16xi32>
        %add3A_1772 = arith.addi %shift_left3A_110, %add3A_1771 : vector<16xi32>
        %gather3A_1773 = tpu.vector_load_idx %arg13[%add3A_96, %add3A_1772] : memref<64x128xi32, #tpu.memory_space<vmem>>[vector<16xi32>, vector<16xi32>], vector<16xi32>,
        %shift_left3A_1774 = arith.constant 16 : i32
        %shift_left3A_1775 = vector.broadcast %shift_left3A_1774 : i32 to vector<16xi32>
        %shift_left3A_1776 = arith.shli %gather3A_1773, %shift_left3A_1775 : vector<16xi32>
        %bitcast_convert_type3A_1777 = tpu.bitcast %shift_left3A_1776 : vector<16xi32> -> vector<16xf32>
        %add3A_1778 = arith.constant 16 : i32
        %add3A_1779 = vector.broadcast %add3A_1778 : i32 to vector<16xi32>
        %add3A_1780 = arith.addi %shift_left3A_110, %add3A_1779 : vector<16xi32>
        %add3A_1781 = arith.constant 13 : i32
        %add3A_1782 = vector.broadcast %add3A_1781 : i32 to vector<16xi32>
        %add3A_1783 = arith.addi %add3A_1780, %add3A_1782 : vector<16xi32>
        %gather3A_1784 = tpu.vector_load_idx %arg13[%add3A_96, %add3A_1783] : memref<64x128xi32, #tpu.memory_space<vmem>>[vector<16xi32>, vector<16xi32>], vector<16xi32>,
        %shift_left3A_1785 = arith.constant 16 : i32
        %shift_left3A_1786 = vector.broadcast %shift_left3A_1785 : i32 to vector<16xi32>
        %shift_left3A_1787 = arith.shli %gather3A_1784, %shift_left3A_1786 : vector<16xi32>
        %bitcast_convert_type3A_1788 = tpu.bitcast %shift_left3A_1787 : vector<16xi32> -> vector<16xf32>
        %add3A_1789 = arith.constant 13 : i32
        %add3A_1790 = vector.broadcast %add3A_1789 : i32 to vector<16xi32>
        %add3A_1791 = arith.addi %shift_left3A_119, %add3A_1790 : vector<16xi32>
        %gather3A_1792 = tpu.vector_load_idx %arg14[%add3A_96, %add3A_1791] : memref<64x128xi32, #tpu.memory_space<vmem>>[vector<16xi32>, vector<16xi32>], vector<16xi32>,
        %shift_left3A_1793 = arith.constant 16 : i32
        %shift_left3A_1794 = vector.broadcast %shift_left3A_1793 : i32 to vector<16xi32>
        %shift_left3A_1795 = arith.shli %gather3A_1792, %shift_left3A_1794 : vector<16xi32>
        %bitcast_convert_type3A_1796 = tpu.bitcast %shift_left3A_1795 : vector<16xi32> -> vector<16xf32>
        %broadcast_in_dim3A_1797 = arith.constant 29 : i32
        %broadcast_in_dim3A_1798 = vector.broadcast %broadcast_in_dim3A_1797 : i32 to vector<16xi32>
        %gather3A_1799 = tpu.vector_load_idx %arg15[%add3A_96, %broadcast_in_dim3A_1798] : memref<64x128xf32, #tpu.memory_space<vmem>>[vector<16xi32>, vector<16xi32>], vector<16xf32>,
        %broadcast_in_dim3A_1800 = arith.constant 61 : i32
        %broadcast_in_dim3A_1801 = vector.broadcast %broadcast_in_dim3A_1800 : i32 to vector<16xi32>
        %gather3A_1802 = tpu.vector_load_idx %arg15[%add3A_96, %broadcast_in_dim3A_1801] : memref<64x128xf32, #tpu.memory_space<vmem>>[vector<16xi32>, vector<16xi32>], vector<16xf32>,
        %broadcast_in_dim3A_1803 = arith.constant 93 : i32
        %broadcast_in_dim3A_1804 = vector.broadcast %broadcast_in_dim3A_1803 : i32 to vector<16xi32>
        %gather3A_1805 = tpu.vector_load_idx %arg15[%add3A_96, %broadcast_in_dim3A_1804] : memref<64x128xf32, #tpu.memory_space<vmem>>[vector<16xi32>, vector<16xi32>], vector<16xf32>,
        %broadcast_in_dim3A_1806 = arith.constant 125 : i32
        %broadcast_in_dim3A_1807 = vector.broadcast %broadcast_in_dim3A_1806 : i32 to vector<16xi32>
        %gather3A_1808 = tpu.vector_load_idx %arg15[%add3A_96, %broadcast_in_dim3A_1807] : memref<64x128xf32, #tpu.memory_space<vmem>>[vector<16xi32>, vector<16xi32>], vector<16xf32>,
        %mul3A_1809 = arith.mulf %bitcast_convert_type3A_1777, %gather3A_1802 : vector<16xf32>
        %add3A_1810 = arith.addf %mul3A_1809, %gather3A_1799 : vector<16xf32>
        %abs3A_1811 = math.absf %bitcast_convert_type3A_1788 : vector<16xf32>
        %abs3A_1812 = math.absf %gather3A_1805 : vector<16xf32>
        %mul3A_1813 = arith.mulf %abs3A_1811, %abs3A_1812 : vector<16xf32>
        %abs3A_1814 = math.absf %gather3A_1808 : vector<16xf32>
        %add3A_1815 = arith.addf %mul3A_1813, %abs3A_1814 : vector<16xf32>
        %sub3A_1816 = arith.subf %add3A_1810, %bitcast_convert_type3A_1796 : vector<16xf32>
        %abs3A_1817 = math.absf %sub3A_1816 : vector<16xf32>
        %sub3A_1818 = arith.subf %abs3A_1817, %add3A_1815 : vector<16xf32>
        %max3A_1819 = arith.constant 0.000000e+00 : f32
        %max3A_1820 = vector.broadcast %max3A_1819 : f32 to vector<16xf32>
        %max3A_1821 = arith.maximumf %sub3A_1818, %max3A_1820 : vector<16xf32>
        %min3A_1822 = arith.minimumf %abs3A_1817, %add3A_1815 : vector<16xf32>
        %mul3A_1823 = arith.mulf %max3A_1821, %max3A_1821 : vector<16xf32>
        %add3A_1824 = arith.addf %add3A_1767, %mul3A_1823 : vector<16xf32>
        %mul3A_1825 = arith.mulf %min3A_1822, %min3A_1822 : vector<16xf32>
        %add3A_1826 = arith.addf %add3A_1769, %mul3A_1825 : vector<16xf32>
        %add3A_1827 = arith.constant 14 : i32
        %add3A_1828 = vector.broadcast %add3A_1827 : i32 to vector<16xi32>
        %add3A_1829 = arith.addi %shift_left3A_110, %add3A_1828 : vector<16xi32>
        %gather3A_1830 = tpu.vector_load_idx %arg13[%add3A_96, %add3A_1829] : memref<64x128xi32, #tpu.memory_space<vmem>>[vector<16xi32>, vector<16xi32>], vector<16xi32>,
        %shift_left3A_1831 = arith.constant 16 : i32
        %shift_left3A_1832 = vector.broadcast %shift_left3A_1831 : i32 to vector<16xi32>
        %shift_left3A_1833 = arith.shli %gather3A_1830, %shift_left3A_1832 : vector<16xi32>
        %bitcast_convert_type3A_1834 = tpu.bitcast %shift_left3A_1833 : vector<16xi32> -> vector<16xf32>
        %add3A_1835 = arith.constant 16 : i32
        %add3A_1836 = vector.broadcast %add3A_1835 : i32 to vector<16xi32>
        %add3A_1837 = arith.addi %shift_left3A_110, %add3A_1836 : vector<16xi32>
        %add3A_1838 = arith.constant 14 : i32
        %add3A_1839 = vector.broadcast %add3A_1838 : i32 to vector<16xi32>
        %add3A_1840 = arith.addi %add3A_1837, %add3A_1839 : vector<16xi32>
        %gather3A_1841 = tpu.vector_load_idx %arg13[%add3A_96, %add3A_1840] : memref<64x128xi32, #tpu.memory_space<vmem>>[vector<16xi32>, vector<16xi32>], vector<16xi32>,
        %shift_left3A_1842 = arith.constant 16 : i32
        %shift_left3A_1843 = vector.broadcast %shift_left3A_1842 : i32 to vector<16xi32>
        %shift_left3A_1844 = arith.shli %gather3A_1841, %shift_left3A_1843 : vector<16xi32>
        %bitcast_convert_type3A_1845 = tpu.bitcast %shift_left3A_1844 : vector<16xi32> -> vector<16xf32>
        %add3A_1846 = arith.constant 14 : i32
        %add3A_1847 = vector.broadcast %add3A_1846 : i32 to vector<16xi32>
        %add3A_1848 = arith.addi %shift_left3A_119, %add3A_1847 : vector<16xi32>
        %gather3A_1849 = tpu.vector_load_idx %arg14[%add3A_96, %add3A_1848] : memref<64x128xi32, #tpu.memory_space<vmem>>[vector<16xi32>, vector<16xi32>], vector<16xi32>,
        %shift_left3A_1850 = arith.constant 16 : i32
        %shift_left3A_1851 = vector.broadcast %shift_left3A_1850 : i32 to vector<16xi32>
        %shift_left3A_1852 = arith.shli %gather3A_1849, %shift_left3A_1851 : vector<16xi32>
        %bitcast_convert_type3A_1853 = tpu.bitcast %shift_left3A_1852 : vector<16xi32> -> vector<16xf32>
        %broadcast_in_dim3A_1854 = arith.constant 30 : i32
        %broadcast_in_dim3A_1855 = vector.broadcast %broadcast_in_dim3A_1854 : i32 to vector<16xi32>
        %gather3A_1856 = tpu.vector_load_idx %arg15[%add3A_96, %broadcast_in_dim3A_1855] : memref<64x128xf32, #tpu.memory_space<vmem>>[vector<16xi32>, vector<16xi32>], vector<16xf32>,
        %broadcast_in_dim3A_1857 = arith.constant 62 : i32
        %broadcast_in_dim3A_1858 = vector.broadcast %broadcast_in_dim3A_1857 : i32 to vector<16xi32>
        %gather3A_1859 = tpu.vector_load_idx %arg15[%add3A_96, %broadcast_in_dim3A_1858] : memref<64x128xf32, #tpu.memory_space<vmem>>[vector<16xi32>, vector<16xi32>], vector<16xf32>,
        %broadcast_in_dim3A_1860 = arith.constant 94 : i32
        %broadcast_in_dim3A_1861 = vector.broadcast %broadcast_in_dim3A_1860 : i32 to vector<16xi32>
        %gather3A_1862 = tpu.vector_load_idx %arg15[%add3A_96, %broadcast_in_dim3A_1861] : memref<64x128xf32, #tpu.memory_space<vmem>>[vector<16xi32>, vector<16xi32>], vector<16xf32>,
        %broadcast_in_dim3A_1863 = arith.constant 126 : i32
        %broadcast_in_dim3A_1864 = vector.broadcast %broadcast_in_dim3A_1863 : i32 to vector<16xi32>
        %gather3A_1865 = tpu.vector_load_idx %arg15[%add3A_96, %broadcast_in_dim3A_1864] : memref<64x128xf32, #tpu.memory_space<vmem>>[vector<16xi32>, vector<16xi32>], vector<16xf32>,
        %mul3A_1866 = arith.mulf %bitcast_convert_type3A_1834, %gather3A_1859 : vector<16xf32>
        %add3A_1867 = arith.addf %mul3A_1866, %gather3A_1856 : vector<16xf32>
        %abs3A_1868 = math.absf %bitcast_convert_type3A_1845 : vector<16xf32>
        %abs3A_1869 = math.absf %gather3A_1862 : vector<16xf32>
        %mul3A_1870 = arith.mulf %abs3A_1868, %abs3A_1869 : vector<16xf32>
        %abs3A_1871 = math.absf %gather3A_1865 : vector<16xf32>
        %add3A_1872 = arith.addf %mul3A_1870, %abs3A_1871 : vector<16xf32>
        %sub3A_1873 = arith.subf %add3A_1867, %bitcast_convert_type3A_1853 : vector<16xf32>
        %abs3A_1874 = math.absf %sub3A_1873 : vector<16xf32>
        %sub3A_1875 = arith.subf %abs3A_1874, %add3A_1872 : vector<16xf32>
        %max3A_1876 = arith.constant 0.000000e+00 : f32
        %max3A_1877 = vector.broadcast %max3A_1876 : f32 to vector<16xf32>
        %max3A_1878 = arith.maximumf %sub3A_1875, %max3A_1877 : vector<16xf32>
        %min3A_1879 = arith.minimumf %abs3A_1874, %add3A_1872 : vector<16xf32>
        %mul3A_1880 = arith.mulf %max3A_1878, %max3A_1878 : vector<16xf32>
        %add3A_1881 = arith.addf %add3A_1824, %mul3A_1880 : vector<16xf32>
        %mul3A_1882 = arith.mulf %min3A_1879, %min3A_1879 : vector<16xf32>
        %add3A_1883 = arith.addf %add3A_1826, %mul3A_1882 : vector<16xf32>
        %add3A_1884 = arith.constant 15 : i32
        %add3A_1885 = vector.broadcast %add3A_1884 : i32 to vector<16xi32>
        %add3A_1886 = arith.addi %shift_left3A_110, %add3A_1885 : vector<16xi32>
        %gather3A_1887 = tpu.vector_load_idx %arg13[%add3A_96, %add3A_1886] : memref<64x128xi32, #tpu.memory_space<vmem>>[vector<16xi32>, vector<16xi32>], vector<16xi32>,
        %shift_left3A_1888 = arith.constant 16 : i32
        %shift_left3A_1889 = vector.broadcast %shift_left3A_1888 : i32 to vector<16xi32>
        %shift_left3A_1890 = arith.shli %gather3A_1887, %shift_left3A_1889 : vector<16xi32>
        %bitcast_convert_type3A_1891 = tpu.bitcast %shift_left3A_1890 : vector<16xi32> -> vector<16xf32>
        %add3A_1892 = arith.constant 16 : i32
        %add3A_1893 = vector.broadcast %add3A_1892 : i32 to vector<16xi32>
        %add3A_1894 = arith.addi %shift_left3A_110, %add3A_1893 : vector<16xi32>
        %add3A_1895 = arith.constant 15 : i32
        %add3A_1896 = vector.broadcast %add3A_1895 : i32 to vector<16xi32>
        %add3A_1897 = arith.addi %add3A_1894, %add3A_1896 : vector<16xi32>
        %gather3A_1898 = tpu.vector_load_idx %arg13[%add3A_96, %add3A_1897] : memref<64x128xi32, #tpu.memory_space<vmem>>[vector<16xi32>, vector<16xi32>], vector<16xi32>,
        %shift_left3A_1899 = arith.constant 16 : i32
        %shift_left3A_1900 = vector.broadcast %shift_left3A_1899 : i32 to vector<16xi32>
        %shift_left3A_1901 = arith.shli %gather3A_1898, %shift_left3A_1900 : vector<16xi32>
        %bitcast_convert_type3A_1902 = tpu.bitcast %shift_left3A_1901 : vector<16xi32> -> vector<16xf32>
        %add3A_1903 = arith.constant 15 : i32
        %add3A_1904 = vector.broadcast %add3A_1903 : i32 to vector<16xi32>
        %add3A_1905 = arith.addi %shift_left3A_119, %add3A_1904 : vector<16xi32>
        %gather3A_1906 = tpu.vector_load_idx %arg14[%add3A_96, %add3A_1905] : memref<64x128xi32, #tpu.memory_space<vmem>>[vector<16xi32>, vector<16xi32>], vector<16xi32>,
        %shift_left3A_1907 = arith.constant 16 : i32
        %shift_left3A_1908 = vector.broadcast %shift_left3A_1907 : i32 to vector<16xi32>
        %shift_left3A_1909 = arith.shli %gather3A_1906, %shift_left3A_1908 : vector<16xi32>
        %bitcast_convert_type3A_1910 = tpu.bitcast %shift_left3A_1909 : vector<16xi32> -> vector<16xf32>
        %broadcast_in_dim3A_1911 = arith.constant 31 : i32
        %broadcast_in_dim3A_1912 = vector.broadcast %broadcast_in_dim3A_1911 : i32 to vector<16xi32>
        %gather3A_1913 = tpu.vector_load_idx %arg15[%add3A_96, %broadcast_in_dim3A_1912] : memref<64x128xf32, #tpu.memory_space<vmem>>[vector<16xi32>, vector<16xi32>], vector<16xf32>,
        %broadcast_in_dim3A_1914 = arith.constant 63 : i32
        %broadcast_in_dim3A_1915 = vector.broadcast %broadcast_in_dim3A_1914 : i32 to vector<16xi32>
        %gather3A_1916 = tpu.vector_load_idx %arg15[%add3A_96, %broadcast_in_dim3A_1915] : memref<64x128xf32, #tpu.memory_space<vmem>>[vector<16xi32>, vector<16xi32>], vector<16xf32>,
        %broadcast_in_dim3A_1917 = arith.constant 95 : i32
        %broadcast_in_dim3A_1918 = vector.broadcast %broadcast_in_dim3A_1917 : i32 to vector<16xi32>
        %gather3A_1919 = tpu.vector_load_idx %arg15[%add3A_96, %broadcast_in_dim3A_1918] : memref<64x128xf32, #tpu.memory_space<vmem>>[vector<16xi32>, vector<16xi32>], vector<16xf32>,
        %broadcast_in_dim3A_1920 = arith.constant 127 : i32
        %broadcast_in_dim3A_1921 = vector.broadcast %broadcast_in_dim3A_1920 : i32 to vector<16xi32>
        %gather3A_1922 = tpu.vector_load_idx %arg15[%add3A_96, %broadcast_in_dim3A_1921] : memref<64x128xf32, #tpu.memory_space<vmem>>[vector<16xi32>, vector<16xi32>], vector<16xf32>,
        %mul3A_1923 = arith.mulf %bitcast_convert_type3A_1891, %gather3A_1916 : vector<16xf32>
        %add3A_1924 = arith.addf %mul3A_1923, %gather3A_1913 : vector<16xf32>
        %abs3A_1925 = math.absf %bitcast_convert_type3A_1902 : vector<16xf32>
        %abs3A_1926 = math.absf %gather3A_1919 : vector<16xf32>
        %mul3A_1927 = arith.mulf %abs3A_1925, %abs3A_1926 : vector<16xf32>
        %abs3A_1928 = math.absf %gather3A_1922 : vector<16xf32>
        %add3A_1929 = arith.addf %mul3A_1927, %abs3A_1928 : vector<16xf32>
        %sub3A_1930 = arith.subf %add3A_1924, %bitcast_convert_type3A_1910 : vector<16xf32>
        %abs3A_1931 = math.absf %sub3A_1930 : vector<16xf32>
        %sub3A_1932 = arith.subf %abs3A_1931, %add3A_1929 : vector<16xf32>
        %max3A_1933 = arith.constant 0.000000e+00 : f32
        %max3A_1934 = vector.broadcast %max3A_1933 : f32 to vector<16xf32>
        %max3A_1935 = arith.maximumf %sub3A_1932, %max3A_1934 : vector<16xf32>
        %min3A_1936 = arith.minimumf %abs3A_1931, %add3A_1929 : vector<16xf32>
        %mul3A_1937 = arith.mulf %max3A_1935, %max3A_1935 : vector<16xf32>
        %add3A_1938 = arith.addf %add3A_1881, %mul3A_1937 : vector<16xf32>
        %mul3A_1939 = arith.mulf %min3A_1936, %min3A_1936 : vector<16xf32>
        %add3A_1940 = arith.addf %add3A_1883, %mul3A_1939 : vector<16xf32>
        %max3A_1941 = arith.constant 1.000000e-30 : f32
        %max3A_1942 = vector.broadcast %max3A_1941 : f32 to vector<16xf32>
        %max3A_1943 = arith.maximumf %add3A_1938, %max3A_1942 : vector<16xf32>
        %bitcast_convert_type3A_1944 = tpu.bitcast %max3A_1943 : vector<16xf32> -> vector<16xi32>
        %shift_right_logical3A_1945 = arith.constant 1 : i32
        %shift_right_logical3A_1946 = vector.broadcast %shift_right_logical3A_1945 : i32 to vector<16xi32>
        %shift_right_logical3A_1947 = arith.shrui %bitcast_convert_type3A_1944, %shift_right_logical3A_1946 : vector<16xi32>
        %sub3A_1948 = arith.constant 1597463007 : i32
        %sub3A_1949 = vector.broadcast %sub3A_1948 : i32 to vector<16xi32>
        %sub3A_1950 = arith.subi %sub3A_1949, %shift_right_logical3A_1947 : vector<16xi32>
        %bitcast_convert_type3A_1951 = tpu.bitcast %sub3A_1950 : vector<16xi32> -> vector<16xf32>
        %mul3A_1952 = arith.constant 5.000000e-01 : f32
        %mul3A_1953 = vector.broadcast %mul3A_1952 : f32 to vector<16xf32>
        %mul3A_1954 = arith.mulf %mul3A_1953, %max3A_1943 : vector<16xf32>
        %mul3A_1955 = arith.mulf %mul3A_1954, %bitcast_convert_type3A_1951 : vector<16xf32>
        %mul3A_1956 = arith.mulf %mul3A_1955, %bitcast_convert_type3A_1951 : vector<16xf32>
        %sub3A_1957 = arith.constant 1.500000e+00 : f32
        %sub3A_1958 = vector.broadcast %sub3A_1957 : f32 to vector<16xf32>
        %sub3A_1959 = arith.subf %sub3A_1958, %mul3A_1956 : vector<16xf32>
        %mul3A_1960 = arith.mulf %bitcast_convert_type3A_1951, %sub3A_1959 : vector<16xf32>
        %mul3A_1961 = arith.mulf %mul3A_1954, %mul3A_1960 : vector<16xf32>
        %mul3A_1962 = arith.mulf %mul3A_1961, %mul3A_1960 : vector<16xf32>
        %sub3A_1963 = arith.constant 1.500000e+00 : f32
        %sub3A_1964 = vector.broadcast %sub3A_1963 : f32 to vector<16xf32>
        %sub3A_1965 = arith.subf %sub3A_1964, %mul3A_1962 : vector<16xf32>
        %mul3A_1966 = arith.mulf %mul3A_1960, %sub3A_1965 : vector<16xf32>
        %mul3A_1967 = arith.mulf %mul3A_1954, %mul3A_1966 : vector<16xf32>
        %mul3A_1968 = arith.mulf %mul3A_1967, %mul3A_1966 : vector<16xf32>
        %sub3A_1969 = arith.constant 1.500000e+00 : f32
        %sub3A_1970 = vector.broadcast %sub3A_1969 : f32 to vector<16xf32>
        %sub3A_1971 = arith.subf %sub3A_1970, %mul3A_1968 : vector<16xf32>
        %mul3A_1972 = arith.mulf %mul3A_1966, %sub3A_1971 : vector<16xf32>
        %mul3A_1973 = arith.mulf %add3A_1938, %mul3A_1972 : vector<16xf32>
        %max3A_1974 = arith.constant 1.000000e-30 : f32
        %max3A_1975 = vector.broadcast %max3A_1974 : f32 to vector<16xf32>
        %max3A_1976 = arith.maximumf %add3A_1940, %max3A_1975 : vector<16xf32>
        %bitcast_convert_type3A_1977 = tpu.bitcast %max3A_1976 : vector<16xf32> -> vector<16xi32>
        %shift_right_logical3A_1978 = arith.constant 1 : i32
        %shift_right_logical3A_1979 = vector.broadcast %shift_right_logical3A_1978 : i32 to vector<16xi32>
        %shift_right_logical3A_1980 = arith.shrui %bitcast_convert_type3A_1977, %shift_right_logical3A_1979 : vector<16xi32>
        %sub3A_1981 = arith.constant 1597463007 : i32
        %sub3A_1982 = vector.broadcast %sub3A_1981 : i32 to vector<16xi32>
        %sub3A_1983 = arith.subi %sub3A_1982, %shift_right_logical3A_1980 : vector<16xi32>
        %bitcast_convert_type3A_1984 = tpu.bitcast %sub3A_1983 : vector<16xi32> -> vector<16xf32>
        %mul3A_1985 = arith.constant 5.000000e-01 : f32
        %mul3A_1986 = vector.broadcast %mul3A_1985 : f32 to vector<16xf32>
        %mul3A_1987 = arith.mulf %mul3A_1986, %max3A_1976 : vector<16xf32>
        %mul3A_1988 = arith.mulf %mul3A_1987, %bitcast_convert_type3A_1984 : vector<16xf32>
        %mul3A_1989 = arith.mulf %mul3A_1988, %bitcast_convert_type3A_1984 : vector<16xf32>
        %sub3A_1990 = arith.constant 1.500000e+00 : f32
        %sub3A_1991 = vector.broadcast %sub3A_1990 : f32 to vector<16xf32>
        %sub3A_1992 = arith.subf %sub3A_1991, %mul3A_1989 : vector<16xf32>
        %mul3A_1993 = arith.mulf %bitcast_convert_type3A_1984, %sub3A_1992 : vector<16xf32>
        %mul3A_1994 = arith.mulf %mul3A_1987, %mul3A_1993 : vector<16xf32>
        %mul3A_1995 = arith.mulf %mul3A_1994, %mul3A_1993 : vector<16xf32>
        %sub3A_1996 = arith.constant 1.500000e+00 : f32
        %sub3A_1997 = vector.broadcast %sub3A_1996 : f32 to vector<16xf32>
        %sub3A_1998 = arith.subf %sub3A_1997, %mul3A_1995 : vector<16xf32>
        %mul3A_1999 = arith.mulf %mul3A_1993, %sub3A_1998 : vector<16xf32>
        %mul3A_2000 = arith.mulf %mul3A_1987, %mul3A_1999 : vector<16xf32>
        %mul3A_2001 = arith.mulf %mul3A_2000, %mul3A_1999 : vector<16xf32>
        %sub3A_2002 = arith.constant 1.500000e+00 : f32
        %sub3A_2003 = vector.broadcast %sub3A_2002 : f32 to vector<16xf32>
        %sub3A_2004 = arith.subf %sub3A_2003, %mul3A_2001 : vector<16xf32>
        %mul3A_2005 = arith.mulf %mul3A_1999, %sub3A_2004 : vector<16xf32>
        %mul3A_2006 = arith.mulf %add3A_1940, %mul3A_2005 : vector<16xf32>
        %mul3A_2007 = arith.constant 5.000000e-01 : f32
        %mul3A_2008 = vector.broadcast %mul3A_2007 : f32 to vector<16xf32>
        %mul3A_2009 = arith.mulf %mul3A_2008, %mul3A_2006 : vector<16xf32>
        %add3A_2010 = arith.addf %mul3A_1973, %mul3A_2009 : vector<16xf32>
        %sub3A_2011 = arith.constant 1.000000e+01 : f32
        %sub3A_2012 = vector.broadcast %sub3A_2011 : f32 to vector<16xf32>
        %sub3A_2013 = arith.subf %sub3A_2012, %add3A_2010 : vector<16xf32>
        %mul3A_2014 = arith.constant 64 : i32
        %mul3A_2015 = arith.muli %mul3A_30, %mul3A_2014 : i32
        %mul3A_2016 = arith.constant 16 : i32
        %mul3A_2017 = arith.muli %scan3A_92, %mul3A_2016 : i32
        %add3A_2018 = arith.addi %mul3A_2015, %mul3A_2017 : i32
        %swap3A = arith.index_cast %add3A_2018 : i32 to index
        %swap3A_2019 = tpu.vector_load %arg19[%swap3A] {strides = array<i32>} : memref<512xf32, #tpu.memory_space<vmem>>, vector<16xf32>,
        tpu.vector_store %arg19[%swap3A], %sub3A_2013 {strides = array<i32>} : memref<512xf32, #tpu.memory_space<vmem>>, vector<16xf32>,
      }
      %scan3A_65 = arith.constant 4 : i32
      %lt3A = arith.constant 3 : i32
      %lt3A_66 = arith.cmpi slt, %scan3A_28, %lt3A : i32
      %convert_element_type3A = arith.extui %lt3A_66 : i1 to i32
      %cond3A = arith.constant 0 : i32
      %cond3A_67 = arith.cmpi ne, %convert_element_type3A, %cond3A : i32
      scf.if %cond3A_67 {
        %add3A_92 = arith.constant 2 : i32
        %add3A_93 = arith.addi %mul3A_30, %add3A_92 : i32
        %mul3A_94 = arith.constant 64 : i32
        %mul3A_95 = arith.muli %add3A_93, %mul3A_94 : i32
        %dma_start3A_96 = tpu.memref_slice %arg11[%mul3A_95] : memref<512xi32, #tpu.memory_space<vmem>> -> memref<64xi32, #tpu.memory_space<vmem>>
        %dma_start3A_97 = arith.constant 0 : i32
        %dma_start3A_98 = arith.constant 0 : i32
        %dma_start3A_99 = tpu.memref_slice %arg5[%dma_start3A_97, %dma_start3A_98] : memref<253952x128xi32, #tpu.memory_space<hbm>> -> memref<253952x128xi32, #tpu.memory_space<hbm>>
        tpu.enqueue_indirect_dma source(%dma_start3A_99 : memref<253952x128xi32, #tpu.memory_space<hbm>>) target(%arg13 : memref<64x128xi32, #tpu.memory_space<vmem>>) offsets(%dma_start3A_96 : memref<64xi32, #tpu.memory_space<vmem>>) semaphore(%arg20 : memref<!tpu.dma_semaphore, #tpu.memory_space<semaphore_mem>>)
        %dma_start3A_100 = tpu.memref_slice %arg12[%mul3A_95] : memref<512xi32, #tpu.memory_space<vmem>> -> memref<64xi32, #tpu.memory_space<vmem>>
        %dma_start3A_101 = arith.constant 0 : i32
        %dma_start3A_102 = arith.constant 0 : i32
        %dma_start3A_103 = tpu.memref_slice %arg5[%dma_start3A_101, %dma_start3A_102] : memref<253952x128xi32, #tpu.memory_space<hbm>> -> memref<253952x128xi32, #tpu.memory_space<hbm>>
        tpu.enqueue_indirect_dma source(%dma_start3A_103 : memref<253952x128xi32, #tpu.memory_space<hbm>>) target(%arg14 : memref<64x128xi32, #tpu.memory_space<vmem>>) offsets(%dma_start3A_100 : memref<64xi32, #tpu.memory_space<vmem>>) semaphore(%arg20 : memref<!tpu.dma_semaphore, #tpu.memory_space<semaphore_mem>>)
        %dma_start3A_104 = tpu.memref_slice %arg9[%mul3A_95] : memref<512xi32, #tpu.memory_space<vmem>> -> memref<64xi32, #tpu.memory_space<vmem>>
        %dma_start3A_105 = arith.constant 0 : i32
        %dma_start3A_106 = arith.constant 0 : i32
        %dma_start3A_107 = tpu.memref_slice %arg6[%dma_start3A_105, %dma_start3A_106] : memref<1000x128xf32, #tpu.memory_space<hbm>> -> memref<1000x128xf32, #tpu.memory_space<hbm>>
        tpu.enqueue_indirect_dma source(%dma_start3A_107 : memref<1000x128xf32, #tpu.memory_space<hbm>>) target(%arg15 : memref<64x128xf32, #tpu.memory_space<vmem>>) offsets(%dma_start3A_104 : memref<64xi32, #tpu.memory_space<vmem>>) semaphore(%arg20 : memref<!tpu.dma_semaphore, #tpu.memory_space<semaphore_mem>>)
      } else {
      }
      %add3A_68 = arith.constant 1 : i32
      %add3A_69 = arith.addi %mul3A_30, %add3A_68 : i32
      %mul3A_70 = arith.constant 64 : i32
      %mul3A_71 = arith.muli %add3A_69, %mul3A_70 : i32
      %dma_wait3A_72 = tpu.memref_slice %arg11[%mul3A_71] : memref<512xi32, #tpu.memory_space<vmem>> -> memref<64xi32, #tpu.memory_space<vmem>>
      %dma_wait3A_73 = arith.constant 0 : i32
      %dma_wait3A_74 = arith.constant 0 : i32
      %dma_wait3A_75 = tpu.memref_slice %arg5[%dma_wait3A_73, %dma_wait3A_74] : memref<253952x128xi32, #tpu.memory_space<hbm>> -> memref<253952x128xi32, #tpu.memory_space<hbm>>
      tpu.wait_indirect_dma semaphore(%arg21 : memref<!tpu.dma_semaphore, #tpu.memory_space<semaphore_mem>>) src(%dma_wait3A_75 : memref<253952x128xi32, #tpu.memory_space<hbm>>) dst(%arg16 : memref<64x128xi32, #tpu.memory_space<vmem>>)
      %dma_wait3A_76 = tpu.memref_slice %arg12[%mul3A_71] : memref<512xi32, #tpu.memory_space<vmem>> -> memref<64xi32, #tpu.memory_space<vmem>>
      %dma_wait3A_77 = arith.constant 0 : i32
      %dma_wait3A_78 = arith.constant 0 : i32
      %dma_wait3A_79 = tpu.memref_slice %arg5[%dma_wait3A_77, %dma_wait3A_78] : memref<253952x128xi32, #tpu.memory_space<hbm>> -> memref<253952x128xi32, #tpu.memory_space<hbm>>
      tpu.wait_indirect_dma semaphore(%arg21 : memref<!tpu.dma_semaphore, #tpu.memory_space<semaphore_mem>>) src(%dma_wait3A_79 : memref<253952x128xi32, #tpu.memory_space<hbm>>) dst(%arg17 : memref<64x128xi32, #tpu.memory_space<vmem>>)
      %dma_wait3A_80 = tpu.memref_slice %arg9[%mul3A_71] : memref<512xi32, #tpu.memory_space<vmem>> -> memref<64xi32, #tpu.memory_space<vmem>>
      %dma_wait3A_81 = arith.constant 0 : i32
      %dma_wait3A_82 = arith.constant 0 : i32
      %dma_wait3A_83 = tpu.memref_slice %arg6[%dma_wait3A_81, %dma_wait3A_82] : memref<1000x128xf32, #tpu.memory_space<hbm>> -> memref<1000x128xf32, #tpu.memory_space<hbm>>
      tpu.wait_indirect_dma semaphore(%arg21 : memref<!tpu.dma_semaphore, #tpu.memory_space<semaphore_mem>>) src(%dma_wait3A_83 : memref<1000x128xf32, #tpu.memory_space<hbm>>) dst(%arg18 : memref<64x128xf32, #tpu.memory_space<vmem>>)
      %add3A_84 = arith.constant 1 : i32
      %add3A_85 = arith.addi %mul3A_30, %add3A_84 : i32
      %scan3A_86 = arith.constant 0 : i32
      %scan3A_87 = arith.constant 0 : i32
      %scan3A_88 = arith.constant 4 : i32
      %scan3A_89 = arith.addi %scan3A_87, %scan3A_88 : i32
      %scan3A_90 = arith.constant 1 : i32
      scf.for %scan3A_92 = %scan3A_87 to %scan3A_89 step %scan3A_90  : i32 {
        %mul3A_93 = arith.constant 16 : i32
        %mul3A_94 = arith.muli %scan3A_92, %mul3A_93 : i32
        %add3A_95 = vector.broadcast %mul3A_94 : i32 to vector<16xi32>
        %add3A_96 = arith.addi %add3A_95, %iota3A : vector<16xi32>
        %mul3A_97 = arith.constant 64 : i32
        %mul3A_98 = arith.muli %add3A_85, %mul3A_97 : i32
        %mul3A_99 = arith.constant 16 : i32
        %mul3A_100 = arith.muli %scan3A_92, %mul3A_99 : i32
        %add3A_101 = arith.addi %mul3A_98, %mul3A_100 : i32
        %get3A = arith.index_cast %add3A_101 : i32 to index
        %get3A_102 = tpu.vector_load %arg8[%get3A] {strides = array<i32>} : memref<512xi32, #tpu.memory_space<vmem>>, vector<16xi32>,
        %get3A_103 = arith.index_cast %add3A_101 : i32 to index
        %get3A_104 = tpu.vector_load %arg10[%get3A_103] {strides = array<i32>} : memref<512xi32, #tpu.memory_space<vmem>>, vector<16xi32>,
        %shift_right_logical3A = arith.constant 13 : i32
        %shift_right_logical3A_105 = vector.broadcast %shift_right_logical3A : i32 to vector<16xi32>
        %shift_right_logical3A_106 = arith.shrui %get3A_102, %shift_right_logical3A_105 : vector<16xi32>
        %and3A = arith.constant 3 : i32
        %and3A_107 = vector.broadcast %and3A : i32 to vector<16xi32>
        %and3A_108 = arith.andi %shift_right_logical3A_106, %and3A_107 : vector<16xi32>
        %shift_left3A = arith.constant 5 : i32
        %shift_left3A_109 = vector.broadcast %shift_left3A : i32 to vector<16xi32>
        %shift_left3A_110 = arith.shli %and3A_108, %shift_left3A_109 : vector<16xi32>
        %shift_right_logical3A_111 = arith.constant 13 : i32
        %shift_right_logical3A_112 = vector.broadcast %shift_right_logical3A_111 : i32 to vector<16xi32>
        %shift_right_logical3A_113 = arith.shrui %get3A_104, %shift_right_logical3A_112 : vector<16xi32>
        %and3A_114 = arith.constant 3 : i32
        %and3A_115 = vector.broadcast %and3A_114 : i32 to vector<16xi32>
        %and3A_116 = arith.andi %shift_right_logical3A_113, %and3A_115 : vector<16xi32>
        %shift_left3A_117 = arith.constant 5 : i32
        %shift_left3A_118 = vector.broadcast %shift_left3A_117 : i32 to vector<16xi32>
        %shift_left3A_119 = arith.shli %and3A_116, %shift_left3A_118 : vector<16xi32>
        %broadcast_in_dim3A = arith.constant 0.000000e+00 : f32
        %broadcast_in_dim3A_120 = vector.broadcast %broadcast_in_dim3A : f32 to vector<16xf32>
        %broadcast_in_dim3A_121 = arith.constant 0.000000e+00 : f32
        %broadcast_in_dim3A_122 = vector.broadcast %broadcast_in_dim3A_121 : f32 to vector<16xf32>
        %add3A_123 = arith.constant 0 : i32
        %add3A_124 = vector.broadcast %add3A_123 : i32 to vector<16xi32>
        %add3A_125 = arith.addi %shift_left3A_110, %add3A_124 : vector<16xi32>
        %gather3A = tpu.vector_load_idx %arg16[%add3A_96, %add3A_125] : memref<64x128xi32, #tpu.memory_space<vmem>>[vector<16xi32>, vector<16xi32>], vector<16xi32>,
        %and3A_126 = arith.constant -65536 : i32
        %and3A_127 = vector.broadcast %and3A_126 : i32 to vector<16xi32>
        %and3A_128 = arith.andi %gather3A, %and3A_127 : vector<16xi32>
        %bitcast_convert_type3A = tpu.bitcast %and3A_128 : vector<16xi32> -> vector<16xf32>
        %add3A_129 = arith.constant 16 : i32
        %add3A_130 = vector.broadcast %add3A_129 : i32 to vector<16xi32>
        %add3A_131 = arith.addi %shift_left3A_110, %add3A_130 : vector<16xi32>
        %add3A_132 = arith.constant 0 : i32
        %add3A_133 = vector.broadcast %add3A_132 : i32 to vector<16xi32>
        %add3A_134 = arith.addi %add3A_131, %add3A_133 : vector<16xi32>
        %gather3A_135 = tpu.vector_load_idx %arg16[%add3A_96, %add3A_134] : memref<64x128xi32, #tpu.memory_space<vmem>>[vector<16xi32>, vector<16xi32>], vector<16xi32>,
        %and3A_136 = arith.constant -65536 : i32
        %and3A_137 = vector.broadcast %and3A_136 : i32 to vector<16xi32>
        %and3A_138 = arith.andi %gather3A_135, %and3A_137 : vector<16xi32>
        %bitcast_convert_type3A_139 = tpu.bitcast %and3A_138 : vector<16xi32> -> vector<16xf32>
        %add3A_140 = arith.constant 0 : i32
        %add3A_141 = vector.broadcast %add3A_140 : i32 to vector<16xi32>
        %add3A_142 = arith.addi %shift_left3A_119, %add3A_141 : vector<16xi32>
        %gather3A_143 = tpu.vector_load_idx %arg17[%add3A_96, %add3A_142] : memref<64x128xi32, #tpu.memory_space<vmem>>[vector<16xi32>, vector<16xi32>], vector<16xi32>,
        %and3A_144 = arith.constant -65536 : i32
        %and3A_145 = vector.broadcast %and3A_144 : i32 to vector<16xi32>
        %and3A_146 = arith.andi %gather3A_143, %and3A_145 : vector<16xi32>
        %bitcast_convert_type3A_147 = tpu.bitcast %and3A_146 : vector<16xi32> -> vector<16xf32>
        %broadcast_in_dim3A_148 = arith.constant 0 : i32
        %broadcast_in_dim3A_149 = vector.broadcast %broadcast_in_dim3A_148 : i32 to vector<16xi32>
        %gather3A_150 = tpu.vector_load_idx %arg18[%add3A_96, %broadcast_in_dim3A_149] : memref<64x128xf32, #tpu.memory_space<vmem>>[vector<16xi32>, vector<16xi32>], vector<16xf32>,
        %broadcast_in_dim3A_151 = arith.constant 32 : i32
        %broadcast_in_dim3A_152 = vector.broadcast %broadcast_in_dim3A_151 : i32 to vector<16xi32>
        %gather3A_153 = tpu.vector_load_idx %arg18[%add3A_96, %broadcast_in_dim3A_152] : memref<64x128xf32, #tpu.memory_space<vmem>>[vector<16xi32>, vector<16xi32>], vector<16xf32>,
        %broadcast_in_dim3A_154 = arith.constant 64 : i32
        %broadcast_in_dim3A_155 = vector.broadcast %broadcast_in_dim3A_154 : i32 to vector<16xi32>
        %gather3A_156 = tpu.vector_load_idx %arg18[%add3A_96, %broadcast_in_dim3A_155] : memref<64x128xf32, #tpu.memory_space<vmem>>[vector<16xi32>, vector<16xi32>], vector<16xf32>,
        %broadcast_in_dim3A_157 = arith.constant 96 : i32
        %broadcast_in_dim3A_158 = vector.broadcast %broadcast_in_dim3A_157 : i32 to vector<16xi32>
        %gather3A_159 = tpu.vector_load_idx %arg18[%add3A_96, %broadcast_in_dim3A_158] : memref<64x128xf32, #tpu.memory_space<vmem>>[vector<16xi32>, vector<16xi32>], vector<16xf32>,
        %mul3A_160 = arith.mulf %bitcast_convert_type3A, %gather3A_153 : vector<16xf32>
        %add3A_161 = arith.addf %mul3A_160, %gather3A_150 : vector<16xf32>
        %abs3A = math.absf %bitcast_convert_type3A_139 : vector<16xf32>
        %abs3A_162 = math.absf %gather3A_156 : vector<16xf32>
        %mul3A_163 = arith.mulf %abs3A, %abs3A_162 : vector<16xf32>
        %abs3A_164 = math.absf %gather3A_159 : vector<16xf32>
        %add3A_165 = arith.addf %mul3A_163, %abs3A_164 : vector<16xf32>
        %sub3A = arith.subf %add3A_161, %bitcast_convert_type3A_147 : vector<16xf32>
        %abs3A_166 = math.absf %sub3A : vector<16xf32>
        %sub3A_167 = arith.subf %abs3A_166, %add3A_165 : vector<16xf32>
        %max3A = arith.constant 0.000000e+00 : f32
        %max3A_168 = vector.broadcast %max3A : f32 to vector<16xf32>
        %max3A_169 = arith.maximumf %sub3A_167, %max3A_168 : vector<16xf32>
        %min3A = arith.minimumf %abs3A_166, %add3A_165 : vector<16xf32>
        %mul3A_170 = arith.mulf %max3A_169, %max3A_169 : vector<16xf32>
        %add3A_171 = arith.addf %broadcast_in_dim3A_120, %mul3A_170 : vector<16xf32>
        %mul3A_172 = arith.mulf %min3A, %min3A : vector<16xf32>
        %add3A_173 = arith.addf %broadcast_in_dim3A_122, %mul3A_172 : vector<16xf32>
        %add3A_174 = arith.constant 1 : i32
        %add3A_175 = vector.broadcast %add3A_174 : i32 to vector<16xi32>
        %add3A_176 = arith.addi %shift_left3A_110, %add3A_175 : vector<16xi32>
        %gather3A_177 = tpu.vector_load_idx %arg16[%add3A_96, %add3A_176] : memref<64x128xi32, #tpu.memory_space<vmem>>[vector<16xi32>, vector<16xi32>], vector<16xi32>,
        %and3A_178 = arith.constant -65536 : i32
        %and3A_179 = vector.broadcast %and3A_178 : i32 to vector<16xi32>
        %and3A_180 = arith.andi %gather3A_177, %and3A_179 : vector<16xi32>
        %bitcast_convert_type3A_181 = tpu.bitcast %and3A_180 : vector<16xi32> -> vector<16xf32>
        %add3A_182 = arith.constant 16 : i32
        %add3A_183 = vector.broadcast %add3A_182 : i32 to vector<16xi32>
        %add3A_184 = arith.addi %shift_left3A_110, %add3A_183 : vector<16xi32>
        %add3A_185 = arith.constant 1 : i32
        %add3A_186 = vector.broadcast %add3A_185 : i32 to vector<16xi32>
        %add3A_187 = arith.addi %add3A_184, %add3A_186 : vector<16xi32>
        %gather3A_188 = tpu.vector_load_idx %arg16[%add3A_96, %add3A_187] : memref<64x128xi32, #tpu.memory_space<vmem>>[vector<16xi32>, vector<16xi32>], vector<16xi32>,
        %and3A_189 = arith.constant -65536 : i32
        %and3A_190 = vector.broadcast %and3A_189 : i32 to vector<16xi32>
        %and3A_191 = arith.andi %gather3A_188, %and3A_190 : vector<16xi32>
        %bitcast_convert_type3A_192 = tpu.bitcast %and3A_191 : vector<16xi32> -> vector<16xf32>
        %add3A_193 = arith.constant 1 : i32
        %add3A_194 = vector.broadcast %add3A_193 : i32 to vector<16xi32>
        %add3A_195 = arith.addi %shift_left3A_119, %add3A_194 : vector<16xi32>
        %gather3A_196 = tpu.vector_load_idx %arg17[%add3A_96, %add3A_195] : memref<64x128xi32, #tpu.memory_space<vmem>>[vector<16xi32>, vector<16xi32>], vector<16xi32>,
        %and3A_197 = arith.constant -65536 : i32
        %and3A_198 = vector.broadcast %and3A_197 : i32 to vector<16xi32>
        %and3A_199 = arith.andi %gather3A_196, %and3A_198 : vector<16xi32>
        %bitcast_convert_type3A_200 = tpu.bitcast %and3A_199 : vector<16xi32> -> vector<16xf32>
        %broadcast_in_dim3A_201 = arith.constant 1 : i32
        %broadcast_in_dim3A_202 = vector.broadcast %broadcast_in_dim3A_201 : i32 to vector<16xi32>
        %gather3A_203 = tpu.vector_load_idx %arg18[%add3A_96, %broadcast_in_dim3A_202] : memref<64x128xf32, #tpu.memory_space<vmem>>[vector<16xi32>, vector<16xi32>], vector<16xf32>,
        %broadcast_in_dim3A_204 = arith.constant 33 : i32
        %broadcast_in_dim3A_205 = vector.broadcast %broadcast_in_dim3A_204 : i32 to vector<16xi32>
        %gather3A_206 = tpu.vector_load_idx %arg18[%add3A_96, %broadcast_in_dim3A_205] : memref<64x128xf32, #tpu.memory_space<vmem>>[vector<16xi32>, vector<16xi32>], vector<16xf32>,
        %broadcast_in_dim3A_207 = arith.constant 65 : i32
        %broadcast_in_dim3A_208 = vector.broadcast %broadcast_in_dim3A_207 : i32 to vector<16xi32>
        %gather3A_209 = tpu.vector_load_idx %arg18[%add3A_96, %broadcast_in_dim3A_208] : memref<64x128xf32, #tpu.memory_space<vmem>>[vector<16xi32>, vector<16xi32>], vector<16xf32>,
        %broadcast_in_dim3A_210 = arith.constant 97 : i32
        %broadcast_in_dim3A_211 = vector.broadcast %broadcast_in_dim3A_210 : i32 to vector<16xi32>
        %gather3A_212 = tpu.vector_load_idx %arg18[%add3A_96, %broadcast_in_dim3A_211] : memref<64x128xf32, #tpu.memory_space<vmem>>[vector<16xi32>, vector<16xi32>], vector<16xf32>,
        %mul3A_213 = arith.mulf %bitcast_convert_type3A_181, %gather3A_206 : vector<16xf32>
        %add3A_214 = arith.addf %mul3A_213, %gather3A_203 : vector<16xf32>
        %abs3A_215 = math.absf %bitcast_convert_type3A_192 : vector<16xf32>
        %abs3A_216 = math.absf %gather3A_209 : vector<16xf32>
        %mul3A_217 = arith.mulf %abs3A_215, %abs3A_216 : vector<16xf32>
        %abs3A_218 = math.absf %gather3A_212 : vector<16xf32>
        %add3A_219 = arith.addf %mul3A_217, %abs3A_218 : vector<16xf32>
        %sub3A_220 = arith.subf %add3A_214, %bitcast_convert_type3A_200 : vector<16xf32>
        %abs3A_221 = math.absf %sub3A_220 : vector<16xf32>
        %sub3A_222 = arith.subf %abs3A_221, %add3A_219 : vector<16xf32>
        %max3A_223 = arith.constant 0.000000e+00 : f32
        %max3A_224 = vector.broadcast %max3A_223 : f32 to vector<16xf32>
        %max3A_225 = arith.maximumf %sub3A_222, %max3A_224 : vector<16xf32>
        %min3A_226 = arith.minimumf %abs3A_221, %add3A_219 : vector<16xf32>
        %mul3A_227 = arith.mulf %max3A_225, %max3A_225 : vector<16xf32>
        %add3A_228 = arith.addf %add3A_171, %mul3A_227 : vector<16xf32>
        %mul3A_229 = arith.mulf %min3A_226, %min3A_226 : vector<16xf32>
        %add3A_230 = arith.addf %add3A_173, %mul3A_229 : vector<16xf32>
        %add3A_231 = arith.constant 2 : i32
        %add3A_232 = vector.broadcast %add3A_231 : i32 to vector<16xi32>
        %add3A_233 = arith.addi %shift_left3A_110, %add3A_232 : vector<16xi32>
        %gather3A_234 = tpu.vector_load_idx %arg16[%add3A_96, %add3A_233] : memref<64x128xi32, #tpu.memory_space<vmem>>[vector<16xi32>, vector<16xi32>], vector<16xi32>,
        %and3A_235 = arith.constant -65536 : i32
        %and3A_236 = vector.broadcast %and3A_235 : i32 to vector<16xi32>
        %and3A_237 = arith.andi %gather3A_234, %and3A_236 : vector<16xi32>
        %bitcast_convert_type3A_238 = tpu.bitcast %and3A_237 : vector<16xi32> -> vector<16xf32>
        %add3A_239 = arith.constant 16 : i32
        %add3A_240 = vector.broadcast %add3A_239 : i32 to vector<16xi32>
        %add3A_241 = arith.addi %shift_left3A_110, %add3A_240 : vector<16xi32>
        %add3A_242 = arith.constant 2 : i32
        %add3A_243 = vector.broadcast %add3A_242 : i32 to vector<16xi32>
        %add3A_244 = arith.addi %add3A_241, %add3A_243 : vector<16xi32>
        %gather3A_245 = tpu.vector_load_idx %arg16[%add3A_96, %add3A_244] : memref<64x128xi32, #tpu.memory_space<vmem>>[vector<16xi32>, vector<16xi32>], vector<16xi32>,
        %and3A_246 = arith.constant -65536 : i32
        %and3A_247 = vector.broadcast %and3A_246 : i32 to vector<16xi32>
        %and3A_248 = arith.andi %gather3A_245, %and3A_247 : vector<16xi32>
        %bitcast_convert_type3A_249 = tpu.bitcast %and3A_248 : vector<16xi32> -> vector<16xf32>
        %add3A_250 = arith.constant 2 : i32
        %add3A_251 = vector.broadcast %add3A_250 : i32 to vector<16xi32>
        %add3A_252 = arith.addi %shift_left3A_119, %add3A_251 : vector<16xi32>
        %gather3A_253 = tpu.vector_load_idx %arg17[%add3A_96, %add3A_252] : memref<64x128xi32, #tpu.memory_space<vmem>>[vector<16xi32>, vector<16xi32>], vector<16xi32>,
        %and3A_254 = arith.constant -65536 : i32
        %and3A_255 = vector.broadcast %and3A_254 : i32 to vector<16xi32>
        %and3A_256 = arith.andi %gather3A_253, %and3A_255 : vector<16xi32>
        %bitcast_convert_type3A_257 = tpu.bitcast %and3A_256 : vector<16xi32> -> vector<16xf32>
        %broadcast_in_dim3A_258 = arith.constant 2 : i32
        %broadcast_in_dim3A_259 = vector.broadcast %broadcast_in_dim3A_258 : i32 to vector<16xi32>
        %gather3A_260 = tpu.vector_load_idx %arg18[%add3A_96, %broadcast_in_dim3A_259] : memref<64x128xf32, #tpu.memory_space<vmem>>[vector<16xi32>, vector<16xi32>], vector<16xf32>,
        %broadcast_in_dim3A_261 = arith.constant 34 : i32
        %broadcast_in_dim3A_262 = vector.broadcast %broadcast_in_dim3A_261 : i32 to vector<16xi32>
        %gather3A_263 = tpu.vector_load_idx %arg18[%add3A_96, %broadcast_in_dim3A_262] : memref<64x128xf32, #tpu.memory_space<vmem>>[vector<16xi32>, vector<16xi32>], vector<16xf32>,
        %broadcast_in_dim3A_264 = arith.constant 66 : i32
        %broadcast_in_dim3A_265 = vector.broadcast %broadcast_in_dim3A_264 : i32 to vector<16xi32>
        %gather3A_266 = tpu.vector_load_idx %arg18[%add3A_96, %broadcast_in_dim3A_265] : memref<64x128xf32, #tpu.memory_space<vmem>>[vector<16xi32>, vector<16xi32>], vector<16xf32>,
        %broadcast_in_dim3A_267 = arith.constant 98 : i32
        %broadcast_in_dim3A_268 = vector.broadcast %broadcast_in_dim3A_267 : i32 to vector<16xi32>
        %gather3A_269 = tpu.vector_load_idx %arg18[%add3A_96, %broadcast_in_dim3A_268] : memref<64x128xf32, #tpu.memory_space<vmem>>[vector<16xi32>, vector<16xi32>], vector<16xf32>,
        %mul3A_270 = arith.mulf %bitcast_convert_type3A_238, %gather3A_263 : vector<16xf32>
        %add3A_271 = arith.addf %mul3A_270, %gather3A_260 : vector<16xf32>
        %abs3A_272 = math.absf %bitcast_convert_type3A_249 : vector<16xf32>
        %abs3A_273 = math.absf %gather3A_266 : vector<16xf32>
        %mul3A_274 = arith.mulf %abs3A_272, %abs3A_273 : vector<16xf32>
        %abs3A_275 = math.absf %gather3A_269 : vector<16xf32>
        %add3A_276 = arith.addf %mul3A_274, %abs3A_275 : vector<16xf32>
        %sub3A_277 = arith.subf %add3A_271, %bitcast_convert_type3A_257 : vector<16xf32>
        %abs3A_278 = math.absf %sub3A_277 : vector<16xf32>
        %sub3A_279 = arith.subf %abs3A_278, %add3A_276 : vector<16xf32>
        %max3A_280 = arith.constant 0.000000e+00 : f32
        %max3A_281 = vector.broadcast %max3A_280 : f32 to vector<16xf32>
        %max3A_282 = arith.maximumf %sub3A_279, %max3A_281 : vector<16xf32>
        %min3A_283 = arith.minimumf %abs3A_278, %add3A_276 : vector<16xf32>
        %mul3A_284 = arith.mulf %max3A_282, %max3A_282 : vector<16xf32>
        %add3A_285 = arith.addf %add3A_228, %mul3A_284 : vector<16xf32>
        %mul3A_286 = arith.mulf %min3A_283, %min3A_283 : vector<16xf32>
        %add3A_287 = arith.addf %add3A_230, %mul3A_286 : vector<16xf32>
        %add3A_288 = arith.constant 3 : i32
        %add3A_289 = vector.broadcast %add3A_288 : i32 to vector<16xi32>
        %add3A_290 = arith.addi %shift_left3A_110, %add3A_289 : vector<16xi32>
        %gather3A_291 = tpu.vector_load_idx %arg16[%add3A_96, %add3A_290] : memref<64x128xi32, #tpu.memory_space<vmem>>[vector<16xi32>, vector<16xi32>], vector<16xi32>,
        %and3A_292 = arith.constant -65536 : i32
        %and3A_293 = vector.broadcast %and3A_292 : i32 to vector<16xi32>
        %and3A_294 = arith.andi %gather3A_291, %and3A_293 : vector<16xi32>
        %bitcast_convert_type3A_295 = tpu.bitcast %and3A_294 : vector<16xi32> -> vector<16xf32>
        %add3A_296 = arith.constant 16 : i32
        %add3A_297 = vector.broadcast %add3A_296 : i32 to vector<16xi32>
        %add3A_298 = arith.addi %shift_left3A_110, %add3A_297 : vector<16xi32>
        %add3A_299 = arith.constant 3 : i32
        %add3A_300 = vector.broadcast %add3A_299 : i32 to vector<16xi32>
        %add3A_301 = arith.addi %add3A_298, %add3A_300 : vector<16xi32>
        %gather3A_302 = tpu.vector_load_idx %arg16[%add3A_96, %add3A_301] : memref<64x128xi32, #tpu.memory_space<vmem>>[vector<16xi32>, vector<16xi32>], vector<16xi32>,
        %and3A_303 = arith.constant -65536 : i32
        %and3A_304 = vector.broadcast %and3A_303 : i32 to vector<16xi32>
        %and3A_305 = arith.andi %gather3A_302, %and3A_304 : vector<16xi32>
        %bitcast_convert_type3A_306 = tpu.bitcast %and3A_305 : vector<16xi32> -> vector<16xf32>
        %add3A_307 = arith.constant 3 : i32
        %add3A_308 = vector.broadcast %add3A_307 : i32 to vector<16xi32>
        %add3A_309 = arith.addi %shift_left3A_119, %add3A_308 : vector<16xi32>
        %gather3A_310 = tpu.vector_load_idx %arg17[%add3A_96, %add3A_309] : memref<64x128xi32, #tpu.memory_space<vmem>>[vector<16xi32>, vector<16xi32>], vector<16xi32>,
        %and3A_311 = arith.constant -65536 : i32
        %and3A_312 = vector.broadcast %and3A_311 : i32 to vector<16xi32>
        %and3A_313 = arith.andi %gather3A_310, %and3A_312 : vector<16xi32>
        %bitcast_convert_type3A_314 = tpu.bitcast %and3A_313 : vector<16xi32> -> vector<16xf32>
        %broadcast_in_dim3A_315 = arith.constant 3 : i32
        %broadcast_in_dim3A_316 = vector.broadcast %broadcast_in_dim3A_315 : i32 to vector<16xi32>
        %gather3A_317 = tpu.vector_load_idx %arg18[%add3A_96, %broadcast_in_dim3A_316] : memref<64x128xf32, #tpu.memory_space<vmem>>[vector<16xi32>, vector<16xi32>], vector<16xf32>,
        %broadcast_in_dim3A_318 = arith.constant 35 : i32
        %broadcast_in_dim3A_319 = vector.broadcast %broadcast_in_dim3A_318 : i32 to vector<16xi32>
        %gather3A_320 = tpu.vector_load_idx %arg18[%add3A_96, %broadcast_in_dim3A_319] : memref<64x128xf32, #tpu.memory_space<vmem>>[vector<16xi32>, vector<16xi32>], vector<16xf32>,
        %broadcast_in_dim3A_321 = arith.constant 67 : i32
        %broadcast_in_dim3A_322 = vector.broadcast %broadcast_in_dim3A_321 : i32 to vector<16xi32>
        %gather3A_323 = tpu.vector_load_idx %arg18[%add3A_96, %broadcast_in_dim3A_322] : memref<64x128xf32, #tpu.memory_space<vmem>>[vector<16xi32>, vector<16xi32>], vector<16xf32>,
        %broadcast_in_dim3A_324 = arith.constant 99 : i32
        %broadcast_in_dim3A_325 = vector.broadcast %broadcast_in_dim3A_324 : i32 to vector<16xi32>
        %gather3A_326 = tpu.vector_load_idx %arg18[%add3A_96, %broadcast_in_dim3A_325] : memref<64x128xf32, #tpu.memory_space<vmem>>[vector<16xi32>, vector<16xi32>], vector<16xf32>,
        %mul3A_327 = arith.mulf %bitcast_convert_type3A_295, %gather3A_320 : vector<16xf32>
        %add3A_328 = arith.addf %mul3A_327, %gather3A_317 : vector<16xf32>
        %abs3A_329 = math.absf %bitcast_convert_type3A_306 : vector<16xf32>
        %abs3A_330 = math.absf %gather3A_323 : vector<16xf32>
        %mul3A_331 = arith.mulf %abs3A_329, %abs3A_330 : vector<16xf32>
        %abs3A_332 = math.absf %gather3A_326 : vector<16xf32>
        %add3A_333 = arith.addf %mul3A_331, %abs3A_332 : vector<16xf32>
        %sub3A_334 = arith.subf %add3A_328, %bitcast_convert_type3A_314 : vector<16xf32>
        %abs3A_335 = math.absf %sub3A_334 : vector<16xf32>
        %sub3A_336 = arith.subf %abs3A_335, %add3A_333 : vector<16xf32>
        %max3A_337 = arith.constant 0.000000e+00 : f32
        %max3A_338 = vector.broadcast %max3A_337 : f32 to vector<16xf32>
        %max3A_339 = arith.maximumf %sub3A_336, %max3A_338 : vector<16xf32>
        %min3A_340 = arith.minimumf %abs3A_335, %add3A_333 : vector<16xf32>
        %mul3A_341 = arith.mulf %max3A_339, %max3A_339 : vector<16xf32>
        %add3A_342 = arith.addf %add3A_285, %mul3A_341 : vector<16xf32>
        %mul3A_343 = arith.mulf %min3A_340, %min3A_340 : vector<16xf32>
        %add3A_344 = arith.addf %add3A_287, %mul3A_343 : vector<16xf32>
        %add3A_345 = arith.constant 4 : i32
        %add3A_346 = vector.broadcast %add3A_345 : i32 to vector<16xi32>
        %add3A_347 = arith.addi %shift_left3A_110, %add3A_346 : vector<16xi32>
        %gather3A_348 = tpu.vector_load_idx %arg16[%add3A_96, %add3A_347] : memref<64x128xi32, #tpu.memory_space<vmem>>[vector<16xi32>, vector<16xi32>], vector<16xi32>,
        %and3A_349 = arith.constant -65536 : i32
        %and3A_350 = vector.broadcast %and3A_349 : i32 to vector<16xi32>
        %and3A_351 = arith.andi %gather3A_348, %and3A_350 : vector<16xi32>
        %bitcast_convert_type3A_352 = tpu.bitcast %and3A_351 : vector<16xi32> -> vector<16xf32>
        %add3A_353 = arith.constant 16 : i32
        %add3A_354 = vector.broadcast %add3A_353 : i32 to vector<16xi32>
        %add3A_355 = arith.addi %shift_left3A_110, %add3A_354 : vector<16xi32>
        %add3A_356 = arith.constant 4 : i32
        %add3A_357 = vector.broadcast %add3A_356 : i32 to vector<16xi32>
        %add3A_358 = arith.addi %add3A_355, %add3A_357 : vector<16xi32>
        %gather3A_359 = tpu.vector_load_idx %arg16[%add3A_96, %add3A_358] : memref<64x128xi32, #tpu.memory_space<vmem>>[vector<16xi32>, vector<16xi32>], vector<16xi32>,
        %and3A_360 = arith.constant -65536 : i32
        %and3A_361 = vector.broadcast %and3A_360 : i32 to vector<16xi32>
        %and3A_362 = arith.andi %gather3A_359, %and3A_361 : vector<16xi32>
        %bitcast_convert_type3A_363 = tpu.bitcast %and3A_362 : vector<16xi32> -> vector<16xf32>
        %add3A_364 = arith.constant 4 : i32
        %add3A_365 = vector.broadcast %add3A_364 : i32 to vector<16xi32>
        %add3A_366 = arith.addi %shift_left3A_119, %add3A_365 : vector<16xi32>
        %gather3A_367 = tpu.vector_load_idx %arg17[%add3A_96, %add3A_366] : memref<64x128xi32, #tpu.memory_space<vmem>>[vector<16xi32>, vector<16xi32>], vector<16xi32>,
        %and3A_368 = arith.constant -65536 : i32
        %and3A_369 = vector.broadcast %and3A_368 : i32 to vector<16xi32>
        %and3A_370 = arith.andi %gather3A_367, %and3A_369 : vector<16xi32>
        %bitcast_convert_type3A_371 = tpu.bitcast %and3A_370 : vector<16xi32> -> vector<16xf32>
        %broadcast_in_dim3A_372 = arith.constant 4 : i32
        %broadcast_in_dim3A_373 = vector.broadcast %broadcast_in_dim3A_372 : i32 to vector<16xi32>
        %gather3A_374 = tpu.vector_load_idx %arg18[%add3A_96, %broadcast_in_dim3A_373] : memref<64x128xf32, #tpu.memory_space<vmem>>[vector<16xi32>, vector<16xi32>], vector<16xf32>,
        %broadcast_in_dim3A_375 = arith.constant 36 : i32
        %broadcast_in_dim3A_376 = vector.broadcast %broadcast_in_dim3A_375 : i32 to vector<16xi32>
        %gather3A_377 = tpu.vector_load_idx %arg18[%add3A_96, %broadcast_in_dim3A_376] : memref<64x128xf32, #tpu.memory_space<vmem>>[vector<16xi32>, vector<16xi32>], vector<16xf32>,
        %broadcast_in_dim3A_378 = arith.constant 68 : i32
        %broadcast_in_dim3A_379 = vector.broadcast %broadcast_in_dim3A_378 : i32 to vector<16xi32>
        %gather3A_380 = tpu.vector_load_idx %arg18[%add3A_96, %broadcast_in_dim3A_379] : memref<64x128xf32, #tpu.memory_space<vmem>>[vector<16xi32>, vector<16xi32>], vector<16xf32>,
        %broadcast_in_dim3A_381 = arith.constant 100 : i32
        %broadcast_in_dim3A_382 = vector.broadcast %broadcast_in_dim3A_381 : i32 to vector<16xi32>
        %gather3A_383 = tpu.vector_load_idx %arg18[%add3A_96, %broadcast_in_dim3A_382] : memref<64x128xf32, #tpu.memory_space<vmem>>[vector<16xi32>, vector<16xi32>], vector<16xf32>,
        %mul3A_384 = arith.mulf %bitcast_convert_type3A_352, %gather3A_377 : vector<16xf32>
        %add3A_385 = arith.addf %mul3A_384, %gather3A_374 : vector<16xf32>
        %abs3A_386 = math.absf %bitcast_convert_type3A_363 : vector<16xf32>
        %abs3A_387 = math.absf %gather3A_380 : vector<16xf32>
        %mul3A_388 = arith.mulf %abs3A_386, %abs3A_387 : vector<16xf32>
        %abs3A_389 = math.absf %gather3A_383 : vector<16xf32>
        %add3A_390 = arith.addf %mul3A_388, %abs3A_389 : vector<16xf32>
        %sub3A_391 = arith.subf %add3A_385, %bitcast_convert_type3A_371 : vector<16xf32>
        %abs3A_392 = math.absf %sub3A_391 : vector<16xf32>
        %sub3A_393 = arith.subf %abs3A_392, %add3A_390 : vector<16xf32>
        %max3A_394 = arith.constant 0.000000e+00 : f32
        %max3A_395 = vector.broadcast %max3A_394 : f32 to vector<16xf32>
        %max3A_396 = arith.maximumf %sub3A_393, %max3A_395 : vector<16xf32>
        %min3A_397 = arith.minimumf %abs3A_392, %add3A_390 : vector<16xf32>
        %mul3A_398 = arith.mulf %max3A_396, %max3A_396 : vector<16xf32>
        %add3A_399 = arith.addf %add3A_342, %mul3A_398 : vector<16xf32>
        %mul3A_400 = arith.mulf %min3A_397, %min3A_397 : vector<16xf32>
        %add3A_401 = arith.addf %add3A_344, %mul3A_400 : vector<16xf32>
        %add3A_402 = arith.constant 5 : i32
        %add3A_403 = vector.broadcast %add3A_402 : i32 to vector<16xi32>
        %add3A_404 = arith.addi %shift_left3A_110, %add3A_403 : vector<16xi32>
        %gather3A_405 = tpu.vector_load_idx %arg16[%add3A_96, %add3A_404] : memref<64x128xi32, #tpu.memory_space<vmem>>[vector<16xi32>, vector<16xi32>], vector<16xi32>,
        %and3A_406 = arith.constant -65536 : i32
        %and3A_407 = vector.broadcast %and3A_406 : i32 to vector<16xi32>
        %and3A_408 = arith.andi %gather3A_405, %and3A_407 : vector<16xi32>
        %bitcast_convert_type3A_409 = tpu.bitcast %and3A_408 : vector<16xi32> -> vector<16xf32>
        %add3A_410 = arith.constant 16 : i32
        %add3A_411 = vector.broadcast %add3A_410 : i32 to vector<16xi32>
        %add3A_412 = arith.addi %shift_left3A_110, %add3A_411 : vector<16xi32>
        %add3A_413 = arith.constant 5 : i32
        %add3A_414 = vector.broadcast %add3A_413 : i32 to vector<16xi32>
        %add3A_415 = arith.addi %add3A_412, %add3A_414 : vector<16xi32>
        %gather3A_416 = tpu.vector_load_idx %arg16[%add3A_96, %add3A_415] : memref<64x128xi32, #tpu.memory_space<vmem>>[vector<16xi32>, vector<16xi32>], vector<16xi32>,
        %and3A_417 = arith.constant -65536 : i32
        %and3A_418 = vector.broadcast %and3A_417 : i32 to vector<16xi32>
        %and3A_419 = arith.andi %gather3A_416, %and3A_418 : vector<16xi32>
        %bitcast_convert_type3A_420 = tpu.bitcast %and3A_419 : vector<16xi32> -> vector<16xf32>
        %add3A_421 = arith.constant 5 : i32
        %add3A_422 = vector.broadcast %add3A_421 : i32 to vector<16xi32>
        %add3A_423 = arith.addi %shift_left3A_119, %add3A_422 : vector<16xi32>
        %gather3A_424 = tpu.vector_load_idx %arg17[%add3A_96, %add3A_423] : memref<64x128xi32, #tpu.memory_space<vmem>>[vector<16xi32>, vector<16xi32>], vector<16xi32>,
        %and3A_425 = arith.constant -65536 : i32
        %and3A_426 = vector.broadcast %and3A_425 : i32 to vector<16xi32>
        %and3A_427 = arith.andi %gather3A_424, %and3A_426 : vector<16xi32>
        %bitcast_convert_type3A_428 = tpu.bitcast %and3A_427 : vector<16xi32> -> vector<16xf32>
        %broadcast_in_dim3A_429 = arith.constant 5 : i32
        %broadcast_in_dim3A_430 = vector.broadcast %broadcast_in_dim3A_429 : i32 to vector<16xi32>
        %gather3A_431 = tpu.vector_load_idx %arg18[%add3A_96, %broadcast_in_dim3A_430] : memref<64x128xf32, #tpu.memory_space<vmem>>[vector<16xi32>, vector<16xi32>], vector<16xf32>,
        %broadcast_in_dim3A_432 = arith.constant 37 : i32
        %broadcast_in_dim3A_433 = vector.broadcast %broadcast_in_dim3A_432 : i32 to vector<16xi32>
        %gather3A_434 = tpu.vector_load_idx %arg18[%add3A_96, %broadcast_in_dim3A_433] : memref<64x128xf32, #tpu.memory_space<vmem>>[vector<16xi32>, vector<16xi32>], vector<16xf32>,
        %broadcast_in_dim3A_435 = arith.constant 69 : i32
        %broadcast_in_dim3A_436 = vector.broadcast %broadcast_in_dim3A_435 : i32 to vector<16xi32>
        %gather3A_437 = tpu.vector_load_idx %arg18[%add3A_96, %broadcast_in_dim3A_436] : memref<64x128xf32, #tpu.memory_space<vmem>>[vector<16xi32>, vector<16xi32>], vector<16xf32>,
        %broadcast_in_dim3A_438 = arith.constant 101 : i32
        %broadcast_in_dim3A_439 = vector.broadcast %broadcast_in_dim3A_438 : i32 to vector<16xi32>
        %gather3A_440 = tpu.vector_load_idx %arg18[%add3A_96, %broadcast_in_dim3A_439] : memref<64x128xf32, #tpu.memory_space<vmem>>[vector<16xi32>, vector<16xi32>], vector<16xf32>,
        %mul3A_441 = arith.mulf %bitcast_convert_type3A_409, %gather3A_434 : vector<16xf32>
        %add3A_442 = arith.addf %mul3A_441, %gather3A_431 : vector<16xf32>
        %abs3A_443 = math.absf %bitcast_convert_type3A_420 : vector<16xf32>
        %abs3A_444 = math.absf %gather3A_437 : vector<16xf32>
        %mul3A_445 = arith.mulf %abs3A_443, %abs3A_444 : vector<16xf32>
        %abs3A_446 = math.absf %gather3A_440 : vector<16xf32>
        %add3A_447 = arith.addf %mul3A_445, %abs3A_446 : vector<16xf32>
        %sub3A_448 = arith.subf %add3A_442, %bitcast_convert_type3A_428 : vector<16xf32>
        %abs3A_449 = math.absf %sub3A_448 : vector<16xf32>
        %sub3A_450 = arith.subf %abs3A_449, %add3A_447 : vector<16xf32>
        %max3A_451 = arith.constant 0.000000e+00 : f32
        %max3A_452 = vector.broadcast %max3A_451 : f32 to vector<16xf32>
        %max3A_453 = arith.maximumf %sub3A_450, %max3A_452 : vector<16xf32>
        %min3A_454 = arith.minimumf %abs3A_449, %add3A_447 : vector<16xf32>
        %mul3A_455 = arith.mulf %max3A_453, %max3A_453 : vector<16xf32>
        %add3A_456 = arith.addf %add3A_399, %mul3A_455 : vector<16xf32>
        %mul3A_457 = arith.mulf %min3A_454, %min3A_454 : vector<16xf32>
        %add3A_458 = arith.addf %add3A_401, %mul3A_457 : vector<16xf32>
        %add3A_459 = arith.constant 6 : i32
        %add3A_460 = vector.broadcast %add3A_459 : i32 to vector<16xi32>
        %add3A_461 = arith.addi %shift_left3A_110, %add3A_460 : vector<16xi32>
        %gather3A_462 = tpu.vector_load_idx %arg16[%add3A_96, %add3A_461] : memref<64x128xi32, #tpu.memory_space<vmem>>[vector<16xi32>, vector<16xi32>], vector<16xi32>,
        %and3A_463 = arith.constant -65536 : i32
        %and3A_464 = vector.broadcast %and3A_463 : i32 to vector<16xi32>
        %and3A_465 = arith.andi %gather3A_462, %and3A_464 : vector<16xi32>
        %bitcast_convert_type3A_466 = tpu.bitcast %and3A_465 : vector<16xi32> -> vector<16xf32>
        %add3A_467 = arith.constant 16 : i32
        %add3A_468 = vector.broadcast %add3A_467 : i32 to vector<16xi32>
        %add3A_469 = arith.addi %shift_left3A_110, %add3A_468 : vector<16xi32>
        %add3A_470 = arith.constant 6 : i32
        %add3A_471 = vector.broadcast %add3A_470 : i32 to vector<16xi32>
        %add3A_472 = arith.addi %add3A_469, %add3A_471 : vector<16xi32>
        %gather3A_473 = tpu.vector_load_idx %arg16[%add3A_96, %add3A_472] : memref<64x128xi32, #tpu.memory_space<vmem>>[vector<16xi32>, vector<16xi32>], vector<16xi32>,
        %and3A_474 = arith.constant -65536 : i32
        %and3A_475 = vector.broadcast %and3A_474 : i32 to vector<16xi32>
        %and3A_476 = arith.andi %gather3A_473, %and3A_475 : vector<16xi32>
        %bitcast_convert_type3A_477 = tpu.bitcast %and3A_476 : vector<16xi32> -> vector<16xf32>
        %add3A_478 = arith.constant 6 : i32
        %add3A_479 = vector.broadcast %add3A_478 : i32 to vector<16xi32>
        %add3A_480 = arith.addi %shift_left3A_119, %add3A_479 : vector<16xi32>
        %gather3A_481 = tpu.vector_load_idx %arg17[%add3A_96, %add3A_480] : memref<64x128xi32, #tpu.memory_space<vmem>>[vector<16xi32>, vector<16xi32>], vector<16xi32>,
        %and3A_482 = arith.constant -65536 : i32
        %and3A_483 = vector.broadcast %and3A_482 : i32 to vector<16xi32>
        %and3A_484 = arith.andi %gather3A_481, %and3A_483 : vector<16xi32>
        %bitcast_convert_type3A_485 = tpu.bitcast %and3A_484 : vector<16xi32> -> vector<16xf32>
        %broadcast_in_dim3A_486 = arith.constant 6 : i32
        %broadcast_in_dim3A_487 = vector.broadcast %broadcast_in_dim3A_486 : i32 to vector<16xi32>
        %gather3A_488 = tpu.vector_load_idx %arg18[%add3A_96, %broadcast_in_dim3A_487] : memref<64x128xf32, #tpu.memory_space<vmem>>[vector<16xi32>, vector<16xi32>], vector<16xf32>,
        %broadcast_in_dim3A_489 = arith.constant 38 : i32
        %broadcast_in_dim3A_490 = vector.broadcast %broadcast_in_dim3A_489 : i32 to vector<16xi32>
        %gather3A_491 = tpu.vector_load_idx %arg18[%add3A_96, %broadcast_in_dim3A_490] : memref<64x128xf32, #tpu.memory_space<vmem>>[vector<16xi32>, vector<16xi32>], vector<16xf32>,
        %broadcast_in_dim3A_492 = arith.constant 70 : i32
        %broadcast_in_dim3A_493 = vector.broadcast %broadcast_in_dim3A_492 : i32 to vector<16xi32>
        %gather3A_494 = tpu.vector_load_idx %arg18[%add3A_96, %broadcast_in_dim3A_493] : memref<64x128xf32, #tpu.memory_space<vmem>>[vector<16xi32>, vector<16xi32>], vector<16xf32>,
        %broadcast_in_dim3A_495 = arith.constant 102 : i32
        %broadcast_in_dim3A_496 = vector.broadcast %broadcast_in_dim3A_495 : i32 to vector<16xi32>
        %gather3A_497 = tpu.vector_load_idx %arg18[%add3A_96, %broadcast_in_dim3A_496] : memref<64x128xf32, #tpu.memory_space<vmem>>[vector<16xi32>, vector<16xi32>], vector<16xf32>,
        %mul3A_498 = arith.mulf %bitcast_convert_type3A_466, %gather3A_491 : vector<16xf32>
        %add3A_499 = arith.addf %mul3A_498, %gather3A_488 : vector<16xf32>
        %abs3A_500 = math.absf %bitcast_convert_type3A_477 : vector<16xf32>
        %abs3A_501 = math.absf %gather3A_494 : vector<16xf32>
        %mul3A_502 = arith.mulf %abs3A_500, %abs3A_501 : vector<16xf32>
        %abs3A_503 = math.absf %gather3A_497 : vector<16xf32>
        %add3A_504 = arith.addf %mul3A_502, %abs3A_503 : vector<16xf32>
        %sub3A_505 = arith.subf %add3A_499, %bitcast_convert_type3A_485 : vector<16xf32>
        %abs3A_506 = math.absf %sub3A_505 : vector<16xf32>
        %sub3A_507 = arith.subf %abs3A_506, %add3A_504 : vector<16xf32>
        %max3A_508 = arith.constant 0.000000e+00 : f32
        %max3A_509 = vector.broadcast %max3A_508 : f32 to vector<16xf32>
        %max3A_510 = arith.maximumf %sub3A_507, %max3A_509 : vector<16xf32>
        %min3A_511 = arith.minimumf %abs3A_506, %add3A_504 : vector<16xf32>
        %mul3A_512 = arith.mulf %max3A_510, %max3A_510 : vector<16xf32>
        %add3A_513 = arith.addf %add3A_456, %mul3A_512 : vector<16xf32>
        %mul3A_514 = arith.mulf %min3A_511, %min3A_511 : vector<16xf32>
        %add3A_515 = arith.addf %add3A_458, %mul3A_514 : vector<16xf32>
        %add3A_516 = arith.constant 7 : i32
        %add3A_517 = vector.broadcast %add3A_516 : i32 to vector<16xi32>
        %add3A_518 = arith.addi %shift_left3A_110, %add3A_517 : vector<16xi32>
        %gather3A_519 = tpu.vector_load_idx %arg16[%add3A_96, %add3A_518] : memref<64x128xi32, #tpu.memory_space<vmem>>[vector<16xi32>, vector<16xi32>], vector<16xi32>,
        %and3A_520 = arith.constant -65536 : i32
        %and3A_521 = vector.broadcast %and3A_520 : i32 to vector<16xi32>
        %and3A_522 = arith.andi %gather3A_519, %and3A_521 : vector<16xi32>
        %bitcast_convert_type3A_523 = tpu.bitcast %and3A_522 : vector<16xi32> -> vector<16xf32>
        %add3A_524 = arith.constant 16 : i32
        %add3A_525 = vector.broadcast %add3A_524 : i32 to vector<16xi32>
        %add3A_526 = arith.addi %shift_left3A_110, %add3A_525 : vector<16xi32>
        %add3A_527 = arith.constant 7 : i32
        %add3A_528 = vector.broadcast %add3A_527 : i32 to vector<16xi32>
        %add3A_529 = arith.addi %add3A_526, %add3A_528 : vector<16xi32>
        %gather3A_530 = tpu.vector_load_idx %arg16[%add3A_96, %add3A_529] : memref<64x128xi32, #tpu.memory_space<vmem>>[vector<16xi32>, vector<16xi32>], vector<16xi32>,
        %and3A_531 = arith.constant -65536 : i32
        %and3A_532 = vector.broadcast %and3A_531 : i32 to vector<16xi32>
        %and3A_533 = arith.andi %gather3A_530, %and3A_532 : vector<16xi32>
        %bitcast_convert_type3A_534 = tpu.bitcast %and3A_533 : vector<16xi32> -> vector<16xf32>
        %add3A_535 = arith.constant 7 : i32
        %add3A_536 = vector.broadcast %add3A_535 : i32 to vector<16xi32>
        %add3A_537 = arith.addi %shift_left3A_119, %add3A_536 : vector<16xi32>
        %gather3A_538 = tpu.vector_load_idx %arg17[%add3A_96, %add3A_537] : memref<64x128xi32, #tpu.memory_space<vmem>>[vector<16xi32>, vector<16xi32>], vector<16xi32>,
        %and3A_539 = arith.constant -65536 : i32
        %and3A_540 = vector.broadcast %and3A_539 : i32 to vector<16xi32>
        %and3A_541 = arith.andi %gather3A_538, %and3A_540 : vector<16xi32>
        %bitcast_convert_type3A_542 = tpu.bitcast %and3A_541 : vector<16xi32> -> vector<16xf32>
        %broadcast_in_dim3A_543 = arith.constant 7 : i32
        %broadcast_in_dim3A_544 = vector.broadcast %broadcast_in_dim3A_543 : i32 to vector<16xi32>
        %gather3A_545 = tpu.vector_load_idx %arg18[%add3A_96, %broadcast_in_dim3A_544] : memref<64x128xf32, #tpu.memory_space<vmem>>[vector<16xi32>, vector<16xi32>], vector<16xf32>,
        %broadcast_in_dim3A_546 = arith.constant 39 : i32
        %broadcast_in_dim3A_547 = vector.broadcast %broadcast_in_dim3A_546 : i32 to vector<16xi32>
        %gather3A_548 = tpu.vector_load_idx %arg18[%add3A_96, %broadcast_in_dim3A_547] : memref<64x128xf32, #tpu.memory_space<vmem>>[vector<16xi32>, vector<16xi32>], vector<16xf32>,
        %broadcast_in_dim3A_549 = arith.constant 71 : i32
        %broadcast_in_dim3A_550 = vector.broadcast %broadcast_in_dim3A_549 : i32 to vector<16xi32>
        %gather3A_551 = tpu.vector_load_idx %arg18[%add3A_96, %broadcast_in_dim3A_550] : memref<64x128xf32, #tpu.memory_space<vmem>>[vector<16xi32>, vector<16xi32>], vector<16xf32>,
        %broadcast_in_dim3A_552 = arith.constant 103 : i32
        %broadcast_in_dim3A_553 = vector.broadcast %broadcast_in_dim3A_552 : i32 to vector<16xi32>
        %gather3A_554 = tpu.vector_load_idx %arg18[%add3A_96, %broadcast_in_dim3A_553] : memref<64x128xf32, #tpu.memory_space<vmem>>[vector<16xi32>, vector<16xi32>], vector<16xf32>,
        %mul3A_555 = arith.mulf %bitcast_convert_type3A_523, %gather3A_548 : vector<16xf32>
        %add3A_556 = arith.addf %mul3A_555, %gather3A_545 : vector<16xf32>
        %abs3A_557 = math.absf %bitcast_convert_type3A_534 : vector<16xf32>
        %abs3A_558 = math.absf %gather3A_551 : vector<16xf32>
        %mul3A_559 = arith.mulf %abs3A_557, %abs3A_558 : vector<16xf32>
        %abs3A_560 = math.absf %gather3A_554 : vector<16xf32>
        %add3A_561 = arith.addf %mul3A_559, %abs3A_560 : vector<16xf32>
        %sub3A_562 = arith.subf %add3A_556, %bitcast_convert_type3A_542 : vector<16xf32>
        %abs3A_563 = math.absf %sub3A_562 : vector<16xf32>
        %sub3A_564 = arith.subf %abs3A_563, %add3A_561 : vector<16xf32>
        %max3A_565 = arith.constant 0.000000e+00 : f32
        %max3A_566 = vector.broadcast %max3A_565 : f32 to vector<16xf32>
        %max3A_567 = arith.maximumf %sub3A_564, %max3A_566 : vector<16xf32>
        %min3A_568 = arith.minimumf %abs3A_563, %add3A_561 : vector<16xf32>
        %mul3A_569 = arith.mulf %max3A_567, %max3A_567 : vector<16xf32>
        %add3A_570 = arith.addf %add3A_513, %mul3A_569 : vector<16xf32>
        %mul3A_571 = arith.mulf %min3A_568, %min3A_568 : vector<16xf32>
        %add3A_572 = arith.addf %add3A_515, %mul3A_571 : vector<16xf32>
        %add3A_573 = arith.constant 8 : i32
        %add3A_574 = vector.broadcast %add3A_573 : i32 to vector<16xi32>
        %add3A_575 = arith.addi %shift_left3A_110, %add3A_574 : vector<16xi32>
        %gather3A_576 = tpu.vector_load_idx %arg16[%add3A_96, %add3A_575] : memref<64x128xi32, #tpu.memory_space<vmem>>[vector<16xi32>, vector<16xi32>], vector<16xi32>,
        %and3A_577 = arith.constant -65536 : i32
        %and3A_578 = vector.broadcast %and3A_577 : i32 to vector<16xi32>
        %and3A_579 = arith.andi %gather3A_576, %and3A_578 : vector<16xi32>
        %bitcast_convert_type3A_580 = tpu.bitcast %and3A_579 : vector<16xi32> -> vector<16xf32>
        %add3A_581 = arith.constant 16 : i32
        %add3A_582 = vector.broadcast %add3A_581 : i32 to vector<16xi32>
        %add3A_583 = arith.addi %shift_left3A_110, %add3A_582 : vector<16xi32>
        %add3A_584 = arith.constant 8 : i32
        %add3A_585 = vector.broadcast %add3A_584 : i32 to vector<16xi32>
        %add3A_586 = arith.addi %add3A_583, %add3A_585 : vector<16xi32>
        %gather3A_587 = tpu.vector_load_idx %arg16[%add3A_96, %add3A_586] : memref<64x128xi32, #tpu.memory_space<vmem>>[vector<16xi32>, vector<16xi32>], vector<16xi32>,
        %and3A_588 = arith.constant -65536 : i32
        %and3A_589 = vector.broadcast %and3A_588 : i32 to vector<16xi32>
        %and3A_590 = arith.andi %gather3A_587, %and3A_589 : vector<16xi32>
        %bitcast_convert_type3A_591 = tpu.bitcast %and3A_590 : vector<16xi32> -> vector<16xf32>
        %add3A_592 = arith.constant 8 : i32
        %add3A_593 = vector.broadcast %add3A_592 : i32 to vector<16xi32>
        %add3A_594 = arith.addi %shift_left3A_119, %add3A_593 : vector<16xi32>
        %gather3A_595 = tpu.vector_load_idx %arg17[%add3A_96, %add3A_594] : memref<64x128xi32, #tpu.memory_space<vmem>>[vector<16xi32>, vector<16xi32>], vector<16xi32>,
        %and3A_596 = arith.constant -65536 : i32
        %and3A_597 = vector.broadcast %and3A_596 : i32 to vector<16xi32>
        %and3A_598 = arith.andi %gather3A_595, %and3A_597 : vector<16xi32>
        %bitcast_convert_type3A_599 = tpu.bitcast %and3A_598 : vector<16xi32> -> vector<16xf32>
        %broadcast_in_dim3A_600 = arith.constant 8 : i32
        %broadcast_in_dim3A_601 = vector.broadcast %broadcast_in_dim3A_600 : i32 to vector<16xi32>
        %gather3A_602 = tpu.vector_load_idx %arg18[%add3A_96, %broadcast_in_dim3A_601] : memref<64x128xf32, #tpu.memory_space<vmem>>[vector<16xi32>, vector<16xi32>], vector<16xf32>,
        %broadcast_in_dim3A_603 = arith.constant 40 : i32
        %broadcast_in_dim3A_604 = vector.broadcast %broadcast_in_dim3A_603 : i32 to vector<16xi32>
        %gather3A_605 = tpu.vector_load_idx %arg18[%add3A_96, %broadcast_in_dim3A_604] : memref<64x128xf32, #tpu.memory_space<vmem>>[vector<16xi32>, vector<16xi32>], vector<16xf32>,
        %broadcast_in_dim3A_606 = arith.constant 72 : i32
        %broadcast_in_dim3A_607 = vector.broadcast %broadcast_in_dim3A_606 : i32 to vector<16xi32>
        %gather3A_608 = tpu.vector_load_idx %arg18[%add3A_96, %broadcast_in_dim3A_607] : memref<64x128xf32, #tpu.memory_space<vmem>>[vector<16xi32>, vector<16xi32>], vector<16xf32>,
        %broadcast_in_dim3A_609 = arith.constant 104 : i32
        %broadcast_in_dim3A_610 = vector.broadcast %broadcast_in_dim3A_609 : i32 to vector<16xi32>
        %gather3A_611 = tpu.vector_load_idx %arg18[%add3A_96, %broadcast_in_dim3A_610] : memref<64x128xf32, #tpu.memory_space<vmem>>[vector<16xi32>, vector<16xi32>], vector<16xf32>,
        %mul3A_612 = arith.mulf %bitcast_convert_type3A_580, %gather3A_605 : vector<16xf32>
        %add3A_613 = arith.addf %mul3A_612, %gather3A_602 : vector<16xf32>
        %abs3A_614 = math.absf %bitcast_convert_type3A_591 : vector<16xf32>
        %abs3A_615 = math.absf %gather3A_608 : vector<16xf32>
        %mul3A_616 = arith.mulf %abs3A_614, %abs3A_615 : vector<16xf32>
        %abs3A_617 = math.absf %gather3A_611 : vector<16xf32>
        %add3A_618 = arith.addf %mul3A_616, %abs3A_617 : vector<16xf32>
        %sub3A_619 = arith.subf %add3A_613, %bitcast_convert_type3A_599 : vector<16xf32>
        %abs3A_620 = math.absf %sub3A_619 : vector<16xf32>
        %sub3A_621 = arith.subf %abs3A_620, %add3A_618 : vector<16xf32>
        %max3A_622 = arith.constant 0.000000e+00 : f32
        %max3A_623 = vector.broadcast %max3A_622 : f32 to vector<16xf32>
        %max3A_624 = arith.maximumf %sub3A_621, %max3A_623 : vector<16xf32>
        %min3A_625 = arith.minimumf %abs3A_620, %add3A_618 : vector<16xf32>
        %mul3A_626 = arith.mulf %max3A_624, %max3A_624 : vector<16xf32>
        %add3A_627 = arith.addf %add3A_570, %mul3A_626 : vector<16xf32>
        %mul3A_628 = arith.mulf %min3A_625, %min3A_625 : vector<16xf32>
        %add3A_629 = arith.addf %add3A_572, %mul3A_628 : vector<16xf32>
        %add3A_630 = arith.constant 9 : i32
        %add3A_631 = vector.broadcast %add3A_630 : i32 to vector<16xi32>
        %add3A_632 = arith.addi %shift_left3A_110, %add3A_631 : vector<16xi32>
        %gather3A_633 = tpu.vector_load_idx %arg16[%add3A_96, %add3A_632] : memref<64x128xi32, #tpu.memory_space<vmem>>[vector<16xi32>, vector<16xi32>], vector<16xi32>,
        %and3A_634 = arith.constant -65536 : i32
        %and3A_635 = vector.broadcast %and3A_634 : i32 to vector<16xi32>
        %and3A_636 = arith.andi %gather3A_633, %and3A_635 : vector<16xi32>
        %bitcast_convert_type3A_637 = tpu.bitcast %and3A_636 : vector<16xi32> -> vector<16xf32>
        %add3A_638 = arith.constant 16 : i32
        %add3A_639 = vector.broadcast %add3A_638 : i32 to vector<16xi32>
        %add3A_640 = arith.addi %shift_left3A_110, %add3A_639 : vector<16xi32>
        %add3A_641 = arith.constant 9 : i32
        %add3A_642 = vector.broadcast %add3A_641 : i32 to vector<16xi32>
        %add3A_643 = arith.addi %add3A_640, %add3A_642 : vector<16xi32>
        %gather3A_644 = tpu.vector_load_idx %arg16[%add3A_96, %add3A_643] : memref<64x128xi32, #tpu.memory_space<vmem>>[vector<16xi32>, vector<16xi32>], vector<16xi32>,
        %and3A_645 = arith.constant -65536 : i32
        %and3A_646 = vector.broadcast %and3A_645 : i32 to vector<16xi32>
        %and3A_647 = arith.andi %gather3A_644, %and3A_646 : vector<16xi32>
        %bitcast_convert_type3A_648 = tpu.bitcast %and3A_647 : vector<16xi32> -> vector<16xf32>
        %add3A_649 = arith.constant 9 : i32
        %add3A_650 = vector.broadcast %add3A_649 : i32 to vector<16xi32>
        %add3A_651 = arith.addi %shift_left3A_119, %add3A_650 : vector<16xi32>
        %gather3A_652 = tpu.vector_load_idx %arg17[%add3A_96, %add3A_651] : memref<64x128xi32, #tpu.memory_space<vmem>>[vector<16xi32>, vector<16xi32>], vector<16xi32>,
        %and3A_653 = arith.constant -65536 : i32
        %and3A_654 = vector.broadcast %and3A_653 : i32 to vector<16xi32>
        %and3A_655 = arith.andi %gather3A_652, %and3A_654 : vector<16xi32>
        %bitcast_convert_type3A_656 = tpu.bitcast %and3A_655 : vector<16xi32> -> vector<16xf32>
        %broadcast_in_dim3A_657 = arith.constant 9 : i32
        %broadcast_in_dim3A_658 = vector.broadcast %broadcast_in_dim3A_657 : i32 to vector<16xi32>
        %gather3A_659 = tpu.vector_load_idx %arg18[%add3A_96, %broadcast_in_dim3A_658] : memref<64x128xf32, #tpu.memory_space<vmem>>[vector<16xi32>, vector<16xi32>], vector<16xf32>,
        %broadcast_in_dim3A_660 = arith.constant 41 : i32
        %broadcast_in_dim3A_661 = vector.broadcast %broadcast_in_dim3A_660 : i32 to vector<16xi32>
        %gather3A_662 = tpu.vector_load_idx %arg18[%add3A_96, %broadcast_in_dim3A_661] : memref<64x128xf32, #tpu.memory_space<vmem>>[vector<16xi32>, vector<16xi32>], vector<16xf32>,
        %broadcast_in_dim3A_663 = arith.constant 73 : i32
        %broadcast_in_dim3A_664 = vector.broadcast %broadcast_in_dim3A_663 : i32 to vector<16xi32>
        %gather3A_665 = tpu.vector_load_idx %arg18[%add3A_96, %broadcast_in_dim3A_664] : memref<64x128xf32, #tpu.memory_space<vmem>>[vector<16xi32>, vector<16xi32>], vector<16xf32>,
        %broadcast_in_dim3A_666 = arith.constant 105 : i32
        %broadcast_in_dim3A_667 = vector.broadcast %broadcast_in_dim3A_666 : i32 to vector<16xi32>
        %gather3A_668 = tpu.vector_load_idx %arg18[%add3A_96, %broadcast_in_dim3A_667] : memref<64x128xf32, #tpu.memory_space<vmem>>[vector<16xi32>, vector<16xi32>], vector<16xf32>,
        %mul3A_669 = arith.mulf %bitcast_convert_type3A_637, %gather3A_662 : vector<16xf32>
        %add3A_670 = arith.addf %mul3A_669, %gather3A_659 : vector<16xf32>
        %abs3A_671 = math.absf %bitcast_convert_type3A_648 : vector<16xf32>
        %abs3A_672 = math.absf %gather3A_665 : vector<16xf32>
        %mul3A_673 = arith.mulf %abs3A_671, %abs3A_672 : vector<16xf32>
        %abs3A_674 = math.absf %gather3A_668 : vector<16xf32>
        %add3A_675 = arith.addf %mul3A_673, %abs3A_674 : vector<16xf32>
        %sub3A_676 = arith.subf %add3A_670, %bitcast_convert_type3A_656 : vector<16xf32>
        %abs3A_677 = math.absf %sub3A_676 : vector<16xf32>
        %sub3A_678 = arith.subf %abs3A_677, %add3A_675 : vector<16xf32>
        %max3A_679 = arith.constant 0.000000e+00 : f32
        %max3A_680 = vector.broadcast %max3A_679 : f32 to vector<16xf32>
        %max3A_681 = arith.maximumf %sub3A_678, %max3A_680 : vector<16xf32>
        %min3A_682 = arith.minimumf %abs3A_677, %add3A_675 : vector<16xf32>
        %mul3A_683 = arith.mulf %max3A_681, %max3A_681 : vector<16xf32>
        %add3A_684 = arith.addf %add3A_627, %mul3A_683 : vector<16xf32>
        %mul3A_685 = arith.mulf %min3A_682, %min3A_682 : vector<16xf32>
        %add3A_686 = arith.addf %add3A_629, %mul3A_685 : vector<16xf32>
        %add3A_687 = arith.constant 10 : i32
        %add3A_688 = vector.broadcast %add3A_687 : i32 to vector<16xi32>
        %add3A_689 = arith.addi %shift_left3A_110, %add3A_688 : vector<16xi32>
        %gather3A_690 = tpu.vector_load_idx %arg16[%add3A_96, %add3A_689] : memref<64x128xi32, #tpu.memory_space<vmem>>[vector<16xi32>, vector<16xi32>], vector<16xi32>,
        %and3A_691 = arith.constant -65536 : i32
        %and3A_692 = vector.broadcast %and3A_691 : i32 to vector<16xi32>
        %and3A_693 = arith.andi %gather3A_690, %and3A_692 : vector<16xi32>
        %bitcast_convert_type3A_694 = tpu.bitcast %and3A_693 : vector<16xi32> -> vector<16xf32>
        %add3A_695 = arith.constant 16 : i32
        %add3A_696 = vector.broadcast %add3A_695 : i32 to vector<16xi32>
        %add3A_697 = arith.addi %shift_left3A_110, %add3A_696 : vector<16xi32>
        %add3A_698 = arith.constant 10 : i32
        %add3A_699 = vector.broadcast %add3A_698 : i32 to vector<16xi32>
        %add3A_700 = arith.addi %add3A_697, %add3A_699 : vector<16xi32>
        %gather3A_701 = tpu.vector_load_idx %arg16[%add3A_96, %add3A_700] : memref<64x128xi32, #tpu.memory_space<vmem>>[vector<16xi32>, vector<16xi32>], vector<16xi32>,
        %and3A_702 = arith.constant -65536 : i32
        %and3A_703 = vector.broadcast %and3A_702 : i32 to vector<16xi32>
        %and3A_704 = arith.andi %gather3A_701, %and3A_703 : vector<16xi32>
        %bitcast_convert_type3A_705 = tpu.bitcast %and3A_704 : vector<16xi32> -> vector<16xf32>
        %add3A_706 = arith.constant 10 : i32
        %add3A_707 = vector.broadcast %add3A_706 : i32 to vector<16xi32>
        %add3A_708 = arith.addi %shift_left3A_119, %add3A_707 : vector<16xi32>
        %gather3A_709 = tpu.vector_load_idx %arg17[%add3A_96, %add3A_708] : memref<64x128xi32, #tpu.memory_space<vmem>>[vector<16xi32>, vector<16xi32>], vector<16xi32>,
        %and3A_710 = arith.constant -65536 : i32
        %and3A_711 = vector.broadcast %and3A_710 : i32 to vector<16xi32>
        %and3A_712 = arith.andi %gather3A_709, %and3A_711 : vector<16xi32>
        %bitcast_convert_type3A_713 = tpu.bitcast %and3A_712 : vector<16xi32> -> vector<16xf32>
        %broadcast_in_dim3A_714 = arith.constant 10 : i32
        %broadcast_in_dim3A_715 = vector.broadcast %broadcast_in_dim3A_714 : i32 to vector<16xi32>
        %gather3A_716 = tpu.vector_load_idx %arg18[%add3A_96, %broadcast_in_dim3A_715] : memref<64x128xf32, #tpu.memory_space<vmem>>[vector<16xi32>, vector<16xi32>], vector<16xf32>,
        %broadcast_in_dim3A_717 = arith.constant 42 : i32
        %broadcast_in_dim3A_718 = vector.broadcast %broadcast_in_dim3A_717 : i32 to vector<16xi32>
        %gather3A_719 = tpu.vector_load_idx %arg18[%add3A_96, %broadcast_in_dim3A_718] : memref<64x128xf32, #tpu.memory_space<vmem>>[vector<16xi32>, vector<16xi32>], vector<16xf32>,
        %broadcast_in_dim3A_720 = arith.constant 74 : i32
        %broadcast_in_dim3A_721 = vector.broadcast %broadcast_in_dim3A_720 : i32 to vector<16xi32>
        %gather3A_722 = tpu.vector_load_idx %arg18[%add3A_96, %broadcast_in_dim3A_721] : memref<64x128xf32, #tpu.memory_space<vmem>>[vector<16xi32>, vector<16xi32>], vector<16xf32>,
        %broadcast_in_dim3A_723 = arith.constant 106 : i32
        %broadcast_in_dim3A_724 = vector.broadcast %broadcast_in_dim3A_723 : i32 to vector<16xi32>
        %gather3A_725 = tpu.vector_load_idx %arg18[%add3A_96, %broadcast_in_dim3A_724] : memref<64x128xf32, #tpu.memory_space<vmem>>[vector<16xi32>, vector<16xi32>], vector<16xf32>,
        %mul3A_726 = arith.mulf %bitcast_convert_type3A_694, %gather3A_719 : vector<16xf32>
        %add3A_727 = arith.addf %mul3A_726, %gather3A_716 : vector<16xf32>
        %abs3A_728 = math.absf %bitcast_convert_type3A_705 : vector<16xf32>
        %abs3A_729 = math.absf %gather3A_722 : vector<16xf32>
        %mul3A_730 = arith.mulf %abs3A_728, %abs3A_729 : vector<16xf32>
        %abs3A_731 = math.absf %gather3A_725 : vector<16xf32>
        %add3A_732 = arith.addf %mul3A_730, %abs3A_731 : vector<16xf32>
        %sub3A_733 = arith.subf %add3A_727, %bitcast_convert_type3A_713 : vector<16xf32>
        %abs3A_734 = math.absf %sub3A_733 : vector<16xf32>
        %sub3A_735 = arith.subf %abs3A_734, %add3A_732 : vector<16xf32>
        %max3A_736 = arith.constant 0.000000e+00 : f32
        %max3A_737 = vector.broadcast %max3A_736 : f32 to vector<16xf32>
        %max3A_738 = arith.maximumf %sub3A_735, %max3A_737 : vector<16xf32>
        %min3A_739 = arith.minimumf %abs3A_734, %add3A_732 : vector<16xf32>
        %mul3A_740 = arith.mulf %max3A_738, %max3A_738 : vector<16xf32>
        %add3A_741 = arith.addf %add3A_684, %mul3A_740 : vector<16xf32>
        %mul3A_742 = arith.mulf %min3A_739, %min3A_739 : vector<16xf32>
        %add3A_743 = arith.addf %add3A_686, %mul3A_742 : vector<16xf32>
        %add3A_744 = arith.constant 11 : i32
        %add3A_745 = vector.broadcast %add3A_744 : i32 to vector<16xi32>
        %add3A_746 = arith.addi %shift_left3A_110, %add3A_745 : vector<16xi32>
        %gather3A_747 = tpu.vector_load_idx %arg16[%add3A_96, %add3A_746] : memref<64x128xi32, #tpu.memory_space<vmem>>[vector<16xi32>, vector<16xi32>], vector<16xi32>,
        %and3A_748 = arith.constant -65536 : i32
        %and3A_749 = vector.broadcast %and3A_748 : i32 to vector<16xi32>
        %and3A_750 = arith.andi %gather3A_747, %and3A_749 : vector<16xi32>
        %bitcast_convert_type3A_751 = tpu.bitcast %and3A_750 : vector<16xi32> -> vector<16xf32>
        %add3A_752 = arith.constant 16 : i32
        %add3A_753 = vector.broadcast %add3A_752 : i32 to vector<16xi32>
        %add3A_754 = arith.addi %shift_left3A_110, %add3A_753 : vector<16xi32>
        %add3A_755 = arith.constant 11 : i32
        %add3A_756 = vector.broadcast %add3A_755 : i32 to vector<16xi32>
        %add3A_757 = arith.addi %add3A_754, %add3A_756 : vector<16xi32>
        %gather3A_758 = tpu.vector_load_idx %arg16[%add3A_96, %add3A_757] : memref<64x128xi32, #tpu.memory_space<vmem>>[vector<16xi32>, vector<16xi32>], vector<16xi32>,
        %and3A_759 = arith.constant -65536 : i32
        %and3A_760 = vector.broadcast %and3A_759 : i32 to vector<16xi32>
        %and3A_761 = arith.andi %gather3A_758, %and3A_760 : vector<16xi32>
        %bitcast_convert_type3A_762 = tpu.bitcast %and3A_761 : vector<16xi32> -> vector<16xf32>
        %add3A_763 = arith.constant 11 : i32
        %add3A_764 = vector.broadcast %add3A_763 : i32 to vector<16xi32>
        %add3A_765 = arith.addi %shift_left3A_119, %add3A_764 : vector<16xi32>
        %gather3A_766 = tpu.vector_load_idx %arg17[%add3A_96, %add3A_765] : memref<64x128xi32, #tpu.memory_space<vmem>>[vector<16xi32>, vector<16xi32>], vector<16xi32>,
        %and3A_767 = arith.constant -65536 : i32
        %and3A_768 = vector.broadcast %and3A_767 : i32 to vector<16xi32>
        %and3A_769 = arith.andi %gather3A_766, %and3A_768 : vector<16xi32>
        %bitcast_convert_type3A_770 = tpu.bitcast %and3A_769 : vector<16xi32> -> vector<16xf32>
        %broadcast_in_dim3A_771 = arith.constant 11 : i32
        %broadcast_in_dim3A_772 = vector.broadcast %broadcast_in_dim3A_771 : i32 to vector<16xi32>
        %gather3A_773 = tpu.vector_load_idx %arg18[%add3A_96, %broadcast_in_dim3A_772] : memref<64x128xf32, #tpu.memory_space<vmem>>[vector<16xi32>, vector<16xi32>], vector<16xf32>,
        %broadcast_in_dim3A_774 = arith.constant 43 : i32
        %broadcast_in_dim3A_775 = vector.broadcast %broadcast_in_dim3A_774 : i32 to vector<16xi32>
        %gather3A_776 = tpu.vector_load_idx %arg18[%add3A_96, %broadcast_in_dim3A_775] : memref<64x128xf32, #tpu.memory_space<vmem>>[vector<16xi32>, vector<16xi32>], vector<16xf32>,
        %broadcast_in_dim3A_777 = arith.constant 75 : i32
        %broadcast_in_dim3A_778 = vector.broadcast %broadcast_in_dim3A_777 : i32 to vector<16xi32>
        %gather3A_779 = tpu.vector_load_idx %arg18[%add3A_96, %broadcast_in_dim3A_778] : memref<64x128xf32, #tpu.memory_space<vmem>>[vector<16xi32>, vector<16xi32>], vector<16xf32>,
        %broadcast_in_dim3A_780 = arith.constant 107 : i32
        %broadcast_in_dim3A_781 = vector.broadcast %broadcast_in_dim3A_780 : i32 to vector<16xi32>
        %gather3A_782 = tpu.vector_load_idx %arg18[%add3A_96, %broadcast_in_dim3A_781] : memref<64x128xf32, #tpu.memory_space<vmem>>[vector<16xi32>, vector<16xi32>], vector<16xf32>,
        %mul3A_783 = arith.mulf %bitcast_convert_type3A_751, %gather3A_776 : vector<16xf32>
        %add3A_784 = arith.addf %mul3A_783, %gather3A_773 : vector<16xf32>
        %abs3A_785 = math.absf %bitcast_convert_type3A_762 : vector<16xf32>
        %abs3A_786 = math.absf %gather3A_779 : vector<16xf32>
        %mul3A_787 = arith.mulf %abs3A_785, %abs3A_786 : vector<16xf32>
        %abs3A_788 = math.absf %gather3A_782 : vector<16xf32>
        %add3A_789 = arith.addf %mul3A_787, %abs3A_788 : vector<16xf32>
        %sub3A_790 = arith.subf %add3A_784, %bitcast_convert_type3A_770 : vector<16xf32>
        %abs3A_791 = math.absf %sub3A_790 : vector<16xf32>
        %sub3A_792 = arith.subf %abs3A_791, %add3A_789 : vector<16xf32>
        %max3A_793 = arith.constant 0.000000e+00 : f32
        %max3A_794 = vector.broadcast %max3A_793 : f32 to vector<16xf32>
        %max3A_795 = arith.maximumf %sub3A_792, %max3A_794 : vector<16xf32>
        %min3A_796 = arith.minimumf %abs3A_791, %add3A_789 : vector<16xf32>
        %mul3A_797 = arith.mulf %max3A_795, %max3A_795 : vector<16xf32>
        %add3A_798 = arith.addf %add3A_741, %mul3A_797 : vector<16xf32>
        %mul3A_799 = arith.mulf %min3A_796, %min3A_796 : vector<16xf32>
        %add3A_800 = arith.addf %add3A_743, %mul3A_799 : vector<16xf32>
        %add3A_801 = arith.constant 12 : i32
        %add3A_802 = vector.broadcast %add3A_801 : i32 to vector<16xi32>
        %add3A_803 = arith.addi %shift_left3A_110, %add3A_802 : vector<16xi32>
        %gather3A_804 = tpu.vector_load_idx %arg16[%add3A_96, %add3A_803] : memref<64x128xi32, #tpu.memory_space<vmem>>[vector<16xi32>, vector<16xi32>], vector<16xi32>,
        %and3A_805 = arith.constant -65536 : i32
        %and3A_806 = vector.broadcast %and3A_805 : i32 to vector<16xi32>
        %and3A_807 = arith.andi %gather3A_804, %and3A_806 : vector<16xi32>
        %bitcast_convert_type3A_808 = tpu.bitcast %and3A_807 : vector<16xi32> -> vector<16xf32>
        %add3A_809 = arith.constant 16 : i32
        %add3A_810 = vector.broadcast %add3A_809 : i32 to vector<16xi32>
        %add3A_811 = arith.addi %shift_left3A_110, %add3A_810 : vector<16xi32>
        %add3A_812 = arith.constant 12 : i32
        %add3A_813 = vector.broadcast %add3A_812 : i32 to vector<16xi32>
        %add3A_814 = arith.addi %add3A_811, %add3A_813 : vector<16xi32>
        %gather3A_815 = tpu.vector_load_idx %arg16[%add3A_96, %add3A_814] : memref<64x128xi32, #tpu.memory_space<vmem>>[vector<16xi32>, vector<16xi32>], vector<16xi32>,
        %and3A_816 = arith.constant -65536 : i32
        %and3A_817 = vector.broadcast %and3A_816 : i32 to vector<16xi32>
        %and3A_818 = arith.andi %gather3A_815, %and3A_817 : vector<16xi32>
        %bitcast_convert_type3A_819 = tpu.bitcast %and3A_818 : vector<16xi32> -> vector<16xf32>
        %add3A_820 = arith.constant 12 : i32
        %add3A_821 = vector.broadcast %add3A_820 : i32 to vector<16xi32>
        %add3A_822 = arith.addi %shift_left3A_119, %add3A_821 : vector<16xi32>
        %gather3A_823 = tpu.vector_load_idx %arg17[%add3A_96, %add3A_822] : memref<64x128xi32, #tpu.memory_space<vmem>>[vector<16xi32>, vector<16xi32>], vector<16xi32>,
        %and3A_824 = arith.constant -65536 : i32
        %and3A_825 = vector.broadcast %and3A_824 : i32 to vector<16xi32>
        %and3A_826 = arith.andi %gather3A_823, %and3A_825 : vector<16xi32>
        %bitcast_convert_type3A_827 = tpu.bitcast %and3A_826 : vector<16xi32> -> vector<16xf32>
        %broadcast_in_dim3A_828 = arith.constant 12 : i32
        %broadcast_in_dim3A_829 = vector.broadcast %broadcast_in_dim3A_828 : i32 to vector<16xi32>
        %gather3A_830 = tpu.vector_load_idx %arg18[%add3A_96, %broadcast_in_dim3A_829] : memref<64x128xf32, #tpu.memory_space<vmem>>[vector<16xi32>, vector<16xi32>], vector<16xf32>,
        %broadcast_in_dim3A_831 = arith.constant 44 : i32
        %broadcast_in_dim3A_832 = vector.broadcast %broadcast_in_dim3A_831 : i32 to vector<16xi32>
        %gather3A_833 = tpu.vector_load_idx %arg18[%add3A_96, %broadcast_in_dim3A_832] : memref<64x128xf32, #tpu.memory_space<vmem>>[vector<16xi32>, vector<16xi32>], vector<16xf32>,
        %broadcast_in_dim3A_834 = arith.constant 76 : i32
        %broadcast_in_dim3A_835 = vector.broadcast %broadcast_in_dim3A_834 : i32 to vector<16xi32>
        %gather3A_836 = tpu.vector_load_idx %arg18[%add3A_96, %broadcast_in_dim3A_835] : memref<64x128xf32, #tpu.memory_space<vmem>>[vector<16xi32>, vector<16xi32>], vector<16xf32>,
        %broadcast_in_dim3A_837 = arith.constant 108 : i32
        %broadcast_in_dim3A_838 = vector.broadcast %broadcast_in_dim3A_837 : i32 to vector<16xi32>
        %gather3A_839 = tpu.vector_load_idx %arg18[%add3A_96, %broadcast_in_dim3A_838] : memref<64x128xf32, #tpu.memory_space<vmem>>[vector<16xi32>, vector<16xi32>], vector<16xf32>,
        %mul3A_840 = arith.mulf %bitcast_convert_type3A_808, %gather3A_833 : vector<16xf32>
        %add3A_841 = arith.addf %mul3A_840, %gather3A_830 : vector<16xf32>
        %abs3A_842 = math.absf %bitcast_convert_type3A_819 : vector<16xf32>
        %abs3A_843 = math.absf %gather3A_836 : vector<16xf32>
        %mul3A_844 = arith.mulf %abs3A_842, %abs3A_843 : vector<16xf32>
        %abs3A_845 = math.absf %gather3A_839 : vector<16xf32>
        %add3A_846 = arith.addf %mul3A_844, %abs3A_845 : vector<16xf32>
        %sub3A_847 = arith.subf %add3A_841, %bitcast_convert_type3A_827 : vector<16xf32>
        %abs3A_848 = math.absf %sub3A_847 : vector<16xf32>
        %sub3A_849 = arith.subf %abs3A_848, %add3A_846 : vector<16xf32>
        %max3A_850 = arith.constant 0.000000e+00 : f32
        %max3A_851 = vector.broadcast %max3A_850 : f32 to vector<16xf32>
        %max3A_852 = arith.maximumf %sub3A_849, %max3A_851 : vector<16xf32>
        %min3A_853 = arith.minimumf %abs3A_848, %add3A_846 : vector<16xf32>
        %mul3A_854 = arith.mulf %max3A_852, %max3A_852 : vector<16xf32>
        %add3A_855 = arith.addf %add3A_798, %mul3A_854 : vector<16xf32>
        %mul3A_856 = arith.mulf %min3A_853, %min3A_853 : vector<16xf32>
        %add3A_857 = arith.addf %add3A_800, %mul3A_856 : vector<16xf32>
        %add3A_858 = arith.constant 13 : i32
        %add3A_859 = vector.broadcast %add3A_858 : i32 to vector<16xi32>
        %add3A_860 = arith.addi %shift_left3A_110, %add3A_859 : vector<16xi32>
        %gather3A_861 = tpu.vector_load_idx %arg16[%add3A_96, %add3A_860] : memref<64x128xi32, #tpu.memory_space<vmem>>[vector<16xi32>, vector<16xi32>], vector<16xi32>,
        %and3A_862 = arith.constant -65536 : i32
        %and3A_863 = vector.broadcast %and3A_862 : i32 to vector<16xi32>
        %and3A_864 = arith.andi %gather3A_861, %and3A_863 : vector<16xi32>
        %bitcast_convert_type3A_865 = tpu.bitcast %and3A_864 : vector<16xi32> -> vector<16xf32>
        %add3A_866 = arith.constant 16 : i32
        %add3A_867 = vector.broadcast %add3A_866 : i32 to vector<16xi32>
        %add3A_868 = arith.addi %shift_left3A_110, %add3A_867 : vector<16xi32>
        %add3A_869 = arith.constant 13 : i32
        %add3A_870 = vector.broadcast %add3A_869 : i32 to vector<16xi32>
        %add3A_871 = arith.addi %add3A_868, %add3A_870 : vector<16xi32>
        %gather3A_872 = tpu.vector_load_idx %arg16[%add3A_96, %add3A_871] : memref<64x128xi32, #tpu.memory_space<vmem>>[vector<16xi32>, vector<16xi32>], vector<16xi32>,
        %and3A_873 = arith.constant -65536 : i32
        %and3A_874 = vector.broadcast %and3A_873 : i32 to vector<16xi32>
        %and3A_875 = arith.andi %gather3A_872, %and3A_874 : vector<16xi32>
        %bitcast_convert_type3A_876 = tpu.bitcast %and3A_875 : vector<16xi32> -> vector<16xf32>
        %add3A_877 = arith.constant 13 : i32
        %add3A_878 = vector.broadcast %add3A_877 : i32 to vector<16xi32>
        %add3A_879 = arith.addi %shift_left3A_119, %add3A_878 : vector<16xi32>
        %gather3A_880 = tpu.vector_load_idx %arg17[%add3A_96, %add3A_879] : memref<64x128xi32, #tpu.memory_space<vmem>>[vector<16xi32>, vector<16xi32>], vector<16xi32>,
        %and3A_881 = arith.constant -65536 : i32
        %and3A_882 = vector.broadcast %and3A_881 : i32 to vector<16xi32>
        %and3A_883 = arith.andi %gather3A_880, %and3A_882 : vector<16xi32>
        %bitcast_convert_type3A_884 = tpu.bitcast %and3A_883 : vector<16xi32> -> vector<16xf32>
        %broadcast_in_dim3A_885 = arith.constant 13 : i32
        %broadcast_in_dim3A_886 = vector.broadcast %broadcast_in_dim3A_885 : i32 to vector<16xi32>
        %gather3A_887 = tpu.vector_load_idx %arg18[%add3A_96, %broadcast_in_dim3A_886] : memref<64x128xf32, #tpu.memory_space<vmem>>[vector<16xi32>, vector<16xi32>], vector<16xf32>,
        %broadcast_in_dim3A_888 = arith.constant 45 : i32
        %broadcast_in_dim3A_889 = vector.broadcast %broadcast_in_dim3A_888 : i32 to vector<16xi32>
        %gather3A_890 = tpu.vector_load_idx %arg18[%add3A_96, %broadcast_in_dim3A_889] : memref<64x128xf32, #tpu.memory_space<vmem>>[vector<16xi32>, vector<16xi32>], vector<16xf32>,
        %broadcast_in_dim3A_891 = arith.constant 77 : i32
        %broadcast_in_dim3A_892 = vector.broadcast %broadcast_in_dim3A_891 : i32 to vector<16xi32>
        %gather3A_893 = tpu.vector_load_idx %arg18[%add3A_96, %broadcast_in_dim3A_892] : memref<64x128xf32, #tpu.memory_space<vmem>>[vector<16xi32>, vector<16xi32>], vector<16xf32>,
        %broadcast_in_dim3A_894 = arith.constant 109 : i32
        %broadcast_in_dim3A_895 = vector.broadcast %broadcast_in_dim3A_894 : i32 to vector<16xi32>
        %gather3A_896 = tpu.vector_load_idx %arg18[%add3A_96, %broadcast_in_dim3A_895] : memref<64x128xf32, #tpu.memory_space<vmem>>[vector<16xi32>, vector<16xi32>], vector<16xf32>,
        %mul3A_897 = arith.mulf %bitcast_convert_type3A_865, %gather3A_890 : vector<16xf32>
        %add3A_898 = arith.addf %mul3A_897, %gather3A_887 : vector<16xf32>
        %abs3A_899 = math.absf %bitcast_convert_type3A_876 : vector<16xf32>
        %abs3A_900 = math.absf %gather3A_893 : vector<16xf32>
        %mul3A_901 = arith.mulf %abs3A_899, %abs3A_900 : vector<16xf32>
        %abs3A_902 = math.absf %gather3A_896 : vector<16xf32>
        %add3A_903 = arith.addf %mul3A_901, %abs3A_902 : vector<16xf32>
        %sub3A_904 = arith.subf %add3A_898, %bitcast_convert_type3A_884 : vector<16xf32>
        %abs3A_905 = math.absf %sub3A_904 : vector<16xf32>
        %sub3A_906 = arith.subf %abs3A_905, %add3A_903 : vector<16xf32>
        %max3A_907 = arith.constant 0.000000e+00 : f32
        %max3A_908 = vector.broadcast %max3A_907 : f32 to vector<16xf32>
        %max3A_909 = arith.maximumf %sub3A_906, %max3A_908 : vector<16xf32>
        %min3A_910 = arith.minimumf %abs3A_905, %add3A_903 : vector<16xf32>
        %mul3A_911 = arith.mulf %max3A_909, %max3A_909 : vector<16xf32>
        %add3A_912 = arith.addf %add3A_855, %mul3A_911 : vector<16xf32>
        %mul3A_913 = arith.mulf %min3A_910, %min3A_910 : vector<16xf32>
        %add3A_914 = arith.addf %add3A_857, %mul3A_913 : vector<16xf32>
        %add3A_915 = arith.constant 14 : i32
        %add3A_916 = vector.broadcast %add3A_915 : i32 to vector<16xi32>
        %add3A_917 = arith.addi %shift_left3A_110, %add3A_916 : vector<16xi32>
        %gather3A_918 = tpu.vector_load_idx %arg16[%add3A_96, %add3A_917] : memref<64x128xi32, #tpu.memory_space<vmem>>[vector<16xi32>, vector<16xi32>], vector<16xi32>,
        %and3A_919 = arith.constant -65536 : i32
        %and3A_920 = vector.broadcast %and3A_919 : i32 to vector<16xi32>
        %and3A_921 = arith.andi %gather3A_918, %and3A_920 : vector<16xi32>
        %bitcast_convert_type3A_922 = tpu.bitcast %and3A_921 : vector<16xi32> -> vector<16xf32>
        %add3A_923 = arith.constant 16 : i32
        %add3A_924 = vector.broadcast %add3A_923 : i32 to vector<16xi32>
        %add3A_925 = arith.addi %shift_left3A_110, %add3A_924 : vector<16xi32>
        %add3A_926 = arith.constant 14 : i32
        %add3A_927 = vector.broadcast %add3A_926 : i32 to vector<16xi32>
        %add3A_928 = arith.addi %add3A_925, %add3A_927 : vector<16xi32>
        %gather3A_929 = tpu.vector_load_idx %arg16[%add3A_96, %add3A_928] : memref<64x128xi32, #tpu.memory_space<vmem>>[vector<16xi32>, vector<16xi32>], vector<16xi32>,
        %and3A_930 = arith.constant -65536 : i32
        %and3A_931 = vector.broadcast %and3A_930 : i32 to vector<16xi32>
        %and3A_932 = arith.andi %gather3A_929, %and3A_931 : vector<16xi32>
        %bitcast_convert_type3A_933 = tpu.bitcast %and3A_932 : vector<16xi32> -> vector<16xf32>
        %add3A_934 = arith.constant 14 : i32
        %add3A_935 = vector.broadcast %add3A_934 : i32 to vector<16xi32>
        %add3A_936 = arith.addi %shift_left3A_119, %add3A_935 : vector<16xi32>
        %gather3A_937 = tpu.vector_load_idx %arg17[%add3A_96, %add3A_936] : memref<64x128xi32, #tpu.memory_space<vmem>>[vector<16xi32>, vector<16xi32>], vector<16xi32>,
        %and3A_938 = arith.constant -65536 : i32
        %and3A_939 = vector.broadcast %and3A_938 : i32 to vector<16xi32>
        %and3A_940 = arith.andi %gather3A_937, %and3A_939 : vector<16xi32>
        %bitcast_convert_type3A_941 = tpu.bitcast %and3A_940 : vector<16xi32> -> vector<16xf32>
        %broadcast_in_dim3A_942 = arith.constant 14 : i32
        %broadcast_in_dim3A_943 = vector.broadcast %broadcast_in_dim3A_942 : i32 to vector<16xi32>
        %gather3A_944 = tpu.vector_load_idx %arg18[%add3A_96, %broadcast_in_dim3A_943] : memref<64x128xf32, #tpu.memory_space<vmem>>[vector<16xi32>, vector<16xi32>], vector<16xf32>,
        %broadcast_in_dim3A_945 = arith.constant 46 : i32
        %broadcast_in_dim3A_946 = vector.broadcast %broadcast_in_dim3A_945 : i32 to vector<16xi32>
        %gather3A_947 = tpu.vector_load_idx %arg18[%add3A_96, %broadcast_in_dim3A_946] : memref<64x128xf32, #tpu.memory_space<vmem>>[vector<16xi32>, vector<16xi32>], vector<16xf32>,
        %broadcast_in_dim3A_948 = arith.constant 78 : i32
        %broadcast_in_dim3A_949 = vector.broadcast %broadcast_in_dim3A_948 : i32 to vector<16xi32>
        %gather3A_950 = tpu.vector_load_idx %arg18[%add3A_96, %broadcast_in_dim3A_949] : memref<64x128xf32, #tpu.memory_space<vmem>>[vector<16xi32>, vector<16xi32>], vector<16xf32>,
        %broadcast_in_dim3A_951 = arith.constant 110 : i32
        %broadcast_in_dim3A_952 = vector.broadcast %broadcast_in_dim3A_951 : i32 to vector<16xi32>
        %gather3A_953 = tpu.vector_load_idx %arg18[%add3A_96, %broadcast_in_dim3A_952] : memref<64x128xf32, #tpu.memory_space<vmem>>[vector<16xi32>, vector<16xi32>], vector<16xf32>,
        %mul3A_954 = arith.mulf %bitcast_convert_type3A_922, %gather3A_947 : vector<16xf32>
        %add3A_955 = arith.addf %mul3A_954, %gather3A_944 : vector<16xf32>
        %abs3A_956 = math.absf %bitcast_convert_type3A_933 : vector<16xf32>
        %abs3A_957 = math.absf %gather3A_950 : vector<16xf32>
        %mul3A_958 = arith.mulf %abs3A_956, %abs3A_957 : vector<16xf32>
        %abs3A_959 = math.absf %gather3A_953 : vector<16xf32>
        %add3A_960 = arith.addf %mul3A_958, %abs3A_959 : vector<16xf32>
        %sub3A_961 = arith.subf %add3A_955, %bitcast_convert_type3A_941 : vector<16xf32>
        %abs3A_962 = math.absf %sub3A_961 : vector<16xf32>
        %sub3A_963 = arith.subf %abs3A_962, %add3A_960 : vector<16xf32>
        %max3A_964 = arith.constant 0.000000e+00 : f32
        %max3A_965 = vector.broadcast %max3A_964 : f32 to vector<16xf32>
        %max3A_966 = arith.maximumf %sub3A_963, %max3A_965 : vector<16xf32>
        %min3A_967 = arith.minimumf %abs3A_962, %add3A_960 : vector<16xf32>
        %mul3A_968 = arith.mulf %max3A_966, %max3A_966 : vector<16xf32>
        %add3A_969 = arith.addf %add3A_912, %mul3A_968 : vector<16xf32>
        %mul3A_970 = arith.mulf %min3A_967, %min3A_967 : vector<16xf32>
        %add3A_971 = arith.addf %add3A_914, %mul3A_970 : vector<16xf32>
        %add3A_972 = arith.constant 15 : i32
        %add3A_973 = vector.broadcast %add3A_972 : i32 to vector<16xi32>
        %add3A_974 = arith.addi %shift_left3A_110, %add3A_973 : vector<16xi32>
        %gather3A_975 = tpu.vector_load_idx %arg16[%add3A_96, %add3A_974] : memref<64x128xi32, #tpu.memory_space<vmem>>[vector<16xi32>, vector<16xi32>], vector<16xi32>,
        %and3A_976 = arith.constant -65536 : i32
        %and3A_977 = vector.broadcast %and3A_976 : i32 to vector<16xi32>
        %and3A_978 = arith.andi %gather3A_975, %and3A_977 : vector<16xi32>
        %bitcast_convert_type3A_979 = tpu.bitcast %and3A_978 : vector<16xi32> -> vector<16xf32>
        %add3A_980 = arith.constant 16 : i32
        %add3A_981 = vector.broadcast %add3A_980 : i32 to vector<16xi32>
        %add3A_982 = arith.addi %shift_left3A_110, %add3A_981 : vector<16xi32>
        %add3A_983 = arith.constant 15 : i32
        %add3A_984 = vector.broadcast %add3A_983 : i32 to vector<16xi32>
        %add3A_985 = arith.addi %add3A_982, %add3A_984 : vector<16xi32>
        %gather3A_986 = tpu.vector_load_idx %arg16[%add3A_96, %add3A_985] : memref<64x128xi32, #tpu.memory_space<vmem>>[vector<16xi32>, vector<16xi32>], vector<16xi32>,
        %and3A_987 = arith.constant -65536 : i32
        %and3A_988 = vector.broadcast %and3A_987 : i32 to vector<16xi32>
        %and3A_989 = arith.andi %gather3A_986, %and3A_988 : vector<16xi32>
        %bitcast_convert_type3A_990 = tpu.bitcast %and3A_989 : vector<16xi32> -> vector<16xf32>
        %add3A_991 = arith.constant 15 : i32
        %add3A_992 = vector.broadcast %add3A_991 : i32 to vector<16xi32>
        %add3A_993 = arith.addi %shift_left3A_119, %add3A_992 : vector<16xi32>
        %gather3A_994 = tpu.vector_load_idx %arg17[%add3A_96, %add3A_993] : memref<64x128xi32, #tpu.memory_space<vmem>>[vector<16xi32>, vector<16xi32>], vector<16xi32>,
        %and3A_995 = arith.constant -65536 : i32
        %and3A_996 = vector.broadcast %and3A_995 : i32 to vector<16xi32>
        %and3A_997 = arith.andi %gather3A_994, %and3A_996 : vector<16xi32>
        %bitcast_convert_type3A_998 = tpu.bitcast %and3A_997 : vector<16xi32> -> vector<16xf32>
        %broadcast_in_dim3A_999 = arith.constant 15 : i32
        %broadcast_in_dim3A_1000 = vector.broadcast %broadcast_in_dim3A_999 : i32 to vector<16xi32>
        %gather3A_1001 = tpu.vector_load_idx %arg18[%add3A_96, %broadcast_in_dim3A_1000] : memref<64x128xf32, #tpu.memory_space<vmem>>[vector<16xi32>, vector<16xi32>], vector<16xf32>,
        %broadcast_in_dim3A_1002 = arith.constant 47 : i32
        %broadcast_in_dim3A_1003 = vector.broadcast %broadcast_in_dim3A_1002 : i32 to vector<16xi32>
        %gather3A_1004 = tpu.vector_load_idx %arg18[%add3A_96, %broadcast_in_dim3A_1003] : memref<64x128xf32, #tpu.memory_space<vmem>>[vector<16xi32>, vector<16xi32>], vector<16xf32>,
        %broadcast_in_dim3A_1005 = arith.constant 79 : i32
        %broadcast_in_dim3A_1006 = vector.broadcast %broadcast_in_dim3A_1005 : i32 to vector<16xi32>
        %gather3A_1007 = tpu.vector_load_idx %arg18[%add3A_96, %broadcast_in_dim3A_1006] : memref<64x128xf32, #tpu.memory_space<vmem>>[vector<16xi32>, vector<16xi32>], vector<16xf32>,
        %broadcast_in_dim3A_1008 = arith.constant 111 : i32
        %broadcast_in_dim3A_1009 = vector.broadcast %broadcast_in_dim3A_1008 : i32 to vector<16xi32>
        %gather3A_1010 = tpu.vector_load_idx %arg18[%add3A_96, %broadcast_in_dim3A_1009] : memref<64x128xf32, #tpu.memory_space<vmem>>[vector<16xi32>, vector<16xi32>], vector<16xf32>,
        %mul3A_1011 = arith.mulf %bitcast_convert_type3A_979, %gather3A_1004 : vector<16xf32>
        %add3A_1012 = arith.addf %mul3A_1011, %gather3A_1001 : vector<16xf32>
        %abs3A_1013 = math.absf %bitcast_convert_type3A_990 : vector<16xf32>
        %abs3A_1014 = math.absf %gather3A_1007 : vector<16xf32>
        %mul3A_1015 = arith.mulf %abs3A_1013, %abs3A_1014 : vector<16xf32>
        %abs3A_1016 = math.absf %gather3A_1010 : vector<16xf32>
        %add3A_1017 = arith.addf %mul3A_1015, %abs3A_1016 : vector<16xf32>
        %sub3A_1018 = arith.subf %add3A_1012, %bitcast_convert_type3A_998 : vector<16xf32>
        %abs3A_1019 = math.absf %sub3A_1018 : vector<16xf32>
        %sub3A_1020 = arith.subf %abs3A_1019, %add3A_1017 : vector<16xf32>
        %max3A_1021 = arith.constant 0.000000e+00 : f32
        %max3A_1022 = vector.broadcast %max3A_1021 : f32 to vector<16xf32>
        %max3A_1023 = arith.maximumf %sub3A_1020, %max3A_1022 : vector<16xf32>
        %min3A_1024 = arith.minimumf %abs3A_1019, %add3A_1017 : vector<16xf32>
        %mul3A_1025 = arith.mulf %max3A_1023, %max3A_1023 : vector<16xf32>
        %add3A_1026 = arith.addf %add3A_969, %mul3A_1025 : vector<16xf32>
        %mul3A_1027 = arith.mulf %min3A_1024, %min3A_1024 : vector<16xf32>
        %add3A_1028 = arith.addf %add3A_971, %mul3A_1027 : vector<16xf32>
        %add3A_1029 = arith.constant 0 : i32
        %add3A_1030 = vector.broadcast %add3A_1029 : i32 to vector<16xi32>
        %add3A_1031 = arith.addi %shift_left3A_110, %add3A_1030 : vector<16xi32>
        %gather3A_1032 = tpu.vector_load_idx %arg16[%add3A_96, %add3A_1031] : memref<64x128xi32, #tpu.memory_space<vmem>>[vector<16xi32>, vector<16xi32>], vector<16xi32>,
        %shift_left3A_1033 = arith.constant 16 : i32
        %shift_left3A_1034 = vector.broadcast %shift_left3A_1033 : i32 to vector<16xi32>
        %shift_left3A_1035 = arith.shli %gather3A_1032, %shift_left3A_1034 : vector<16xi32>
        %bitcast_convert_type3A_1036 = tpu.bitcast %shift_left3A_1035 : vector<16xi32> -> vector<16xf32>
        %add3A_1037 = arith.constant 16 : i32
        %add3A_1038 = vector.broadcast %add3A_1037 : i32 to vector<16xi32>
        %add3A_1039 = arith.addi %shift_left3A_110, %add3A_1038 : vector<16xi32>
        %add3A_1040 = arith.constant 0 : i32
        %add3A_1041 = vector.broadcast %add3A_1040 : i32 to vector<16xi32>
        %add3A_1042 = arith.addi %add3A_1039, %add3A_1041 : vector<16xi32>
        %gather3A_1043 = tpu.vector_load_idx %arg16[%add3A_96, %add3A_1042] : memref<64x128xi32, #tpu.memory_space<vmem>>[vector<16xi32>, vector<16xi32>], vector<16xi32>,
        %shift_left3A_1044 = arith.constant 16 : i32
        %shift_left3A_1045 = vector.broadcast %shift_left3A_1044 : i32 to vector<16xi32>
        %shift_left3A_1046 = arith.shli %gather3A_1043, %shift_left3A_1045 : vector<16xi32>
        %bitcast_convert_type3A_1047 = tpu.bitcast %shift_left3A_1046 : vector<16xi32> -> vector<16xf32>
        %add3A_1048 = arith.constant 0 : i32
        %add3A_1049 = vector.broadcast %add3A_1048 : i32 to vector<16xi32>
        %add3A_1050 = arith.addi %shift_left3A_119, %add3A_1049 : vector<16xi32>
        %gather3A_1051 = tpu.vector_load_idx %arg17[%add3A_96, %add3A_1050] : memref<64x128xi32, #tpu.memory_space<vmem>>[vector<16xi32>, vector<16xi32>], vector<16xi32>,
        %shift_left3A_1052 = arith.constant 16 : i32
        %shift_left3A_1053 = vector.broadcast %shift_left3A_1052 : i32 to vector<16xi32>
        %shift_left3A_1054 = arith.shli %gather3A_1051, %shift_left3A_1053 : vector<16xi32>
        %bitcast_convert_type3A_1055 = tpu.bitcast %shift_left3A_1054 : vector<16xi32> -> vector<16xf32>
        %broadcast_in_dim3A_1056 = arith.constant 16 : i32
        %broadcast_in_dim3A_1057 = vector.broadcast %broadcast_in_dim3A_1056 : i32 to vector<16xi32>
        %gather3A_1058 = tpu.vector_load_idx %arg18[%add3A_96, %broadcast_in_dim3A_1057] : memref<64x128xf32, #tpu.memory_space<vmem>>[vector<16xi32>, vector<16xi32>], vector<16xf32>,
        %broadcast_in_dim3A_1059 = arith.constant 48 : i32
        %broadcast_in_dim3A_1060 = vector.broadcast %broadcast_in_dim3A_1059 : i32 to vector<16xi32>
        %gather3A_1061 = tpu.vector_load_idx %arg18[%add3A_96, %broadcast_in_dim3A_1060] : memref<64x128xf32, #tpu.memory_space<vmem>>[vector<16xi32>, vector<16xi32>], vector<16xf32>,
        %broadcast_in_dim3A_1062 = arith.constant 80 : i32
        %broadcast_in_dim3A_1063 = vector.broadcast %broadcast_in_dim3A_1062 : i32 to vector<16xi32>
        %gather3A_1064 = tpu.vector_load_idx %arg18[%add3A_96, %broadcast_in_dim3A_1063] : memref<64x128xf32, #tpu.memory_space<vmem>>[vector<16xi32>, vector<16xi32>], vector<16xf32>,
        %broadcast_in_dim3A_1065 = arith.constant 112 : i32
        %broadcast_in_dim3A_1066 = vector.broadcast %broadcast_in_dim3A_1065 : i32 to vector<16xi32>
        %gather3A_1067 = tpu.vector_load_idx %arg18[%add3A_96, %broadcast_in_dim3A_1066] : memref<64x128xf32, #tpu.memory_space<vmem>>[vector<16xi32>, vector<16xi32>], vector<16xf32>,
        %mul3A_1068 = arith.mulf %bitcast_convert_type3A_1036, %gather3A_1061 : vector<16xf32>
        %add3A_1069 = arith.addf %mul3A_1068, %gather3A_1058 : vector<16xf32>
        %abs3A_1070 = math.absf %bitcast_convert_type3A_1047 : vector<16xf32>
        %abs3A_1071 = math.absf %gather3A_1064 : vector<16xf32>
        %mul3A_1072 = arith.mulf %abs3A_1070, %abs3A_1071 : vector<16xf32>
        %abs3A_1073 = math.absf %gather3A_1067 : vector<16xf32>
        %add3A_1074 = arith.addf %mul3A_1072, %abs3A_1073 : vector<16xf32>
        %sub3A_1075 = arith.subf %add3A_1069, %bitcast_convert_type3A_1055 : vector<16xf32>
        %abs3A_1076 = math.absf %sub3A_1075 : vector<16xf32>
        %sub3A_1077 = arith.subf %abs3A_1076, %add3A_1074 : vector<16xf32>
        %max3A_1078 = arith.constant 0.000000e+00 : f32
        %max3A_1079 = vector.broadcast %max3A_1078 : f32 to vector<16xf32>
        %max3A_1080 = arith.maximumf %sub3A_1077, %max3A_1079 : vector<16xf32>
        %min3A_1081 = arith.minimumf %abs3A_1076, %add3A_1074 : vector<16xf32>
        %mul3A_1082 = arith.mulf %max3A_1080, %max3A_1080 : vector<16xf32>
        %add3A_1083 = arith.addf %add3A_1026, %mul3A_1082 : vector<16xf32>
        %mul3A_1084 = arith.mulf %min3A_1081, %min3A_1081 : vector<16xf32>
        %add3A_1085 = arith.addf %add3A_1028, %mul3A_1084 : vector<16xf32>
        %add3A_1086 = arith.constant 1 : i32
        %add3A_1087 = vector.broadcast %add3A_1086 : i32 to vector<16xi32>
        %add3A_1088 = arith.addi %shift_left3A_110, %add3A_1087 : vector<16xi32>
        %gather3A_1089 = tpu.vector_load_idx %arg16[%add3A_96, %add3A_1088] : memref<64x128xi32, #tpu.memory_space<vmem>>[vector<16xi32>, vector<16xi32>], vector<16xi32>,
        %shift_left3A_1090 = arith.constant 16 : i32
        %shift_left3A_1091 = vector.broadcast %shift_left3A_1090 : i32 to vector<16xi32>
        %shift_left3A_1092 = arith.shli %gather3A_1089, %shift_left3A_1091 : vector<16xi32>
        %bitcast_convert_type3A_1093 = tpu.bitcast %shift_left3A_1092 : vector<16xi32> -> vector<16xf32>
        %add3A_1094 = arith.constant 16 : i32
        %add3A_1095 = vector.broadcast %add3A_1094 : i32 to vector<16xi32>
        %add3A_1096 = arith.addi %shift_left3A_110, %add3A_1095 : vector<16xi32>
        %add3A_1097 = arith.constant 1 : i32
        %add3A_1098 = vector.broadcast %add3A_1097 : i32 to vector<16xi32>
        %add3A_1099 = arith.addi %add3A_1096, %add3A_1098 : vector<16xi32>
        %gather3A_1100 = tpu.vector_load_idx %arg16[%add3A_96, %add3A_1099] : memref<64x128xi32, #tpu.memory_space<vmem>>[vector<16xi32>, vector<16xi32>], vector<16xi32>,
        %shift_left3A_1101 = arith.constant 16 : i32
        %shift_left3A_1102 = vector.broadcast %shift_left3A_1101 : i32 to vector<16xi32>
        %shift_left3A_1103 = arith.shli %gather3A_1100, %shift_left3A_1102 : vector<16xi32>
        %bitcast_convert_type3A_1104 = tpu.bitcast %shift_left3A_1103 : vector<16xi32> -> vector<16xf32>
        %add3A_1105 = arith.constant 1 : i32
        %add3A_1106 = vector.broadcast %add3A_1105 : i32 to vector<16xi32>
        %add3A_1107 = arith.addi %shift_left3A_119, %add3A_1106 : vector<16xi32>
        %gather3A_1108 = tpu.vector_load_idx %arg17[%add3A_96, %add3A_1107] : memref<64x128xi32, #tpu.memory_space<vmem>>[vector<16xi32>, vector<16xi32>], vector<16xi32>,
        %shift_left3A_1109 = arith.constant 16 : i32
        %shift_left3A_1110 = vector.broadcast %shift_left3A_1109 : i32 to vector<16xi32>
        %shift_left3A_1111 = arith.shli %gather3A_1108, %shift_left3A_1110 : vector<16xi32>
        %bitcast_convert_type3A_1112 = tpu.bitcast %shift_left3A_1111 : vector<16xi32> -> vector<16xf32>
        %broadcast_in_dim3A_1113 = arith.constant 17 : i32
        %broadcast_in_dim3A_1114 = vector.broadcast %broadcast_in_dim3A_1113 : i32 to vector<16xi32>
        %gather3A_1115 = tpu.vector_load_idx %arg18[%add3A_96, %broadcast_in_dim3A_1114] : memref<64x128xf32, #tpu.memory_space<vmem>>[vector<16xi32>, vector<16xi32>], vector<16xf32>,
        %broadcast_in_dim3A_1116 = arith.constant 49 : i32
        %broadcast_in_dim3A_1117 = vector.broadcast %broadcast_in_dim3A_1116 : i32 to vector<16xi32>
        %gather3A_1118 = tpu.vector_load_idx %arg18[%add3A_96, %broadcast_in_dim3A_1117] : memref<64x128xf32, #tpu.memory_space<vmem>>[vector<16xi32>, vector<16xi32>], vector<16xf32>,
        %broadcast_in_dim3A_1119 = arith.constant 81 : i32
        %broadcast_in_dim3A_1120 = vector.broadcast %broadcast_in_dim3A_1119 : i32 to vector<16xi32>
        %gather3A_1121 = tpu.vector_load_idx %arg18[%add3A_96, %broadcast_in_dim3A_1120] : memref<64x128xf32, #tpu.memory_space<vmem>>[vector<16xi32>, vector<16xi32>], vector<16xf32>,
        %broadcast_in_dim3A_1122 = arith.constant 113 : i32
        %broadcast_in_dim3A_1123 = vector.broadcast %broadcast_in_dim3A_1122 : i32 to vector<16xi32>
        %gather3A_1124 = tpu.vector_load_idx %arg18[%add3A_96, %broadcast_in_dim3A_1123] : memref<64x128xf32, #tpu.memory_space<vmem>>[vector<16xi32>, vector<16xi32>], vector<16xf32>,
        %mul3A_1125 = arith.mulf %bitcast_convert_type3A_1093, %gather3A_1118 : vector<16xf32>
        %add3A_1126 = arith.addf %mul3A_1125, %gather3A_1115 : vector<16xf32>
        %abs3A_1127 = math.absf %bitcast_convert_type3A_1104 : vector<16xf32>
        %abs3A_1128 = math.absf %gather3A_1121 : vector<16xf32>
        %mul3A_1129 = arith.mulf %abs3A_1127, %abs3A_1128 : vector<16xf32>
        %abs3A_1130 = math.absf %gather3A_1124 : vector<16xf32>
        %add3A_1131 = arith.addf %mul3A_1129, %abs3A_1130 : vector<16xf32>
        %sub3A_1132 = arith.subf %add3A_1126, %bitcast_convert_type3A_1112 : vector<16xf32>
        %abs3A_1133 = math.absf %sub3A_1132 : vector<16xf32>
        %sub3A_1134 = arith.subf %abs3A_1133, %add3A_1131 : vector<16xf32>
        %max3A_1135 = arith.constant 0.000000e+00 : f32
        %max3A_1136 = vector.broadcast %max3A_1135 : f32 to vector<16xf32>
        %max3A_1137 = arith.maximumf %sub3A_1134, %max3A_1136 : vector<16xf32>
        %min3A_1138 = arith.minimumf %abs3A_1133, %add3A_1131 : vector<16xf32>
        %mul3A_1139 = arith.mulf %max3A_1137, %max3A_1137 : vector<16xf32>
        %add3A_1140 = arith.addf %add3A_1083, %mul3A_1139 : vector<16xf32>
        %mul3A_1141 = arith.mulf %min3A_1138, %min3A_1138 : vector<16xf32>
        %add3A_1142 = arith.addf %add3A_1085, %mul3A_1141 : vector<16xf32>
        %add3A_1143 = arith.constant 2 : i32
        %add3A_1144 = vector.broadcast %add3A_1143 : i32 to vector<16xi32>
        %add3A_1145 = arith.addi %shift_left3A_110, %add3A_1144 : vector<16xi32>
        %gather3A_1146 = tpu.vector_load_idx %arg16[%add3A_96, %add3A_1145] : memref<64x128xi32, #tpu.memory_space<vmem>>[vector<16xi32>, vector<16xi32>], vector<16xi32>,
        %shift_left3A_1147 = arith.constant 16 : i32
        %shift_left3A_1148 = vector.broadcast %shift_left3A_1147 : i32 to vector<16xi32>
        %shift_left3A_1149 = arith.shli %gather3A_1146, %shift_left3A_1148 : vector<16xi32>
        %bitcast_convert_type3A_1150 = tpu.bitcast %shift_left3A_1149 : vector<16xi32> -> vector<16xf32>
        %add3A_1151 = arith.constant 16 : i32
        %add3A_1152 = vector.broadcast %add3A_1151 : i32 to vector<16xi32>
        %add3A_1153 = arith.addi %shift_left3A_110, %add3A_1152 : vector<16xi32>
        %add3A_1154 = arith.constant 2 : i32
        %add3A_1155 = vector.broadcast %add3A_1154 : i32 to vector<16xi32>
        %add3A_1156 = arith.addi %add3A_1153, %add3A_1155 : vector<16xi32>
        %gather3A_1157 = tpu.vector_load_idx %arg16[%add3A_96, %add3A_1156] : memref<64x128xi32, #tpu.memory_space<vmem>>[vector<16xi32>, vector<16xi32>], vector<16xi32>,
        %shift_left3A_1158 = arith.constant 16 : i32
        %shift_left3A_1159 = vector.broadcast %shift_left3A_1158 : i32 to vector<16xi32>
        %shift_left3A_1160 = arith.shli %gather3A_1157, %shift_left3A_1159 : vector<16xi32>
        %bitcast_convert_type3A_1161 = tpu.bitcast %shift_left3A_1160 : vector<16xi32> -> vector<16xf32>
        %add3A_1162 = arith.constant 2 : i32
        %add3A_1163 = vector.broadcast %add3A_1162 : i32 to vector<16xi32>
        %add3A_1164 = arith.addi %shift_left3A_119, %add3A_1163 : vector<16xi32>
        %gather3A_1165 = tpu.vector_load_idx %arg17[%add3A_96, %add3A_1164] : memref<64x128xi32, #tpu.memory_space<vmem>>[vector<16xi32>, vector<16xi32>], vector<16xi32>,
        %shift_left3A_1166 = arith.constant 16 : i32
        %shift_left3A_1167 = vector.broadcast %shift_left3A_1166 : i32 to vector<16xi32>
        %shift_left3A_1168 = arith.shli %gather3A_1165, %shift_left3A_1167 : vector<16xi32>
        %bitcast_convert_type3A_1169 = tpu.bitcast %shift_left3A_1168 : vector<16xi32> -> vector<16xf32>
        %broadcast_in_dim3A_1170 = arith.constant 18 : i32
        %broadcast_in_dim3A_1171 = vector.broadcast %broadcast_in_dim3A_1170 : i32 to vector<16xi32>
        %gather3A_1172 = tpu.vector_load_idx %arg18[%add3A_96, %broadcast_in_dim3A_1171] : memref<64x128xf32, #tpu.memory_space<vmem>>[vector<16xi32>, vector<16xi32>], vector<16xf32>,
        %broadcast_in_dim3A_1173 = arith.constant 50 : i32
        %broadcast_in_dim3A_1174 = vector.broadcast %broadcast_in_dim3A_1173 : i32 to vector<16xi32>
        %gather3A_1175 = tpu.vector_load_idx %arg18[%add3A_96, %broadcast_in_dim3A_1174] : memref<64x128xf32, #tpu.memory_space<vmem>>[vector<16xi32>, vector<16xi32>], vector<16xf32>,
        %broadcast_in_dim3A_1176 = arith.constant 82 : i32
        %broadcast_in_dim3A_1177 = vector.broadcast %broadcast_in_dim3A_1176 : i32 to vector<16xi32>
        %gather3A_1178 = tpu.vector_load_idx %arg18[%add3A_96, %broadcast_in_dim3A_1177] : memref<64x128xf32, #tpu.memory_space<vmem>>[vector<16xi32>, vector<16xi32>], vector<16xf32>,
        %broadcast_in_dim3A_1179 = arith.constant 114 : i32
        %broadcast_in_dim3A_1180 = vector.broadcast %broadcast_in_dim3A_1179 : i32 to vector<16xi32>
        %gather3A_1181 = tpu.vector_load_idx %arg18[%add3A_96, %broadcast_in_dim3A_1180] : memref<64x128xf32, #tpu.memory_space<vmem>>[vector<16xi32>, vector<16xi32>], vector<16xf32>,
        %mul3A_1182 = arith.mulf %bitcast_convert_type3A_1150, %gather3A_1175 : vector<16xf32>
        %add3A_1183 = arith.addf %mul3A_1182, %gather3A_1172 : vector<16xf32>
        %abs3A_1184 = math.absf %bitcast_convert_type3A_1161 : vector<16xf32>
        %abs3A_1185 = math.absf %gather3A_1178 : vector<16xf32>
        %mul3A_1186 = arith.mulf %abs3A_1184, %abs3A_1185 : vector<16xf32>
        %abs3A_1187 = math.absf %gather3A_1181 : vector<16xf32>
        %add3A_1188 = arith.addf %mul3A_1186, %abs3A_1187 : vector<16xf32>
        %sub3A_1189 = arith.subf %add3A_1183, %bitcast_convert_type3A_1169 : vector<16xf32>
        %abs3A_1190 = math.absf %sub3A_1189 : vector<16xf32>
        %sub3A_1191 = arith.subf %abs3A_1190, %add3A_1188 : vector<16xf32>
        %max3A_1192 = arith.constant 0.000000e+00 : f32
        %max3A_1193 = vector.broadcast %max3A_1192 : f32 to vector<16xf32>
        %max3A_1194 = arith.maximumf %sub3A_1191, %max3A_1193 : vector<16xf32>
        %min3A_1195 = arith.minimumf %abs3A_1190, %add3A_1188 : vector<16xf32>
        %mul3A_1196 = arith.mulf %max3A_1194, %max3A_1194 : vector<16xf32>
        %add3A_1197 = arith.addf %add3A_1140, %mul3A_1196 : vector<16xf32>
        %mul3A_1198 = arith.mulf %min3A_1195, %min3A_1195 : vector<16xf32>
        %add3A_1199 = arith.addf %add3A_1142, %mul3A_1198 : vector<16xf32>
        %add3A_1200 = arith.constant 3 : i32
        %add3A_1201 = vector.broadcast %add3A_1200 : i32 to vector<16xi32>
        %add3A_1202 = arith.addi %shift_left3A_110, %add3A_1201 : vector<16xi32>
        %gather3A_1203 = tpu.vector_load_idx %arg16[%add3A_96, %add3A_1202] : memref<64x128xi32, #tpu.memory_space<vmem>>[vector<16xi32>, vector<16xi32>], vector<16xi32>,
        %shift_left3A_1204 = arith.constant 16 : i32
        %shift_left3A_1205 = vector.broadcast %shift_left3A_1204 : i32 to vector<16xi32>
        %shift_left3A_1206 = arith.shli %gather3A_1203, %shift_left3A_1205 : vector<16xi32>
        %bitcast_convert_type3A_1207 = tpu.bitcast %shift_left3A_1206 : vector<16xi32> -> vector<16xf32>
        %add3A_1208 = arith.constant 16 : i32
        %add3A_1209 = vector.broadcast %add3A_1208 : i32 to vector<16xi32>
        %add3A_1210 = arith.addi %shift_left3A_110, %add3A_1209 : vector<16xi32>
        %add3A_1211 = arith.constant 3 : i32
        %add3A_1212 = vector.broadcast %add3A_1211 : i32 to vector<16xi32>
        %add3A_1213 = arith.addi %add3A_1210, %add3A_1212 : vector<16xi32>
        %gather3A_1214 = tpu.vector_load_idx %arg16[%add3A_96, %add3A_1213] : memref<64x128xi32, #tpu.memory_space<vmem>>[vector<16xi32>, vector<16xi32>], vector<16xi32>,
        %shift_left3A_1215 = arith.constant 16 : i32
        %shift_left3A_1216 = vector.broadcast %shift_left3A_1215 : i32 to vector<16xi32>
        %shift_left3A_1217 = arith.shli %gather3A_1214, %shift_left3A_1216 : vector<16xi32>
        %bitcast_convert_type3A_1218 = tpu.bitcast %shift_left3A_1217 : vector<16xi32> -> vector<16xf32>
        %add3A_1219 = arith.constant 3 : i32
        %add3A_1220 = vector.broadcast %add3A_1219 : i32 to vector<16xi32>
        %add3A_1221 = arith.addi %shift_left3A_119, %add3A_1220 : vector<16xi32>
        %gather3A_1222 = tpu.vector_load_idx %arg17[%add3A_96, %add3A_1221] : memref<64x128xi32, #tpu.memory_space<vmem>>[vector<16xi32>, vector<16xi32>], vector<16xi32>,
        %shift_left3A_1223 = arith.constant 16 : i32
        %shift_left3A_1224 = vector.broadcast %shift_left3A_1223 : i32 to vector<16xi32>
        %shift_left3A_1225 = arith.shli %gather3A_1222, %shift_left3A_1224 : vector<16xi32>
        %bitcast_convert_type3A_1226 = tpu.bitcast %shift_left3A_1225 : vector<16xi32> -> vector<16xf32>
        %broadcast_in_dim3A_1227 = arith.constant 19 : i32
        %broadcast_in_dim3A_1228 = vector.broadcast %broadcast_in_dim3A_1227 : i32 to vector<16xi32>
        %gather3A_1229 = tpu.vector_load_idx %arg18[%add3A_96, %broadcast_in_dim3A_1228] : memref<64x128xf32, #tpu.memory_space<vmem>>[vector<16xi32>, vector<16xi32>], vector<16xf32>,
        %broadcast_in_dim3A_1230 = arith.constant 51 : i32
        %broadcast_in_dim3A_1231 = vector.broadcast %broadcast_in_dim3A_1230 : i32 to vector<16xi32>
        %gather3A_1232 = tpu.vector_load_idx %arg18[%add3A_96, %broadcast_in_dim3A_1231] : memref<64x128xf32, #tpu.memory_space<vmem>>[vector<16xi32>, vector<16xi32>], vector<16xf32>,
        %broadcast_in_dim3A_1233 = arith.constant 83 : i32
        %broadcast_in_dim3A_1234 = vector.broadcast %broadcast_in_dim3A_1233 : i32 to vector<16xi32>
        %gather3A_1235 = tpu.vector_load_idx %arg18[%add3A_96, %broadcast_in_dim3A_1234] : memref<64x128xf32, #tpu.memory_space<vmem>>[vector<16xi32>, vector<16xi32>], vector<16xf32>,
        %broadcast_in_dim3A_1236 = arith.constant 115 : i32
        %broadcast_in_dim3A_1237 = vector.broadcast %broadcast_in_dim3A_1236 : i32 to vector<16xi32>
        %gather3A_1238 = tpu.vector_load_idx %arg18[%add3A_96, %broadcast_in_dim3A_1237] : memref<64x128xf32, #tpu.memory_space<vmem>>[vector<16xi32>, vector<16xi32>], vector<16xf32>,
        %mul3A_1239 = arith.mulf %bitcast_convert_type3A_1207, %gather3A_1232 : vector<16xf32>
        %add3A_1240 = arith.addf %mul3A_1239, %gather3A_1229 : vector<16xf32>
        %abs3A_1241 = math.absf %bitcast_convert_type3A_1218 : vector<16xf32>
        %abs3A_1242 = math.absf %gather3A_1235 : vector<16xf32>
        %mul3A_1243 = arith.mulf %abs3A_1241, %abs3A_1242 : vector<16xf32>
        %abs3A_1244 = math.absf %gather3A_1238 : vector<16xf32>
        %add3A_1245 = arith.addf %mul3A_1243, %abs3A_1244 : vector<16xf32>
        %sub3A_1246 = arith.subf %add3A_1240, %bitcast_convert_type3A_1226 : vector<16xf32>
        %abs3A_1247 = math.absf %sub3A_1246 : vector<16xf32>
        %sub3A_1248 = arith.subf %abs3A_1247, %add3A_1245 : vector<16xf32>
        %max3A_1249 = arith.constant 0.000000e+00 : f32
        %max3A_1250 = vector.broadcast %max3A_1249 : f32 to vector<16xf32>
        %max3A_1251 = arith.maximumf %sub3A_1248, %max3A_1250 : vector<16xf32>
        %min3A_1252 = arith.minimumf %abs3A_1247, %add3A_1245 : vector<16xf32>
        %mul3A_1253 = arith.mulf %max3A_1251, %max3A_1251 : vector<16xf32>
        %add3A_1254 = arith.addf %add3A_1197, %mul3A_1253 : vector<16xf32>
        %mul3A_1255 = arith.mulf %min3A_1252, %min3A_1252 : vector<16xf32>
        %add3A_1256 = arith.addf %add3A_1199, %mul3A_1255 : vector<16xf32>
        %add3A_1257 = arith.constant 4 : i32
        %add3A_1258 = vector.broadcast %add3A_1257 : i32 to vector<16xi32>
        %add3A_1259 = arith.addi %shift_left3A_110, %add3A_1258 : vector<16xi32>
        %gather3A_1260 = tpu.vector_load_idx %arg16[%add3A_96, %add3A_1259] : memref<64x128xi32, #tpu.memory_space<vmem>>[vector<16xi32>, vector<16xi32>], vector<16xi32>,
        %shift_left3A_1261 = arith.constant 16 : i32
        %shift_left3A_1262 = vector.broadcast %shift_left3A_1261 : i32 to vector<16xi32>
        %shift_left3A_1263 = arith.shli %gather3A_1260, %shift_left3A_1262 : vector<16xi32>
        %bitcast_convert_type3A_1264 = tpu.bitcast %shift_left3A_1263 : vector<16xi32> -> vector<16xf32>
        %add3A_1265 = arith.constant 16 : i32
        %add3A_1266 = vector.broadcast %add3A_1265 : i32 to vector<16xi32>
        %add3A_1267 = arith.addi %shift_left3A_110, %add3A_1266 : vector<16xi32>
        %add3A_1268 = arith.constant 4 : i32
        %add3A_1269 = vector.broadcast %add3A_1268 : i32 to vector<16xi32>
        %add3A_1270 = arith.addi %add3A_1267, %add3A_1269 : vector<16xi32>
        %gather3A_1271 = tpu.vector_load_idx %arg16[%add3A_96, %add3A_1270] : memref<64x128xi32, #tpu.memory_space<vmem>>[vector<16xi32>, vector<16xi32>], vector<16xi32>,
        %shift_left3A_1272 = arith.constant 16 : i32
        %shift_left3A_1273 = vector.broadcast %shift_left3A_1272 : i32 to vector<16xi32>
        %shift_left3A_1274 = arith.shli %gather3A_1271, %shift_left3A_1273 : vector<16xi32>
        %bitcast_convert_type3A_1275 = tpu.bitcast %shift_left3A_1274 : vector<16xi32> -> vector<16xf32>
        %add3A_1276 = arith.constant 4 : i32
        %add3A_1277 = vector.broadcast %add3A_1276 : i32 to vector<16xi32>
        %add3A_1278 = arith.addi %shift_left3A_119, %add3A_1277 : vector<16xi32>
        %gather3A_1279 = tpu.vector_load_idx %arg17[%add3A_96, %add3A_1278] : memref<64x128xi32, #tpu.memory_space<vmem>>[vector<16xi32>, vector<16xi32>], vector<16xi32>,
        %shift_left3A_1280 = arith.constant 16 : i32
        %shift_left3A_1281 = vector.broadcast %shift_left3A_1280 : i32 to vector<16xi32>
        %shift_left3A_1282 = arith.shli %gather3A_1279, %shift_left3A_1281 : vector<16xi32>
        %bitcast_convert_type3A_1283 = tpu.bitcast %shift_left3A_1282 : vector<16xi32> -> vector<16xf32>
        %broadcast_in_dim3A_1284 = arith.constant 20 : i32
        %broadcast_in_dim3A_1285 = vector.broadcast %broadcast_in_dim3A_1284 : i32 to vector<16xi32>
        %gather3A_1286 = tpu.vector_load_idx %arg18[%add3A_96, %broadcast_in_dim3A_1285] : memref<64x128xf32, #tpu.memory_space<vmem>>[vector<16xi32>, vector<16xi32>], vector<16xf32>,
        %broadcast_in_dim3A_1287 = arith.constant 52 : i32
        %broadcast_in_dim3A_1288 = vector.broadcast %broadcast_in_dim3A_1287 : i32 to vector<16xi32>
        %gather3A_1289 = tpu.vector_load_idx %arg18[%add3A_96, %broadcast_in_dim3A_1288] : memref<64x128xf32, #tpu.memory_space<vmem>>[vector<16xi32>, vector<16xi32>], vector<16xf32>,
        %broadcast_in_dim3A_1290 = arith.constant 84 : i32
        %broadcast_in_dim3A_1291 = vector.broadcast %broadcast_in_dim3A_1290 : i32 to vector<16xi32>
        %gather3A_1292 = tpu.vector_load_idx %arg18[%add3A_96, %broadcast_in_dim3A_1291] : memref<64x128xf32, #tpu.memory_space<vmem>>[vector<16xi32>, vector<16xi32>], vector<16xf32>,
        %broadcast_in_dim3A_1293 = arith.constant 116 : i32
        %broadcast_in_dim3A_1294 = vector.broadcast %broadcast_in_dim3A_1293 : i32 to vector<16xi32>
        %gather3A_1295 = tpu.vector_load_idx %arg18[%add3A_96, %broadcast_in_dim3A_1294] : memref<64x128xf32, #tpu.memory_space<vmem>>[vector<16xi32>, vector<16xi32>], vector<16xf32>,
        %mul3A_1296 = arith.mulf %bitcast_convert_type3A_1264, %gather3A_1289 : vector<16xf32>
        %add3A_1297 = arith.addf %mul3A_1296, %gather3A_1286 : vector<16xf32>
        %abs3A_1298 = math.absf %bitcast_convert_type3A_1275 : vector<16xf32>
        %abs3A_1299 = math.absf %gather3A_1292 : vector<16xf32>
        %mul3A_1300 = arith.mulf %abs3A_1298, %abs3A_1299 : vector<16xf32>
        %abs3A_1301 = math.absf %gather3A_1295 : vector<16xf32>
        %add3A_1302 = arith.addf %mul3A_1300, %abs3A_1301 : vector<16xf32>
        %sub3A_1303 = arith.subf %add3A_1297, %bitcast_convert_type3A_1283 : vector<16xf32>
        %abs3A_1304 = math.absf %sub3A_1303 : vector<16xf32>
        %sub3A_1305 = arith.subf %abs3A_1304, %add3A_1302 : vector<16xf32>
        %max3A_1306 = arith.constant 0.000000e+00 : f32
        %max3A_1307 = vector.broadcast %max3A_1306 : f32 to vector<16xf32>
        %max3A_1308 = arith.maximumf %sub3A_1305, %max3A_1307 : vector<16xf32>
        %min3A_1309 = arith.minimumf %abs3A_1304, %add3A_1302 : vector<16xf32>
        %mul3A_1310 = arith.mulf %max3A_1308, %max3A_1308 : vector<16xf32>
        %add3A_1311 = arith.addf %add3A_1254, %mul3A_1310 : vector<16xf32>
        %mul3A_1312 = arith.mulf %min3A_1309, %min3A_1309 : vector<16xf32>
        %add3A_1313 = arith.addf %add3A_1256, %mul3A_1312 : vector<16xf32>
        %add3A_1314 = arith.constant 5 : i32
        %add3A_1315 = vector.broadcast %add3A_1314 : i32 to vector<16xi32>
        %add3A_1316 = arith.addi %shift_left3A_110, %add3A_1315 : vector<16xi32>
        %gather3A_1317 = tpu.vector_load_idx %arg16[%add3A_96, %add3A_1316] : memref<64x128xi32, #tpu.memory_space<vmem>>[vector<16xi32>, vector<16xi32>], vector<16xi32>,
        %shift_left3A_1318 = arith.constant 16 : i32
        %shift_left3A_1319 = vector.broadcast %shift_left3A_1318 : i32 to vector<16xi32>
        %shift_left3A_1320 = arith.shli %gather3A_1317, %shift_left3A_1319 : vector<16xi32>
        %bitcast_convert_type3A_1321 = tpu.bitcast %shift_left3A_1320 : vector<16xi32> -> vector<16xf32>
        %add3A_1322 = arith.constant 16 : i32
        %add3A_1323 = vector.broadcast %add3A_1322 : i32 to vector<16xi32>
        %add3A_1324 = arith.addi %shift_left3A_110, %add3A_1323 : vector<16xi32>
        %add3A_1325 = arith.constant 5 : i32
        %add3A_1326 = vector.broadcast %add3A_1325 : i32 to vector<16xi32>
        %add3A_1327 = arith.addi %add3A_1324, %add3A_1326 : vector<16xi32>
        %gather3A_1328 = tpu.vector_load_idx %arg16[%add3A_96, %add3A_1327] : memref<64x128xi32, #tpu.memory_space<vmem>>[vector<16xi32>, vector<16xi32>], vector<16xi32>,
        %shift_left3A_1329 = arith.constant 16 : i32
        %shift_left3A_1330 = vector.broadcast %shift_left3A_1329 : i32 to vector<16xi32>
        %shift_left3A_1331 = arith.shli %gather3A_1328, %shift_left3A_1330 : vector<16xi32>
        %bitcast_convert_type3A_1332 = tpu.bitcast %shift_left3A_1331 : vector<16xi32> -> vector<16xf32>
        %add3A_1333 = arith.constant 5 : i32
        %add3A_1334 = vector.broadcast %add3A_1333 : i32 to vector<16xi32>
        %add3A_1335 = arith.addi %shift_left3A_119, %add3A_1334 : vector<16xi32>
        %gather3A_1336 = tpu.vector_load_idx %arg17[%add3A_96, %add3A_1335] : memref<64x128xi32, #tpu.memory_space<vmem>>[vector<16xi32>, vector<16xi32>], vector<16xi32>,
        %shift_left3A_1337 = arith.constant 16 : i32
        %shift_left3A_1338 = vector.broadcast %shift_left3A_1337 : i32 to vector<16xi32>
        %shift_left3A_1339 = arith.shli %gather3A_1336, %shift_left3A_1338 : vector<16xi32>
        %bitcast_convert_type3A_1340 = tpu.bitcast %shift_left3A_1339 : vector<16xi32> -> vector<16xf32>
        %broadcast_in_dim3A_1341 = arith.constant 21 : i32
        %broadcast_in_dim3A_1342 = vector.broadcast %broadcast_in_dim3A_1341 : i32 to vector<16xi32>
        %gather3A_1343 = tpu.vector_load_idx %arg18[%add3A_96, %broadcast_in_dim3A_1342] : memref<64x128xf32, #tpu.memory_space<vmem>>[vector<16xi32>, vector<16xi32>], vector<16xf32>,
        %broadcast_in_dim3A_1344 = arith.constant 53 : i32
        %broadcast_in_dim3A_1345 = vector.broadcast %broadcast_in_dim3A_1344 : i32 to vector<16xi32>
        %gather3A_1346 = tpu.vector_load_idx %arg18[%add3A_96, %broadcast_in_dim3A_1345] : memref<64x128xf32, #tpu.memory_space<vmem>>[vector<16xi32>, vector<16xi32>], vector<16xf32>,
        %broadcast_in_dim3A_1347 = arith.constant 85 : i32
        %broadcast_in_dim3A_1348 = vector.broadcast %broadcast_in_dim3A_1347 : i32 to vector<16xi32>
        %gather3A_1349 = tpu.vector_load_idx %arg18[%add3A_96, %broadcast_in_dim3A_1348] : memref<64x128xf32, #tpu.memory_space<vmem>>[vector<16xi32>, vector<16xi32>], vector<16xf32>,
        %broadcast_in_dim3A_1350 = arith.constant 117 : i32
        %broadcast_in_dim3A_1351 = vector.broadcast %broadcast_in_dim3A_1350 : i32 to vector<16xi32>
        %gather3A_1352 = tpu.vector_load_idx %arg18[%add3A_96, %broadcast_in_dim3A_1351] : memref<64x128xf32, #tpu.memory_space<vmem>>[vector<16xi32>, vector<16xi32>], vector<16xf32>,
        %mul3A_1353 = arith.mulf %bitcast_convert_type3A_1321, %gather3A_1346 : vector<16xf32>
        %add3A_1354 = arith.addf %mul3A_1353, %gather3A_1343 : vector<16xf32>
        %abs3A_1355 = math.absf %bitcast_convert_type3A_1332 : vector<16xf32>
        %abs3A_1356 = math.absf %gather3A_1349 : vector<16xf32>
        %mul3A_1357 = arith.mulf %abs3A_1355, %abs3A_1356 : vector<16xf32>
        %abs3A_1358 = math.absf %gather3A_1352 : vector<16xf32>
        %add3A_1359 = arith.addf %mul3A_1357, %abs3A_1358 : vector<16xf32>
        %sub3A_1360 = arith.subf %add3A_1354, %bitcast_convert_type3A_1340 : vector<16xf32>
        %abs3A_1361 = math.absf %sub3A_1360 : vector<16xf32>
        %sub3A_1362 = arith.subf %abs3A_1361, %add3A_1359 : vector<16xf32>
        %max3A_1363 = arith.constant 0.000000e+00 : f32
        %max3A_1364 = vector.broadcast %max3A_1363 : f32 to vector<16xf32>
        %max3A_1365 = arith.maximumf %sub3A_1362, %max3A_1364 : vector<16xf32>
        %min3A_1366 = arith.minimumf %abs3A_1361, %add3A_1359 : vector<16xf32>
        %mul3A_1367 = arith.mulf %max3A_1365, %max3A_1365 : vector<16xf32>
        %add3A_1368 = arith.addf %add3A_1311, %mul3A_1367 : vector<16xf32>
        %mul3A_1369 = arith.mulf %min3A_1366, %min3A_1366 : vector<16xf32>
        %add3A_1370 = arith.addf %add3A_1313, %mul3A_1369 : vector<16xf32>
        %add3A_1371 = arith.constant 6 : i32
        %add3A_1372 = vector.broadcast %add3A_1371 : i32 to vector<16xi32>
        %add3A_1373 = arith.addi %shift_left3A_110, %add3A_1372 : vector<16xi32>
        %gather3A_1374 = tpu.vector_load_idx %arg16[%add3A_96, %add3A_1373] : memref<64x128xi32, #tpu.memory_space<vmem>>[vector<16xi32>, vector<16xi32>], vector<16xi32>,
        %shift_left3A_1375 = arith.constant 16 : i32
        %shift_left3A_1376 = vector.broadcast %shift_left3A_1375 : i32 to vector<16xi32>
        %shift_left3A_1377 = arith.shli %gather3A_1374, %shift_left3A_1376 : vector<16xi32>
        %bitcast_convert_type3A_1378 = tpu.bitcast %shift_left3A_1377 : vector<16xi32> -> vector<16xf32>
        %add3A_1379 = arith.constant 16 : i32
        %add3A_1380 = vector.broadcast %add3A_1379 : i32 to vector<16xi32>
        %add3A_1381 = arith.addi %shift_left3A_110, %add3A_1380 : vector<16xi32>
        %add3A_1382 = arith.constant 6 : i32
        %add3A_1383 = vector.broadcast %add3A_1382 : i32 to vector<16xi32>
        %add3A_1384 = arith.addi %add3A_1381, %add3A_1383 : vector<16xi32>
        %gather3A_1385 = tpu.vector_load_idx %arg16[%add3A_96, %add3A_1384] : memref<64x128xi32, #tpu.memory_space<vmem>>[vector<16xi32>, vector<16xi32>], vector<16xi32>,
        %shift_left3A_1386 = arith.constant 16 : i32
        %shift_left3A_1387 = vector.broadcast %shift_left3A_1386 : i32 to vector<16xi32>
        %shift_left3A_1388 = arith.shli %gather3A_1385, %shift_left3A_1387 : vector<16xi32>
        %bitcast_convert_type3A_1389 = tpu.bitcast %shift_left3A_1388 : vector<16xi32> -> vector<16xf32>
        %add3A_1390 = arith.constant 6 : i32
        %add3A_1391 = vector.broadcast %add3A_1390 : i32 to vector<16xi32>
        %add3A_1392 = arith.addi %shift_left3A_119, %add3A_1391 : vector<16xi32>
        %gather3A_1393 = tpu.vector_load_idx %arg17[%add3A_96, %add3A_1392] : memref<64x128xi32, #tpu.memory_space<vmem>>[vector<16xi32>, vector<16xi32>], vector<16xi32>,
        %shift_left3A_1394 = arith.constant 16 : i32
        %shift_left3A_1395 = vector.broadcast %shift_left3A_1394 : i32 to vector<16xi32>
        %shift_left3A_1396 = arith.shli %gather3A_1393, %shift_left3A_1395 : vector<16xi32>
        %bitcast_convert_type3A_1397 = tpu.bitcast %shift_left3A_1396 : vector<16xi32> -> vector<16xf32>
        %broadcast_in_dim3A_1398 = arith.constant 22 : i32
        %broadcast_in_dim3A_1399 = vector.broadcast %broadcast_in_dim3A_1398 : i32 to vector<16xi32>
        %gather3A_1400 = tpu.vector_load_idx %arg18[%add3A_96, %broadcast_in_dim3A_1399] : memref<64x128xf32, #tpu.memory_space<vmem>>[vector<16xi32>, vector<16xi32>], vector<16xf32>,
        %broadcast_in_dim3A_1401 = arith.constant 54 : i32
        %broadcast_in_dim3A_1402 = vector.broadcast %broadcast_in_dim3A_1401 : i32 to vector<16xi32>
        %gather3A_1403 = tpu.vector_load_idx %arg18[%add3A_96, %broadcast_in_dim3A_1402] : memref<64x128xf32, #tpu.memory_space<vmem>>[vector<16xi32>, vector<16xi32>], vector<16xf32>,
        %broadcast_in_dim3A_1404 = arith.constant 86 : i32
        %broadcast_in_dim3A_1405 = vector.broadcast %broadcast_in_dim3A_1404 : i32 to vector<16xi32>
        %gather3A_1406 = tpu.vector_load_idx %arg18[%add3A_96, %broadcast_in_dim3A_1405] : memref<64x128xf32, #tpu.memory_space<vmem>>[vector<16xi32>, vector<16xi32>], vector<16xf32>,
        %broadcast_in_dim3A_1407 = arith.constant 118 : i32
        %broadcast_in_dim3A_1408 = vector.broadcast %broadcast_in_dim3A_1407 : i32 to vector<16xi32>
        %gather3A_1409 = tpu.vector_load_idx %arg18[%add3A_96, %broadcast_in_dim3A_1408] : memref<64x128xf32, #tpu.memory_space<vmem>>[vector<16xi32>, vector<16xi32>], vector<16xf32>,
        %mul3A_1410 = arith.mulf %bitcast_convert_type3A_1378, %gather3A_1403 : vector<16xf32>
        %add3A_1411 = arith.addf %mul3A_1410, %gather3A_1400 : vector<16xf32>
        %abs3A_1412 = math.absf %bitcast_convert_type3A_1389 : vector<16xf32>
        %abs3A_1413 = math.absf %gather3A_1406 : vector<16xf32>
        %mul3A_1414 = arith.mulf %abs3A_1412, %abs3A_1413 : vector<16xf32>
        %abs3A_1415 = math.absf %gather3A_1409 : vector<16xf32>
        %add3A_1416 = arith.addf %mul3A_1414, %abs3A_1415 : vector<16xf32>
        %sub3A_1417 = arith.subf %add3A_1411, %bitcast_convert_type3A_1397 : vector<16xf32>
        %abs3A_1418 = math.absf %sub3A_1417 : vector<16xf32>
        %sub3A_1419 = arith.subf %abs3A_1418, %add3A_1416 : vector<16xf32>
        %max3A_1420 = arith.constant 0.000000e+00 : f32
        %max3A_1421 = vector.broadcast %max3A_1420 : f32 to vector<16xf32>
        %max3A_1422 = arith.maximumf %sub3A_1419, %max3A_1421 : vector<16xf32>
        %min3A_1423 = arith.minimumf %abs3A_1418, %add3A_1416 : vector<16xf32>
        %mul3A_1424 = arith.mulf %max3A_1422, %max3A_1422 : vector<16xf32>
        %add3A_1425 = arith.addf %add3A_1368, %mul3A_1424 : vector<16xf32>
        %mul3A_1426 = arith.mulf %min3A_1423, %min3A_1423 : vector<16xf32>
        %add3A_1427 = arith.addf %add3A_1370, %mul3A_1426 : vector<16xf32>
        %add3A_1428 = arith.constant 7 : i32
        %add3A_1429 = vector.broadcast %add3A_1428 : i32 to vector<16xi32>
        %add3A_1430 = arith.addi %shift_left3A_110, %add3A_1429 : vector<16xi32>
        %gather3A_1431 = tpu.vector_load_idx %arg16[%add3A_96, %add3A_1430] : memref<64x128xi32, #tpu.memory_space<vmem>>[vector<16xi32>, vector<16xi32>], vector<16xi32>,
        %shift_left3A_1432 = arith.constant 16 : i32
        %shift_left3A_1433 = vector.broadcast %shift_left3A_1432 : i32 to vector<16xi32>
        %shift_left3A_1434 = arith.shli %gather3A_1431, %shift_left3A_1433 : vector<16xi32>
        %bitcast_convert_type3A_1435 = tpu.bitcast %shift_left3A_1434 : vector<16xi32> -> vector<16xf32>
        %add3A_1436 = arith.constant 16 : i32
        %add3A_1437 = vector.broadcast %add3A_1436 : i32 to vector<16xi32>
        %add3A_1438 = arith.addi %shift_left3A_110, %add3A_1437 : vector<16xi32>
        %add3A_1439 = arith.constant 7 : i32
        %add3A_1440 = vector.broadcast %add3A_1439 : i32 to vector<16xi32>
        %add3A_1441 = arith.addi %add3A_1438, %add3A_1440 : vector<16xi32>
        %gather3A_1442 = tpu.vector_load_idx %arg16[%add3A_96, %add3A_1441] : memref<64x128xi32, #tpu.memory_space<vmem>>[vector<16xi32>, vector<16xi32>], vector<16xi32>,
        %shift_left3A_1443 = arith.constant 16 : i32
        %shift_left3A_1444 = vector.broadcast %shift_left3A_1443 : i32 to vector<16xi32>
        %shift_left3A_1445 = arith.shli %gather3A_1442, %shift_left3A_1444 : vector<16xi32>
        %bitcast_convert_type3A_1446 = tpu.bitcast %shift_left3A_1445 : vector<16xi32> -> vector<16xf32>
        %add3A_1447 = arith.constant 7 : i32
        %add3A_1448 = vector.broadcast %add3A_1447 : i32 to vector<16xi32>
        %add3A_1449 = arith.addi %shift_left3A_119, %add3A_1448 : vector<16xi32>
        %gather3A_1450 = tpu.vector_load_idx %arg17[%add3A_96, %add3A_1449] : memref<64x128xi32, #tpu.memory_space<vmem>>[vector<16xi32>, vector<16xi32>], vector<16xi32>,
        %shift_left3A_1451 = arith.constant 16 : i32
        %shift_left3A_1452 = vector.broadcast %shift_left3A_1451 : i32 to vector<16xi32>
        %shift_left3A_1453 = arith.shli %gather3A_1450, %shift_left3A_1452 : vector<16xi32>
        %bitcast_convert_type3A_1454 = tpu.bitcast %shift_left3A_1453 : vector<16xi32> -> vector<16xf32>
        %broadcast_in_dim3A_1455 = arith.constant 23 : i32
        %broadcast_in_dim3A_1456 = vector.broadcast %broadcast_in_dim3A_1455 : i32 to vector<16xi32>
        %gather3A_1457 = tpu.vector_load_idx %arg18[%add3A_96, %broadcast_in_dim3A_1456] : memref<64x128xf32, #tpu.memory_space<vmem>>[vector<16xi32>, vector<16xi32>], vector<16xf32>,
        %broadcast_in_dim3A_1458 = arith.constant 55 : i32
        %broadcast_in_dim3A_1459 = vector.broadcast %broadcast_in_dim3A_1458 : i32 to vector<16xi32>
        %gather3A_1460 = tpu.vector_load_idx %arg18[%add3A_96, %broadcast_in_dim3A_1459] : memref<64x128xf32, #tpu.memory_space<vmem>>[vector<16xi32>, vector<16xi32>], vector<16xf32>,
        %broadcast_in_dim3A_1461 = arith.constant 87 : i32
        %broadcast_in_dim3A_1462 = vector.broadcast %broadcast_in_dim3A_1461 : i32 to vector<16xi32>
        %gather3A_1463 = tpu.vector_load_idx %arg18[%add3A_96, %broadcast_in_dim3A_1462] : memref<64x128xf32, #tpu.memory_space<vmem>>[vector<16xi32>, vector<16xi32>], vector<16xf32>,
        %broadcast_in_dim3A_1464 = arith.constant 119 : i32
        %broadcast_in_dim3A_1465 = vector.broadcast %broadcast_in_dim3A_1464 : i32 to vector<16xi32>
        %gather3A_1466 = tpu.vector_load_idx %arg18[%add3A_96, %broadcast_in_dim3A_1465] : memref<64x128xf32, #tpu.memory_space<vmem>>[vector<16xi32>, vector<16xi32>], vector<16xf32>,
        %mul3A_1467 = arith.mulf %bitcast_convert_type3A_1435, %gather3A_1460 : vector<16xf32>
        %add3A_1468 = arith.addf %mul3A_1467, %gather3A_1457 : vector<16xf32>
        %abs3A_1469 = math.absf %bitcast_convert_type3A_1446 : vector<16xf32>
        %abs3A_1470 = math.absf %gather3A_1463 : vector<16xf32>
        %mul3A_1471 = arith.mulf %abs3A_1469, %abs3A_1470 : vector<16xf32>
        %abs3A_1472 = math.absf %gather3A_1466 : vector<16xf32>
        %add3A_1473 = arith.addf %mul3A_1471, %abs3A_1472 : vector<16xf32>
        %sub3A_1474 = arith.subf %add3A_1468, %bitcast_convert_type3A_1454 : vector<16xf32>
        %abs3A_1475 = math.absf %sub3A_1474 : vector<16xf32>
        %sub3A_1476 = arith.subf %abs3A_1475, %add3A_1473 : vector<16xf32>
        %max3A_1477 = arith.constant 0.000000e+00 : f32
        %max3A_1478 = vector.broadcast %max3A_1477 : f32 to vector<16xf32>
        %max3A_1479 = arith.maximumf %sub3A_1476, %max3A_1478 : vector<16xf32>
        %min3A_1480 = arith.minimumf %abs3A_1475, %add3A_1473 : vector<16xf32>
        %mul3A_1481 = arith.mulf %max3A_1479, %max3A_1479 : vector<16xf32>
        %add3A_1482 = arith.addf %add3A_1425, %mul3A_1481 : vector<16xf32>
        %mul3A_1483 = arith.mulf %min3A_1480, %min3A_1480 : vector<16xf32>
        %add3A_1484 = arith.addf %add3A_1427, %mul3A_1483 : vector<16xf32>
        %add3A_1485 = arith.constant 8 : i32
        %add3A_1486 = vector.broadcast %add3A_1485 : i32 to vector<16xi32>
        %add3A_1487 = arith.addi %shift_left3A_110, %add3A_1486 : vector<16xi32>
        %gather3A_1488 = tpu.vector_load_idx %arg16[%add3A_96, %add3A_1487] : memref<64x128xi32, #tpu.memory_space<vmem>>[vector<16xi32>, vector<16xi32>], vector<16xi32>,
        %shift_left3A_1489 = arith.constant 16 : i32
        %shift_left3A_1490 = vector.broadcast %shift_left3A_1489 : i32 to vector<16xi32>
        %shift_left3A_1491 = arith.shli %gather3A_1488, %shift_left3A_1490 : vector<16xi32>
        %bitcast_convert_type3A_1492 = tpu.bitcast %shift_left3A_1491 : vector<16xi32> -> vector<16xf32>
        %add3A_1493 = arith.constant 16 : i32
        %add3A_1494 = vector.broadcast %add3A_1493 : i32 to vector<16xi32>
        %add3A_1495 = arith.addi %shift_left3A_110, %add3A_1494 : vector<16xi32>
        %add3A_1496 = arith.constant 8 : i32
        %add3A_1497 = vector.broadcast %add3A_1496 : i32 to vector<16xi32>
        %add3A_1498 = arith.addi %add3A_1495, %add3A_1497 : vector<16xi32>
        %gather3A_1499 = tpu.vector_load_idx %arg16[%add3A_96, %add3A_1498] : memref<64x128xi32, #tpu.memory_space<vmem>>[vector<16xi32>, vector<16xi32>], vector<16xi32>,
        %shift_left3A_1500 = arith.constant 16 : i32
        %shift_left3A_1501 = vector.broadcast %shift_left3A_1500 : i32 to vector<16xi32>
        %shift_left3A_1502 = arith.shli %gather3A_1499, %shift_left3A_1501 : vector<16xi32>
        %bitcast_convert_type3A_1503 = tpu.bitcast %shift_left3A_1502 : vector<16xi32> -> vector<16xf32>
        %add3A_1504 = arith.constant 8 : i32
        %add3A_1505 = vector.broadcast %add3A_1504 : i32 to vector<16xi32>
        %add3A_1506 = arith.addi %shift_left3A_119, %add3A_1505 : vector<16xi32>
        %gather3A_1507 = tpu.vector_load_idx %arg17[%add3A_96, %add3A_1506] : memref<64x128xi32, #tpu.memory_space<vmem>>[vector<16xi32>, vector<16xi32>], vector<16xi32>,
        %shift_left3A_1508 = arith.constant 16 : i32
        %shift_left3A_1509 = vector.broadcast %shift_left3A_1508 : i32 to vector<16xi32>
        %shift_left3A_1510 = arith.shli %gather3A_1507, %shift_left3A_1509 : vector<16xi32>
        %bitcast_convert_type3A_1511 = tpu.bitcast %shift_left3A_1510 : vector<16xi32> -> vector<16xf32>
        %broadcast_in_dim3A_1512 = arith.constant 24 : i32
        %broadcast_in_dim3A_1513 = vector.broadcast %broadcast_in_dim3A_1512 : i32 to vector<16xi32>
        %gather3A_1514 = tpu.vector_load_idx %arg18[%add3A_96, %broadcast_in_dim3A_1513] : memref<64x128xf32, #tpu.memory_space<vmem>>[vector<16xi32>, vector<16xi32>], vector<16xf32>,
        %broadcast_in_dim3A_1515 = arith.constant 56 : i32
        %broadcast_in_dim3A_1516 = vector.broadcast %broadcast_in_dim3A_1515 : i32 to vector<16xi32>
        %gather3A_1517 = tpu.vector_load_idx %arg18[%add3A_96, %broadcast_in_dim3A_1516] : memref<64x128xf32, #tpu.memory_space<vmem>>[vector<16xi32>, vector<16xi32>], vector<16xf32>,
        %broadcast_in_dim3A_1518 = arith.constant 88 : i32
        %broadcast_in_dim3A_1519 = vector.broadcast %broadcast_in_dim3A_1518 : i32 to vector<16xi32>
        %gather3A_1520 = tpu.vector_load_idx %arg18[%add3A_96, %broadcast_in_dim3A_1519] : memref<64x128xf32, #tpu.memory_space<vmem>>[vector<16xi32>, vector<16xi32>], vector<16xf32>,
        %broadcast_in_dim3A_1521 = arith.constant 120 : i32
        %broadcast_in_dim3A_1522 = vector.broadcast %broadcast_in_dim3A_1521 : i32 to vector<16xi32>
        %gather3A_1523 = tpu.vector_load_idx %arg18[%add3A_96, %broadcast_in_dim3A_1522] : memref<64x128xf32, #tpu.memory_space<vmem>>[vector<16xi32>, vector<16xi32>], vector<16xf32>,
        %mul3A_1524 = arith.mulf %bitcast_convert_type3A_1492, %gather3A_1517 : vector<16xf32>
        %add3A_1525 = arith.addf %mul3A_1524, %gather3A_1514 : vector<16xf32>
        %abs3A_1526 = math.absf %bitcast_convert_type3A_1503 : vector<16xf32>
        %abs3A_1527 = math.absf %gather3A_1520 : vector<16xf32>
        %mul3A_1528 = arith.mulf %abs3A_1526, %abs3A_1527 : vector<16xf32>
        %abs3A_1529 = math.absf %gather3A_1523 : vector<16xf32>
        %add3A_1530 = arith.addf %mul3A_1528, %abs3A_1529 : vector<16xf32>
        %sub3A_1531 = arith.subf %add3A_1525, %bitcast_convert_type3A_1511 : vector<16xf32>
        %abs3A_1532 = math.absf %sub3A_1531 : vector<16xf32>
        %sub3A_1533 = arith.subf %abs3A_1532, %add3A_1530 : vector<16xf32>
        %max3A_1534 = arith.constant 0.000000e+00 : f32
        %max3A_1535 = vector.broadcast %max3A_1534 : f32 to vector<16xf32>
        %max3A_1536 = arith.maximumf %sub3A_1533, %max3A_1535 : vector<16xf32>
        %min3A_1537 = arith.minimumf %abs3A_1532, %add3A_1530 : vector<16xf32>
        %mul3A_1538 = arith.mulf %max3A_1536, %max3A_1536 : vector<16xf32>
        %add3A_1539 = arith.addf %add3A_1482, %mul3A_1538 : vector<16xf32>
        %mul3A_1540 = arith.mulf %min3A_1537, %min3A_1537 : vector<16xf32>
        %add3A_1541 = arith.addf %add3A_1484, %mul3A_1540 : vector<16xf32>
        %add3A_1542 = arith.constant 9 : i32
        %add3A_1543 = vector.broadcast %add3A_1542 : i32 to vector<16xi32>
        %add3A_1544 = arith.addi %shift_left3A_110, %add3A_1543 : vector<16xi32>
        %gather3A_1545 = tpu.vector_load_idx %arg16[%add3A_96, %add3A_1544] : memref<64x128xi32, #tpu.memory_space<vmem>>[vector<16xi32>, vector<16xi32>], vector<16xi32>,
        %shift_left3A_1546 = arith.constant 16 : i32
        %shift_left3A_1547 = vector.broadcast %shift_left3A_1546 : i32 to vector<16xi32>
        %shift_left3A_1548 = arith.shli %gather3A_1545, %shift_left3A_1547 : vector<16xi32>
        %bitcast_convert_type3A_1549 = tpu.bitcast %shift_left3A_1548 : vector<16xi32> -> vector<16xf32>
        %add3A_1550 = arith.constant 16 : i32
        %add3A_1551 = vector.broadcast %add3A_1550 : i32 to vector<16xi32>
        %add3A_1552 = arith.addi %shift_left3A_110, %add3A_1551 : vector<16xi32>
        %add3A_1553 = arith.constant 9 : i32
        %add3A_1554 = vector.broadcast %add3A_1553 : i32 to vector<16xi32>
        %add3A_1555 = arith.addi %add3A_1552, %add3A_1554 : vector<16xi32>
        %gather3A_1556 = tpu.vector_load_idx %arg16[%add3A_96, %add3A_1555] : memref<64x128xi32, #tpu.memory_space<vmem>>[vector<16xi32>, vector<16xi32>], vector<16xi32>,
        %shift_left3A_1557 = arith.constant 16 : i32
        %shift_left3A_1558 = vector.broadcast %shift_left3A_1557 : i32 to vector<16xi32>
        %shift_left3A_1559 = arith.shli %gather3A_1556, %shift_left3A_1558 : vector<16xi32>
        %bitcast_convert_type3A_1560 = tpu.bitcast %shift_left3A_1559 : vector<16xi32> -> vector<16xf32>
        %add3A_1561 = arith.constant 9 : i32
        %add3A_1562 = vector.broadcast %add3A_1561 : i32 to vector<16xi32>
        %add3A_1563 = arith.addi %shift_left3A_119, %add3A_1562 : vector<16xi32>
        %gather3A_1564 = tpu.vector_load_idx %arg17[%add3A_96, %add3A_1563] : memref<64x128xi32, #tpu.memory_space<vmem>>[vector<16xi32>, vector<16xi32>], vector<16xi32>,
        %shift_left3A_1565 = arith.constant 16 : i32
        %shift_left3A_1566 = vector.broadcast %shift_left3A_1565 : i32 to vector<16xi32>
        %shift_left3A_1567 = arith.shli %gather3A_1564, %shift_left3A_1566 : vector<16xi32>
        %bitcast_convert_type3A_1568 = tpu.bitcast %shift_left3A_1567 : vector<16xi32> -> vector<16xf32>
        %broadcast_in_dim3A_1569 = arith.constant 25 : i32
        %broadcast_in_dim3A_1570 = vector.broadcast %broadcast_in_dim3A_1569 : i32 to vector<16xi32>
        %gather3A_1571 = tpu.vector_load_idx %arg18[%add3A_96, %broadcast_in_dim3A_1570] : memref<64x128xf32, #tpu.memory_space<vmem>>[vector<16xi32>, vector<16xi32>], vector<16xf32>,
        %broadcast_in_dim3A_1572 = arith.constant 57 : i32
        %broadcast_in_dim3A_1573 = vector.broadcast %broadcast_in_dim3A_1572 : i32 to vector<16xi32>
        %gather3A_1574 = tpu.vector_load_idx %arg18[%add3A_96, %broadcast_in_dim3A_1573] : memref<64x128xf32, #tpu.memory_space<vmem>>[vector<16xi32>, vector<16xi32>], vector<16xf32>,
        %broadcast_in_dim3A_1575 = arith.constant 89 : i32
        %broadcast_in_dim3A_1576 = vector.broadcast %broadcast_in_dim3A_1575 : i32 to vector<16xi32>
        %gather3A_1577 = tpu.vector_load_idx %arg18[%add3A_96, %broadcast_in_dim3A_1576] : memref<64x128xf32, #tpu.memory_space<vmem>>[vector<16xi32>, vector<16xi32>], vector<16xf32>,
        %broadcast_in_dim3A_1578 = arith.constant 121 : i32
        %broadcast_in_dim3A_1579 = vector.broadcast %broadcast_in_dim3A_1578 : i32 to vector<16xi32>
        %gather3A_1580 = tpu.vector_load_idx %arg18[%add3A_96, %broadcast_in_dim3A_1579] : memref<64x128xf32, #tpu.memory_space<vmem>>[vector<16xi32>, vector<16xi32>], vector<16xf32>,
        %mul3A_1581 = arith.mulf %bitcast_convert_type3A_1549, %gather3A_1574 : vector<16xf32>
        %add3A_1582 = arith.addf %mul3A_1581, %gather3A_1571 : vector<16xf32>
        %abs3A_1583 = math.absf %bitcast_convert_type3A_1560 : vector<16xf32>
        %abs3A_1584 = math.absf %gather3A_1577 : vector<16xf32>
        %mul3A_1585 = arith.mulf %abs3A_1583, %abs3A_1584 : vector<16xf32>
        %abs3A_1586 = math.absf %gather3A_1580 : vector<16xf32>
        %add3A_1587 = arith.addf %mul3A_1585, %abs3A_1586 : vector<16xf32>
        %sub3A_1588 = arith.subf %add3A_1582, %bitcast_convert_type3A_1568 : vector<16xf32>
        %abs3A_1589 = math.absf %sub3A_1588 : vector<16xf32>
        %sub3A_1590 = arith.subf %abs3A_1589, %add3A_1587 : vector<16xf32>
        %max3A_1591 = arith.constant 0.000000e+00 : f32
        %max3A_1592 = vector.broadcast %max3A_1591 : f32 to vector<16xf32>
        %max3A_1593 = arith.maximumf %sub3A_1590, %max3A_1592 : vector<16xf32>
        %min3A_1594 = arith.minimumf %abs3A_1589, %add3A_1587 : vector<16xf32>
        %mul3A_1595 = arith.mulf %max3A_1593, %max3A_1593 : vector<16xf32>
        %add3A_1596 = arith.addf %add3A_1539, %mul3A_1595 : vector<16xf32>
        %mul3A_1597 = arith.mulf %min3A_1594, %min3A_1594 : vector<16xf32>
        %add3A_1598 = arith.addf %add3A_1541, %mul3A_1597 : vector<16xf32>
        %add3A_1599 = arith.constant 10 : i32
        %add3A_1600 = vector.broadcast %add3A_1599 : i32 to vector<16xi32>
        %add3A_1601 = arith.addi %shift_left3A_110, %add3A_1600 : vector<16xi32>
        %gather3A_1602 = tpu.vector_load_idx %arg16[%add3A_96, %add3A_1601] : memref<64x128xi32, #tpu.memory_space<vmem>>[vector<16xi32>, vector<16xi32>], vector<16xi32>,
        %shift_left3A_1603 = arith.constant 16 : i32
        %shift_left3A_1604 = vector.broadcast %shift_left3A_1603 : i32 to vector<16xi32>
        %shift_left3A_1605 = arith.shli %gather3A_1602, %shift_left3A_1604 : vector<16xi32>
        %bitcast_convert_type3A_1606 = tpu.bitcast %shift_left3A_1605 : vector<16xi32> -> vector<16xf32>
        %add3A_1607 = arith.constant 16 : i32
        %add3A_1608 = vector.broadcast %add3A_1607 : i32 to vector<16xi32>
        %add3A_1609 = arith.addi %shift_left3A_110, %add3A_1608 : vector<16xi32>
        %add3A_1610 = arith.constant 10 : i32
        %add3A_1611 = vector.broadcast %add3A_1610 : i32 to vector<16xi32>
        %add3A_1612 = arith.addi %add3A_1609, %add3A_1611 : vector<16xi32>
        %gather3A_1613 = tpu.vector_load_idx %arg16[%add3A_96, %add3A_1612] : memref<64x128xi32, #tpu.memory_space<vmem>>[vector<16xi32>, vector<16xi32>], vector<16xi32>,
        %shift_left3A_1614 = arith.constant 16 : i32
        %shift_left3A_1615 = vector.broadcast %shift_left3A_1614 : i32 to vector<16xi32>
        %shift_left3A_1616 = arith.shli %gather3A_1613, %shift_left3A_1615 : vector<16xi32>
        %bitcast_convert_type3A_1617 = tpu.bitcast %shift_left3A_1616 : vector<16xi32> -> vector<16xf32>
        %add3A_1618 = arith.constant 10 : i32
        %add3A_1619 = vector.broadcast %add3A_1618 : i32 to vector<16xi32>
        %add3A_1620 = arith.addi %shift_left3A_119, %add3A_1619 : vector<16xi32>
        %gather3A_1621 = tpu.vector_load_idx %arg17[%add3A_96, %add3A_1620] : memref<64x128xi32, #tpu.memory_space<vmem>>[vector<16xi32>, vector<16xi32>], vector<16xi32>,
        %shift_left3A_1622 = arith.constant 16 : i32
        %shift_left3A_1623 = vector.broadcast %shift_left3A_1622 : i32 to vector<16xi32>
        %shift_left3A_1624 = arith.shli %gather3A_1621, %shift_left3A_1623 : vector<16xi32>
        %bitcast_convert_type3A_1625 = tpu.bitcast %shift_left3A_1624 : vector<16xi32> -> vector<16xf32>
        %broadcast_in_dim3A_1626 = arith.constant 26 : i32
        %broadcast_in_dim3A_1627 = vector.broadcast %broadcast_in_dim3A_1626 : i32 to vector<16xi32>
        %gather3A_1628 = tpu.vector_load_idx %arg18[%add3A_96, %broadcast_in_dim3A_1627] : memref<64x128xf32, #tpu.memory_space<vmem>>[vector<16xi32>, vector<16xi32>], vector<16xf32>,
        %broadcast_in_dim3A_1629 = arith.constant 58 : i32
        %broadcast_in_dim3A_1630 = vector.broadcast %broadcast_in_dim3A_1629 : i32 to vector<16xi32>
        %gather3A_1631 = tpu.vector_load_idx %arg18[%add3A_96, %broadcast_in_dim3A_1630] : memref<64x128xf32, #tpu.memory_space<vmem>>[vector<16xi32>, vector<16xi32>], vector<16xf32>,
        %broadcast_in_dim3A_1632 = arith.constant 90 : i32
        %broadcast_in_dim3A_1633 = vector.broadcast %broadcast_in_dim3A_1632 : i32 to vector<16xi32>
        %gather3A_1634 = tpu.vector_load_idx %arg18[%add3A_96, %broadcast_in_dim3A_1633] : memref<64x128xf32, #tpu.memory_space<vmem>>[vector<16xi32>, vector<16xi32>], vector<16xf32>,
        %broadcast_in_dim3A_1635 = arith.constant 122 : i32
        %broadcast_in_dim3A_1636 = vector.broadcast %broadcast_in_dim3A_1635 : i32 to vector<16xi32>
        %gather3A_1637 = tpu.vector_load_idx %arg18[%add3A_96, %broadcast_in_dim3A_1636] : memref<64x128xf32, #tpu.memory_space<vmem>>[vector<16xi32>, vector<16xi32>], vector<16xf32>,
        %mul3A_1638 = arith.mulf %bitcast_convert_type3A_1606, %gather3A_1631 : vector<16xf32>
        %add3A_1639 = arith.addf %mul3A_1638, %gather3A_1628 : vector<16xf32>
        %abs3A_1640 = math.absf %bitcast_convert_type3A_1617 : vector<16xf32>
        %abs3A_1641 = math.absf %gather3A_1634 : vector<16xf32>
        %mul3A_1642 = arith.mulf %abs3A_1640, %abs3A_1641 : vector<16xf32>
        %abs3A_1643 = math.absf %gather3A_1637 : vector<16xf32>
        %add3A_1644 = arith.addf %mul3A_1642, %abs3A_1643 : vector<16xf32>
        %sub3A_1645 = arith.subf %add3A_1639, %bitcast_convert_type3A_1625 : vector<16xf32>
        %abs3A_1646 = math.absf %sub3A_1645 : vector<16xf32>
        %sub3A_1647 = arith.subf %abs3A_1646, %add3A_1644 : vector<16xf32>
        %max3A_1648 = arith.constant 0.000000e+00 : f32
        %max3A_1649 = vector.broadcast %max3A_1648 : f32 to vector<16xf32>
        %max3A_1650 = arith.maximumf %sub3A_1647, %max3A_1649 : vector<16xf32>
        %min3A_1651 = arith.minimumf %abs3A_1646, %add3A_1644 : vector<16xf32>
        %mul3A_1652 = arith.mulf %max3A_1650, %max3A_1650 : vector<16xf32>
        %add3A_1653 = arith.addf %add3A_1596, %mul3A_1652 : vector<16xf32>
        %mul3A_1654 = arith.mulf %min3A_1651, %min3A_1651 : vector<16xf32>
        %add3A_1655 = arith.addf %add3A_1598, %mul3A_1654 : vector<16xf32>
        %add3A_1656 = arith.constant 11 : i32
        %add3A_1657 = vector.broadcast %add3A_1656 : i32 to vector<16xi32>
        %add3A_1658 = arith.addi %shift_left3A_110, %add3A_1657 : vector<16xi32>
        %gather3A_1659 = tpu.vector_load_idx %arg16[%add3A_96, %add3A_1658] : memref<64x128xi32, #tpu.memory_space<vmem>>[vector<16xi32>, vector<16xi32>], vector<16xi32>,
        %shift_left3A_1660 = arith.constant 16 : i32
        %shift_left3A_1661 = vector.broadcast %shift_left3A_1660 : i32 to vector<16xi32>
        %shift_left3A_1662 = arith.shli %gather3A_1659, %shift_left3A_1661 : vector<16xi32>
        %bitcast_convert_type3A_1663 = tpu.bitcast %shift_left3A_1662 : vector<16xi32> -> vector<16xf32>
        %add3A_1664 = arith.constant 16 : i32
        %add3A_1665 = vector.broadcast %add3A_1664 : i32 to vector<16xi32>
        %add3A_1666 = arith.addi %shift_left3A_110, %add3A_1665 : vector<16xi32>
        %add3A_1667 = arith.constant 11 : i32
        %add3A_1668 = vector.broadcast %add3A_1667 : i32 to vector<16xi32>
        %add3A_1669 = arith.addi %add3A_1666, %add3A_1668 : vector<16xi32>
        %gather3A_1670 = tpu.vector_load_idx %arg16[%add3A_96, %add3A_1669] : memref<64x128xi32, #tpu.memory_space<vmem>>[vector<16xi32>, vector<16xi32>], vector<16xi32>,
        %shift_left3A_1671 = arith.constant 16 : i32
        %shift_left3A_1672 = vector.broadcast %shift_left3A_1671 : i32 to vector<16xi32>
        %shift_left3A_1673 = arith.shli %gather3A_1670, %shift_left3A_1672 : vector<16xi32>
        %bitcast_convert_type3A_1674 = tpu.bitcast %shift_left3A_1673 : vector<16xi32> -> vector<16xf32>
        %add3A_1675 = arith.constant 11 : i32
        %add3A_1676 = vector.broadcast %add3A_1675 : i32 to vector<16xi32>
        %add3A_1677 = arith.addi %shift_left3A_119, %add3A_1676 : vector<16xi32>
        %gather3A_1678 = tpu.vector_load_idx %arg17[%add3A_96, %add3A_1677] : memref<64x128xi32, #tpu.memory_space<vmem>>[vector<16xi32>, vector<16xi32>], vector<16xi32>,
        %shift_left3A_1679 = arith.constant 16 : i32
        %shift_left3A_1680 = vector.broadcast %shift_left3A_1679 : i32 to vector<16xi32>
        %shift_left3A_1681 = arith.shli %gather3A_1678, %shift_left3A_1680 : vector<16xi32>
        %bitcast_convert_type3A_1682 = tpu.bitcast %shift_left3A_1681 : vector<16xi32> -> vector<16xf32>
        %broadcast_in_dim3A_1683 = arith.constant 27 : i32
        %broadcast_in_dim3A_1684 = vector.broadcast %broadcast_in_dim3A_1683 : i32 to vector<16xi32>
        %gather3A_1685 = tpu.vector_load_idx %arg18[%add3A_96, %broadcast_in_dim3A_1684] : memref<64x128xf32, #tpu.memory_space<vmem>>[vector<16xi32>, vector<16xi32>], vector<16xf32>,
        %broadcast_in_dim3A_1686 = arith.constant 59 : i32
        %broadcast_in_dim3A_1687 = vector.broadcast %broadcast_in_dim3A_1686 : i32 to vector<16xi32>
        %gather3A_1688 = tpu.vector_load_idx %arg18[%add3A_96, %broadcast_in_dim3A_1687] : memref<64x128xf32, #tpu.memory_space<vmem>>[vector<16xi32>, vector<16xi32>], vector<16xf32>,
        %broadcast_in_dim3A_1689 = arith.constant 91 : i32
        %broadcast_in_dim3A_1690 = vector.broadcast %broadcast_in_dim3A_1689 : i32 to vector<16xi32>
        %gather3A_1691 = tpu.vector_load_idx %arg18[%add3A_96, %broadcast_in_dim3A_1690] : memref<64x128xf32, #tpu.memory_space<vmem>>[vector<16xi32>, vector<16xi32>], vector<16xf32>,
        %broadcast_in_dim3A_1692 = arith.constant 123 : i32
        %broadcast_in_dim3A_1693 = vector.broadcast %broadcast_in_dim3A_1692 : i32 to vector<16xi32>
        %gather3A_1694 = tpu.vector_load_idx %arg18[%add3A_96, %broadcast_in_dim3A_1693] : memref<64x128xf32, #tpu.memory_space<vmem>>[vector<16xi32>, vector<16xi32>], vector<16xf32>,
        %mul3A_1695 = arith.mulf %bitcast_convert_type3A_1663, %gather3A_1688 : vector<16xf32>
        %add3A_1696 = arith.addf %mul3A_1695, %gather3A_1685 : vector<16xf32>
        %abs3A_1697 = math.absf %bitcast_convert_type3A_1674 : vector<16xf32>
        %abs3A_1698 = math.absf %gather3A_1691 : vector<16xf32>
        %mul3A_1699 = arith.mulf %abs3A_1697, %abs3A_1698 : vector<16xf32>
        %abs3A_1700 = math.absf %gather3A_1694 : vector<16xf32>
        %add3A_1701 = arith.addf %mul3A_1699, %abs3A_1700 : vector<16xf32>
        %sub3A_1702 = arith.subf %add3A_1696, %bitcast_convert_type3A_1682 : vector<16xf32>
        %abs3A_1703 = math.absf %sub3A_1702 : vector<16xf32>
        %sub3A_1704 = arith.subf %abs3A_1703, %add3A_1701 : vector<16xf32>
        %max3A_1705 = arith.constant 0.000000e+00 : f32
        %max3A_1706 = vector.broadcast %max3A_1705 : f32 to vector<16xf32>
        %max3A_1707 = arith.maximumf %sub3A_1704, %max3A_1706 : vector<16xf32>
        %min3A_1708 = arith.minimumf %abs3A_1703, %add3A_1701 : vector<16xf32>
        %mul3A_1709 = arith.mulf %max3A_1707, %max3A_1707 : vector<16xf32>
        %add3A_1710 = arith.addf %add3A_1653, %mul3A_1709 : vector<16xf32>
        %mul3A_1711 = arith.mulf %min3A_1708, %min3A_1708 : vector<16xf32>
        %add3A_1712 = arith.addf %add3A_1655, %mul3A_1711 : vector<16xf32>
        %add3A_1713 = arith.constant 12 : i32
        %add3A_1714 = vector.broadcast %add3A_1713 : i32 to vector<16xi32>
        %add3A_1715 = arith.addi %shift_left3A_110, %add3A_1714 : vector<16xi32>
        %gather3A_1716 = tpu.vector_load_idx %arg16[%add3A_96, %add3A_1715] : memref<64x128xi32, #tpu.memory_space<vmem>>[vector<16xi32>, vector<16xi32>], vector<16xi32>,
        %shift_left3A_1717 = arith.constant 16 : i32
        %shift_left3A_1718 = vector.broadcast %shift_left3A_1717 : i32 to vector<16xi32>
        %shift_left3A_1719 = arith.shli %gather3A_1716, %shift_left3A_1718 : vector<16xi32>
        %bitcast_convert_type3A_1720 = tpu.bitcast %shift_left3A_1719 : vector<16xi32> -> vector<16xf32>
        %add3A_1721 = arith.constant 16 : i32
        %add3A_1722 = vector.broadcast %add3A_1721 : i32 to vector<16xi32>
        %add3A_1723 = arith.addi %shift_left3A_110, %add3A_1722 : vector<16xi32>
        %add3A_1724 = arith.constant 12 : i32
        %add3A_1725 = vector.broadcast %add3A_1724 : i32 to vector<16xi32>
        %add3A_1726 = arith.addi %add3A_1723, %add3A_1725 : vector<16xi32>
        %gather3A_1727 = tpu.vector_load_idx %arg16[%add3A_96, %add3A_1726] : memref<64x128xi32, #tpu.memory_space<vmem>>[vector<16xi32>, vector<16xi32>], vector<16xi32>,
        %shift_left3A_1728 = arith.constant 16 : i32
        %shift_left3A_1729 = vector.broadcast %shift_left3A_1728 : i32 to vector<16xi32>
        %shift_left3A_1730 = arith.shli %gather3A_1727, %shift_left3A_1729 : vector<16xi32>
        %bitcast_convert_type3A_1731 = tpu.bitcast %shift_left3A_1730 : vector<16xi32> -> vector<16xf32>
        %add3A_1732 = arith.constant 12 : i32
        %add3A_1733 = vector.broadcast %add3A_1732 : i32 to vector<16xi32>
        %add3A_1734 = arith.addi %shift_left3A_119, %add3A_1733 : vector<16xi32>
        %gather3A_1735 = tpu.vector_load_idx %arg17[%add3A_96, %add3A_1734] : memref<64x128xi32, #tpu.memory_space<vmem>>[vector<16xi32>, vector<16xi32>], vector<16xi32>,
        %shift_left3A_1736 = arith.constant 16 : i32
        %shift_left3A_1737 = vector.broadcast %shift_left3A_1736 : i32 to vector<16xi32>
        %shift_left3A_1738 = arith.shli %gather3A_1735, %shift_left3A_1737 : vector<16xi32>
        %bitcast_convert_type3A_1739 = tpu.bitcast %shift_left3A_1738 : vector<16xi32> -> vector<16xf32>
        %broadcast_in_dim3A_1740 = arith.constant 28 : i32
        %broadcast_in_dim3A_1741 = vector.broadcast %broadcast_in_dim3A_1740 : i32 to vector<16xi32>
        %gather3A_1742 = tpu.vector_load_idx %arg18[%add3A_96, %broadcast_in_dim3A_1741] : memref<64x128xf32, #tpu.memory_space<vmem>>[vector<16xi32>, vector<16xi32>], vector<16xf32>,
        %broadcast_in_dim3A_1743 = arith.constant 60 : i32
        %broadcast_in_dim3A_1744 = vector.broadcast %broadcast_in_dim3A_1743 : i32 to vector<16xi32>
        %gather3A_1745 = tpu.vector_load_idx %arg18[%add3A_96, %broadcast_in_dim3A_1744] : memref<64x128xf32, #tpu.memory_space<vmem>>[vector<16xi32>, vector<16xi32>], vector<16xf32>,
        %broadcast_in_dim3A_1746 = arith.constant 92 : i32
        %broadcast_in_dim3A_1747 = vector.broadcast %broadcast_in_dim3A_1746 : i32 to vector<16xi32>
        %gather3A_1748 = tpu.vector_load_idx %arg18[%add3A_96, %broadcast_in_dim3A_1747] : memref<64x128xf32, #tpu.memory_space<vmem>>[vector<16xi32>, vector<16xi32>], vector<16xf32>,
        %broadcast_in_dim3A_1749 = arith.constant 124 : i32
        %broadcast_in_dim3A_1750 = vector.broadcast %broadcast_in_dim3A_1749 : i32 to vector<16xi32>
        %gather3A_1751 = tpu.vector_load_idx %arg18[%add3A_96, %broadcast_in_dim3A_1750] : memref<64x128xf32, #tpu.memory_space<vmem>>[vector<16xi32>, vector<16xi32>], vector<16xf32>,
        %mul3A_1752 = arith.mulf %bitcast_convert_type3A_1720, %gather3A_1745 : vector<16xf32>
        %add3A_1753 = arith.addf %mul3A_1752, %gather3A_1742 : vector<16xf32>
        %abs3A_1754 = math.absf %bitcast_convert_type3A_1731 : vector<16xf32>
        %abs3A_1755 = math.absf %gather3A_1748 : vector<16xf32>
        %mul3A_1756 = arith.mulf %abs3A_1754, %abs3A_1755 : vector<16xf32>
        %abs3A_1757 = math.absf %gather3A_1751 : vector<16xf32>
        %add3A_1758 = arith.addf %mul3A_1756, %abs3A_1757 : vector<16xf32>
        %sub3A_1759 = arith.subf %add3A_1753, %bitcast_convert_type3A_1739 : vector<16xf32>
        %abs3A_1760 = math.absf %sub3A_1759 : vector<16xf32>
        %sub3A_1761 = arith.subf %abs3A_1760, %add3A_1758 : vector<16xf32>
        %max3A_1762 = arith.constant 0.000000e+00 : f32
        %max3A_1763 = vector.broadcast %max3A_1762 : f32 to vector<16xf32>
        %max3A_1764 = arith.maximumf %sub3A_1761, %max3A_1763 : vector<16xf32>
        %min3A_1765 = arith.minimumf %abs3A_1760, %add3A_1758 : vector<16xf32>
        %mul3A_1766 = arith.mulf %max3A_1764, %max3A_1764 : vector<16xf32>
        %add3A_1767 = arith.addf %add3A_1710, %mul3A_1766 : vector<16xf32>
        %mul3A_1768 = arith.mulf %min3A_1765, %min3A_1765 : vector<16xf32>
        %add3A_1769 = arith.addf %add3A_1712, %mul3A_1768 : vector<16xf32>
        %add3A_1770 = arith.constant 13 : i32
        %add3A_1771 = vector.broadcast %add3A_1770 : i32 to vector<16xi32>
        %add3A_1772 = arith.addi %shift_left3A_110, %add3A_1771 : vector<16xi32>
        %gather3A_1773 = tpu.vector_load_idx %arg16[%add3A_96, %add3A_1772] : memref<64x128xi32, #tpu.memory_space<vmem>>[vector<16xi32>, vector<16xi32>], vector<16xi32>,
        %shift_left3A_1774 = arith.constant 16 : i32
        %shift_left3A_1775 = vector.broadcast %shift_left3A_1774 : i32 to vector<16xi32>
        %shift_left3A_1776 = arith.shli %gather3A_1773, %shift_left3A_1775 : vector<16xi32>
        %bitcast_convert_type3A_1777 = tpu.bitcast %shift_left3A_1776 : vector<16xi32> -> vector<16xf32>
        %add3A_1778 = arith.constant 16 : i32
        %add3A_1779 = vector.broadcast %add3A_1778 : i32 to vector<16xi32>
        %add3A_1780 = arith.addi %shift_left3A_110, %add3A_1779 : vector<16xi32>
        %add3A_1781 = arith.constant 13 : i32
        %add3A_1782 = vector.broadcast %add3A_1781 : i32 to vector<16xi32>
        %add3A_1783 = arith.addi %add3A_1780, %add3A_1782 : vector<16xi32>
        %gather3A_1784 = tpu.vector_load_idx %arg16[%add3A_96, %add3A_1783] : memref<64x128xi32, #tpu.memory_space<vmem>>[vector<16xi32>, vector<16xi32>], vector<16xi32>,
        %shift_left3A_1785 = arith.constant 16 : i32
        %shift_left3A_1786 = vector.broadcast %shift_left3A_1785 : i32 to vector<16xi32>
        %shift_left3A_1787 = arith.shli %gather3A_1784, %shift_left3A_1786 : vector<16xi32>
        %bitcast_convert_type3A_1788 = tpu.bitcast %shift_left3A_1787 : vector<16xi32> -> vector<16xf32>
        %add3A_1789 = arith.constant 13 : i32
        %add3A_1790 = vector.broadcast %add3A_1789 : i32 to vector<16xi32>
        %add3A_1791 = arith.addi %shift_left3A_119, %add3A_1790 : vector<16xi32>
        %gather3A_1792 = tpu.vector_load_idx %arg17[%add3A_96, %add3A_1791] : memref<64x128xi32, #tpu.memory_space<vmem>>[vector<16xi32>, vector<16xi32>], vector<16xi32>,
        %shift_left3A_1793 = arith.constant 16 : i32
        %shift_left3A_1794 = vector.broadcast %shift_left3A_1793 : i32 to vector<16xi32>
        %shift_left3A_1795 = arith.shli %gather3A_1792, %shift_left3A_1794 : vector<16xi32>
        %bitcast_convert_type3A_1796 = tpu.bitcast %shift_left3A_1795 : vector<16xi32> -> vector<16xf32>
        %broadcast_in_dim3A_1797 = arith.constant 29 : i32
        %broadcast_in_dim3A_1798 = vector.broadcast %broadcast_in_dim3A_1797 : i32 to vector<16xi32>
        %gather3A_1799 = tpu.vector_load_idx %arg18[%add3A_96, %broadcast_in_dim3A_1798] : memref<64x128xf32, #tpu.memory_space<vmem>>[vector<16xi32>, vector<16xi32>], vector<16xf32>,
        %broadcast_in_dim3A_1800 = arith.constant 61 : i32
        %broadcast_in_dim3A_1801 = vector.broadcast %broadcast_in_dim3A_1800 : i32 to vector<16xi32>
        %gather3A_1802 = tpu.vector_load_idx %arg18[%add3A_96, %broadcast_in_dim3A_1801] : memref<64x128xf32, #tpu.memory_space<vmem>>[vector<16xi32>, vector<16xi32>], vector<16xf32>,
        %broadcast_in_dim3A_1803 = arith.constant 93 : i32
        %broadcast_in_dim3A_1804 = vector.broadcast %broadcast_in_dim3A_1803 : i32 to vector<16xi32>
        %gather3A_1805 = tpu.vector_load_idx %arg18[%add3A_96, %broadcast_in_dim3A_1804] : memref<64x128xf32, #tpu.memory_space<vmem>>[vector<16xi32>, vector<16xi32>], vector<16xf32>,
        %broadcast_in_dim3A_1806 = arith.constant 125 : i32
        %broadcast_in_dim3A_1807 = vector.broadcast %broadcast_in_dim3A_1806 : i32 to vector<16xi32>
        %gather3A_1808 = tpu.vector_load_idx %arg18[%add3A_96, %broadcast_in_dim3A_1807] : memref<64x128xf32, #tpu.memory_space<vmem>>[vector<16xi32>, vector<16xi32>], vector<16xf32>,
        %mul3A_1809 = arith.mulf %bitcast_convert_type3A_1777, %gather3A_1802 : vector<16xf32>
        %add3A_1810 = arith.addf %mul3A_1809, %gather3A_1799 : vector<16xf32>
        %abs3A_1811 = math.absf %bitcast_convert_type3A_1788 : vector<16xf32>
        %abs3A_1812 = math.absf %gather3A_1805 : vector<16xf32>
        %mul3A_1813 = arith.mulf %abs3A_1811, %abs3A_1812 : vector<16xf32>
        %abs3A_1814 = math.absf %gather3A_1808 : vector<16xf32>
        %add3A_1815 = arith.addf %mul3A_1813, %abs3A_1814 : vector<16xf32>
        %sub3A_1816 = arith.subf %add3A_1810, %bitcast_convert_type3A_1796 : vector<16xf32>
        %abs3A_1817 = math.absf %sub3A_1816 : vector<16xf32>
        %sub3A_1818 = arith.subf %abs3A_1817, %add3A_1815 : vector<16xf32>
        %max3A_1819 = arith.constant 0.000000e+00 : f32
        %max3A_1820 = vector.broadcast %max3A_1819 : f32 to vector<16xf32>
        %max3A_1821 = arith.maximumf %sub3A_1818, %max3A_1820 : vector<16xf32>
        %min3A_1822 = arith.minimumf %abs3A_1817, %add3A_1815 : vector<16xf32>
        %mul3A_1823 = arith.mulf %max3A_1821, %max3A_1821 : vector<16xf32>
        %add3A_1824 = arith.addf %add3A_1767, %mul3A_1823 : vector<16xf32>
        %mul3A_1825 = arith.mulf %min3A_1822, %min3A_1822 : vector<16xf32>
        %add3A_1826 = arith.addf %add3A_1769, %mul3A_1825 : vector<16xf32>
        %add3A_1827 = arith.constant 14 : i32
        %add3A_1828 = vector.broadcast %add3A_1827 : i32 to vector<16xi32>
        %add3A_1829 = arith.addi %shift_left3A_110, %add3A_1828 : vector<16xi32>
        %gather3A_1830 = tpu.vector_load_idx %arg16[%add3A_96, %add3A_1829] : memref<64x128xi32, #tpu.memory_space<vmem>>[vector<16xi32>, vector<16xi32>], vector<16xi32>,
        %shift_left3A_1831 = arith.constant 16 : i32
        %shift_left3A_1832 = vector.broadcast %shift_left3A_1831 : i32 to vector<16xi32>
        %shift_left3A_1833 = arith.shli %gather3A_1830, %shift_left3A_1832 : vector<16xi32>
        %bitcast_convert_type3A_1834 = tpu.bitcast %shift_left3A_1833 : vector<16xi32> -> vector<16xf32>
        %add3A_1835 = arith.constant 16 : i32
        %add3A_1836 = vector.broadcast %add3A_1835 : i32 to vector<16xi32>
        %add3A_1837 = arith.addi %shift_left3A_110, %add3A_1836 : vector<16xi32>
        %add3A_1838 = arith.constant 14 : i32
        %add3A_1839 = vector.broadcast %add3A_1838 : i32 to vector<16xi32>
        %add3A_1840 = arith.addi %add3A_1837, %add3A_1839 : vector<16xi32>
        %gather3A_1841 = tpu.vector_load_idx %arg16[%add3A_96, %add3A_1840] : memref<64x128xi32, #tpu.memory_space<vmem>>[vector<16xi32>, vector<16xi32>], vector<16xi32>,
        %shift_left3A_1842 = arith.constant 16 : i32
        %shift_left3A_1843 = vector.broadcast %shift_left3A_1842 : i32 to vector<16xi32>
        %shift_left3A_1844 = arith.shli %gather3A_1841, %shift_left3A_1843 : vector<16xi32>
        %bitcast_convert_type3A_1845 = tpu.bitcast %shift_left3A_1844 : vector<16xi32> -> vector<16xf32>
        %add3A_1846 = arith.constant 14 : i32
        %add3A_1847 = vector.broadcast %add3A_1846 : i32 to vector<16xi32>
        %add3A_1848 = arith.addi %shift_left3A_119, %add3A_1847 : vector<16xi32>
        %gather3A_1849 = tpu.vector_load_idx %arg17[%add3A_96, %add3A_1848] : memref<64x128xi32, #tpu.memory_space<vmem>>[vector<16xi32>, vector<16xi32>], vector<16xi32>,
        %shift_left3A_1850 = arith.constant 16 : i32
        %shift_left3A_1851 = vector.broadcast %shift_left3A_1850 : i32 to vector<16xi32>
        %shift_left3A_1852 = arith.shli %gather3A_1849, %shift_left3A_1851 : vector<16xi32>
        %bitcast_convert_type3A_1853 = tpu.bitcast %shift_left3A_1852 : vector<16xi32> -> vector<16xf32>
        %broadcast_in_dim3A_1854 = arith.constant 30 : i32
        %broadcast_in_dim3A_1855 = vector.broadcast %broadcast_in_dim3A_1854 : i32 to vector<16xi32>
        %gather3A_1856 = tpu.vector_load_idx %arg18[%add3A_96, %broadcast_in_dim3A_1855] : memref<64x128xf32, #tpu.memory_space<vmem>>[vector<16xi32>, vector<16xi32>], vector<16xf32>,
        %broadcast_in_dim3A_1857 = arith.constant 62 : i32
        %broadcast_in_dim3A_1858 = vector.broadcast %broadcast_in_dim3A_1857 : i32 to vector<16xi32>
        %gather3A_1859 = tpu.vector_load_idx %arg18[%add3A_96, %broadcast_in_dim3A_1858] : memref<64x128xf32, #tpu.memory_space<vmem>>[vector<16xi32>, vector<16xi32>], vector<16xf32>,
        %broadcast_in_dim3A_1860 = arith.constant 94 : i32
        %broadcast_in_dim3A_1861 = vector.broadcast %broadcast_in_dim3A_1860 : i32 to vector<16xi32>
        %gather3A_1862 = tpu.vector_load_idx %arg18[%add3A_96, %broadcast_in_dim3A_1861] : memref<64x128xf32, #tpu.memory_space<vmem>>[vector<16xi32>, vector<16xi32>], vector<16xf32>,
        %broadcast_in_dim3A_1863 = arith.constant 126 : i32
        %broadcast_in_dim3A_1864 = vector.broadcast %broadcast_in_dim3A_1863 : i32 to vector<16xi32>
        %gather3A_1865 = tpu.vector_load_idx %arg18[%add3A_96, %broadcast_in_dim3A_1864] : memref<64x128xf32, #tpu.memory_space<vmem>>[vector<16xi32>, vector<16xi32>], vector<16xf32>,
        %mul3A_1866 = arith.mulf %bitcast_convert_type3A_1834, %gather3A_1859 : vector<16xf32>
        %add3A_1867 = arith.addf %mul3A_1866, %gather3A_1856 : vector<16xf32>
        %abs3A_1868 = math.absf %bitcast_convert_type3A_1845 : vector<16xf32>
        %abs3A_1869 = math.absf %gather3A_1862 : vector<16xf32>
        %mul3A_1870 = arith.mulf %abs3A_1868, %abs3A_1869 : vector<16xf32>
        %abs3A_1871 = math.absf %gather3A_1865 : vector<16xf32>
        %add3A_1872 = arith.addf %mul3A_1870, %abs3A_1871 : vector<16xf32>
        %sub3A_1873 = arith.subf %add3A_1867, %bitcast_convert_type3A_1853 : vector<16xf32>
        %abs3A_1874 = math.absf %sub3A_1873 : vector<16xf32>
        %sub3A_1875 = arith.subf %abs3A_1874, %add3A_1872 : vector<16xf32>
        %max3A_1876 = arith.constant 0.000000e+00 : f32
        %max3A_1877 = vector.broadcast %max3A_1876 : f32 to vector<16xf32>
        %max3A_1878 = arith.maximumf %sub3A_1875, %max3A_1877 : vector<16xf32>
        %min3A_1879 = arith.minimumf %abs3A_1874, %add3A_1872 : vector<16xf32>
        %mul3A_1880 = arith.mulf %max3A_1878, %max3A_1878 : vector<16xf32>
        %add3A_1881 = arith.addf %add3A_1824, %mul3A_1880 : vector<16xf32>
        %mul3A_1882 = arith.mulf %min3A_1879, %min3A_1879 : vector<16xf32>
        %add3A_1883 = arith.addf %add3A_1826, %mul3A_1882 : vector<16xf32>
        %add3A_1884 = arith.constant 15 : i32
        %add3A_1885 = vector.broadcast %add3A_1884 : i32 to vector<16xi32>
        %add3A_1886 = arith.addi %shift_left3A_110, %add3A_1885 : vector<16xi32>
        %gather3A_1887 = tpu.vector_load_idx %arg16[%add3A_96, %add3A_1886] : memref<64x128xi32, #tpu.memory_space<vmem>>[vector<16xi32>, vector<16xi32>], vector<16xi32>,
        %shift_left3A_1888 = arith.constant 16 : i32
        %shift_left3A_1889 = vector.broadcast %shift_left3A_1888 : i32 to vector<16xi32>
        %shift_left3A_1890 = arith.shli %gather3A_1887, %shift_left3A_1889 : vector<16xi32>
        %bitcast_convert_type3A_1891 = tpu.bitcast %shift_left3A_1890 : vector<16xi32> -> vector<16xf32>
        %add3A_1892 = arith.constant 16 : i32
        %add3A_1893 = vector.broadcast %add3A_1892 : i32 to vector<16xi32>
        %add3A_1894 = arith.addi %shift_left3A_110, %add3A_1893 : vector<16xi32>
        %add3A_1895 = arith.constant 15 : i32
        %add3A_1896 = vector.broadcast %add3A_1895 : i32 to vector<16xi32>
        %add3A_1897 = arith.addi %add3A_1894, %add3A_1896 : vector<16xi32>
        %gather3A_1898 = tpu.vector_load_idx %arg16[%add3A_96, %add3A_1897] : memref<64x128xi32, #tpu.memory_space<vmem>>[vector<16xi32>, vector<16xi32>], vector<16xi32>,
        %shift_left3A_1899 = arith.constant 16 : i32
        %shift_left3A_1900 = vector.broadcast %shift_left3A_1899 : i32 to vector<16xi32>
        %shift_left3A_1901 = arith.shli %gather3A_1898, %shift_left3A_1900 : vector<16xi32>
        %bitcast_convert_type3A_1902 = tpu.bitcast %shift_left3A_1901 : vector<16xi32> -> vector<16xf32>
        %add3A_1903 = arith.constant 15 : i32
        %add3A_1904 = vector.broadcast %add3A_1903 : i32 to vector<16xi32>
        %add3A_1905 = arith.addi %shift_left3A_119, %add3A_1904 : vector<16xi32>
        %gather3A_1906 = tpu.vector_load_idx %arg17[%add3A_96, %add3A_1905] : memref<64x128xi32, #tpu.memory_space<vmem>>[vector<16xi32>, vector<16xi32>], vector<16xi32>,
        %shift_left3A_1907 = arith.constant 16 : i32
        %shift_left3A_1908 = vector.broadcast %shift_left3A_1907 : i32 to vector<16xi32>
        %shift_left3A_1909 = arith.shli %gather3A_1906, %shift_left3A_1908 : vector<16xi32>
        %bitcast_convert_type3A_1910 = tpu.bitcast %shift_left3A_1909 : vector<16xi32> -> vector<16xf32>
        %broadcast_in_dim3A_1911 = arith.constant 31 : i32
        %broadcast_in_dim3A_1912 = vector.broadcast %broadcast_in_dim3A_1911 : i32 to vector<16xi32>
        %gather3A_1913 = tpu.vector_load_idx %arg18[%add3A_96, %broadcast_in_dim3A_1912] : memref<64x128xf32, #tpu.memory_space<vmem>>[vector<16xi32>, vector<16xi32>], vector<16xf32>,
        %broadcast_in_dim3A_1914 = arith.constant 63 : i32
        %broadcast_in_dim3A_1915 = vector.broadcast %broadcast_in_dim3A_1914 : i32 to vector<16xi32>
        %gather3A_1916 = tpu.vector_load_idx %arg18[%add3A_96, %broadcast_in_dim3A_1915] : memref<64x128xf32, #tpu.memory_space<vmem>>[vector<16xi32>, vector<16xi32>], vector<16xf32>,
        %broadcast_in_dim3A_1917 = arith.constant 95 : i32
        %broadcast_in_dim3A_1918 = vector.broadcast %broadcast_in_dim3A_1917 : i32 to vector<16xi32>
        %gather3A_1919 = tpu.vector_load_idx %arg18[%add3A_96, %broadcast_in_dim3A_1918] : memref<64x128xf32, #tpu.memory_space<vmem>>[vector<16xi32>, vector<16xi32>], vector<16xf32>,
        %broadcast_in_dim3A_1920 = arith.constant 127 : i32
        %broadcast_in_dim3A_1921 = vector.broadcast %broadcast_in_dim3A_1920 : i32 to vector<16xi32>
        %gather3A_1922 = tpu.vector_load_idx %arg18[%add3A_96, %broadcast_in_dim3A_1921] : memref<64x128xf32, #tpu.memory_space<vmem>>[vector<16xi32>, vector<16xi32>], vector<16xf32>,
        %mul3A_1923 = arith.mulf %bitcast_convert_type3A_1891, %gather3A_1916 : vector<16xf32>
        %add3A_1924 = arith.addf %mul3A_1923, %gather3A_1913 : vector<16xf32>
        %abs3A_1925 = math.absf %bitcast_convert_type3A_1902 : vector<16xf32>
        %abs3A_1926 = math.absf %gather3A_1919 : vector<16xf32>
        %mul3A_1927 = arith.mulf %abs3A_1925, %abs3A_1926 : vector<16xf32>
        %abs3A_1928 = math.absf %gather3A_1922 : vector<16xf32>
        %add3A_1929 = arith.addf %mul3A_1927, %abs3A_1928 : vector<16xf32>
        %sub3A_1930 = arith.subf %add3A_1924, %bitcast_convert_type3A_1910 : vector<16xf32>
        %abs3A_1931 = math.absf %sub3A_1930 : vector<16xf32>
        %sub3A_1932 = arith.subf %abs3A_1931, %add3A_1929 : vector<16xf32>
        %max3A_1933 = arith.constant 0.000000e+00 : f32
        %max3A_1934 = vector.broadcast %max3A_1933 : f32 to vector<16xf32>
        %max3A_1935 = arith.maximumf %sub3A_1932, %max3A_1934 : vector<16xf32>
        %min3A_1936 = arith.minimumf %abs3A_1931, %add3A_1929 : vector<16xf32>
        %mul3A_1937 = arith.mulf %max3A_1935, %max3A_1935 : vector<16xf32>
        %add3A_1938 = arith.addf %add3A_1881, %mul3A_1937 : vector<16xf32>
        %mul3A_1939 = arith.mulf %min3A_1936, %min3A_1936 : vector<16xf32>
        %add3A_1940 = arith.addf %add3A_1883, %mul3A_1939 : vector<16xf32>
        %max3A_1941 = arith.constant 1.000000e-30 : f32
        %max3A_1942 = vector.broadcast %max3A_1941 : f32 to vector<16xf32>
        %max3A_1943 = arith.maximumf %add3A_1938, %max3A_1942 : vector<16xf32>
        %bitcast_convert_type3A_1944 = tpu.bitcast %max3A_1943 : vector<16xf32> -> vector<16xi32>
        %shift_right_logical3A_1945 = arith.constant 1 : i32
        %shift_right_logical3A_1946 = vector.broadcast %shift_right_logical3A_1945 : i32 to vector<16xi32>
        %shift_right_logical3A_1947 = arith.shrui %bitcast_convert_type3A_1944, %shift_right_logical3A_1946 : vector<16xi32>
        %sub3A_1948 = arith.constant 1597463007 : i32
        %sub3A_1949 = vector.broadcast %sub3A_1948 : i32 to vector<16xi32>
        %sub3A_1950 = arith.subi %sub3A_1949, %shift_right_logical3A_1947 : vector<16xi32>
        %bitcast_convert_type3A_1951 = tpu.bitcast %sub3A_1950 : vector<16xi32> -> vector<16xf32>
        %mul3A_1952 = arith.constant 5.000000e-01 : f32
        %mul3A_1953 = vector.broadcast %mul3A_1952 : f32 to vector<16xf32>
        %mul3A_1954 = arith.mulf %mul3A_1953, %max3A_1943 : vector<16xf32>
        %mul3A_1955 = arith.mulf %mul3A_1954, %bitcast_convert_type3A_1951 : vector<16xf32>
        %mul3A_1956 = arith.mulf %mul3A_1955, %bitcast_convert_type3A_1951 : vector<16xf32>
        %sub3A_1957 = arith.constant 1.500000e+00 : f32
        %sub3A_1958 = vector.broadcast %sub3A_1957 : f32 to vector<16xf32>
        %sub3A_1959 = arith.subf %sub3A_1958, %mul3A_1956 : vector<16xf32>
        %mul3A_1960 = arith.mulf %bitcast_convert_type3A_1951, %sub3A_1959 : vector<16xf32>
        %mul3A_1961 = arith.mulf %mul3A_1954, %mul3A_1960 : vector<16xf32>
        %mul3A_1962 = arith.mulf %mul3A_1961, %mul3A_1960 : vector<16xf32>
        %sub3A_1963 = arith.constant 1.500000e+00 : f32
        %sub3A_1964 = vector.broadcast %sub3A_1963 : f32 to vector<16xf32>
        %sub3A_1965 = arith.subf %sub3A_1964, %mul3A_1962 : vector<16xf32>
        %mul3A_1966 = arith.mulf %mul3A_1960, %sub3A_1965 : vector<16xf32>
        %mul3A_1967 = arith.mulf %mul3A_1954, %mul3A_1966 : vector<16xf32>
        %mul3A_1968 = arith.mulf %mul3A_1967, %mul3A_1966 : vector<16xf32>
        %sub3A_1969 = arith.constant 1.500000e+00 : f32
        %sub3A_1970 = vector.broadcast %sub3A_1969 : f32 to vector<16xf32>
        %sub3A_1971 = arith.subf %sub3A_1970, %mul3A_1968 : vector<16xf32>
        %mul3A_1972 = arith.mulf %mul3A_1966, %sub3A_1971 : vector<16xf32>
        %mul3A_1973 = arith.mulf %add3A_1938, %mul3A_1972 : vector<16xf32>
        %max3A_1974 = arith.constant 1.000000e-30 : f32
        %max3A_1975 = vector.broadcast %max3A_1974 : f32 to vector<16xf32>
        %max3A_1976 = arith.maximumf %add3A_1940, %max3A_1975 : vector<16xf32>
        %bitcast_convert_type3A_1977 = tpu.bitcast %max3A_1976 : vector<16xf32> -> vector<16xi32>
        %shift_right_logical3A_1978 = arith.constant 1 : i32
        %shift_right_logical3A_1979 = vector.broadcast %shift_right_logical3A_1978 : i32 to vector<16xi32>
        %shift_right_logical3A_1980 = arith.shrui %bitcast_convert_type3A_1977, %shift_right_logical3A_1979 : vector<16xi32>
        %sub3A_1981 = arith.constant 1597463007 : i32
        %sub3A_1982 = vector.broadcast %sub3A_1981 : i32 to vector<16xi32>
        %sub3A_1983 = arith.subi %sub3A_1982, %shift_right_logical3A_1980 : vector<16xi32>
        %bitcast_convert_type3A_1984 = tpu.bitcast %sub3A_1983 : vector<16xi32> -> vector<16xf32>
        %mul3A_1985 = arith.constant 5.000000e-01 : f32
        %mul3A_1986 = vector.broadcast %mul3A_1985 : f32 to vector<16xf32>
        %mul3A_1987 = arith.mulf %mul3A_1986, %max3A_1976 : vector<16xf32>
        %mul3A_1988 = arith.mulf %mul3A_1987, %bitcast_convert_type3A_1984 : vector<16xf32>
        %mul3A_1989 = arith.mulf %mul3A_1988, %bitcast_convert_type3A_1984 : vector<16xf32>
        %sub3A_1990 = arith.constant 1.500000e+00 : f32
        %sub3A_1991 = vector.broadcast %sub3A_1990 : f32 to vector<16xf32>
        %sub3A_1992 = arith.subf %sub3A_1991, %mul3A_1989 : vector<16xf32>
        %mul3A_1993 = arith.mulf %bitcast_convert_type3A_1984, %sub3A_1992 : vector<16xf32>
        %mul3A_1994 = arith.mulf %mul3A_1987, %mul3A_1993 : vector<16xf32>
        %mul3A_1995 = arith.mulf %mul3A_1994, %mul3A_1993 : vector<16xf32>
        %sub3A_1996 = arith.constant 1.500000e+00 : f32
        %sub3A_1997 = vector.broadcast %sub3A_1996 : f32 to vector<16xf32>
        %sub3A_1998 = arith.subf %sub3A_1997, %mul3A_1995 : vector<16xf32>
        %mul3A_1999 = arith.mulf %mul3A_1993, %sub3A_1998 : vector<16xf32>
        %mul3A_2000 = arith.mulf %mul3A_1987, %mul3A_1999 : vector<16xf32>
        %mul3A_2001 = arith.mulf %mul3A_2000, %mul3A_1999 : vector<16xf32>
        %sub3A_2002 = arith.constant 1.500000e+00 : f32
        %sub3A_2003 = vector.broadcast %sub3A_2002 : f32 to vector<16xf32>
        %sub3A_2004 = arith.subf %sub3A_2003, %mul3A_2001 : vector<16xf32>
        %mul3A_2005 = arith.mulf %mul3A_1999, %sub3A_2004 : vector<16xf32>
        %mul3A_2006 = arith.mulf %add3A_1940, %mul3A_2005 : vector<16xf32>
        %mul3A_2007 = arith.constant 5.000000e-01 : f32
        %mul3A_2008 = vector.broadcast %mul3A_2007 : f32 to vector<16xf32>
        %mul3A_2009 = arith.mulf %mul3A_2008, %mul3A_2006 : vector<16xf32>
        %add3A_2010 = arith.addf %mul3A_1973, %mul3A_2009 : vector<16xf32>
        %sub3A_2011 = arith.constant 1.000000e+01 : f32
        %sub3A_2012 = vector.broadcast %sub3A_2011 : f32 to vector<16xf32>
        %sub3A_2013 = arith.subf %sub3A_2012, %add3A_2010 : vector<16xf32>
        %mul3A_2014 = arith.constant 64 : i32
        %mul3A_2015 = arith.muli %add3A_85, %mul3A_2014 : i32
        %mul3A_2016 = arith.constant 16 : i32
        %mul3A_2017 = arith.muli %scan3A_92, %mul3A_2016 : i32
        %add3A_2018 = arith.addi %mul3A_2015, %mul3A_2017 : i32
        %swap3A = arith.index_cast %add3A_2018 : i32 to index
        %swap3A_2019 = tpu.vector_load %arg19[%swap3A] {strides = array<i32>} : memref<512xf32, #tpu.memory_space<vmem>>, vector<16xf32>,
        tpu.vector_store %arg19[%swap3A], %sub3A_2013 {strides = array<i32>} : memref<512xf32, #tpu.memory_space<vmem>>, vector<16xf32>,
      }
      %scan3A_91 = arith.constant 4 : i32
    }
    %scan3A_27 = arith.constant 4 : i32
    "tpu.region"() ({
      %run_scoped3A = tpu.sem_alloc : memref<!tpu.dma_semaphore, #tpu.memory_space<semaphore_mem>>
      %dma_start3A_28 = tpu.memref_slice %arg7[%mul3A_2] : memref<16384xf32, #tpu.memory_space<hbm>> -> memref<512xf32, #tpu.memory_space<hbm>>
      %dma_start3A_29 = tpu.memref_slice %arg7[%mul3A_2] : memref<16384xf32, #tpu.memory_space<hbm>> -> memref<512xf32, #tpu.memory_space<hbm>>
      tpu.enqueue_dma source(%arg19 : memref<512xf32, #tpu.memory_space<vmem>>) target(%dma_start3A_29 : memref<512xf32, #tpu.memory_space<hbm>>) target_semaphore(%run_scoped3A : memref<!tpu.dma_semaphore, #tpu.memory_space<semaphore_mem>>)
      %dma_wait3A = tpu.memref_slice %arg7[%mul3A_2] : memref<16384xf32, #tpu.memory_space<hbm>> -> memref<512xf32, #tpu.memory_space<hbm>>
      %dma_wait3A_30 = tpu.memref_slice %arg7[%mul3A_2] : memref<16384xf32, #tpu.memory_space<hbm>> -> memref<512xf32, #tpu.memory_space<hbm>>
      tpu.wait_dma2 semaphore(%run_scoped3A : memref<!tpu.dma_semaphore, #tpu.memory_space<semaphore_mem>>) src(%arg19 : memref<512xf32, #tpu.memory_space<vmem>>) dst(%dma_wait3A_30 : memref<512xf32, #tpu.memory_space<hbm>>)
      tpu.yield
    }) : () -> ()
    return
  }
}

</mosaic_0001>

<sc_bundles>
// kernel: _run.3.cloned.1.call-start
scs
__scs_entry_jumppad:
0x0: {  	(pc) =	sbr.rel $0x88, $3  }
0x1: {  	(tag) =	ssettag $0x0;
	lr =	simm.s32 $0x1  }
0x2: {  	[smem:$0x3F9C] =	sst lr;
	_ =	strace $0xD0000000  }
0x3: {  	_ = 	snop  }
0x4: {  	_ = 	snop  }
0x5: {  	_ = 	snop  }
0x6: {  	_ = 	snop  }
0x7: {  	_ = 	snop  }
__scs_overlays_trampoline_lowered:
0x8: {  	[smem:$0x3FAB] =	sst s0  }
0x9: {  	[smem:$0x3FAC] =	sst s1  }
0xa: {  	[smem:$0x3FAD] =	sst s2  }
0xb: {  	[smem:$0x3FAE] =	sst s3  }
0xc: {  	[smem:$0x3FAF] =	sst s4  }
0xd: {  	[smem:$0x3FB0] =	sst s5  }
0xe: {  	[smem:$0x3FB1] =	sst s6  }
0xf: {  	[smem:$0x3FB2] =	sst s7  }
0x10: {  	[smem:$0x3FB3] =	sst s8  }
0x11: {  	[smem:$0x3FB4] =	sst s9;
	s0 =	simm.s32 @!p0 $0x0  }
0x12: {  	s1 =	sld [smem:$0x3F9A];
	s0 =	simm.s32 @p0 $0x1  }
0x13: {  	[smem:$0x3FB5] =	sst s0;
	s0 =	simm.s32 @!p1 $0x0  }
0x14: {  	s2 =	sld [smem:$0x3F99];
	s0 =	simm.s32 @p1 $0x1  }
0x15: {  	[smem:$0x3FB6] =	sst s0;
	s0 =	simm.s32 @!p2 $0x0  }
0x16: {  	s3 =	sld [smem:$0x3FDB];
	s0 =	simm.s32 @p2 $0x1  }
0x17: {  	s4 =	simm.s32 $0x1BF5;
	[smem:$0x3FB8] =	sst s0  }
0x18: {  	s0 =	sld [smem:$0x3F9B];
	_ =	swait.ge [sflag:s4], $0x0  }
0x19: {  	s7 =	sld [smem:$0x3F9C]  }
0x1a: {  	s8 =	sadd.s32 $0xFFFFE003, lr  }
0x1b: {  	s9 =	sadd.s32 $0xFFFFFEF7, lr;
	s5 =	simm.s32 $0xFFFFFFFF;
	p2 =	slt.u32 s8, $0xFFFFF086  }
0x1c: {  	p1 =	slt.u32 s9, $0xF7A;
	s5 =	simm.s32 @!p2 $0x0  }
0x1d: {  	s5 =	simm.s32 @p1 $0x1;
	p0 =	seq.s32 s7, s2  }
0x1e: {  	s7 =	smul.u32 @!p0 $0xF7A, s2;
	p2 =	seq.s32 @!p0 s5, $0x0  }
0x1f: {  	s9 =	smul.u32 $0xF7A, s1;
	s8 =	simm.s32 @!p0 $0x1BF5;
	p2 =	por !p2, p0  }
0x20: {  	[sflag:s8] =	ssyncset.s32 @!p0 $0xFFFFF086;
	s6 =	sadd.s32 @!p0 s3, s7;
	s7 =	simm.s32 @!p0 $0x108  }
0x21: {  	s3 =	sadd.s32 s3, s9;
	s6 =	sadd.s32 @!p0 $0x88, s6;
	s7 =	simm.s32 @p2 $0x1082  }
0x22: {  	[simem:s7], [sflag:s8] =	dma.local @!p0 [hbm:s6], $0xF7A  }
0x23: {  	s9 =	sor.u32 $0xD0000000, s2;
	s6 =	simm.s32 $0x108;
	_ =	swait.ge @!p0 [sflag:s8], $0x0  }
0x24: {  	s3 =	sadd.s32 $0x88, s3;
	s6 =	simm.s32 @!p1 $0x1082;
	[sflag:s4] =	ssyncset.s32 $0xFFFFF086  }
0x25: {  	[simem:s6], [sflag:s4] =	dma.local [hbm:s3], $0xF7A  }
0x26: {  	[smem:$0x3F9C] =	sst s1;
	(tag) =	ssettag s2;
	_ =	strace s9  }
0x27: {  	s1 =	sld [smem:$0x3FAC]  }
0x28: {  	s2 =	sld [smem:$0x3FAD]  }
0x29: {  	s4 =	sld [smem:$0x3FAF]  }
0x2a: {  	p0 =	seq.s32 s5, $0x0;
	s5 =	sld [smem:$0x3FB0]  }
0x2b: {  	s6 =	sld [smem:$0x3FB1]  }
0x2c: {  	s7 =	sld [smem:$0x3FB2]  }
0x2d: {  	s3 =	simm.s32 $0x108;
	s8 =	sld [smem:$0x3FB3]  }
0x2e: {  	s3 =	simm.s32 @!p0 $0x1082;
	s9 =	sld [smem:$0x3FB4]  }
0x2f: {  	lr =	sadd.s32 s0, s3;
	s0 =	sld [smem:$0x3FAB]  }
0x30: {  	s3 =	sld [smem:$0x3FAE]  }
0x31: {  	[smem:$0x3FB7] =	sst s10  }
0x32: {  	s10 =	sld [smem:$0x3FB5];
	_ =	sdelay $0x3  }
0x33: {  	p0 =	seq.s32 s10, $0x1;
	s10 =	sld [smem:$0x3FB7];
	_ =	sdelay $0x3  }
0x34: {  	[smem:$0x3FB7] =	sst s10  }
0x35: {  	s10 =	sld [smem:$0x3FB6];
	_ =	sdelay $0x3  }
0x36: {  	p1 =	seq.s32 s10, $0x1;
	s10 =	sld [smem:$0x3FB7];
	_ =	sdelay $0x3  }
0x37: {  	[smem:$0x3FB7] =	sst s10  }
0x38: {  	s10 =	sld [smem:$0x3FB8]  }
0x39: {  	_ = 	snop;
	(pc) =	sbr.ind lr, $3  }
0x3a: {  	_ = 	snop  }
0x3b: {  	_ = 	snop  }
0x3c: {  	p2 =	seq.s32 s10, $0x1;
	s10 =	sld [smem:$0x3FB7]  }
0x3d: {  	_ =	shalt  }
0x3e: {  	_ =	shalt  }
0x3f: {  	_ =	shalt  }
0x40: {  	_ =	shalt  }
0x41: {  	_ =	shalt  }
0x42: {  	_ =	shalt  }
0x43: {  	_ =	shalt  }
0x44: {  	_ =	shalt  }
0x45: {  	_ =	shalt  }
0x46: {  	_ =	shalt  }
0x47: {  	_ =	shalt  }
0x48: {  	_ =	shalt  }
0x49: {  	_ =	shalt  }
0x4a: {  	_ =	shalt  }
0x4b: {  	_ =	shalt  }
0x4c: {  	_ =	shalt  }
0x4d: {  	_ =	shalt  }
0x4e: {  	_ =	shalt  }
0x4f: {  	_ =	shalt  }
0x50: {  	_ =	shalt  }
0x51: {  	_ =	shalt  }
0x52: {  	_ =	shalt  }
0x53: {  	_ =	shalt  }
0x54: {  	_ =	shalt  }
0x55: {  	_ =	shalt  }
0x56: {  	_ =	shalt  }
0x57: {  	_ =	shalt  }
0x58: {  	_ =	shalt  }
0x59: {  	_ =	shalt  }
0x5a: {  	_ =	shalt  }
0x5b: {  	_ =	shalt  }
0x5c: {  	_ =	shalt  }
0x5d: {  	_ =	shalt  }
0x5e: {  	_ =	shalt  }
0x5f: {  	_ =	shalt  }
0x60: {  	_ =	shalt  }
0x61: {  	_ =	shalt  }
0x62: {  	_ =	shalt  }
0x63: {  	_ =	shalt  }
0x64: {  	_ =	shalt  }
0x65: {  	_ =	shalt  }
0x66: {  	_ =	shalt  }
0x67: {  	_ =	shalt  }
0x68: {  	_ =	shalt  }
0x69: {  	_ =	shalt  }
0x6a: {  	_ =	shalt  }
0x6b: {  	_ =	shalt  }
0x6c: {  	_ =	shalt  }
0x6d: {  	_ =	shalt  }
0x6e: {  	_ =	shalt  }
0x6f: {  	_ =	shalt  }
0x70: {  	_ =	shalt  }
0x71: {  	_ =	shalt  }
0x72: {  	_ =	shalt  }
0x73: {  	_ =	shalt  }
0x74: {  	_ =	shalt  }
0x75: {  	_ =	shalt  }
0x76: {  	_ =	shalt  }
0x77: {  	_ =	shalt  }
0x78: {  	_ =	shalt  }
0x79: {  	_ =	shalt  }
0x7a: {  	_ =	shalt  }
0x7b: {  	_ =	shalt  }
0x7c: {  	_ =	shalt  }
0x7d: {  	_ =	shalt  }
0x7e: {  	_ =	shalt  }
0x7f: {  	_ =	shalt  }
0x80: {  	_ =	shalt  }
0x81: {  	_ =	shalt  }
0x82: {  	_ =	shalt  }
0x83: {  	_ =	shalt  }
0x84: {  	_ =	shalt  }
0x85: {  	_ =	shalt  }
0x86: {  	_ =	shalt  }
0x87: {  	_ =	shalt  }
.Lfunc_end0:
.L_simem_size_0:
called_computation_lowered:
.L_overlay_start_0:
0x88: {  	s2 =	sld [smem:$0x3FD9]  }
0x89: {  	s3 =	sld [smem:$0x3FFE];
	_ =	sdelay $0x1  }
0x8a: {  	s1 =	srdreg.scid  }
0x8b: {  	s0 =	sand.u32 $0x1, s1  }
0x8c: {  	s18 =	sshll.u32 s0, $0xA;
	s2 =	sadd.s32 s3, s2  }
0x8d: {  	s2 =	sadd.s32 s2, s18  }
0x8e: {  	[smem:$0x3FC3] =	sst s2  }
0x8f: {  	_ = 	snop  }
0x90: {  	s2 =	sld [smem:$0x3FC9]  }
0x91: {  	s19 =	sld [smem:$0x3FC8]  }
0x92: {  	s4 =	sld [smem:$0x3FC7]  }
0x93: {  	s5 =	sld [smem:$0x3FC6]  }
0x94: {  	s6 =	sld [smem:$0x3FC5]  }
0x95: {  	s7 =	sld [smem:$0x3FD0];
	(tm) =	ssettm $0x1  }
0x96: {  	s8 =	sld [smem:$0x3FFB];
	_ =	sdelay $0x3  }
0x97: {  	_ =	strace s8  }
0x98: {  	s8 =	sld [smem:$0x3FFC];
	_ =	sdelay $0x3  }
0x99: {  	_ =	strace s8  }
0x9a: {  	s8 =	sld [smem:$0x3FFD];
	_ =	sdelay $0x3  }
0x9b: {  	_ =	strace s8  }
0x9c: {  	_ =	strace $0x8FFFFFFF  }
0x9d: {  	s20 =	sld [smem:$0x3FDB];
	_ =	sdelay $0x1  }
0x9e: {  	s9 =	simm.s32 $_scs_section_size  }
0x9f: {  	s10 =	simm.s32 $_size__tile_overlayer_lowered;
	s11 =	simm.s32 $_tile_overlayer_lowered  }
0xa0: {  	s23 =	simm.s32 $0x1BFF;
	s22 =	sshll.u32 s11, $0x1;
	s8 =	sadd.s32 s9, s20  }
0xa1: {  	s12 =	simm.s32 $0x0;
	s21 =	sshll.u32 s10, $0x1;
	s10 =	sadd.s32 s22, s8  }
0xa2: {  	[timem:s12], [sflag:s23] =	dma.local [hbm:s10], s21  }
0xa3: {  	_ =	swait.ge [sflag:s23], s21  }
0xa4: {  	s9 =	ssub.s32 $0x0, s21;
	[sflag:s23] =	ssyncset.done $0x0  }
0xa5: {  	[sflag:s23] =	ssyncadd.s32 s9;
	_ =	sdelay $0x1  }
0xa6: {  	s24 =	simm.s32 $0x1B8B  }
0xa7: {  	_ =	swait.ge [sflag:s24], $0x1  }
0xa8: {  	[sflag:s24] =	ssyncset.done $0x0  }
0xa9: {  	s25 =	simm.s32 $0x1B8E;
	[sflag:s24] =	ssyncadd.s32 $0xFFFFFFFF  }
0xaa: {  	s26 =	simm.s32 $execute0_lowered;
	[smem:$0x3FD2] =	sst s25  }
0xab: {  	s9 =	sshll.u32 s26, $0x1;
	_ =	strace $0x80000046;
	[dreg:$0x1] =	wrdreg $0xFFFFFFFF  }
0xac: {  	s28 =	simm.s32 $_size_execute0_lowered;
	s8 =	sadd.s32 s8, s9;
	[dreg:$0x0] =	wrdreg $0x0  }
0xad: {  	s9 =	sshll.u32 s28, $0x1;
	[dreg:$0x2] =	wrdreg s8  }
0xae: {  	[dreg:$0x3] =	wrdreg s9  }
0xaf: {  	[dreg:$0x4] =	wrdreg $0xC0  }
0xb0: {  	_ =	task [dreg:s12], $0x5FFFF  }
0xb1: {  	[dreg:$0x1] =	wrdreg $0xFFFFFFFF  }
0xb2: {  	[dreg:$0x0] =	wrdreg $0x60  }
0xb3: {  	[dreg:$0x2] =	wrdreg s2  }
0xb4: {  	[dreg:$0x3] =	wrdreg s19  }
0xb5: {  	[dreg:$0x4] =	wrdreg s4  }
0xb6: {  	[dreg:$0x5] =	wrdreg s5  }
0xb7: {  	[dreg:$0x6] =	wrdreg s6  }
0xb8: {  	[dreg:$0x7] =	wrdreg s7  }
0xb9: {  	[dreg:$0x8] =	wrdreg $0x9  }
0xba: {  	_ =	task.clear_ibuf [dreg:s12], $0x9FFFF;
	_ =	strace $0x90000046  }
0xbb: {  	s29 =	simm.s32 $0x9;
	_ =	strace $0x80000048  }
0xbc: {  	_ =	swait.ge [sflag:s29], $0x1  }
0xbd: {  	[sflag:s29] =	ssyncadd.s32 $0xFFFFFFFF  }
0xbe: {  	_ =	strace $0x90000048  }
0xbf: {  	_ =	sfence  }
0xc0: {  	s30 =	sld [smem:$0x0];
	_ =	sdelay $0x2  }
0xc1: {  	s31 =	sshll.u32 s1, $0xD;
	s1 =	sshrl.u32 s1, $0x2  }
0xc2: {  	s3 =	sand.u32 $0x4000, s31;
	s1 =	sadd.s32 s1, s30  }
0xc3: {  	s0 =	sor.u32 s3, s0;
	s1 =	sshll.u32 s1, $0x11  }
0xc4: {  	s0 =	sor.u32 s1, s0  }
0xc5: {  	s0 =	sadd.s32 $0x8F2B, s0  }
0xc6: {  	[sflag:s0] =	ssyncadd.remote.s32 $0x1  }
0xc7: {  	_ =	sfence.sel $0xFFFF  }
0xc8: {  	[dreg:$0x0] =	wrdreg $0xFFFFFFFF;
	(pc) =	sbr.abs _section_cstart, $3  }
0xc9: {  	[dreg:$0x1] =	wrdreg $0xFFFFFFFF  }
0xca: {  	_ =	task.clear_ibuf [dreg:s12], $0x2FFFF;
	_ =	strace $0x9FFFFFFF  }
0xcb: {  	(tm) =	ssettm $0x7FFFFFFF  }
tec
execute0_lowered:
.L_overlay_start_1:
0x0: {  	(tag) =	ssettag $0x1  }
0x1: {  	s0 =	rddreg [dreg:$0x0]  }
0x2: {  	s3 =	rddreg [dreg:$0x1]  }
0x3: {  	s7 =	rddreg [dreg:$0x2]  }
0x4: {  	s1 =	rddreg [dreg:$0x3]  }
0x5: {  	s2 =	rddreg [dreg:$0x4]  }
0x6: {  	s8 =	rddreg [dreg:$0x5];
	s5 =	srdreg.scid;
	s4 =	simm.s32 $0x0  }
0x7: {  	s10 =	stileid.u32;
	s12 =	simm.s32 $0x200;
	s14 =	simm.s32 $0xA00  }
0x8: {  	s16 =	simm.s32 $0x2A00;
	s17 =	simm.s32 $0x4A00;
	s18 =	simm.s32 $0x40  }
0x9: {  	s19 =	simm.s32 $0x6A00;
	s20 =	simm.s32 $0x8A00;
	s21 =	simm.s32 $0xAA00  }
0xa: {  	s22 =	simm.s32 $0x1;
	s23 =	simm.s32 $0x2;
	s5 =	sand.u32 $0x1, s5  }
0xb: {  	s25 =	simm.s32 $0x0;
	[smem:$0x7FF] =	sst s4;
	s6 =	ssub.s32 $0x2, s5  }
0xc: {  	v0 =	vlaneseq.u32;
	s10 =	sshll.u32 s10, $0x7;
	s5 =	sshll.u32 s5, $0x6;
	s9 =	sshrl.u32 s6, $0x1  }
0xd: {  	v7 =	vmul.u32 $0x80, v0;
	_ =	strace $0x80000047;
	s10 =	sor.u32 s5, s10;
	s9 =	ssub.s32 s6, s9  }
0xe: {  	s5 =	sadd.s32 s0, s10;
	s6 =	sadd.s32 s3, s10;
	s7 =	sadd.s32 s7, s10  }
0xf: {  	[tilespmem:$0x1FFF0] =	vst v7;
	s8 =	sadd.s32 s8, s10;
	s10 =	simm.s32 $0x3;
	s9 =	smax.u32 s9, $0x1  }
.LBB2_1:
0x10: {  	[tilespmem:s4], [sflag:$0x3] =	stream.linear.gather [hbm4b:s5+s4], $0x200, $0x38;
	[tilespmem:$0xCC00] =	vst v63  }
0x11: {  	_ =	swait.ge [sflag:s10], $0x200  }
0x12: {  	[sflag:s10] =	ssyncset.done $0x0  }
0x13: {  	[sflag:s10] =	ssyncadd.s32 $0xFFFFFE00  }
0x14: {  	[tilespmem:s12], [sflag:$0x3] =	stream.linear.gather [hbm4b:s6+s4], $0x200, $0x38;
	[tilespmem:$0xCC00] =	vst v63  }
0x15: {  	_ =	swait.ge [sflag:s10], $0x200  }
0x16: {  	[sflag:s10] =	ssyncset.done $0x0  }
0x17: {  	s0 =	simm.s32 $0x400;
	[sflag:s10] =	ssyncadd.s32 $0xFFFFFE00  }
0x18: {  	[tilespmem:s0], [sflag:$0x3] =	stream.linear.gather [hbm4b:s7+s4], $0x200, $0x38;
	[tilespmem:$0xCC00] =	vst v63  }
0x19: {  	_ =	swait.ge [sflag:s10], $0x200  }
0x1a: {  	[sflag:s10] =	ssyncset.done $0x0  }
0x1b: {  	s0 =	simm.s32 $0x0;
	[sflag:s10] =	ssyncadd.s32 $0xFFFFFE00  }
0x1c: {  	v1 =	vld [tilespmem:s0+$0x400]  }
0x1d: {  	v2 =	vld [tilespmem:s0+$0x0];
	_ =	sdelay $0x1  }
0x1e: {  	s3 =	simm.s32 $0x40  }
.LBB2_2:
0x1f: {  	p0 =	sne.s32 s3, $0x7C0  }
.Ltmp0:
0x20: {  	s11 =	sshra.s32 s3, $0x2;
	s3 =	sadd.s32 $0x40, s3;
	v3 =	vshrl.u32 v1, $0x2;
	(pc) =	sbr.rel @p0 .LBB2_2-.Ltmp0, $4  }
0x21: {  	v5 =	vand.u32 $0x1FFF, v1;
	v4 =	vshrl.u32 v2, $0x2;
	v3 =	vand.u32 $0x3FFFE000, v3;
	v1 =	vld [tilespmem:s11+$0x400]  }
0x22: {  	v6 =	vand.u32 $0x1FFF, v2;
	v4 =	vand.u32 $0x3FFFE000, v4;
	v2 =	vld [tilespmem:s11+$0x0];
	v3 =	vor.u32 v5, v3  }
0x23: {  	v4 =	vor.u32 v6, v4;
	[tilespmem:s0+$0x800] =	vst v3  }
0x24: {  	[tilespmem:s0+$0x600] =	vst v4;
	s0 =	smov.u32 s11  }
0x25: {  	_ = 	snop  }
0x26: {  	v3 =	vshrl.u32 v1, $0x2  }
0x27: {  	v62 =	vand.u32 $0x1FFF, v1;
	v4 =	vshrl.u32 v2, $0x2;
	v3 =	vand.u32 $0x3FFFE000, v3  }
0x28: {  	v63 =	vand.u32 $0x1FFF, v2;
	v4 =	vand.u32 $0x3FFFE000, v4;
	v1 =	vor.u32 v62, v3  }
0x29: {  	v2 =	vor.u32 v63, v4;
	[tilespmem:s0+$0x800] =	vst v1  }
0x2a: {  	s26 =	simm.s32 $0x40;
	s29 =	simm.s32 $0x600;
	s30 =	simm.s32 $0x800;
	[tilespmem:s0+$0x600] =	vst v2  }
0x2b: {  	[tilespmem:s14], [sflag:$0x1] =	stream.indirect.gather [hbm4b:s1+s26], $0x80, s29, s26, $0xb8;
	[tilespmem:$0xCC00] =	vst v63  }
0x2c: {  	s24 =	simm.s32 $0x0;
	s15 =	simm.s32 $0x400;
	s13 =	simm.s32 $0xCA00  }
0x2d: {  	[tilespmem:s16], [sflag:$0x1] =	stream.indirect.gather [hbm4b:s1+s26], $0x80, s30, s26, $0xb8;
	[tilespmem:$0xCC00] =	vst v63  }
0x2e: {  	s31 =	simm.s32 $0xCA40;
	s3 =	simm.s32 $0x0;
	s0 =	simm.s32 $0x440  }
0x2f: {  	[tilespmem:s17], [sflag:$0x1] =	stream.indirect.gather [hbm4b:s2+s26], $0x80, s12, s26, $0xb8;
	[tilespmem:$0xCC00] =	vst v63  }
.LBB2_4:
0x30: {  	s12 =	sshll.u32 s3, $0x7  }
0x31: {  	s11 =	sadd.s32 $0x640, s12  }
0x32: {  	[tilespmem:s19], [sflag:$0x2] =	stream.indirect.gather [hbm4b:s1+s18], $0x80, s11, s18, $0xb8;
	[tilespmem:$0xCC00] =	vst v63  }
0x33: {  	s11 =	sadd.s32 $0x840, s12  }
0x34: {  	[tilespmem:s20], [sflag:$0x2] =	stream.indirect.gather [hbm4b:s1+s18], $0x80, s11, s18, $0xb8;
	[tilespmem:$0xCC00] =	vst v63  }
0x35: {  	s11 =	sadd.s32 $0x240, s12  }
0x36: {  	[tilespmem:s21], [sflag:$0x2] =	stream.indirect.gather [hbm4b:s2+s18], $0x80, s11, s18, $0xb8;
	[tilespmem:$0xCC00] =	vst v63  }
0x37: {  	_ =	swait.ge [sflag:s22], $0x2000  }
0x38: {  	[sflag:s22] =	ssyncset.done $0x0  }
0x39: {  	[sflag:s22] =	ssyncadd.s32 $0xFFFFE000  }
0x3a: {  	_ =	swait.ge [sflag:s22], $0x2000  }
0x3b: {  	[sflag:s22] =	ssyncset.done $0x0  }
0x3c: {  	[sflag:s22] =	ssyncadd.s32 $0xFFFFE000  }
0x3d: {  	_ =	swait.ge [sflag:s22], $0x2000  }
0x3e: {  	s30 =	smov.u32 s13;
	s29 =	smov.u32 s15;
	[sflag:s22] =	ssyncset.done $0x0  }
0x3f: {  	s28 =	smov.u32 s24;
	s11 =	simm.s32 $0x0;
	[sflag:s22] =	ssyncadd.s32 $0xFFFFE000  }
.LBB2_5:
0x40: {  	v1 =	vld [tilespmem:s28+$0x0]  }
0x41: {  	v2 =	vld [tilespmem:s29+$0x0];
	_ =	sdelay $0x2  }
0x42: {  	v3 =	vmov s11  }
0x43: {  	v3 =	vshll.u32 v3, $0x7;
	v1 =	vshrl.u32 v1, $0x8  }
0x44: {  	v2 =	vshrl.u32 v2, $0x8;
	v4 =	vand.u32 $0x60, v1;
	v1 =	vor.u32 v7, v3  }
0x45: {  	v2 =	vand.u32 $0x60, v2;
	v45 =	vor.u32 v1, v4  }
0x46: {  	v40 =	vor.u32 v1, v2  }
0x47: {  	v44 =	vor.u32 $0x20, v1  }
0x48: {  	v4 =	vor.u32 $0x40, v1  }
0x49: {  	v5 =	vor.u32 $0x60, v1;
	v8 =	vld.idx.msk [tilespmem:v1+s17+$0x0], $0xffff  }
0x4a: {  	v11 =	vor.u32 $0x21, v1;
	v12 =	vld.idx.msk [tilespmem:v45+s14+$0x0], $0xffff  }
0x4b: {  	v14 =	vor.u32 $0x41, v1;
	v3 =	vld.idx.msk [tilespmem:v40+s16+$0x0], $0xffff  }
0x4c: {  	v15 =	vor.u32 $0x1, v1;
	v2 =	vld.idx.msk [tilespmem:v44+s17+$0x0], $0xffff  }
0x4d: {  	v23 =	vor.u32 $0x23, v1;
	v13 =	vld.idx.msk [tilespmem:v4+s17+$0x0], $0xffff  }
0x4e: {  	v38 =	vor.u32 $0x10, v45;
	v5 =	vld.idx.msk [tilespmem:v5+s17+$0x0], $0xffff  }
0x4f: {  	v10 =	vor.u32 $0x11, v45;
	v11 =	vld.idx.msk [tilespmem:v11+s17+$0x0], $0xffff  }
0x50: {  	v6 =	vor.u32 $0x1, v45;
	v14 =	vld.idx.msk [tilespmem:v14+s17+$0x0], $0xffff  }
0x51: {  	v24 =	vor.u32 $0x43, v1;
	v15 =	vld.idx.msk [tilespmem:v15+s17+$0x0], $0xffff  }
0x52: {  	v46 =	vor.u32 $0x61, v1;
	v50 =	vor.u32 $0x22, v1;
	v52 =	vor.u32 $0x42, v1;
	v58 =	vld.idx.msk [tilespmem:v23+s17+$0x0], $0xffff  }
0x53: {  	v21 =	vor.u32 $0x2, v1;
	v54 =	vor.u32 $0x62, v1;
	v25 =	vor.u32 $0x3, v1;
	v9 =	vld.idx.msk [tilespmem:v38+s14+$0x0], $0xffff  }
0x54: {  	v29 =	vor.u32 $0x63, v1;
	v43 =	vor.u32 $0x24, v1;
	v30 =	vor.u32 $0x4, v1;
	v4 =	vld.idx.msk [tilespmem:v10+s14+$0x0], $0xffff  }
0x55: {  	v32 =	vor.u32 $0x25, v1;
	v18 =	vor.u32 $0x12, v45;
	v7 =	vld.idx.msk [tilespmem:v6+s14+$0x0], $0xffff;
	v6 =	vor.u32 $0x1, v40  }
0x56: {  	v49 =	vor.u32 $0x2, v40;
	v55 =	vor.u32 $0x3, v45;
	v56 =	vor.u32 $0x13, v45;
	v60 =	vld.idx.msk [tilespmem:v24+s17+$0x0], $0xffff  }
0x57: {  	v26 =	vor.u32 $0x3, v40;
	v34 =	vor.u32 $0x4, v45;
	v10 =	vld.idx.msk [tilespmem:v46+s17+$0x0], $0xffff;
	v16 =	vand.u32 $0xFFFF0000, v12  }
0x58: {  	v37 =	vor.u32 $0x14, v45;
	v39 =	vor.u32 $0x4, v40;
	v62 =	vld.idx.msk [tilespmem:v25+s17+$0x0], $0xffff;
	v2 =	vmul.f32 v16, v2  }
0x59: {  	v36 =	vld.idx.msk [tilespmem:v29+s17+$0x0], $0xffff;
	v20 =	vand.u32 $0x7FFFFFFF, v5;
	v17 =	vand.u32 $0xFFFF0000, v9;
	v19 =	vand.u32 $0xFFFF0000, v4  }
0x5a: {  	v5 =	vmul.f32 v19, v14;
	v2 =	vadd.f32 v2, v8;
	v8 =	vld.idx.msk [tilespmem:v6+s16+$0x0], $0xffff;
	v6 =	vor.u32 $0x2, v45  }
0x5b: {  	v47 =	vand.u32 $0xFFFF0000, v3;
	v48 =	vand.u32 $0xFFFF0000, v7;
	v13 =	vmul.f32 v17, v13;
	v14 =	vld.idx.msk [tilespmem:v50+s17+$0x0], $0xffff  }
0x5c: {  	v10 =	vand.u32 $0x7FFFFFFF, v10;
	v19 =	vand.u32 $0x7FFFFFFF, v5;
	v16 =	vsub.f32 v2, v47;
	v2 =	vld.idx.msk [tilespmem:v49+s16+$0x0], $0xffff  }
0x5d: {  	v11 =	vmul.f32 v48, v11;
	v13 =	vand.u32 $0x7FFFFFFF, v13;
	v19 =	vadd.f32 v10, v19;
	v10 =	vld.idx.msk [tilespmem:v55+s14+$0x0], $0xffff  }
0x5e: {  	v31 =	vor.u32 $0x15, v45;
	v33 =	vor.u32 $0x5, v40;
	v20 =	vadd.f32 v20, v13;
	v13 =	vld.idx.msk [tilespmem:v56+s14+$0x0], $0xffff  }
0x5f: {  	v12 =	vshll.u32 v12, $0x10;
	v50 =	vand.u32 $0x7FFFFFFF, v36;
	v51 =	vadd.f32 v11, v15;
	v5 =	vld.idx.msk [tilespmem:v6+s14+$0x0], $0xffff  }
0x60: {  	v47 =	vor.u32 $0x44, v1;
	v16 =	vand.u32 $0x7FFFFFFF, v16;
	v53 =	vand.u32 $0xFFFF0000, v8;
	v6 =	vld.idx.msk [tilespmem:v18+s14+$0x0], $0xffff  }
0x61: {  	v57 =	vsub.f32 v16, v20;
	v18 =	vld.idx.msk [tilespmem:v54+s17+$0x0], $0xffff;
	v16 =	vmin.f32 v16, v20;
	v15 =	vsub.f32 v51, v53  }
0x62: {  	v59 =	vmul.f32 v16, v16;
	v16 =	vld.idx.msk [tilespmem:v26+s16+$0x0], $0xffff;
	v51 =	vor.u32 $0x64, v1;
	v53 =	vor.u32 $0x5, v45  }
0x63: {  	v26 =	vld.idx.msk [tilespmem:v43+s17+$0x0], $0xffff;
	v43 =	vor.u32 $0x6, v45;
	v17 =	vmax.f32 v57, $0.0e+00;
	v63 =	vand.u32 $0xFFFF0000, v2  }
0x64: {  	v35 =	vand.u32 $0xFFFF0000, v10;
	v38 =	vand.u32 $0xFFFF0000, v13;
	v17 =	vmul.f32 v17, v17  }
0x65: {  	v11 =	vld.idx.msk [tilespmem:v52+s17+$0x0], $0xffff;
	v15 =	vand.u32 $0x7FFFFFFF, v15;
	v20 =	vmul.f32 v35, v58;
	v42 =	vmul.f32 v38, v60  }
0x66: {  	v58 =	vor.u32 $0x45, v1;
	v60 =	vor.u32 $0x5, v1;
	v22 =	vsub.f32 v15, v19  }
0x67: {  	v19 =	vmin.f32 v15, v19;
	v27 =	vand.u32 $0xFFFF0000, v5;
	v28 =	vand.u32 $0xFFFF0000, v6  }
0x68: {  	v21 =	vld.idx.msk [tilespmem:v21+s17+$0x0], $0xffff;
	v61 =	vand.u32 $0x7FFFFFFF, v18;
	v46 =	vadd.f32 v20, v62;
	v49 =	vand.u32 $0x7FFFFFFF, v42  }
0x69: {  	v19 =	vmul.f32 v19, v19;
	v18 =	vld.idx.msk [tilespmem:v47+s17+$0x0], $0xffff;
	v62 =	vor.u32 $0x65, v1;
	v47 =	vor.u32 $0x16, v45  }
0x6a: {  	v15 =	vld.idx.msk [tilespmem:v37+s14+$0x0], $0xffff;
	v22 =	vmax.f32 v22, $0.0e+00;
	v14 =	vmul.f32 v27, v14;
	v11 =	vmul.f32 v28, v11  }
0x6b: {  	v32 =	vld.idx.msk [tilespmem:v32+s17+$0x0], $0xffff;
	v48 =	vand.u32 $0xFFFF0000, v16;
	v52 =	vadd.f32 v50, v49;
	v49 =	vor.u32 $0x6, v40  }
0x6c: {  	v24 =	vld.idx.msk [tilespmem:v51+s17+$0x0], $0xffff;
	v51 =	vor.u32 $0x26, v1;
	v22 =	vmul.f32 v22, v22;
	v20 =	vsub.f32 v46, v48  }
0x6d: {  	v57 =	vld.idx.msk [tilespmem:v30+s17+$0x0], $0xffff;
	v19 =	vadd.f32 v19, v59;
	v14 =	vadd.f32 v14, v21;
	v11 =	vand.u32 $0x7FFFFFFF, v11  }
0x6e: {  	v36 =	vld.idx.msk [tilespmem:v58+s17+$0x0], $0xffff;
	v58 =	vor.u32 $0x7, v45;
	v17 =	vadd.f32 v22, v17;
	v0 =	vadd.f32 v61, v11  }
0x6f: {  	v21 =	vld.idx.msk [tilespmem:v31+s14+$0x0], $0xffff;
	v54 =	vand.u32 $0x7FFFFFFF, v20;
	v35 =	vand.u32 $0xFFFF0000, v15;
	v14 =	vsub.f32 v14, v63  }
0x70: {  	v11 =	vld.idx.msk [tilespmem:v39+s16+$0x0], $0xffff;
	v56 =	vsub.f32 v54, v52;
	v18 =	vmul.f32 v35, v18;
	v25 =	vmin.f32 v54, v52  }
0x71: {  	v46 =	vld.idx.msk [tilespmem:v62+s17+$0x0], $0xffff;
	v54 =	vor.u32 $0x46, v1;
	v62 =	vor.u32 $0x47, v1;
	v38 =	vand.u32 $0x7FFFFFFF, v24  }
0x72: {  	v20 =	vld.idx.msk [tilespmem:v53+s14+$0x0], $0xffff;
	v25 =	vmul.f32 v25, v25;
	v41 =	vand.u32 $0x7FFFFFFF, v14;
	v59 =	vmax.f32 v56, $0.0e+00  }
0x73: {  	v14 =	vld.idx.msk [tilespmem:v34+s14+$0x0], $0xffff;
	v18 =	vand.u32 $0x7FFFFFFF, v18;
	v56 =	vor.u32 $0x6, v1;
	v44 =	vsub.f32 v41, v0  }
0x74: {  	v39 =	vld.idx.msk [tilespmem:v60+s17+$0x0], $0xffff;
	v22 =	vmin.f32 v41, v0;
	v61 =	vmul.f32 v59, v59;
	v42 =	vadd.f32 v38, v18  }
0x75: {  	v48 =	vand.u32 $0xFFFF0000, v21;
	v18 =	vld.idx.msk [tilespmem:v43+s14+$0x0], $0xffff;
	v59 =	vor.u32 $0x17, v45;
	v22 =	vmul.f32 v22, v22  }
0x76: {  	v23 =	vld.idx.msk [tilespmem:v58+s14+$0x0], $0xffff;
	v58 =	vor.u32 $0x8, v45;
	v43 =	vor.u32 $0x19, v45;
	v28 =	vmax.f32 v44, $0.0e+00  }
0x77: {  	v44 =	vand.u32 $0xFFFF0000, v20;
	v55 =	vmul.f32 v28, v28;
	v63 =	vadd.f32 v22, v19;
	v22 =	vld.idx.msk [tilespmem:v33+s16+$0x0], $0xffff  }
0x78: {  	v41 =	vand.u32 $0xFFFF0000, v11;
	v24 =	vmul.f32 v44, v32;
	v34 =	vand.u32 $0xFFFF0000, v14  }
0x79: {  	v30 =	vld.idx.msk [tilespmem:v51+s17+$0x0], $0xffff;
	v27 =	vand.u32 $0x7FFFFFFF, v46;
	v17 =	vadd.f32 v55, v17;
	v26 =	vmul.f32 v34, v26  }
0x7a: {  	v53 =	vadd.f32 v24, v39;
	v39 =	vor.u32 $0x27, v1;
	v25 =	vadd.f32 v25, v63  }
0x7b: {  	v0 =	vadd.f32 v61, v17;
	v37 =	vadd.f32 v26, v57;
	v17 =	vmul.f32 v48, v36  }
0x7c: {  	v38 =	vld.idx.msk [tilespmem:v54+s17+$0x0], $0xffff;
	v57 =	vor.u32 $0x66, v1;
	v48 =	vand.u32 $0xFFFF0000, v18;
	v55 =	vand.u32 $0xFFFF0000, v22  }
0x7d: {  	v61 =	vld.idx.msk [tilespmem:v56+s17+$0x0], $0xffff;
	v19 =	vsub.f32 v37, v41;
	v17 =	vand.u32 $0x7FFFFFFF, v17;
	v24 =	vsub.f32 v53, v55  }
0x7e: {  	v56 =	vand.u32 $0xFFFF0000, v23;
	v30 =	vmul.f32 v48, v30;
	v27 =	vadd.f32 v27, v17;
	v17 =	vld.idx.msk [tilespmem:v49+s16+$0x0], $0xffff  }
0x7f: {  	v50 =	vand.u32 $0x7FFFFFFF, v19;
	v19 =	vld.idx.msk [tilespmem:v47+s14+$0x0], $0xffff;
	v36 =	vand.u32 $0x7FFFFFFF, v24;
	v47 =	vor.u32 $0x7, v40  }
0x80: {  	v24 =	vld.idx.msk [tilespmem:v59+s14+$0x0], $0xffff;
	v52 =	vsub.f32 v50, v42;
	v37 =	vsub.f32 v36, v27;
	v60 =	vmin.f32 v50, v42  }
0x81: {  	v28 =	vld.idx.msk [tilespmem:v57+s17+$0x0], $0xffff;
	v42 =	vor.u32 $0x67, v1;
	v51 =	vmin.f32 v36, v27;
	v46 =	vmul.f32 v60, v60  }
0x82: {  	v50 =	vld.idx.msk [tilespmem:v39+s17+$0x0], $0xffff;
	v30 =	vadd.f32 v30, v61;
	v60 =	vor.u32 $0x18, v45;
	v33 =	vmax.f32 v52, $0.0e+00  }
0x83: {  	v63 =	vmax.f32 v37, $0.0e+00;
	v33 =	vmul.f32 v33, v33;
	v35 =	vadd.f32 v46, v25  }
0x84: {  	v55 =	vand.u32 $0xFFFF0000, v17;
	v46 =	vor.u32 $0x48, v1;
	v41 =	vand.u32 $0xFFFF0000, v19  }
0x85: {  	v52 =	vld.idx.msk [tilespmem:v62+s17+$0x0], $0xffff;
	v25 =	vsub.f32 v30, v55;
	v59 =	vand.u32 $0xFFFF0000, v24;
	v29 =	vadd.f32 v33, v0  }
0x86: {  	v0 =	vor.u32 $0x7, v1;
	v33 =	vmul.f32 v63, v63;
	v49 =	vmul.f32 v41, v38  }
0x87: {  	v28 =	vand.u32 $0x7FFFFFFF, v28;
	v57 =	vld.idx.msk [tilespmem:v42+s17+$0x0], $0xffff;
	v30 =	vmul.f32 v56, v50;
	v63 =	vor.u32 $0x28, v1  }
0x88: {  	v50 =	vor.u32 $0x8, v40;
	v61 =	vand.u32 $0x7FFFFFFF, v25;
	v25 =	vld.idx.msk [tilespmem:v58+s14+$0x0], $0xffff;
	v53 =	vand.u32 $0x7FFFFFFF, v49  }
0x89: {  	v27 =	vld.idx.msk [tilespmem:v60+s14+$0x0], $0xffff;
	v29 =	vadd.f32 v33, v29;
	v49 =	vor.u32 $0x8, v1;
	v28 =	vadd.f32 v28, v53  }
0x8a: {  	v33 =	vmul.f32 v51, v51;
	v62 =	vmul.f32 v59, v52;
	v52 =	vor.u32 $0x68, v1;
	v32 =	vld.idx.msk [tilespmem:v46+s17+$0x0], $0xffff  }
0x8b: {  	v58 =	vor.u32 $0x49, v1;
	v60 =	vor.u32 $0x69, v1;
	v54 =	vld.idx.msk [tilespmem:v0+s17+$0x0], $0xffff;
	v0 =	vsub.f32 v61, v28  }
0x8c: {  	v59 =	vor.u32 $0x9, v40;
	v48 =	vand.u32 $0x7FFFFFFF, v62;
	v33 =	vadd.f32 v33, v35;
	v36 =	vld.idx.msk [tilespmem:v63+s17+$0x0], $0xffff  }
0x8d: {  	v26 =	vld.idx.msk [tilespmem:v47+s16+$0x0], $0xffff;
	v31 =	vand.u32 $0x7FFFFFFF, v57;
	v57 =	vor.u32 $0x29, v1;
	v51 =	vmax.f32 v0, $0.0e+00  }
0x8e: {  	v28 =	vmin.f32 v61, v28;
	v41 =	vadd.f32 v31, v48;
	v56 =	vld.idx.msk [tilespmem:v49+s17+$0x0], $0xffff;
	v53 =	vmul.f32 v51, v51  }
0x8f: {  	v28 =	vmul.f32 v28, v28;
	v44 =	vand.u32 $0xFFFF0000, v25;
	v48 =	vand.u32 $0xFFFF0000, v27;
	v46 =	vld.idx.msk [tilespmem:v52+s17+$0x0], $0xffff  }
0x90: {  	v32 =	vmul.f32 v48, v32;
	v30 =	vadd.f32 v30, v54;
	v37 =	vadd.f32 v53, v29;
	v29 =	vld.idx.msk [tilespmem:v50+s16+$0x0], $0xffff  }
0x91: {  	v54 =	vor.u32 $0x9, v45;
	v36 =	vmul.f32 v44, v36;
	v44 =	vadd.f32 v28, v33;
	v28 =	vld.idx.msk [tilespmem:v43+s14+$0x0], $0xffff  }
0x92: {  	v47 =	vand.u32 $0xFFFF0000, v26;
	v0 =	vor.u32 $0xA, v45;
	v49 =	vor.u32 $0x4A, v1;
	v62 =	vld.idx.msk [tilespmem:v57+s17+$0x0], $0xffff  }
0x93: {  	v32 =	vand.u32 $0x7FFFFFFF, v32;
	v43 =	vld.idx.msk [tilespmem:v60+s17+$0x0], $0xffff;
	v60 =	vor.u32 $0x6A, v1;
	v30 =	vsub.f32 v30, v47  }
0x94: {  	v33 =	vld.idx.msk [tilespmem:v59+s16+$0x0], $0xffff;
	v57 =	vor.u32 $0xA, v1;
	v59 =	vor.u32 $0xA, v40;
	v47 =	vor.u32 $0x9, v1  }
0x95: {  	v34 =	vld.idx.msk [tilespmem:v58+s17+$0x0], $0xffff;
	v61 =	vadd.f32 v36, v56;
	v52 =	vand.u32 $0x7FFFFFFF, v46;
	v30 =	vand.u32 $0x7FFFFFFF, v30  }
0x96: {  	v55 =	vsub.f32 v30, v41;
	v31 =	vld.idx.msk [tilespmem:v54+s14+$0x0], $0xffff;
	v30 =	vmin.f32 v30, v41;
	v63 =	vand.u32 $0xFFFF0000, v29  }
0x97: {  	v54 =	vor.u32 $0x1A, v45;
	v41 =	vadd.f32 v52, v32;
	v58 =	vand.u32 $0xFFFF0000, v28;
	v32 =	vld.idx.msk [tilespmem:v0+s14+$0x0], $0xffff  }
0x98: {  	v43 =	vand.u32 $0x7FFFFFFF, v43;
	v42 =	vld.idx.msk [tilespmem:v60+s17+$0x0], $0xffff;
	v30 =	vmul.f32 v30, v30;
	v35 =	vmax.f32 v55, $0.0e+00  }
0x99: {  	v52 =	vor.u32 $0x4B, v1;
	v53 =	vld.idx.msk [tilespmem:v47+s17+$0x0], $0xffff;
	v55 =	vor.u32 $0x2A, v1;
	v35 =	vmul.f32 v35, v35  }
0x9a: {  	v34 =	vmul.f32 v58, v34;
	v58 =	vor.u32 $0x2B, v1;
	v44 =	vadd.f32 v30, v44  }
0x9b: {  	v35 =	vadd.f32 v35, v37;
	v37 =	vsub.f32 v61, v63;
	v56 =	vand.u32 $0xFFFF0000, v31  }
0x9c: {  	v34 =	vand.u32 $0x7FFFFFFF, v34;
	v30 =	vld.idx.msk [tilespmem:v54+s14+$0x0], $0xffff;
	v63 =	vor.u32 $0xB, v45;
	v36 =	vmul.f32 v56, v62  }
0x9d: {  	v0 =	vld.idx.msk [tilespmem:v49+s17+$0x0], $0xffff;
	v51 =	vand.u32 $0xFFFF0000, v32;
	v42 =	vand.u32 $0x7FFFFFFF, v42;
	v37 =	vand.u32 $0x7FFFFFFF, v37  }
0x9e: {  	v62 =	vand.u32 $0xFFFF0000, v33;
	v39 =	vld.idx.msk [tilespmem:v55+s17+$0x0], $0xffff;
	v50 =	vsub.f32 v37, v41;
	v36 =	vadd.f32 v36, v53  }
0x9f: {  	v56 =	vor.u32 $0x1B, v45;
	v55 =	vor.u32 $0x1D, v45;
	v37 =	vmin.f32 v37, v41  }
0xa0: {  	v47 =	vld.idx.msk [tilespmem:v57+s17+$0x0], $0xffff;
	v37 =	vmul.f32 v37, v37;
	v61 =	vmax.f32 v50, $0.0e+00;
	v36 =	vsub.f32 v36, v62  }
0xa1: {  	v54 =	vld.idx.msk [tilespmem:v58+s17+$0x0], $0xffff;
	v62 =	vand.u32 $0xFFFF0000, v30;
	v57 =	vmul.f32 v61, v61;
	v61 =	vor.u32 $0xB, v1  }
0xa2: {  	v41 =	vadd.f32 v43, v34;
	v34 =	vld.idx.msk [tilespmem:v63+s14+$0x0], $0xffff;
	v43 =	vmul.f32 v62, v0;
	v0 =	vor.u32 $0x6B, v1  }
0xa3: {  	v37 =	vadd.f32 v37, v44;
	v46 =	vand.u32 $0x7FFFFFFF, v36;
	v36 =	vld.idx.msk [tilespmem:v59+s16+$0x0], $0xffff;
	v60 =	vmul.f32 v51, v39  }
0xa4: {  	v63 =	vor.u32 $0xB, v40;
	v59 =	vsub.f32 v46, v41;
	v53 =	vadd.f32 v57, v35;
	v35 =	vld.idx.msk [tilespmem:v56+s14+$0x0], $0xffff  }
0xa5: {  	v58 =	vand.u32 $0x7FFFFFFF, v43;
	v41 =	vmin.f32 v46, v41;
	v47 =	vadd.f32 v60, v47;
	v60 =	vld.idx.msk [tilespmem:v52+s17+$0x0], $0xffff  }
0xa6: {  	v42 =	vadd.f32 v42, v58;
	v41 =	vmul.f32 v41, v41;
	v50 =	vmax.f32 v59, $0.0e+00;
	v39 =	vld.idx.msk [tilespmem:v61+s17+$0x0], $0xffff  }
0xa7: {  	v50 =	vmul.f32 v50, v50;
	v61 =	vand.u32 $0xFFFF0000, v34;
	v49 =	vld.idx.msk [tilespmem:v0+s17+$0x0], $0xffff;
	v0 =	vor.u32 $0x1C, v45  }
0xa8: {  	v57 =	vand.u32 $0xFFFF0000, v36;
	v48 =	vmul.f32 v61, v54;
	v61 =	vor.u32 $0x4C, v1  }
0xa9: {  	v62 =	vor.u32 $0xC, v45;
	v41 =	vadd.f32 v41, v37;
	v59 =	vsub.f32 v47, v57  }
0xaa: {  	v38 =	vld.idx.msk [tilespmem:v63+s16+$0x0], $0xffff;
	v46 =	vadd.f32 v50, v53;
	v63 =	vand.u32 $0xFFFF0000, v35;
	v57 =	vor.u32 $0xC, v40  }
0xab: {  	v56 =	vmul.f32 v63, v60;
	v44 =	vand.u32 $0x7FFFFFFF, v59;
	v59 =	vor.u32 $0x2C, v1  }
0xac: {  	v47 =	vor.u32 $0xD, v45;
	v43 =	vsub.f32 v44, v42;
	v42 =	vmin.f32 v44, v42;
	v44 =	vld.idx.msk [tilespmem:v0+s14+$0x0], $0xffff  }
0xad: {  	v63 =	vor.u32 $0x6C, v1;
	v39 =	vadd.f32 v48, v39;
	v37 =	vand.u32 $0x7FFFFFFF, v56;
	v53 =	vld.idx.msk [tilespmem:v61+s17+$0x0], $0xffff  }
0xae: {  	v49 =	vand.u32 $0x7FFFFFFF, v49;
	v58 =	vmax.f32 v43, $0.0e+00;
	v43 =	vld.idx.msk [tilespmem:v62+s14+$0x0], $0xffff;
	v62 =	vor.u32 $0xC, v1  }
0xaf: {  	v60 =	vand.u32 $0xFFFF0000, v38;
	v49 =	vadd.f32 v49, v37;
	v37 =	vld.idx.msk [tilespmem:v57+s16+$0x0], $0xffff;
	v51 =	vmul.f32 v58, v58  }
0xb0: {  	v56 =	vor.u32 $0x2D, v1;
	v42 =	vmul.f32 v42, v42;
	v39 =	vsub.f32 v39, v60;
	v48 =	vld.idx.msk [tilespmem:v59+s17+$0x0], $0xffff  }
0xb1: {  	v3 =	vshll.u32 v3, $0x10;
	v61 =	vor.u32 $0x4D, v1;
	v51 =	vadd.f32 v51, v46;
	v46 =	vld.idx.msk [tilespmem:v47+s14+$0x0], $0xffff  }
0xb2: {  	v9 =	vshll.u32 v9, $0x10;
	v41 =	vadd.f32 v42, v41;
	v39 =	vand.u32 $0x7FFFFFFF, v39;
	v47 =	vld.idx.msk [tilespmem:v55+s14+$0x0], $0xffff  }
0xb3: {  	v0 =	vsub.f32 v39, v49;
	v39 =	vmin.f32 v39, v49;
	v55 =	vor.u32 $0x6D, v1;
	v50 =	vld.idx.msk [tilespmem:v62+s17+$0x0], $0xffff  }
0xb4: {  	v59 =	vand.u32 $0xFFFF0000, v44;
	v39 =	vmul.f32 v39, v39;
	v62 =	vld.idx.msk [tilespmem:v63+s17+$0x0], $0xffff;
	v63 =	vor.u32 $0xD, v1  }
0xb5: {  	v58 =	vor.u32 $0xD, v40;
	v60 =	vmax.f32 v0, $0.0e+00;
	v0 =	vmul.f32 v59, v53;
	v53 =	vld.idx.msk [tilespmem:v56+s17+$0x0], $0xffff  }
0xb6: {  	v57 =	vand.u32 $0xFFFF0000, v43;
	v42 =	vmul.f32 v60, v60;
	v56 =	vadd.f32 v39, v41;
	v41 =	vld.idx.msk [tilespmem:v61+s17+$0x0], $0xffff  }
0xb7: {  	v7 =	vshll.u32 v7, $0x10;
	v52 =	vor.u32 $0x1E, v45;
	v48 =	vmul.f32 v57, v48  }
0xb8: {  	v51 =	vadd.f32 v42, v51;
	v42 =	vand.u32 $0x7FFFFFFF, v0;
	v54 =	vld.idx.msk [tilespmem:v55+s17+$0x0], $0xffff;
	v55 =	vor.u32 $0xE, v1  }
0xb9: {  	v0 =	vand.u32 $0xFFFF0000, v47;
	v60 =	vadd.f32 v48, v50;
	v50 =	vor.u32 $0xE, v45;
	v49 =	vld.idx.msk [tilespmem:v63+s17+$0x0], $0xffff  }
0xba: {  	v61 =	vand.u32 $0x7FFFFFFF, v62;
	v48 =	vld.idx.msk [tilespmem:v58+s16+$0x0], $0xffff;
	v58 =	vor.u32 $0xE, v40;
	v63 =	vand.u32 $0xFFFF0000, v46  }
0xbb: {  	v62 =	vand.u32 $0xFFFF0000, v37;
	v53 =	vmul.f32 v63, v53;
	v63 =	vmul.f32 v0, v41  }
0xbc: {  	v4 =	vshll.u32 v4, $0x10;
	v39 =	vsub.f32 v60, v62;
	v60 =	vor.u32 $0x2E, v1  }
0xbd: {  	v57 =	vadd.f32 v61, v42;
	v41 =	vld.idx.msk [tilespmem:v52+s14+$0x0], $0xffff;
	v52 =	vor.u32 $0x6E, v1;
	v62 =	vand.u32 $0x7FFFFFFF, v63  }
0xbe: {  	v61 =	vand.u32 $0x7FFFFFFF, v39;
	v42 =	vld.idx.msk [tilespmem:v50+s14+$0x0], $0xffff;
	v50 =	vor.u32 $0x4E, v1;
	v49 =	vadd.f32 v53, v49  }
0xbf: {  	v59 =	vsub.f32 v61, v57;
	v0 =	vand.u32 $0xFFFF0000, v48;
	v39 =	vld.idx.msk [tilespmem:v58+s16+$0x0], $0xffff;
	v58 =	vor.u32 $0xF, v45  }
0xc0: {  	v54 =	vand.u32 $0x7FFFFFFF, v54;
	v53 =	vld.idx.msk [tilespmem:v55+s17+$0x0], $0xffff;
	v55 =	vor.u32 $0x1F, v45;
	v49 =	vsub.f32 v49, v0  }
0xc1: {  	v54 =	vadd.f32 v54, v62;
	v0 =	vmax.f32 v59, $0.0e+00;
	v59 =	vld.idx.msk [tilespmem:v60+s17+$0x0], $0xffff;
	v60 =	vor.u32 $0x2F, v1  }
0xc2: {  	v62 =	vor.u32 $0x4F, v1;
	v52 =	vld.idx.msk [tilespmem:v52+s17+$0x0], $0xffff;
	v45 =	vmul.f32 v0, v0;
	v49 =	vand.u32 $0x7FFFFFFF, v49  }
0xc3: {  	v63 =	vor.u32 $0xF, v1;
	v57 =	vmin.f32 v61, v57;
	v50 =	vld.idx.msk [tilespmem:v50+s17+$0x0], $0xffff;
	v0 =	vsub.f32 v49, v54  }
0xc4: {  	v57 =	vmul.f32 v57, v57;
	v51 =	vadd.f32 v45, v51;
	v45 =	vld.idx.msk [tilespmem:v58+s14+$0x0], $0xffff;
	v58 =	vor.u32 $0xF, v40  }
0xc5: {  	v40 =	vld.idx.msk [tilespmem:v55+s14+$0x0], $0xffff;
	v55 =	vor.u32 $0x6F, v1;
	v61 =	vmax.f32 v0, $0.0e+00;
	v0 =	vand.u32 $0xFFFF0000, v42  }
0xc6: {  	v8 =	vshll.u32 v8, $0x10;
	v56 =	vadd.f32 v57, v56;
	v60 =	vld.idx.msk [tilespmem:v60+s17+$0x0], $0xffff;
	v0 =	vmul.f32 v0, v59  }
0xc7: {  	v57 =	vld.idx.msk [tilespmem:v62+s17+$0x0], $0xffff;
	v49 =	vmin.f32 v49, v54;
	v61 =	vmul.f32 v61, v61;
	v59 =	vand.u32 $0xFFFF0000, v41  }
0xc8: {  	v62 =	vand.u32 $0xFFFF0000, v39;
	v50 =	vmul.f32 v59, v50;
	v0 =	vadd.f32 v0, v53;
	v53 =	vld.idx.msk [tilespmem:v63+s17+$0x0], $0xffff  }
0xc9: {  	v54 =	vmul.f32 v49, v49;
	v52 =	vand.u32 $0x7FFFFFFF, v52;
	v51 =	vadd.f32 v61, v51;
	v49 =	vld.idx.msk [tilespmem:v58+s16+$0x0], $0xffff  }
0xca: {  	v63 =	vand.u32 $0xFFFF0000, v45;
	v55 =	vld.idx.msk [tilespmem:v55+s17+$0x0], $0xffff;
	v59 =	vand.u32 $0xFFFF0000, v40;
	v50 =	vand.u32 $0x7FFFFFFF, v50  }
0xcb: {  	v0 =	vsub.f32 v0, v62;
	v58 =	vmul.f32 v63, v60;
	v60 =	vor.u32 $0x30, v1  }
0xcc: {  	v50 =	vadd.f32 v52, v50;
	v52 =	vmul.f32 v59, v57;
	v57 =	vor.u32 $0x50, v1  }
0xcd: {  	v0 =	vand.u32 $0x7FFFFFFF, v0;
	v53 =	vadd.f32 v58, v53;
	v58 =	vor.u32 $0x10, v1  }
0xce: {  	v59 =	vsub.f32 v0, v50;
	v61 =	vand.u32 $0xFFFF0000, v49;
	v52 =	vand.u32 $0x7FFFFFFF, v52  }
0xcf: {  	v55 =	vand.u32 $0x7FFFFFFF, v55;
	v53 =	vsub.f32 v53, v61;
	v61 =	vor.u32 $0x70, v1  }
0xd0: {  	v2 =	vshll.u32 v2, $0x10;
	v52 =	vadd.f32 v55, v52;
	v55 =	vld.idx.msk [tilespmem:v60+s17+$0x0], $0xffff;
	v60 =	vor.u32 $0x31, v1  }
0xd1: {  	v5 =	vshll.u32 v5, $0x10;
	v62 =	vor.u32 $0x11, v1;
	v59 =	vmax.f32 v59, $0.0e+00;
	v57 =	vld.idx.msk [tilespmem:v57+s17+$0x0], $0xffff  }
0xd2: {  	v6 =	vshll.u32 v6, $0x10;
	v63 =	vor.u32 $0x51, v1;
	v59 =	vmul.f32 v59, v59;
	v58 =	vld.idx.msk [tilespmem:v58+s17+$0x0], $0xffff  }
0xd3: {  	v16 =	vshll.u32 v16, $0x10;
	v15 =	vshll.u32 v15, $0x10;
	v14 =	vshll.u32 v14, $0x10  }
0xd4: {  	v54 =	vadd.f32 v54, v56;
	v51 =	vadd.f32 v59, v51;
	v59 =	vor.u32 $0x71, v1;
	v56 =	vld.idx.msk [tilespmem:v61+s17+$0x0], $0xffff  }
0xd5: {  	v0 =	vmin.f32 v0, v50;
	v53 =	vand.u32 $0x7FFFFFFF, v53;
	v12 =	vmul.f32 v12, v55;
	v61 =	vld.idx.msk [tilespmem:v60+s17+$0x0], $0xffff  }
0xd6: {  	v37 =	vshll.u32 v37, $0x10;
	v0 =	vmul.f32 v0, v0;
	v62 =	vld.idx.msk [tilespmem:v62+s17+$0x0], $0xffff;
	v50 =	vsub.f32 v53, v52  }
0xd7: {  	v52 =	vmin.f32 v53, v52;
	v9 =	vmul.f32 v9, v57;
	v57 =	vld.idx.msk [tilespmem:v63+s17+$0x0], $0xffff;
	v12 =	vadd.f32 v12, v58  }
0xd8: {  	v0 =	vadd.f32 v0, v54;
	v53 =	vor.u32 $0x32, v1;
	v52 =	vmul.f32 v52, v52  }
0xd9: {  	v50 =	vmax.f32 v50, $0.0e+00;
	v60 =	vor.u32 $0x52, v1;
	v3 =	vsub.f32 v12, v3;
	v12 =	vld.idx.msk [tilespmem:v59+s17+$0x0], $0xffff  }
0xda: {  	v9 =	vand.u32 $0x7FFFFFFF, v9;
	v58 =	vand.u32 $0x7FFFFFFF, v56;
	v7 =	vmul.f32 v7, v61  }
0xdb: {  	v50 =	vmul.f32 v50, v50;
	v61 =	vor.u32 $0x12, v1;
	v9 =	vadd.f32 v58, v9  }
0xdc: {  	v4 =	vmul.f32 v4, v57;
	v3 =	vand.u32 $0x7FFFFFFF, v3;
	v7 =	vadd.f32 v7, v62  }
0xdd: {  	v63 =	vor.u32 $0x72, v1;
	v0 =	vadd.f32 v52, v0;
	v62 =	vsub.f32 v3, v9  }
0xde: {  	v4 =	vand.u32 $0x7FFFFFFF, v4;
	v7 =	vsub.f32 v7, v8;
	v12 =	vand.u32 $0x7FFFFFFF, v12  }
0xdf: {  	v3 =	vmin.f32 v3, v9;
	v4 =	vadd.f32 v12, v4;
	v12 =	vld.idx.msk [tilespmem:v53+s17+$0x0], $0xffff;
	v53 =	vor.u32 $0x33, v1  }
0xe0: {  	v50 =	vadd.f32 v50, v51;
	v54 =	vld.idx.msk [tilespmem:v60+s17+$0x0], $0xffff;
	v3 =	vmul.f32 v3, v3;
	v7 =	vand.u32 $0x7FFFFFFF, v7  }
0xe1: {  	v8 =	vmax.f32 v62, $0.0e+00;
	v51 =	vld.idx.msk [tilespmem:v61+s17+$0x0], $0xffff;
	v61 =	vor.u32 $0x13, v1;
	v60 =	vsub.f32 v7, v4  }
0xe2: {  	v55 =	vor.u32 $0x53, v1;
	v59 =	vshll.u32 v13, $0x10;
	v8 =	vmul.f32 v8, v8  }
0xe3: {  	v62 =	vld.idx.msk [tilespmem:v63+s17+$0x0], $0xffff;
	v63 =	vor.u32 $0x73, v1;
	v0 =	vadd.f32 v3, v0;
	v9 =	vmax.f32 v60, $0.0e+00  }
0xe4: {  	v8 =	vadd.f32 v8, v50;
	v9 =	vmul.f32 v9, v9;
	v5 =	vmul.f32 v5, v12;
	v53 =	vld.idx.msk [tilespmem:v53+s17+$0x0], $0xffff  }
0xe5: {  	v56 =	vmin.f32 v7, v4;
	v4 =	vmul.f32 v6, v54;
	v54 =	vor.u32 $0x35, v1  }
0xe6: {  	v50 =	vor.u32 $0x37, v1;
	v7 =	vadd.f32 v9, v8;
	v5 =	vadd.f32 v5, v51;
	v8 =	vld.idx.msk [tilespmem:v61+s17+$0x0], $0xffff  }
0xe7: {  	v6 =	vld.idx.msk [tilespmem:v55+s17+$0x0], $0xffff;
	v3 =	vmul.f32 v56, v56;
	v56 =	vor.u32 $0x55, v1;
	v4 =	vand.u32 $0x7FFFFFFF, v4  }
0xe8: {  	v60 =	vor.u32 $0x34, v1;
	v2 =	vsub.f32 v5, v2;
	v5 =	vshll.u32 v10, $0x10  }
0xe9: {  	v57 =	vand.u32 $0x7FFFFFFF, v62;
	v58 =	vld.idx.msk [tilespmem:v63+s17+$0x0], $0xffff;
	v61 =	vor.u32 $0x54, v1;
	v5 =	vmul.f32 v5, v53  }
0xea: {  	v63 =	vor.u32 $0x74, v1;
	v4 =	vadd.f32 v57, v4;
	v57 =	vor.u32 $0x15, v1  }
0xeb: {  	v0 =	vadd.f32 v3, v0;
	v5 =	vadd.f32 v5, v8;
	v8 =	vor.u32 $0x14, v1  }
0xec: {  	v6 =	vmul.f32 v59, v6;
	v59 =	vor.u32 $0x75, v1;
	v12 =	vld.idx.msk [tilespmem:v56+s17+$0x0], $0xffff;
	v2 =	vand.u32 $0x7FFFFFFF, v2  }
0xed: {  	v51 =	vor.u32 $0x57, v1;
	v56 =	vor.u32 $0x77, v1;
	v55 =	vld.idx.msk [tilespmem:v60+s17+$0x0], $0xffff;
	v62 =	vsub.f32 v2, v4  }
0xee: {  	v6 =	vand.u32 $0x7FFFFFFF, v6;
	v9 =	vand.u32 $0x7FFFFFFF, v58;
	v10 =	vld.idx.msk [tilespmem:v61+s17+$0x0], $0xffff;
	v5 =	vsub.f32 v5, v16  }
0xef: {  	v6 =	vadd.f32 v9, v6;
	v53 =	vor.u32 $0x17, v1;
	v13 =	vmax.f32 v62, $0.0e+00;
	v16 =	vld.idx.msk [tilespmem:v54+s17+$0x0], $0xffff  }
0xf0: {  	v2 =	vmin.f32 v2, v4;
	v13 =	vmul.f32 v13, v13;
	v5 =	vand.u32 $0x7FFFFFFF, v5;
	v8 =	vld.idx.msk [tilespmem:v8+s17+$0x0], $0xffff  }
0xf1: {  	v61 =	vshll.u32 v20, $0x10;
	v20 =	vor.u32 $0x16, v1;
	v62 =	vld.idx.msk [tilespmem:v59+s17+$0x0], $0xffff;
	v58 =	vsub.f32 v5, v6  }
0xf2: {  	v2 =	vmul.f32 v2, v2;
	v9 =	vmul.f32 v14, v55;
	v4 =	vadd.f32 v13, v7;
	v7 =	vld.idx.msk [tilespmem:v63+s17+$0x0], $0xffff  }
0xf3: {  	v60 =	vmin.f32 v5, v6;
	v5 =	vmul.f32 v15, v10;
	v6 =	vld.idx.msk [tilespmem:v57+s17+$0x0], $0xffff;
	v3 =	vmax.f32 v58, $0.0e+00  }
0xf4: {  	v59 =	vld.idx.msk [tilespmem:v51+s17+$0x0], $0xffff;
	v51 =	vor.u32 $0x79, v1;
	v0 =	vadd.f32 v2, v0;
	v3 =	vmul.f32 v3, v3  }
0xf5: {  	v63 =	vor.u32 $0x56, v1;
	v5 =	vand.u32 $0x7FFFFFFF, v5;
	v8 =	vadd.f32 v9, v8  }
0xf6: {  	v3 =	vadd.f32 v3, v4;
	v4 =	vshll.u32 v11, $0x10;
	v9 =	vmul.f32 v61, v16  }
0xf7: {  	v7 =	vand.u32 $0x7FFFFFFF, v7;
	v4 =	vsub.f32 v8, v4;
	v8 =	vshll.u32 v21, $0x10  }
0xf8: {  	v5 =	vadd.f32 v7, v5;
	v6 =	vadd.f32 v9, v6;
	v7 =	vmul.f32 v8, v12  }
0xf9: {  	v10 =	vand.u32 $0x7FFFFFFF, v62;
	v16 =	vshll.u32 v22, $0x10;
	v8 =	vor.u32 $0x36, v1  }
0xfa: {  	v4 =	vand.u32 $0x7FFFFFFF, v4;
	v6 =	vsub.f32 v6, v16;
	v7 =	vand.u32 $0x7FFFFFFF, v7  }
0xfb: {  	v21 =	vor.u32 $0x76, v1;
	v22 =	vsub.f32 v4, v5;
	v7 =	vadd.f32 v10, v7  }
0xfc: {  	v57 =	vshll.u32 v18, $0x10;
	v2 =	vmul.f32 v60, v60;
	v9 =	vld.idx.msk [tilespmem:v63+s17+$0x0], $0xffff;
	v6 =	vand.u32 $0x7FFFFFFF, v6  }
0xfd: {  	v54 =	vmin.f32 v4, v5;
	v5 =	vld.idx.msk [tilespmem:v20+s17+$0x0], $0xffff;
	v13 =	vmax.f32 v22, $0.0e+00;
	v52 =	vsub.f32 v6, v7  }
0xfe: {  	v18 =	vor.u32 $0x78, v1;
	v60 =	vshll.u32 v23, $0x10;
	v8 =	vld.idx.msk [tilespmem:v8+s17+$0x0], $0xffff;
	v4 =	vmul.f32 v13, v13  }
0xff: {  	v23 =	vor.u32 $0x19, v1;
	v0 =	vadd.f32 v2, v0;
	v10 =	vld.idx.msk [tilespmem:v50+s17+$0x0], $0xffff;
	v55 =	vmax.f32 v52, $0.0e+00  }
0x100: {  	v2 =	vmul.f32 v54, v54;
	v11 =	vld.idx.msk [tilespmem:v21+s17+$0x0], $0xffff;
	v3 =	vadd.f32 v4, v3;
	v4 =	vmul.f32 v55, v55  }
0x101: {  	v58 =	vshll.u32 v19, $0x10;
	v62 =	vshll.u32 v24, $0x10;
	v24 =	vor.u32 $0x59, v1  }
0x102: {  	v0 =	vadd.f32 v2, v0;
	v2 =	vmul.f32 v58, v9;
	v3 =	vadd.f32 v4, v3;
	v4 =	vld.idx.msk [tilespmem:v53+s17+$0x0], $0xffff  }
0x103: {  	v61 =	vld.idx.msk [tilespmem:v56+s17+$0x0], $0xffff;
	v56 =	vor.u32 $0x5A, v1;
	v63 =	vor.u32 $0x38, v1;
	v8 =	vmul.f32 v57, v8  }
0x104: {  	v16 =	vor.u32 $0x58, v1;
	v6 =	vmin.f32 v6, v7;
	v2 =	vand.u32 $0x7FFFFFFF, v2  }
0x105: {  	v9 =	vmul.f32 v60, v10;
	v5 =	vadd.f32 v8, v5;
	v8 =	vand.u32 $0x7FFFFFFF, v11  }
0x106: {  	v7 =	vshll.u32 v17, $0x10;
	v2 =	vadd.f32 v8, v2;
	v8 =	vor.u32 $0x18, v1  }
0x107: {  	v5 =	vsub.f32 v5, v7;
	v7 =	vmul.f32 v62, v59;
	v4 =	vadd.f32 v9, v4  }
0x108: {  	v20 =	vor.u32 $0x39, v1;
	v17 =	vshll.u32 v26, $0x10;
	v11 =	vand.u32 $0x7FFFFFFF, v61  }
0x109: {  	v10 =	vld.idx.msk [tilespmem:v63+s17+$0x0], $0xffff;
	v5 =	vand.u32 $0x7FFFFFFF, v5;
	v7 =	vand.u32 $0x7FFFFFFF, v7;
	v4 =	vsub.f32 v4, v17  }
0x10a: {  	v54 =	vld.idx.msk [tilespmem:v51+s17+$0x0], $0xffff;
	v6 =	vmul.f32 v6, v6;
	v19 =	vsub.f32 v5, v2;
	v7 =	vadd.f32 v11, v7  }
0x10b: {  	v50 =	vshll.u32 v27, $0x10;
	v51 =	vor.u32 $0x7E, v1;
	v8 =	vld.idx.msk [tilespmem:v8+s17+$0x0], $0xffff;
	v4 =	vand.u32 $0x7FFFFFFF, v4  }
0x10c: {  	v0 =	vadd.f32 v6, v0;
	v6 =	vld.idx.msk [tilespmem:v16+s17+$0x0], $0xffff;
	v21 =	vmax.f32 v19, $0.0e+00;
	v22 =	vsub.f32 v4, v7  }
0x10d: {  	v26 =	vshll.u32 v25, $0x10;
	v2 =	vmin.f32 v5, v2;
	v5 =	vmul.f32 v21, v21  }
0x10e: {  	v58 =	vshll.u32 v28, $0x10;
	v10 =	vmul.f32 v26, v10;
	v9 =	vld.idx.msk [tilespmem:v18+s17+$0x0], $0xffff;
	v13 =	vmax.f32 v22, $0.0e+00  }
0x10f: {  	v25 =	vshll.u32 v38, $0x10;
	v11 =	vld.idx.msk [tilespmem:v20+s17+$0x0], $0xffff;
	v3 =	vadd.f32 v5, v3;
	v5 =	vmul.f32 v13, v13  }
0x110: {  	v28 =	vor.u32 $0x1D, v1;
	v52 =	vmin.f32 v4, v7;
	v7 =	vld.idx.msk [tilespmem:v23+s17+$0x0], $0xffff;
	v4 =	vadd.f32 v10, v8  }
0x111: {  	v6 =	vmul.f32 v50, v6;
	v8 =	vld.idx.msk [tilespmem:v24+s17+$0x0], $0xffff;
	v3 =	vadd.f32 v5, v3;
	v5 =	vshll.u32 v29, $0x10  }
0x112: {  	v53 =	vshll.u32 v31, $0x10;
	v4 =	vsub.f32 v4, v5;
	v5 =	vor.u32 $0x3A, v1  }
0x113: {  	v59 =	vor.u32 $0x7A, v1;
	v6 =	vand.u32 $0x7FFFFFFF, v6;
	v9 =	vand.u32 $0x7FFFFFFF, v9  }
0x114: {  	v55 =	vor.u32 $0x1A, v1;
	v6 =	vadd.f32 v9, v6;
	v9 =	vmul.f32 v53, v11  }
0x115: {  	v16 =	vshll.u32 v32, $0x10;
	v61 =	vshll.u32 v33, $0x10;
	v2 =	vmul.f32 v2, v2  }
0x116: {  	v62 =	vor.u32 $0x3B, v1;
	v7 =	vadd.f32 v9, v7;
	v8 =	vmul.f32 v58, v8  }
0x117: {  	v0 =	vadd.f32 v2, v0;
	v2 =	vmul.f32 v52, v52;
	v10 =	vand.u32 $0x7FFFFFFF, v54;
	v5 =	vld.idx.msk [tilespmem:v5+s17+$0x0], $0xffff  }
0x118: {  	v9 =	vld.idx.msk [tilespmem:v59+s17+$0x0], $0xffff;
	v7 =	vsub.f32 v7, v61;
	v4 =	vand.u32 $0x7FFFFFFF, v4;
	v8 =	vand.u32 $0x7FFFFFFF, v8  }
0x119: {  	v57 =	vsub.f32 v4, v6;
	v4 =	vmin.f32 v4, v6;
	v6 =	vadd.f32 v10, v8;
	v8 =	vld.idx.msk [tilespmem:v56+s17+$0x0], $0xffff  }
0x11a: {  	v17 =	vor.u32 $0x5B, v1;
	v20 =	vor.u32 $0x7B, v1;
	v0 =	vadd.f32 v2, v0  }
0x11b: {  	v12 =	vld.idx.msk [tilespmem:v55+s17+$0x0], $0xffff;
	v7 =	vand.u32 $0x7FFFFFFF, v7;
	v4 =	vmul.f32 v4, v4;
	v60 =	vmax.f32 v57, $0.0e+00  }
0x11c: {  	v63 =	vsub.f32 v7, v6;
	v18 =	vmul.f32 v16, v5;
	v5 =	vor.u32 $0x1B, v1  }
0x11d: {  	v19 =	vshll.u32 v30, $0x10;
	v9 =	vand.u32 $0x7FFFFFFF, v9;
	v2 =	vmul.f32 v60, v60  }
0x11e: {  	v0 =	vadd.f32 v4, v0;
	v4 =	vmax.f32 v63, $0.0e+00;
	v8 =	vmul.f32 v19, v8  }
0x11f: {  	v10 =	vld.idx.msk [tilespmem:v62+s17+$0x0], $0xffff;
	v6 =	vmin.f32 v7, v6;
	v2 =	vadd.f32 v2, v3;
	v4 =	vmul.f32 v4, v4  }
0x120: {  	v7 =	vshll.u32 v36, $0x10;
	v3 =	vadd.f32 v18, v12;
	v8 =	vand.u32 $0x7FFFFFFF, v8  }
0x121: {  	v2 =	vadd.f32 v4, v2;
	v4 =	vadd.f32 v9, v8;
	v8 =	vor.u32 $0x3C, v1;
	v5 =	vld.idx.msk [tilespmem:v5+s17+$0x0], $0xffff  }
0x122: {  	v26 =	vor.u32 $0x5D, v1;
	v21 =	vor.u32 $0x5C, v1;
	v3 =	vsub.f32 v3, v7;
	v7 =	vld.idx.msk [tilespmem:v17+s17+$0x0], $0xffff  }
0x123: {  	v30 =	vor.u32 $0x7D, v1;
	v23 =	vshll.u32 v34, $0x10;
	v6 =	vmul.f32 v6, v6  }
0x124: {  	v24 =	vor.u32 $0x1C, v1;
	v10 =	vmul.f32 v23, v10;
	v3 =	vand.u32 $0x7FFFFFFF, v3  }
0x125: {  	v11 =	vld.idx.msk [tilespmem:v20+s17+$0x0], $0xffff;
	v0 =	vadd.f32 v6, v0;
	v6 =	vshll.u32 v35, $0x10;
	v22 =	vsub.f32 v3, v4  }
0x126: {  	v3 =	vmin.f32 v3, v4;
	v4 =	vadd.f32 v10, v5;
	v5 =	vld.idx.msk [tilespmem:v8+s17+$0x0], $0xffff;
	v8 =	vor.u32 $0x3D, v1  }
0x127: {  	v38 =	vshll.u32 v46, $0x10;
	v9 =	vld.idx.msk [tilespmem:v21+s17+$0x0], $0xffff;
	v6 =	vmul.f32 v6, v7;
	v7 =	vor.u32 $0x7C, v1  }
0x128: {  	v46 =	vor.u32 $0x1E, v1;
	v32 =	vshll.u32 v44, $0x10;
	v44 =	vshll.u32 v47, $0x10;
	v34 =	vld.idx.msk [tilespmem:v26+s17+$0x0], $0xffff  }
0x129: {  	v47 =	vor.u32 $0x3E, v1;
	v50 =	vshll.u32 v48, $0x10;
	v29 =	vshll.u32 v43, $0x10;
	v43 =	vld.idx.msk [tilespmem:v30+s17+$0x0], $0xffff  }
0x12a: {  	v11 =	vand.u32 $0x7FFFFFFF, v11;
	v27 =	vld.idx.msk [tilespmem:v24+s17+$0x0], $0xffff;
	v6 =	vand.u32 $0x7FFFFFFF, v6;
	v4 =	vsub.f32 v4, v25  }
0x12b: {  	v55 =	vor.u32 $0x5F, v1;
	v3 =	vmul.f32 v3, v3;
	v6 =	vadd.f32 v11, v6;
	v8 =	vld.idx.msk [tilespmem:v8+s17+$0x0], $0xffff  }
0x12c: {  	v33 =	vmul.f32 v32, v9;
	v12 =	vmax.f32 v22, $0.0e+00;
	v4 =	vand.u32 $0x7FFFFFFF, v4;
	v7 =	vld.idx.msk [tilespmem:v7+s17+$0x0], $0xffff  }
0x12d: {  	v31 =	vsub.f32 v4, v6;
	v5 =	vmul.f32 v29, v5;
	v4 =	vmin.f32 v4, v6;
	v6 =	vld.idx.msk [tilespmem:v28+s17+$0x0], $0xffff  }
0x12e: {  	v52 =	vor.u32 $0x3F, v1;
	v54 =	vor.u32 $0x1F, v1;
	v12 =	vmul.f32 v12, v12  }
0x12f: {  	v0 =	vadd.f32 v3, v0;
	v3 =	vand.u32 $0x7FFFFFFF, v33;
	v5 =	vadd.f32 v5, v27  }
0x130: {  	v2 =	vadd.f32 v12, v2;
	v12 =	vand.u32 $0x7FFFFFFF, v43;
	v8 =	vmul.f32 v38, v8  }
0x131: {  	v35 =	vmax.f32 v31, $0.0e+00;
	v7 =	vand.u32 $0x7FFFFFFF, v7;
	v5 =	vsub.f32 v5, v37  }
0x132: {  	v3 =	vadd.f32 v7, v3;
	v7 =	vmul.f32 v44, v34;
	v6 =	vadd.f32 v8, v6  }
0x133: {  	v36 =	vmul.f32 v35, v35;
	v5 =	vand.u32 $0x7FFFFFFF, v5;
	v8 =	vor.u32 $0x5E, v1  }
0x134: {  	v14 =	vld.idx.msk [tilespmem:v51+s17+$0x0], $0xffff;
	v7 =	vand.u32 $0x7FFFFFFF, v7;
	v53 =	vsub.f32 v5, v3;
	v6 =	vsub.f32 v6, v50  }
0x135: {  	v9 =	vld.idx.msk [tilespmem:v47+s17+$0x0], $0xffff;
	v4 =	vmul.f32 v4, v4;
	v2 =	vadd.f32 v36, v2;
	v7 =	vadd.f32 v12, v7  }
0x136: {  	v13 =	vld.idx.msk [tilespmem:v52+s17+$0x0], $0xffff;
	v1 =	vor.u32 $0x7F, v1;
	v15 =	vmax.f32 v53, $0.0e+00;
	v6 =	vand.u32 $0x7FFFFFFF, v6  }
0x137: {  	v11 =	vld.idx.msk [tilespmem:v46+s17+$0x0], $0xffff;
	v3 =	vmin.f32 v5, v3;
	v5 =	vmul.f32 v15, v15;
	v56 =	vsub.f32 v6, v7  }
0x138: {  	v0 =	vadd.f32 v4, v0;
	v3 =	vmul.f32 v3, v3;
	v8 =	vld.idx.msk [tilespmem:v8+s17+$0x0], $0xffff  }
0x139: {  	v12 =	vld.idx.msk [tilespmem:v54+s17+$0x0], $0xffff;
	v2 =	vadd.f32 v5, v2;
	v5 =	vshll.u32 v42, $0x10;
	v4 =	vmax.f32 v56, $0.0e+00  }
0x13a: {  	v58 =	vand.u32 $0x7FFFFFFF, v14;
	v57 =	vmul.f32 v5, v9;
	v5 =	vld.idx.msk [tilespmem:v55+s17+$0x0], $0xffff;
	v4 =	vmul.f32 v4, v4  }
0x13b: {  	v0 =	vadd.f32 v3, v0;
	v6 =	vmin.f32 v6, v7;
	v7 =	vshll.u32 v45, $0x10;
	v1 =	vld.idx.msk [tilespmem:v1+s17+$0x0], $0xffff  }
0x13c: {  	v3 =	vadd.f32 v57, v11;
	v2 =	vadd.f32 v4, v2;
	v4 =	vshll.u32 v41, $0x10  }
0x13d: {  	v7 =	vmul.f32 v7, v13;
	v4 =	vmul.f32 v4, v8;
	v8 =	vshll.u32 v39, $0x10  }
0x13e: {  	v6 =	vmul.f32 v6, v6;
	v3 =	vsub.f32 v3, v8;
	v8 =	vshll.u32 v40, $0x10  }
0x13f: {  	v7 =	vadd.f32 v7, v12;
	v4 =	vand.u32 $0x7FFFFFFF, v4;
	v5 =	vmul.f32 v8, v5  }
0x140: {  	v1 =	vand.u32 $0x7FFFFFFF, v1;
	v8 =	vshll.u32 v49, $0x10;
	v4 =	vadd.f32 v58, v4  }
0x141: {  	v3 =	vand.u32 $0x7FFFFFFF, v3;
	v7 =	vsub.f32 v7, v8;
	v5 =	vand.u32 $0x7FFFFFFF, v5  }
0x142: {  	v8 =	vsub.f32 v3, v4;
	v3 =	vmin.f32 v3, v4;
	v1 =	vadd.f32 v1, v5  }
0x143: {  	v0 =	vadd.f32 v6, v0;
	v4 =	vand.u32 $0x7FFFFFFF, v7;
	v3 =	vmul.f32 v3, v3  }
0x144: {  	v5 =	vmax.f32 v8, $0.0e+00;
	v6 =	vsub.f32 v4, v1;
	v1 =	vmin.f32 v4, v1  }
0x145: {  	v4 =	vmul.f32 v5, v5;
	v0 =	vadd.f32 v3, v0;
	v1 =	vmul.f32 v1, v1  }
0x146: {  	v59 =	vmax.f32 v6, $0.0e+00  }
0x147: {  	v2 =	vadd.f32 v4, v2;
	v3 =	vmul.f32 v59, v59;
	v0 =	vadd.f32 v1, v0;
	_ =	sdelay $0x1  }
0x148: {  	v60 =	vadd.f32 v3, v2;
	v61 =	vmax.f32 v0, $1.000000000e-30  }
0x149: {  	v62 =	vshrl.u32 v61, $0x1;
	v2 =	vmul.f32 $5.000000000e-01, v61  }
0x14a: {  	v4 =	vmax.f32 v60, $1.000000000e-30;
	v3 =	vsub.s32 $0x5F3759DF, v62  }
0x14b: {  	v5 =	vshrl.u32 v4, $0x1;
	v4 =	vmul.f32 $5.000000000e-01, v4;
	v6 =	vmul.f32 v3, v2  }
0x14c: {  	v5 =	vsub.s32 $0x5F3759DF, v5  }
0x14d: {  	v7 =	vmul.f32 v5, v4;
	v6 =	vmul.f32 v3, v6;
	_ =	sdelay $0x1  }
0x14e: {  	v7 =	vmul.f32 v5, v7;
	v6 =	vsub.f32 $1.500000000e+00, v6;
	_ =	sdelay $0x1  }
0x14f: {  	v7 =	vsub.f32 $1.500000000e+00, v7;
	v3 =	vmul.f32 v3, v6;
	_ =	sdelay $0x1  }
0x150: {  	v5 =	vmul.f32 v5, v7;
	v6 =	vmul.f32 v3, v2;
	_ =	sdelay $0x1  }
0x151: {  	v7 =	vmul.f32 v5, v4;
	v6 =	vmul.f32 v6, v3;
	_ =	sdelay $0x1  }
0x152: {  	v7 =	vmul.f32 v7, v5;
	v6 =	vsub.f32 $1.500000000e+00, v6;
	_ =	sdelay $0x1  }
0x153: {  	v7 =	vsub.f32 $1.500000000e+00, v7;
	v3 =	vmul.f32 v6, v3;
	_ =	sdelay $0x1  }
0x154: {  	v5 =	vmul.f32 v7, v5;
	v2 =	vmul.f32 v3, v2;
	_ =	sdelay $0x1  }
0x155: {  	v4 =	vmul.f32 v5, v4;
	v2 =	vmul.f32 v2, v3;
	_ =	sdelay $0x1  }
0x156: {  	v4 =	vmul.f32 v4, v5;
	v2 =	vsub.f32 $1.500000000e+00, v2;
	_ =	sdelay $0x1  }
0x157: {  	v4 =	vsub.f32 $1.500000000e+00, v4;
	v2 =	vmul.f32 v2, v3;
	_ =	sdelay $0x1  }
0x158: {  	v63 =	vmul.f32 v4, v5;
	v0 =	vmul.f32 v2, v0;
	_ =	sdelay $0x1  }
0x159: {  	v1 =	vmul.f32 v63, v60;
	v0 =	vmul.f32 $5.000000000e-01, v0  }
0x15a: {  	p0 =	sne.s32 s11, $0x30  }
.Ltmp1:
0x15b: {  	v0 =	vadd.f32 v0, v1;
	(pc) =	sbr.rel @p0 .LBB2_5-.Ltmp1, $4  }
0x15c: {  	_ = 	snop  }
0x15d: {  	v0 =	vsub.f32 $1.000000000e+01, v0  }
0x15e: {  	s28 =	sadd.s32 $0x10, s28  }
0x15f: {  	s29 =	sadd.s32 $0x10, s29;
	s11 =	sadd.s32 $0x10, s11;
	v7 =	vld [tilespmem:$0x1FFF0];
	[tilespmem:s30+$0x0] =	vst v0;
	s30 =	sadd.s32 $0x10, s30  }
0x160: {  	p0 =	seq.s32 s3, $0x3  }
0x161: {  	s11 =	sadd.s32 @!p0 $0x680, s12;
	s28 =	simm.s32 @!p0 $0x40;
	s29 =	simm.s32 @!p0 $0xA00  }
0x162: {  	[tilespmem:s29], [sflag:$0x1] =	stream.indirect.gather @!p0 [hbm4b:s1+s28], $0x80, s11, s28, $0xb8;
	[tilespmem:$0xCC00] =	vst v63  }
0x163: {  	s11 =	sadd.s32 @!p0 $0x880, s12;
	s29 =	simm.s32 @!p0 $0x2A00  }
0x164: {  	[tilespmem:s29], [sflag:$0x1] =	stream.indirect.gather @!p0 [hbm4b:s1+s28], $0x80, s11, s28, $0xb8;
	[tilespmem:$0xCC00] =	vst v63  }
0x165: {  	s11 =	sadd.s32 @!p0 $0x280, s12;
	s12 =	simm.s32 @!p0 $0x4A00  }
0x166: {  	[tilespmem:s12], [sflag:$0x1] =	stream.indirect.gather @!p0 [hbm4b:s2+s28], $0x80, s11, s28, $0xb8;
	[tilespmem:$0xCC00] =	vst v63  }
0x167: {  	_ =	swait.ge [sflag:s23], $0x2000  }
0x168: {  	[sflag:s23] =	ssyncset.done $0x0  }
0x169: {  	[sflag:s23] =	ssyncadd.s32 $0xFFFFE000  }
0x16a: {  	_ =	swait.ge [sflag:s23], $0x2000  }
0x16b: {  	[sflag:s23] =	ssyncset.done $0x0  }
0x16c: {  	[sflag:s23] =	ssyncadd.s32 $0xFFFFE000  }
0x16d: {  	_ =	swait.ge [sflag:s23], $0x2000  }
0x16e: {  	s29 =	smov.u32 s26;
	s12 =	simm.s32 $0x0;
	[sflag:s23] =	ssyncset.done $0x0  }
0x16f: {  	s28 =	smov.u32 s0;
	s11 =	smov.u32 s31;
	[sflag:s23] =	ssyncadd.s32 $0xFFFFE000  }
.LBB2_7:
0x170: {  	_ =	sdelay $0x1  }
0x171: {  	v1 =	vmov s12  }
0x172: {  	v0 =	vld [tilespmem:s29+$0x0];
	v1 =	vshll.u32 v1, $0x7  }
0x173: {  	v1 =	vor.u32 v7, v1  }
0x174: {  	v46 =	vor.u32 $0x20, v1  }
0x175: {  	v2 =	vld [tilespmem:s28+$0x0];
	v4 =	vor.u32 $0x40, v1  }
0x176: {  	v47 =	vor.u32 $0x60, v1  }
0x177: {  	v0 =	vshrl.u32 v0, $0x8;
	v10 =	vor.u32 $0x21, v1  }
0x178: {  	v13 =	vor.u32 $0x41, v1;
	v0 =	vand.u32 $0x60, v0;
	v6 =	vld.idx.msk [tilespmem:v1+s21+$0x0], $0xffff  }
0x179: {  	v14 =	vor.u32 $0x1, v1;
	v45 =	vor.u32 v1, v0;
	v0 =	vld.idx.msk [tilespmem:v46+s21+$0x0], $0xffff  }
0x17a: {  	v2 =	vshrl.u32 v2, $0x8;
	v15 =	vor.u32 $0x61, v1;
	v11 =	vld.idx.msk [tilespmem:v4+s21+$0x0], $0xffff  }
0x17b: {  	v28 =	vor.u32 $0x63, v1;
	v43 =	vand.u32 $0x60, v2;
	v2 =	vld.idx.msk [tilespmem:v47+s21+$0x0], $0xffff  }
0x17c: {  	v10 =	vld.idx.msk [tilespmem:v10+s21+$0x0], $0xffff  }
0x17d: {  	v40 =	vor.u32 v1, v43;
	v13 =	vld.idx.msk [tilespmem:v13+s21+$0x0], $0xffff  }
0x17e: {  	v44 =	vor.u32 $0x10, v45;
	v14 =	vld.idx.msk [tilespmem:v14+s21+$0x0], $0xffff  }
0x17f: {  	v50 =	vor.u32 $0x22, v1;
	v5 =	vor.u32 $0x1, v45;
	v15 =	vld.idx.msk [tilespmem:v15+s21+$0x0], $0xffff  }
0x180: {  	v51 =	vor.u32 $0x42, v1;
	v19 =	vor.u32 $0x2, v1;
	v8 =	vor.u32 $0x11, v45;
	v35 =	vld.idx.msk [tilespmem:v28+s21+$0x0], $0xffff  }
0x181: {  	v53 =	vor.u32 $0x62, v1;
	v22 =	vor.u32 $0x23, v1;
	v23 =	vor.u32 $0x43, v1;
	v12 =	vld.idx.msk [tilespmem:v45+s19+$0x0], $0xffff  }
0x182: {  	v24 =	vor.u32 $0x3, v1;
	v42 =	vor.u32 $0x24, v1;
	v31 =	vor.u32 $0x25, v1;
	v3 =	vld.idx.msk [tilespmem:v40+s20+$0x0], $0xffff  }
0x183: {  	v17 =	vor.u32 $0x12, v45;
	v49 =	vor.u32 $0x2, v40;
	v54 =	vor.u32 $0x3, v45;
	v9 =	vld.idx.msk [tilespmem:v44+s19+$0x0], $0xffff  }
0x184: {  	v55 =	vor.u32 $0x13, v45;
	v25 =	vor.u32 $0x3, v40;
	v33 =	vor.u32 $0x4, v45;
	v7 =	vld.idx.msk [tilespmem:v5+s19+$0x0], $0xffff  }
0x185: {  	v36 =	vor.u32 $0x14, v45;
	v38 =	vor.u32 $0x4, v40;
	v5 =	vor.u32 $0x1, v40;
	v4 =	vld.idx.msk [tilespmem:v8+s19+$0x0], $0xffff  }
0x186: {  	v29 =	vor.u32 $0x15, v45;
	v19 =	vld.idx.msk [tilespmem:v19+s21+$0x0], $0xffff;
	v46 =	vor.u32 $0x44, v1;
	v2 =	vand.u32 $0x7FFFFFFF, v2  }
0x187: {  	v59 =	vld.idx.msk [tilespmem:v23+s21+$0x0], $0xffff;
	v15 =	vand.u32 $0x7FFFFFFF, v15;
	v23 =	vand.u32 $0x7FFFFFFF, v35;
	v35 =	vor.u32 $0x6, v1  }
0x188: {  	v57 =	vld.idx.msk [tilespmem:v22+s21+$0x0], $0xffff;
	v8 =	vand.u32 $0xFFFF0000, v12;
	v48 =	vand.u32 $0xFFFF0000, v3;
	v12 =	vshll.u32 v12, $0x10  }
0x189: {  	v61 =	vld.idx.msk [tilespmem:v24+s21+$0x0], $0xffff;
	v3 =	vshll.u32 v3, $0x10;
	v16 =	vand.u32 $0xFFFF0000, v9;
	v0 =	vmul.f32 v8, v0  }
0x18a: {  	v8 =	vld.idx.msk [tilespmem:v5+s20+$0x0], $0xffff;
	v5 =	vor.u32 $0x2, v45;
	v18 =	vand.u32 $0xFFFF0000, v4;
	v11 =	vmul.f32 v16, v11  }
0x18b: {  	v13 =	vmul.f32 v18, v13;
	v18 =	vld.idx.msk [tilespmem:v50+s21+$0x0], $0xffff;
	v0 =	vadd.f32 v0, v6;
	v6 =	vand.u32 $0xFFFF0000, v7  }
0x18c: {  	v9 =	vshll.u32 v9, $0x10;
	v11 =	vand.u32 $0x7FFFFFFF, v11;
	v6 =	vmul.f32 v6, v10;
	v10 =	vld.idx.msk [tilespmem:v54+s19+$0x0], $0xffff  }
0x18d: {  	v4 =	vshll.u32 v4, $0x10;
	v13 =	vand.u32 $0x7FFFFFFF, v13;
	v11 =	vadd.f32 v2, v11;
	v2 =	vld.idx.msk [tilespmem:v49+s20+$0x0], $0xffff  }
0x18e: {  	v0 =	vsub.f32 v0, v48;
	v15 =	vadd.f32 v15, v13;
	v13 =	vld.idx.msk [tilespmem:v55+s19+$0x0], $0xffff;
	v48 =	vor.u32 $0x4, v1  }
0x18f: {  	v50 =	vor.u32 $0x5, v45;
	v49 =	vor.u32 $0x64, v1;
	v6 =	vadd.f32 v6, v14;
	v5 =	vld.idx.msk [tilespmem:v5+s19+$0x0], $0xffff  }
0x190: {  	v54 =	vor.u32 $0x5, v1;
	v52 =	vand.u32 $0xFFFF0000, v8;
	v14 =	vld.idx.msk [tilespmem:v51+s21+$0x0], $0xffff;
	v0 =	vand.u32 $0x7FFFFFFF, v0  }
0x191: {  	v16 =	vsub.f32 v6, v52;
	v6 =	vld.idx.msk [tilespmem:v17+s19+$0x0], $0xffff;
	v20 =	vsub.f32 v0, v11;
	v0 =	vmin.f32 v0, v11  }
0x192: {  	v17 =	vld.idx.msk [tilespmem:v53+s21+$0x0], $0xffff;
	v52 =	vor.u32 $0x45, v1;
	v0 =	vmul.f32 v0, v0;
	v34 =	vand.u32 $0xFFFF0000, v10  }
0x193: {  	v16 =	vand.u32 $0x7FFFFFFF, v16;
	v20 =	vmax.f32 v20, $0.0e+00;
	v62 =	vand.u32 $0xFFFF0000, v2;
	v51 =	vld.idx.msk [tilespmem:v48+s21+$0x0], $0xffff  }
0x194: {  	v37 =	vand.u32 $0xFFFF0000, v13;
	v24 =	vld.idx.msk [tilespmem:v49+s21+$0x0], $0xffff;
	v48 =	vor.u32 $0x46, v1;
	v21 =	vsub.f32 v16, v15  }
0x195: {  	v20 =	vmul.f32 v20, v20;
	v26 =	vand.u32 $0xFFFF0000, v5;
	v58 =	vmin.f32 v16, v15;
	v16 =	vld.idx.msk [tilespmem:v25+s20+$0x0], $0xffff  }
0x196: {  	v41 =	vmul.f32 v37, v59;
	v25 =	vld.idx.msk [tilespmem:v42+s21+$0x0], $0xffff;
	v42 =	vor.u32 $0x6, v40;
	v56 =	vmul.f32 v26, v18  }
0x197: {  	v18 =	vmul.f32 v34, v57;
	v22 =	vmul.f32 v58, v58;
	v57 =	vor.u32 $0x65, v1  }
0x198: {  	v15 =	vld.idx.msk [tilespmem:v36+s19+$0x0], $0xffff;
	v21 =	vmax.f32 v21, $0.0e+00;
	v27 =	vand.u32 $0xFFFF0000, v6;
	v60 =	vand.u32 $0x7FFFFFFF, v17  }
0x199: {  	v58 =	vld.idx.msk [tilespmem:v52+s21+$0x0], $0xffff;
	v52 =	vor.u32 $0x66, v1;
	v21 =	vmul.f32 v21, v21;
	v11 =	vadd.f32 v56, v19  }
0x19a: {  	v17 =	vld.idx.msk [tilespmem:v46+s21+$0x0], $0xffff;
	v14 =	vmul.f32 v27, v14;
	v44 =	vadd.f32 v18, v61;
	v0 =	vadd.f32 v22, v0  }
0x19b: {  	v56 =	vor.u32 $0x5, v40;
	v59 =	vand.u32 $0x7FFFFFFF, v24;
	v20 =	vadd.f32 v21, v20  }
0x19c: {  	v14 =	vand.u32 $0x7FFFFFFF, v14;
	v11 =	vsub.f32 v11, v62;
	v47 =	vand.u32 $0xFFFF0000, v16  }
0x19d: {  	v34 =	vand.u32 $0xFFFF0000, v15;
	v63 =	vadd.f32 v60, v14;
	v14 =	vld.idx.msk [tilespmem:v33+s19+$0x0], $0xffff;
	v18 =	vsub.f32 v44, v47  }
0x19e: {  	v60 =	vld.idx.msk [tilespmem:v54+s21+$0x0], $0xffff;
	v44 =	vor.u32 $0x26, v1;
	v54 =	vor.u32 $0x7, v45;
	v39 =	vand.u32 $0x7FFFFFFF, v11  }
0x19f: {  	v11 =	vand.u32 $0x7FFFFFFF, v41;
	v17 =	vmul.f32 v34, v17;
	v26 =	vld.idx.msk [tilespmem:v52+s21+$0x0], $0xffff;
	v52 =	vor.u32 $0x8, v1  }
0x1a0: {  	v43 =	vsub.f32 v39, v63;
	v23 =	vadd.f32 v23, v11;
	v18 =	vand.u32 $0x7FFFFFFF, v18  }
0x1a1: {  	v11 =	vld.idx.msk [tilespmem:v38+s20+$0x0], $0xffff;
	v21 =	vmin.f32 v39, v63;
	v63 =	vor.u32 $0x6, v45;
	v39 =	vor.u32 $0x16, v45  }
0x1a2: {  	v22 =	vld.idx.msk [tilespmem:v56+s20+$0x0], $0xffff;
	v55 =	vmul.f32 v21, v21;
	v17 =	vand.u32 $0x7FFFFFFF, v17;
	v27 =	vmax.f32 v43, $0.0e+00  }
0x1a3: {  	v21 =	vld.idx.msk [tilespmem:v29+s19+$0x0], $0xffff;
	v30 =	vsub.f32 v18, v23;
	v23 =	vmin.f32 v18, v23;
	v62 =	vadd.f32 v59, v17  }
0x1a4: {  	v38 =	vld.idx.msk [tilespmem:v57+s21+$0x0], $0xffff;
	v27 =	vmul.f32 v27, v27;
	v33 =	vand.u32 $0xFFFF0000, v14;
	v0 =	vadd.f32 v55, v0  }
0x1a5: {  	v23 =	vmul.f32 v23, v23;
	v55 =	vor.u32 $0x17, v45;
	v53 =	vmax.f32 v30, $0.0e+00  }
0x1a6: {  	v31 =	vld.idx.msk [tilespmem:v31+s21+$0x0], $0xffff;
	v25 =	vmul.f32 v33, v25;
	v26 =	vand.u32 $0x7FFFFFFF, v26;
	v27 =	vadd.f32 v27, v20  }
0x1a7: {  	v32 =	vmul.f32 v53, v53;
	v20 =	vld.idx.msk [tilespmem:v50+s19+$0x0], $0xffff;
	v61 =	vand.u32 $0xFFFF0000, v11;
	v49 =	vand.u32 $0xFFFF0000, v22  }
0x1a8: {  	v57 =	vld.idx.msk [tilespmem:v35+s21+$0x0], $0xffff;
	v0 =	vadd.f32 v23, v0;
	v25 =	vadd.f32 v25, v51;
	v41 =	vand.u32 $0xFFFF0000, v21  }
0x1a9: {  	v19 =	vld.idx.msk [tilespmem:v39+s19+$0x0], $0xffff;
	v51 =	vand.u32 $0x7FFFFFFF, v38;
	v38 =	vor.u32 $0x27, v1;
	v18 =	vmul.f32 v41, v58  }
0x1aa: {  	v27 =	vadd.f32 v32, v27;
	v58 =	vor.u32 $0x47, v1;
	v36 =	vsub.f32 v25, v61;
	v24 =	vld.idx.msk [tilespmem:v55+s19+$0x0], $0xffff  }
0x1ab: {  	v55 =	vor.u32 $0x68, v1;
	v50 =	vand.u32 $0x7FFFFFFF, v18;
	v18 =	vld.idx.msk [tilespmem:v63+s19+$0x0], $0xffff;
	v63 =	vor.u32 $0x67, v1  }
0x1ac: {  	v30 =	vld.idx.msk [tilespmem:v44+s21+$0x0], $0xffff;
	v37 =	vand.u32 $0xFFFF0000, v20;
	v43 =	vand.u32 $0x7FFFFFFF, v36;
	v53 =	vadd.f32 v51, v50  }
0x1ad: {  	v23 =	vld.idx.msk [tilespmem:v54+s19+$0x0], $0xffff;
	v25 =	vmul.f32 v37, v31;
	v46 =	vsub.f32 v43, v62;
	v56 =	vmin.f32 v43, v62  }
0x1ae: {  	v41 =	vand.u32 $0xFFFF0000, v19;
	v37 =	vld.idx.msk [tilespmem:v48+s21+$0x0], $0xffff;
	v62 =	vor.u32 $0x7, v40;
	v61 =	vmul.f32 v56, v56  }
0x1af: {  	v17 =	vld.idx.msk [tilespmem:v42+s20+$0x0], $0xffff;
	v47 =	vadd.f32 v25, v60;
	v33 =	vmax.f32 v46, $0.0e+00;
	v60 =	vor.u32 $0x7, v1  }
0x1b0: {  	v33 =	vmul.f32 v33, v33;
	v39 =	vand.u32 $0xFFFF0000, v18;
	v0 =	vadd.f32 v61, v0  }
0x1b1: {  	v61 =	vand.u32 $0xFFFF0000, v24;
	v25 =	vsub.f32 v47, v49;
	v30 =	vmul.f32 v39, v30  }
0x1b2: {  	v38 =	vld.idx.msk [tilespmem:v38+s21+$0x0], $0xffff;
	v47 =	vor.u32 $0x28, v1;
	v49 =	vor.u32 $0x48, v1;
	v27 =	vadd.f32 v33, v27  }
0x1b3: {  	v37 =	vmul.f32 v41, v37;
	v41 =	vld.idx.msk [tilespmem:v58+s21+$0x0], $0xffff;
	v58 =	vand.u32 $0xFFFF0000, v23;
	v25 =	vand.u32 $0x7FFFFFFF, v25  }
0x1b4: {  	v28 =	vadd.f32 v30, v57;
	v57 =	vand.u32 $0xFFFF0000, v17;
	v36 =	vsub.f32 v25, v53  }
0x1b5: {  	v25 =	vmin.f32 v25, v53;
	v42 =	vand.u32 $0x7FFFFFFF, v37;
	v43 =	vld.idx.msk [tilespmem:v60+s21+$0x0], $0xffff;
	v60 =	vor.u32 $0x8, v45  }
0x1b6: {  	v53 =	vor.u32 $0x8, v40;
	v44 =	vmul.f32 v25, v25;
	v30 =	vadd.f32 v26, v42  }
0x1b7: {  	v26 =	vld.idx.msk [tilespmem:v62+s20+$0x0], $0xffff;
	v25 =	vsub.f32 v28, v57;
	v28 =	vmul.f32 v58, v38;
	v59 =	vmax.f32 v36, $0.0e+00  }
0x1b8: {  	v62 =	vor.u32 $0x18, v45;
	v42 =	vor.u32 $0x19, v45;
	v36 =	vmul.f32 v59, v59  }
0x1b9: {  	v59 =	vld.idx.msk [tilespmem:v63+s21+$0x0], $0xffff;
	v63 =	vand.u32 $0x7FFFFFFF, v25;
	v46 =	vmul.f32 v61, v41;
	v0 =	vadd.f32 v44, v0  }
0x1ba: {  	v58 =	vld.idx.msk [tilespmem:v47+s21+$0x0], $0xffff;
	v48 =	vsub.f32 v63, v30;
	v30 =	vmin.f32 v63, v30;
	v63 =	vor.u32 $0x49, v1  }
0x1bb: {  	v44 =	vld.idx.msk [tilespmem:v55+s21+$0x0], $0xffff;
	v29 =	vadd.f32 v36, v27;
	v28 =	vadd.f32 v28, v43;
	v51 =	vand.u32 $0x7FFFFFFF, v46  }
0x1bc: {  	v25 =	vld.idx.msk [tilespmem:v60+s19+$0x0], $0xffff;
	v30 =	vmul.f32 v30, v30;
	v46 =	vor.u32 $0x9, v1;
	v50 =	vand.u32 $0xFFFF0000, v26  }
0x1bd: {  	v54 =	vmax.f32 v48, $0.0e+00;
	v27 =	vld.idx.msk [tilespmem:v62+s19+$0x0], $0xffff;
	v62 =	vor.u32 $0x29, v1;
	v48 =	vor.u32 $0x9, v40  }
0x1be: {  	v32 =	vld.idx.msk [tilespmem:v49+s21+$0x0], $0xffff;
	v28 =	vsub.f32 v28, v50;
	v56 =	vmul.f32 v54, v54;
	v0 =	vadd.f32 v30, v0  }
0x1bf: {  	v61 =	vld.idx.msk [tilespmem:v52+s21+$0x0], $0xffff;
	v50 =	vor.u32 $0x69, v1;
	v54 =	vor.u32 $0xA, v45;
	v31 =	vand.u32 $0x7FFFFFFF, v59  }
0x1c0: {  	v59 =	vor.u32 $0x9, v45;
	v39 =	vadd.f32 v31, v51;
	v36 =	vadd.f32 v56, v29;
	v29 =	vld.idx.msk [tilespmem:v53+s20+$0x0], $0xffff  }
0x1c1: {  	v55 =	vand.u32 $0x7FFFFFFF, v44;
	v57 =	vand.u32 $0x7FFFFFFF, v28;
	v34 =	vld.idx.msk [tilespmem:v63+s21+$0x0], $0xffff;
	v63 =	vor.u32 $0x4A, v1  }
0x1c2: {  	v28 =	vld.idx.msk [tilespmem:v42+s19+$0x0], $0xffff;
	v43 =	vand.u32 $0xFFFF0000, v25;
	v60 =	vsub.f32 v57, v39;
	v47 =	vand.u32 $0xFFFF0000, v27  }
0x1c3: {  	v56 =	vld.idx.msk [tilespmem:v46+s21+$0x0], $0xffff;
	v43 =	vmul.f32 v43, v58;
	v38 =	vmin.f32 v57, v39;
	v57 =	vor.u32 $0x1A, v45  }
0x1c4: {  	v52 =	vld.idx.msk [tilespmem:v62+s21+$0x0], $0xffff;
	v58 =	vor.u32 $0x2A, v1;
	v49 =	vmul.f32 v47, v32;
	v38 =	vmul.f32 v38, v38  }
0x1c5: {  	v32 =	vld.idx.msk [tilespmem:v54+s19+$0x0], $0xffff;
	v54 =	vor.u32 $0x6A, v1;
	v33 =	vmax.f32 v60, $0.0e+00;
	v51 =	vadd.f32 v43, v61  }
0x1c6: {  	v31 =	vld.idx.msk [tilespmem:v59+s19+$0x0], $0xffff;
	v61 =	vor.u32 $0xA, v1;
	v33 =	vmul.f32 v33, v33;
	v53 =	vand.u32 $0xFFFF0000, v29  }
0x1c7: {  	v60 =	vld.idx.msk [tilespmem:v50+s21+$0x0], $0xffff;
	v30 =	vand.u32 $0x7FFFFFFF, v49;
	v62 =	vand.u32 $0xFFFF0000, v28;
	v0 =	vadd.f32 v38, v0  }
0x1c8: {  	v49 =	vor.u32 $0x1B, v45;
	v37 =	vsub.f32 v51, v53;
	v39 =	vadd.f32 v33, v36;
	v33 =	vld.idx.msk [tilespmem:v48+s20+$0x0], $0xffff  }
0x1c9: {  	v42 =	vadd.f32 v55, v30;
	v34 =	vmul.f32 v62, v34;
	v51 =	vor.u32 $0x4B, v1;
	v35 =	vld.idx.msk [tilespmem:v58+s21+$0x0], $0xffff  }
0x1ca: {  	v62 =	vor.u32 $0xB, v1;
	v58 =	vld.idx.msk [tilespmem:v63+s21+$0x0], $0xffff;
	v63 =	vor.u32 $0xB, v40;
	v37 =	vand.u32 $0x7FFFFFFF, v37  }
0x1cb: {  	v34 =	vand.u32 $0x7FFFFFFF, v34;
	v50 =	vand.u32 $0xFFFF0000, v32;
	v59 =	vand.u32 $0xFFFF0000, v31;
	v47 =	vld.idx.msk [tilespmem:v61+s21+$0x0], $0xffff  }
0x1cc: {  	v46 =	vand.u32 $0x7FFFFFFF, v60;
	v60 =	vor.u32 $0x2B, v1;
	v30 =	vmul.f32 v59, v52  }
0x1cd: {  	v43 =	vld.idx.msk [tilespmem:v54+s21+$0x0], $0xffff;
	v48 =	vsub.f32 v37, v42;
	v37 =	vmin.f32 v37, v42;
	v52 =	vor.u32 $0xA, v40  }
0x1ce: {  	v53 =	vadd.f32 v30, v56;
	v30 =	vld.idx.msk [tilespmem:v57+s19+$0x0], $0xffff;
	v57 =	vor.u32 $0xB, v45;
	v35 =	vmul.f32 v50, v35  }
0x1cf: {  	v54 =	vor.u32 $0x1D, v45;
	v37 =	vmul.f32 v37, v37;
	v51 =	vld.idx.msk [tilespmem:v51+s21+$0x0], $0xffff;
	v56 =	vand.u32 $0xFFFF0000, v33  }
0x1d0: {  	v55 =	vmax.f32 v48, $0.0e+00;
	v38 =	vsub.f32 v53, v56;
	v47 =	vadd.f32 v35, v47;
	v35 =	vld.idx.msk [tilespmem:v49+s19+$0x0], $0xffff  }
0x1d1: {  	v42 =	vadd.f32 v46, v34;
	v59 =	vmul.f32 v55, v55;
	v0 =	vadd.f32 v37, v0;
	v41 =	vld.idx.msk [tilespmem:v60+s21+$0x0], $0xffff  }
0x1d2: {  	v43 =	vand.u32 $0x7FFFFFFF, v43;
	v56 =	vor.u32 $0x6B, v1;
	v36 =	vld.idx.msk [tilespmem:v52+s20+$0x0], $0xffff;
	v38 =	vand.u32 $0x7FFFFFFF, v38  }
0x1d3: {  	v39 =	vadd.f32 v59, v39;
	v61 =	vsub.f32 v38, v42;
	v52 =	vand.u32 $0xFFFF0000, v30;
	v34 =	vld.idx.msk [tilespmem:v57+s19+$0x0], $0xffff  }
0x1d4: {  	v46 =	vmul.f32 v52, v58;
	v58 =	vmin.f32 v38, v42;
	v38 =	vld.idx.msk [tilespmem:v63+s20+$0x0], $0xffff;
	v63 =	vor.u32 $0x1C, v45  }
0x1d5: {  	v44 =	vmax.f32 v61, $0.0e+00;
	v37 =	vmul.f32 v58, v58;
	v61 =	vor.u32 $0xC, v45  }
0x1d6: {  	v59 =	vld.idx.msk [tilespmem:v62+s21+$0x0], $0xffff;
	v62 =	vand.u32 $0xFFFF0000, v35;
	v58 =	vor.u32 $0x2C, v1;
	v44 =	vmul.f32 v44, v44  }
0x1d7: {  	v48 =	vld.idx.msk [tilespmem:v56+s21+$0x0], $0xffff;
	v57 =	vand.u32 $0xFFFF0000, v36;
	v46 =	vand.u32 $0x7FFFFFFF, v46;
	v56 =	vmul.f32 v62, v51  }
0x1d8: {  	v62 =	vor.u32 $0x6C, v1;
	v47 =	vsub.f32 v47, v57;
	v60 =	vand.u32 $0xFFFF0000, v34  }
0x1d9: {  	v42 =	vadd.f32 v43, v46;
	v0 =	vadd.f32 v37, v0;
	v41 =	vmul.f32 v60, v41  }
0x1da: {  	v57 =	vor.u32 $0xC, v40;
	v39 =	vadd.f32 v44, v39;
	v60 =	vor.u32 $0x4C, v1  }
0x1db: {  	v44 =	vand.u32 $0x7FFFFFFF, v47;
	v43 =	vld.idx.msk [tilespmem:v61+s19+$0x0], $0xffff;
	v61 =	vor.u32 $0xC, v1;
	v41 =	vadd.f32 v41, v59  }
0x1dc: {  	v37 =	vand.u32 $0x7FFFFFFF, v56;
	v47 =	vld.idx.msk [tilespmem:v54+s19+$0x0], $0xffff;
	v46 =	vsub.f32 v44, v42;
	v59 =	vand.u32 $0xFFFF0000, v38  }
0x1dd: {  	v48 =	vand.u32 $0x7FFFFFFF, v48;
	v42 =	vmin.f32 v44, v42;
	v44 =	vld.idx.msk [tilespmem:v63+s19+$0x0], $0xffff;
	v41 =	vsub.f32 v41, v59  }
0x1de: {  	v55 =	vor.u32 $0x2D, v1;
	v63 =	vor.u32 $0xD, v45;
	v51 =	vld.idx.msk [tilespmem:v58+s21+$0x0], $0xffff;
	v48 =	vadd.f32 v48, v37  }
0x1df: {  	v50 =	vor.u32 $0xD, v40;
	v56 =	vor.u32 $0xD, v1;
	v52 =	vld.idx.msk [tilespmem:v60+s21+$0x0], $0xffff;
	v41 =	vand.u32 $0x7FFFFFFF, v41  }
0x1e0: {  	v54 =	vor.u32 $0x6D, v1;
	v46 =	vmax.f32 v46, $0.0e+00;
	v49 =	vld.idx.msk [tilespmem:v61+s21+$0x0], $0xffff;
	v53 =	vsub.f32 v41, v48  }
0x1e1: {  	v42 =	vmul.f32 v42, v42;
	v46 =	vmul.f32 v46, v46;
	v41 =	vmin.f32 v41, v48;
	v48 =	vld.idx.msk [tilespmem:v62+s21+$0x0], $0xffff  }
0x1e2: {  	v37 =	vld.idx.msk [tilespmem:v57+s20+$0x0], $0xffff;
	v61 =	vand.u32 $0xFFFF0000, v43;
	v60 =	vmax.f32 v53, $0.0e+00;
	v53 =	vor.u32 $0x4D, v1  }
0x1e3: {  	v39 =	vadd.f32 v46, v39;
	v46 =	vld.idx.msk [tilespmem:v63+s19+$0x0], $0xffff;
	v57 =	vand.u32 $0xFFFF0000, v44;
	v51 =	vmul.f32 v61, v51  }
0x1e4: {  	v0 =	vadd.f32 v42, v0;
	v63 =	vld.idx.msk [tilespmem:v55+s21+$0x0], $0xffff;
	v42 =	vmul.f32 v60, v60;
	v62 =	vmul.f32 v57, v52  }
0x1e5: {  	v7 =	vshll.u32 v7, $0x10;
	v54 =	vld.idx.msk [tilespmem:v54+s21+$0x0], $0xffff;
	v60 =	vadd.f32 v51, v49;
	v51 =	vor.u32 $0xE, v45  }
0x1e6: {  	v52 =	vld.idx.msk [tilespmem:v56+s21+$0x0], $0xffff;
	v58 =	vadd.f32 v42, v39;
	v39 =	vand.u32 $0x7FFFFFFF, v62;
	v48 =	vand.u32 $0x7FFFFFFF, v48  }
0x1e7: {  	v59 =	vor.u32 $0x2E, v1;
	v56 =	vadd.f32 v48, v39;
	v39 =	vor.u32 $0xE, v40;
	v49 =	vld.idx.msk [tilespmem:v53+s21+$0x0], $0xffff  }
0x1e8: {  	v41 =	vmul.f32 v41, v41;
	v62 =	vand.u32 $0xFFFF0000, v46;
	v48 =	vld.idx.msk [tilespmem:v50+s20+$0x0], $0xffff;
	v53 =	vor.u32 $0x1E, v45  }
0x1e9: {  	v55 =	vor.u32 $0xE, v1;
	v61 =	vand.u32 $0xFFFF0000, v37;
	v50 =	vmul.f32 v62, v63  }
0x1ea: {  	v0 =	vadd.f32 v41, v0;
	v57 =	vand.u32 $0xFFFF0000, v47;
	v41 =	vsub.f32 v60, v61  }
0x1eb: {  	v54 =	vand.u32 $0x7FFFFFFF, v54;
	v50 =	vadd.f32 v50, v52;
	v52 =	vor.u32 $0x6E, v1;
	v42 =	vld.idx.msk [tilespmem:v51+s19+$0x0], $0xffff  }
0x1ec: {  	v60 =	vand.u32 $0x7FFFFFFF, v41;
	v51 =	vor.u32 $0x4E, v1;
	v39 =	vld.idx.msk [tilespmem:v39+s20+$0x0], $0xffff;
	v49 =	vmul.f32 v57, v49  }
0x1ed: {  	v61 =	vor.u32 $0xF, v45;
	v57 =	vsub.f32 v60, v56;
	v41 =	vld.idx.msk [tilespmem:v53+s19+$0x0], $0xffff;
	v53 =	vand.u32 $0xFFFF0000, v48  }
0x1ee: {  	v50 =	vsub.f32 v50, v53;
	v53 =	vld.idx.msk [tilespmem:v55+s21+$0x0], $0xffff;
	v55 =	vor.u32 $0x1F, v45;
	v49 =	vand.u32 $0x7FFFFFFF, v49  }
0x1ef: {  	v63 =	vmax.f32 v57, $0.0e+00;
	v57 =	vor.u32 $0x2F, v1;
	v49 =	vadd.f32 v54, v49;
	v54 =	vld.idx.msk [tilespmem:v59+s21+$0x0], $0xffff  }
0x1f0: {  	v56 =	vmin.f32 v60, v56;
	v52 =	vld.idx.msk [tilespmem:v52+s21+$0x0], $0xffff;
	v45 =	vmul.f32 v63, v63;
	v59 =	vor.u32 $0x4F, v1  }
0x1f1: {  	v62 =	vor.u32 $0xF, v1;
	v56 =	vmul.f32 v56, v56;
	v51 =	vld.idx.msk [tilespmem:v51+s21+$0x0], $0xffff;
	v50 =	vand.u32 $0x7FFFFFFF, v50  }
0x1f2: {  	v60 =	vsub.f32 v50, v49;
	v58 =	vadd.f32 v45, v58;
	v45 =	vld.idx.msk [tilespmem:v61+s19+$0x0], $0xffff;
	v61 =	vor.u32 $0xF, v40  }
0x1f3: {  	v8 =	vshll.u32 v8, $0x10;
	v63 =	vand.u32 $0xFFFF0000, v42;
	v40 =	vld.idx.msk [tilespmem:v55+s19+$0x0], $0xffff;
	v55 =	vor.u32 $0x6F, v1  }
0x1f4: {  	v0 =	vadd.f32 v56, v0;
	v60 =	vmax.f32 v60, $0.0e+00;
	v57 =	vld.idx.msk [tilespmem:v57+s21+$0x0], $0xffff;
	v54 =	vmul.f32 v63, v54  }
0x1f5: {  	v49 =	vmin.f32 v50, v49;
	v60 =	vmul.f32 v60, v60;
	v63 =	vand.u32 $0xFFFF0000, v41;
	v56 =	vld.idx.msk [tilespmem:v59+s21+$0x0], $0xffff  }
0x1f6: {  	v52 =	vand.u32 $0x7FFFFFFF, v52;
	v51 =	vmul.f32 v63, v51;
	v53 =	vadd.f32 v54, v53;
	v54 =	vld.idx.msk [tilespmem:v62+s21+$0x0], $0xffff  }
0x1f7: {  	v50 =	vadd.f32 v60, v58;
	v58 =	vmul.f32 v49, v49;
	v60 =	vand.u32 $0xFFFF0000, v39;
	v49 =	vld.idx.msk [tilespmem:v61+s20+$0x0], $0xffff  }
0x1f8: {  	v59 =	vand.u32 $0xFFFF0000, v45;
	v51 =	vand.u32 $0x7FFFFFFF, v51;
	v55 =	vld.idx.msk [tilespmem:v55+s21+$0x0], $0xffff;
	v53 =	vsub.f32 v53, v60  }
0x1f9: {  	v60 =	vand.u32 $0xFFFF0000, v40;
	v57 =	vmul.f32 v59, v57;
	v59 =	vor.u32 $0x30, v1  }
0x1fa: {  	v51 =	vadd.f32 v52, v51;
	v52 =	vmul.f32 v60, v56;
	v56 =	vor.u32 $0x50, v1  }
0x1fb: {  	v53 =	vand.u32 $0x7FFFFFFF, v53;
	v54 =	vadd.f32 v57, v54;
	v57 =	vor.u32 $0x10, v1  }
0x1fc: {  	v60 =	vsub.f32 v53, v51;
	v61 =	vand.u32 $0xFFFF0000, v49;
	v52 =	vand.u32 $0x7FFFFFFF, v52  }
0x1fd: {  	v55 =	vand.u32 $0x7FFFFFFF, v55;
	v54 =	vsub.f32 v54, v61;
	v61 =	vor.u32 $0x70, v1  }
0x1fe: {  	v2 =	vshll.u32 v2, $0x10;
	v52 =	vadd.f32 v55, v52;
	v55 =	vld.idx.msk [tilespmem:v59+s21+$0x0], $0xffff;
	v59 =	vor.u32 $0x31, v1  }
0x1ff: {  	v5 =	vshll.u32 v5, $0x10;
	v62 =	vor.u32 $0x11, v1;
	v60 =	vmax.f32 v60, $0.0e+00  }
0x200: {  	v6 =	vshll.u32 v6, $0x10;
	v63 =	vor.u32 $0x51, v1;
	v60 =	vmul.f32 v60, v60;
	v57 =	vld.idx.msk [tilespmem:v57+s21+$0x0], $0xffff  }
0x201: {  	v16 =	vshll.u32 v16, $0x10;
	v0 =	vadd.f32 v58, v0;
	v51 =	vmin.f32 v53, v51;
	v56 =	vld.idx.msk [tilespmem:v56+s21+$0x0], $0xffff  }
0x202: {  	v51 =	vmul.f32 v51, v51;
	v50 =	vadd.f32 v60, v50;
	v60 =	vor.u32 $0x71, v1;
	v58 =	vld.idx.msk [tilespmem:v61+s21+$0x0], $0xffff  }
0x203: {  	v15 =	vshll.u32 v15, $0x10;
	v14 =	vshll.u32 v14, $0x10;
	v12 =	vmul.f32 v12, v55;
	v61 =	vld.idx.msk [tilespmem:v59+s21+$0x0], $0xffff  }
0x204: {  	v37 =	vshll.u32 v37, $0x10;
	v62 =	vld.idx.msk [tilespmem:v62+s21+$0x0], $0xffff;
	v0 =	vadd.f32 v51, v0;
	v54 =	vand.u32 $0x7FFFFFFF, v54  }
0x205: {  	v53 =	vsub.f32 v54, v52;
	v52 =	vmin.f32 v54, v52;
	v12 =	vadd.f32 v12, v57;
	v57 =	vld.idx.msk [tilespmem:v63+s21+$0x0], $0xffff  }
0x206: {  	v54 =	vor.u32 $0x32, v1;
	v52 =	vmul.f32 v52, v52;
	v9 =	vmul.f32 v9, v56  }
0x207: {  	v53 =	vmax.f32 v53, $0.0e+00;
	v55 =	vor.u32 $0x53, v1;
	v3 =	vsub.f32 v12, v3;
	v12 =	vld.idx.msk [tilespmem:v60+s21+$0x0], $0xffff  }
0x208: {  	v9 =	vand.u32 $0x7FFFFFFF, v9;
	v59 =	vand.u32 $0x7FFFFFFF, v58;
	v7 =	vmul.f32 v7, v61  }
0x209: {  	v60 =	vor.u32 $0x52, v1;
	v61 =	vor.u32 $0x12, v1;
	v9 =	vadd.f32 v59, v9  }
0x20a: {  	v3 =	vand.u32 $0x7FFFFFFF, v3;
	v7 =	vadd.f32 v7, v62;
	v4 =	vmul.f32 v4, v57  }
0x20b: {  	v53 =	vmul.f32 v53, v53;
	v63 =	vor.u32 $0x72, v1;
	v62 =	vsub.f32 v3, v9  }
0x20c: {  	v7 =	vsub.f32 v7, v8;
	v4 =	vand.u32 $0x7FFFFFFF, v4;
	v12 =	vand.u32 $0x7FFFFFFF, v12  }
0x20d: {  	v50 =	vadd.f32 v53, v50;
	v53 =	vor.u32 $0x33, v1;
	v4 =	vadd.f32 v12, v4;
	v12 =	vld.idx.msk [tilespmem:v54+s21+$0x0], $0xffff  }
0x20e: {  	v3 =	vmin.f32 v3, v9;
	v8 =	vmax.f32 v62, $0.0e+00;
	v51 =	vld.idx.msk [tilespmem:v61+s21+$0x0], $0xffff;
	v7 =	vand.u32 $0x7FFFFFFF, v7  }
0x20f: {  	v61 =	vor.u32 $0x13, v1;
	v8 =	vmul.f32 v8, v8;
	v54 =	vld.idx.msk [tilespmem:v60+s21+$0x0], $0xffff;
	v60 =	vsub.f32 v7, v4  }
0x210: {  	v0 =	vadd.f32 v52, v0;
	v59 =	vshll.u32 v13, $0x10;
	v3 =	vmul.f32 v3, v3;
	v62 =	vld.idx.msk [tilespmem:v63+s21+$0x0], $0xffff  }
0x211: {  	v63 =	vor.u32 $0x73, v1;
	v8 =	vadd.f32 v8, v50;
	v9 =	vmax.f32 v60, $0.0e+00  }
0x212: {  	v53 =	vld.idx.msk [tilespmem:v53+s21+$0x0], $0xffff;
	v56 =	vmin.f32 v7, v4;
	v9 =	vmul.f32 v9, v9;
	v5 =	vmul.f32 v5, v12  }
0x213: {  	v0 =	vadd.f32 v3, v0;
	v50 =	vor.u32 $0x37, v1;
	v3 =	vmul.f32 v56, v56  }
0x214: {  	v56 =	vor.u32 $0x55, v1;
	v7 =	vadd.f32 v9, v8;
	v5 =	vadd.f32 v5, v51;
	v8 =	vld.idx.msk [tilespmem:v61+s21+$0x0], $0xffff  }
0x215: {  	v57 =	vand.u32 $0x7FFFFFFF, v62;
	v60 =	vor.u32 $0x34, v1;
	v4 =	vmul.f32 v6, v54;
	v6 =	vld.idx.msk [tilespmem:v55+s21+$0x0], $0xffff  }
0x216: {  	v58 =	vld.idx.msk [tilespmem:v63+s21+$0x0], $0xffff;
	v63 =	vor.u32 $0x74, v1;
	v2 =	vsub.f32 v5, v2;
	v5 =	vshll.u32 v10, $0x10  }
0x217: {  	v54 =	vor.u32 $0x35, v1;
	v61 =	vor.u32 $0x54, v1;
	v5 =	vmul.f32 v5, v53  }
0x218: {  	v0 =	vadd.f32 v3, v0;
	v4 =	vand.u32 $0x7FFFFFFF, v4;
	v51 =	vor.u32 $0x57, v1  }
0x219: {  	v4 =	vadd.f32 v57, v4;
	v5 =	vadd.f32 v5, v8;
	v8 =	vor.u32 $0x14, v1  }
0x21a: {  	v12 =	vld.idx.msk [tilespmem:v56+s21+$0x0], $0xffff;
	v6 =	vmul.f32 v59, v6;
	v59 =	vor.u32 $0x75, v1;
	v2 =	vand.u32 $0x7FFFFFFF, v2  }
0x21b: {  	v57 =	vor.u32 $0x15, v1;
	v56 =	vor.u32 $0x77, v1;
	v55 =	vld.idx.msk [tilespmem:v60+s21+$0x0], $0xffff;
	v62 =	vsub.f32 v2, v4  }
0x21c: {  	v9 =	vand.u32 $0x7FFFFFFF, v58;
	v6 =	vand.u32 $0x7FFFFFFF, v6;
	v10 =	vld.idx.msk [tilespmem:v61+s21+$0x0], $0xffff;
	v5 =	vsub.f32 v5, v16  }
0x21d: {  	v53 =	vor.u32 $0x17, v1;
	v6 =	vadd.f32 v9, v6;
	v13 =	vmax.f32 v62, $0.0e+00;
	v16 =	vld.idx.msk [tilespmem:v54+s21+$0x0], $0xffff  }
0x21e: {  	v2 =	vmin.f32 v2, v4;
	v13 =	vmul.f32 v13, v13;
	v5 =	vand.u32 $0x7FFFFFFF, v5;
	v8 =	vld.idx.msk [tilespmem:v8+s21+$0x0], $0xffff  }
0x21f: {  	v61 =	vshll.u32 v20, $0x10;
	v20 =	vor.u32 $0x16, v1;
	v62 =	vld.idx.msk [tilespmem:v59+s21+$0x0], $0xffff;
	v58 =	vsub.f32 v5, v6  }
0x220: {  	v2 =	vmul.f32 v2, v2;
	v9 =	vmul.f32 v14, v55;
	v4 =	vadd.f32 v13, v7;
	v7 =	vld.idx.msk [tilespmem:v63+s21+$0x0], $0xffff  }
0x221: {  	v60 =	vmin.f32 v5, v6;
	v5 =	vmul.f32 v15, v10;
	v6 =	vld.idx.msk [tilespmem:v57+s21+$0x0], $0xffff;
	v3 =	vmax.f32 v58, $0.0e+00  }
0x222: {  	v0 =	vadd.f32 v2, v0;
	v59 =	vld.idx.msk [tilespmem:v51+s21+$0x0], $0xffff;
	v51 =	vor.u32 $0x79, v1;
	v3 =	vmul.f32 v3, v3  }
0x223: {  	v63 =	vor.u32 $0x56, v1;
	v5 =	vand.u32 $0x7FFFFFFF, v5;
	v8 =	vadd.f32 v9, v8  }
0x224: {  	v3 =	vadd.f32 v3, v4;
	v4 =	vshll.u32 v11, $0x10;
	v9 =	vmul.f32 v61, v16  }
0x225: {  	v7 =	vand.u32 $0x7FFFFFFF, v7;
	v4 =	vsub.f32 v8, v4;
	v8 =	vshll.u32 v21, $0x10  }
0x226: {  	v5 =	vadd.f32 v7, v5;
	v6 =	vadd.f32 v9, v6;
	v7 =	vmul.f32 v8, v12  }
0x227: {  	v10 =	vand.u32 $0x7FFFFFFF, v62;
	v16 =	vshll.u32 v22, $0x10;
	v8 =	vor.u32 $0x36, v1  }
0x228: {  	v4 =	vand.u32 $0x7FFFFFFF, v4;
	v6 =	vsub.f32 v6, v16;
	v7 =	vand.u32 $0x7FFFFFFF, v7  }
0x229: {  	v21 =	vor.u32 $0x76, v1;
	v22 =	vsub.f32 v4, v5;
	v7 =	vadd.f32 v10, v7  }
0x22a: {  	v57 =	vshll.u32 v18, $0x10;
	v2 =	vmul.f32 v60, v60;
	v9 =	vld.idx.msk [tilespmem:v63+s21+$0x0], $0xffff;
	v6 =	vand.u32 $0x7FFFFFFF, v6  }
0x22b: {  	v54 =	vmin.f32 v4, v5;
	v5 =	vld.idx.msk [tilespmem:v20+s21+$0x0], $0xffff;
	v13 =	vmax.f32 v22, $0.0e+00;
	v52 =	vsub.f32 v6, v7  }
0x22c: {  	v18 =	vor.u32 $0x78, v1;
	v60 =	vshll.u32 v23, $0x10;
	v8 =	vld.idx.msk [tilespmem:v8+s21+$0x0], $0xffff;
	v4 =	vmul.f32 v13, v13  }
0x22d: {  	v23 =	vor.u32 $0x19, v1;
	v0 =	vadd.f32 v2, v0;
	v10 =	vld.idx.msk [tilespmem:v50+s21+$0x0], $0xffff;
	v55 =	vmax.f32 v52, $0.0e+00  }
0x22e: {  	v2 =	vmul.f32 v54, v54;
	v11 =	vld.idx.msk [tilespmem:v21+s21+$0x0], $0xffff;
	v3 =	vadd.f32 v4, v3;
	v4 =	vmul.f32 v55, v55  }
0x22f: {  	v58 =	vshll.u32 v19, $0x10;
	v62 =	vshll.u32 v24, $0x10;
	v24 =	vor.u32 $0x59, v1  }
0x230: {  	v0 =	vadd.f32 v2, v0;
	v2 =	vmul.f32 v58, v9;
	v3 =	vadd.f32 v4, v3;
	v4 =	vld.idx.msk [tilespmem:v53+s21+$0x0], $0xffff  }
0x231: {  	v61 =	vld.idx.msk [tilespmem:v56+s21+$0x0], $0xffff;
	v56 =	vor.u32 $0x5A, v1;
	v63 =	vor.u32 $0x38, v1;
	v8 =	vmul.f32 v57, v8  }
0x232: {  	v16 =	vor.u32 $0x58, v1;
	v6 =	vmin.f32 v6, v7;
	v2 =	vand.u32 $0x7FFFFFFF, v2  }
0x233: {  	v9 =	vmul.f32 v60, v10;
	v5 =	vadd.f32 v8, v5;
	v8 =	vand.u32 $0x7FFFFFFF, v11  }
0x234: {  	v7 =	vshll.u32 v17, $0x10;
	v2 =	vadd.f32 v8, v2;
	v8 =	vor.u32 $0x18, v1  }
0x235: {  	v5 =	vsub.f32 v5, v7;
	v7 =	vmul.f32 v62, v59;
	v4 =	vadd.f32 v9, v4  }
0x236: {  	v20 =	vor.u32 $0x39, v1;
	v17 =	vshll.u32 v26, $0x10;
	v11 =	vand.u32 $0x7FFFFFFF, v61  }
0x237: {  	v10 =	vld.idx.msk [tilespmem:v63+s21+$0x0], $0xffff;
	v5 =	vand.u32 $0x7FFFFFFF, v5;
	v7 =	vand.u32 $0x7FFFFFFF, v7;
	v4 =	vsub.f32 v4, v17  }
0x238: {  	v54 =	vld.idx.msk [tilespmem:v51+s21+$0x0], $0xffff;
	v6 =	vmul.f32 v6, v6;
	v19 =	vsub.f32 v5, v2;
	v7 =	vadd.f32 v11, v7  }
0x239: {  	v50 =	vshll.u32 v27, $0x10;
	v51 =	vor.u32 $0x7E, v1;
	v8 =	vld.idx.msk [tilespmem:v8+s21+$0x0], $0xffff;
	v4 =	vand.u32 $0x7FFFFFFF, v4  }
0x23a: {  	v0 =	vadd.f32 v6, v0;
	v6 =	vld.idx.msk [tilespmem:v16+s21+$0x0], $0xffff;
	v21 =	vmax.f32 v19, $0.0e+00;
	v22 =	vsub.f32 v4, v7  }
0x23b: {  	v26 =	vshll.u32 v25, $0x10;
	v2 =	vmin.f32 v5, v2;
	v5 =	vmul.f32 v21, v21  }
0x23c: {  	v58 =	vshll.u32 v28, $0x10;
	v10 =	vmul.f32 v26, v10;
	v9 =	vld.idx.msk [tilespmem:v18+s21+$0x0], $0xffff;
	v13 =	vmax.f32 v22, $0.0e+00  }
0x23d: {  	v25 =	vshll.u32 v38, $0x10;
	v11 =	vld.idx.msk [tilespmem:v20+s21+$0x0], $0xffff;
	v3 =	vadd.f32 v5, v3;
	v5 =	vmul.f32 v13, v13  }
0x23e: {  	v28 =	vor.u32 $0x1D, v1;
	v52 =	vmin.f32 v4, v7;
	v7 =	vld.idx.msk [tilespmem:v23+s21+$0x0], $0xffff;
	v4 =	vadd.f32 v10, v8  }
0x23f: {  	v6 =	vmul.f32 v50, v6;
	v8 =	vld.idx.msk [tilespmem:v24+s21+$0x0], $0xffff;
	v3 =	vadd.f32 v5, v3;
	v5 =	vshll.u32 v29, $0x10  }
0x240: {  	v53 =	vshll.u32 v31, $0x10;
	v4 =	vsub.f32 v4, v5;
	v5 =	vor.u32 $0x3A, v1  }
0x241: {  	v59 =	vor.u32 $0x7A, v1;
	v6 =	vand.u32 $0x7FFFFFFF, v6;
	v9 =	vand.u32 $0x7FFFFFFF, v9  }
0x242: {  	v55 =	vor.u32 $0x1A, v1;
	v6 =	vadd.f32 v9, v6;
	v9 =	vmul.f32 v53, v11  }
0x243: {  	v16 =	vshll.u32 v32, $0x10;
	v61 =	vshll.u32 v33, $0x10;
	v2 =	vmul.f32 v2, v2  }
0x244: {  	v62 =	vor.u32 $0x3B, v1;
	v7 =	vadd.f32 v9, v7;
	v8 =	vmul.f32 v58, v8  }
0x245: {  	v0 =	vadd.f32 v2, v0;
	v2 =	vmul.f32 v52, v52;
	v10 =	vand.u32 $0x7FFFFFFF, v54;
	v5 =	vld.idx.msk [tilespmem:v5+s21+$0x0], $0xffff  }
0x246: {  	v9 =	vld.idx.msk [tilespmem:v59+s21+$0x0], $0xffff;
	v7 =	vsub.f32 v7, v61;
	v4 =	vand.u32 $0x7FFFFFFF, v4;
	v8 =	vand.u32 $0x7FFFFFFF, v8  }
0x247: {  	v57 =	vsub.f32 v4, v6;
	v4 =	vmin.f32 v4, v6;
	v6 =	vadd.f32 v10, v8;
	v8 =	vld.idx.msk [tilespmem:v56+s21+$0x0], $0xffff  }
0x248: {  	v17 =	vor.u32 $0x5B, v1;
	v20 =	vor.u32 $0x7B, v1;
	v0 =	vadd.f32 v2, v0  }
0x249: {  	v12 =	vld.idx.msk [tilespmem:v55+s21+$0x0], $0xffff;
	v7 =	vand.u32 $0x7FFFFFFF, v7;
	v4 =	vmul.f32 v4, v4;
	v60 =	vmax.f32 v57, $0.0e+00  }
0x24a: {  	v63 =	vsub.f32 v7, v6;
	v18 =	vmul.f32 v16, v5;
	v5 =	vor.u32 $0x1B, v1  }
0x24b: {  	v19 =	vshll.u32 v30, $0x10;
	v9 =	vand.u32 $0x7FFFFFFF, v9;
	v2 =	vmul.f32 v60, v60  }
0x24c: {  	v0 =	vadd.f32 v4, v0;
	v4 =	vmax.f32 v63, $0.0e+00;
	v8 =	vmul.f32 v19, v8  }
0x24d: {  	v10 =	vld.idx.msk [tilespmem:v62+s21+$0x0], $0xffff;
	v6 =	vmin.f32 v7, v6;
	v2 =	vadd.f32 v2, v3;
	v4 =	vmul.f32 v4, v4  }
0x24e: {  	v7 =	vshll.u32 v36, $0x10;
	v3 =	vadd.f32 v18, v12;
	v8 =	vand.u32 $0x7FFFFFFF, v8  }
0x24f: {  	v2 =	vadd.f32 v4, v2;
	v4 =	vadd.f32 v9, v8;
	v8 =	vor.u32 $0x3C, v1;
	v5 =	vld.idx.msk [tilespmem:v5+s21+$0x0], $0xffff  }
0x250: {  	v26 =	vor.u32 $0x5D, v1;
	v21 =	vor.u32 $0x5C, v1;
	v3 =	vsub.f32 v3, v7;
	v7 =	vld.idx.msk [tilespmem:v17+s21+$0x0], $0xffff  }
0x251: {  	v30 =	vor.u32 $0x7D, v1;
	v23 =	vshll.u32 v34, $0x10;
	v6 =	vmul.f32 v6, v6  }
0x252: {  	v24 =	vor.u32 $0x1C, v1;
	v10 =	vmul.f32 v23, v10;
	v3 =	vand.u32 $0x7FFFFFFF, v3  }
0x253: {  	v11 =	vld.idx.msk [tilespmem:v20+s21+$0x0], $0xffff;
	v0 =	vadd.f32 v6, v0;
	v6 =	vshll.u32 v35, $0x10;
	v22 =	vsub.f32 v3, v4  }
0x254: {  	v3 =	vmin.f32 v3, v4;
	v4 =	vadd.f32 v10, v5;
	v5 =	vld.idx.msk [tilespmem:v8+s21+$0x0], $0xffff;
	v8 =	vor.u32 $0x3D, v1  }
0x255: {  	v38 =	vshll.u32 v46, $0x10;
	v9 =	vld.idx.msk [tilespmem:v21+s21+$0x0], $0xffff;
	v6 =	vmul.f32 v6, v7;
	v7 =	vor.u32 $0x7C, v1  }
0x256: {  	v46 =	vor.u32 $0x1E, v1;
	v32 =	vshll.u32 v44, $0x10;
	v44 =	vshll.u32 v47, $0x10;
	v34 =	vld.idx.msk [tilespmem:v26+s21+$0x0], $0xffff  }
0x257: {  	v47 =	vor.u32 $0x3E, v1;
	v50 =	vshll.u32 v48, $0x10;
	v29 =	vshll.u32 v43, $0x10;
	v43 =	vld.idx.msk [tilespmem:v30+s21+$0x0], $0xffff  }
0x258: {  	v11 =	vand.u32 $0x7FFFFFFF, v11;
	v27 =	vld.idx.msk [tilespmem:v24+s21+$0x0], $0xffff;
	v6 =	vand.u32 $0x7FFFFFFF, v6;
	v4 =	vsub.f32 v4, v25  }
0x259: {  	v55 =	vor.u32 $0x5F, v1;
	v3 =	vmul.f32 v3, v3;
	v6 =	vadd.f32 v11, v6;
	v8 =	vld.idx.msk [tilespmem:v8+s21+$0x0], $0xffff  }
0x25a: {  	v33 =	vmul.f32 v32, v9;
	v12 =	vmax.f32 v22, $0.0e+00;
	v4 =	vand.u32 $0x7FFFFFFF, v4;
	v7 =	vld.idx.msk [tilespmem:v7+s21+$0x0], $0xffff  }
0x25b: {  	v31 =	vsub.f32 v4, v6;
	v5 =	vmul.f32 v29, v5;
	v4 =	vmin.f32 v4, v6;
	v6 =	vld.idx.msk [tilespmem:v28+s21+$0x0], $0xffff  }
0x25c: {  	v52 =	vor.u32 $0x3F, v1;
	v54 =	vor.u32 $0x1F, v1;
	v12 =	vmul.f32 v12, v12  }
0x25d: {  	v0 =	vadd.f32 v3, v0;
	v3 =	vand.u32 $0x7FFFFFFF, v33;
	v5 =	vadd.f32 v5, v27  }
0x25e: {  	v2 =	vadd.f32 v12, v2;
	v12 =	vand.u32 $0x7FFFFFFF, v43;
	v8 =	vmul.f32 v38, v8  }
0x25f: {  	v35 =	vmax.f32 v31, $0.0e+00;
	v7 =	vand.u32 $0x7FFFFFFF, v7;
	v5 =	vsub.f32 v5, v37  }
0x260: {  	v3 =	vadd.f32 v7, v3;
	v7 =	vmul.f32 v44, v34;
	v6 =	vadd.f32 v8, v6  }
0x261: {  	v36 =	vmul.f32 v35, v35;
	v5 =	vand.u32 $0x7FFFFFFF, v5;
	v8 =	vor.u32 $0x5E, v1  }
0x262: {  	v14 =	vld.idx.msk [tilespmem:v51+s21+$0x0], $0xffff;
	v7 =	vand.u32 $0x7FFFFFFF, v7;
	v53 =	vsub.f32 v5, v3;
	v6 =	vsub.f32 v6, v50  }
0x263: {  	v9 =	vld.idx.msk [tilespmem:v47+s21+$0x0], $0xffff;
	v4 =	vmul.f32 v4, v4;
	v2 =	vadd.f32 v36, v2;
	v7 =	vadd.f32 v12, v7  }
0x264: {  	v13 =	vld.idx.msk [tilespmem:v52+s21+$0x0], $0xffff;
	v1 =	vor.u32 $0x7F, v1;
	v15 =	vmax.f32 v53, $0.0e+00;
	v6 =	vand.u32 $0x7FFFFFFF, v6  }
0x265: {  	v11 =	vld.idx.msk [tilespmem:v46+s21+$0x0], $0xffff;
	v3 =	vmin.f32 v5, v3;
	v5 =	vmul.f32 v15, v15;
	v56 =	vsub.f32 v6, v7  }
0x266: {  	v0 =	vadd.f32 v4, v0;
	v3 =	vmul.f32 v3, v3;
	v8 =	vld.idx.msk [tilespmem:v8+s21+$0x0], $0xffff  }
0x267: {  	v12 =	vld.idx.msk [tilespmem:v54+s21+$0x0], $0xffff;
	v2 =	vadd.f32 v5, v2;
	v5 =	vshll.u32 v42, $0x10;
	v4 =	vmax.f32 v56, $0.0e+00  }
0x268: {  	v58 =	vand.u32 $0x7FFFFFFF, v14;
	v57 =	vmul.f32 v5, v9;
	v5 =	vld.idx.msk [tilespmem:v55+s21+$0x0], $0xffff;
	v4 =	vmul.f32 v4, v4  }
0x269: {  	v0 =	vadd.f32 v3, v0;
	v6 =	vmin.f32 v6, v7;
	v7 =	vshll.u32 v45, $0x10;
	v1 =	vld.idx.msk [tilespmem:v1+s21+$0x0], $0xffff  }
0x26a: {  	v3 =	vadd.f32 v57, v11;
	v2 =	vadd.f32 v4, v2;
	v4 =	vshll.u32 v41, $0x10  }
0x26b: {  	v7 =	vmul.f32 v7, v13;
	v4 =	vmul.f32 v4, v8;
	v8 =	vshll.u32 v39, $0x10  }
0x26c: {  	v6 =	vmul.f32 v6, v6;
	v3 =	vsub.f32 v3, v8;
	v8 =	vshll.u32 v40, $0x10  }
0x26d: {  	v7 =	vadd.f32 v7, v12;
	v4 =	vand.u32 $0x7FFFFFFF, v4;
	v5 =	vmul.f32 v8, v5  }
0x26e: {  	v1 =	vand.u32 $0x7FFFFFFF, v1;
	v8 =	vshll.u32 v49, $0x10;
	v4 =	vadd.f32 v58, v4  }
0x26f: {  	v3 =	vand.u32 $0x7FFFFFFF, v3;
	v7 =	vsub.f32 v7, v8;
	v5 =	vand.u32 $0x7FFFFFFF, v5  }
0x270: {  	v8 =	vsub.f32 v3, v4;
	v3 =	vmin.f32 v3, v4;
	v1 =	vadd.f32 v1, v5  }
0x271: {  	v0 =	vadd.f32 v6, v0;
	v4 =	vand.u32 $0x7FFFFFFF, v7;
	v3 =	vmul.f32 v3, v3  }
0x272: {  	v5 =	vmax.f32 v8, $0.0e+00;
	v6 =	vsub.f32 v4, v1;
	v1 =	vmin.f32 v4, v1  }
0x273: {  	v4 =	vmul.f32 v5, v5;
	v0 =	vadd.f32 v3, v0;
	v1 =	vmul.f32 v1, v1  }
0x274: {  	v59 =	vmax.f32 v6, $0.0e+00  }
0x275: {  	v2 =	vadd.f32 v4, v2;
	v3 =	vmul.f32 v59, v59;
	v0 =	vadd.f32 v1, v0;
	_ =	sdelay $0x1  }
0x276: {  	v60 =	vadd.f32 v3, v2;
	v61 =	vmax.f32 v0, $1.000000000e-30  }
0x277: {  	v62 =	vshrl.u32 v61, $0x1;
	v2 =	vmul.f32 $5.000000000e-01, v61  }
0x278: {  	v4 =	vmax.f32 v60, $1.000000000e-30;
	v3 =	vsub.s32 $0x5F3759DF, v62  }
0x279: {  	v5 =	vshrl.u32 v4, $0x1;
	v4 =	vmul.f32 $5.000000000e-01, v4;
	v6 =	vmul.f32 v3, v2  }
0x27a: {  	v5 =	vsub.s32 $0x5F3759DF, v5  }
0x27b: {  	v7 =	vmul.f32 v5, v4;
	v6 =	vmul.f32 v3, v6;
	_ =	sdelay $0x1  }
0x27c: {  	v7 =	vmul.f32 v5, v7;
	v6 =	vsub.f32 $1.500000000e+00, v6;
	_ =	sdelay $0x1  }
0x27d: {  	v7 =	vsub.f32 $1.500000000e+00, v7;
	v3 =	vmul.f32 v3, v6;
	_ =	sdelay $0x1  }
0x27e: {  	v5 =	vmul.f32 v5, v7;
	v6 =	vmul.f32 v3, v2;
	_ =	sdelay $0x1  }
0x27f: {  	v7 =	vmul.f32 v5, v4;
	v6 =	vmul.f32 v6, v3;
	_ =	sdelay $0x1  }
0x280: {  	v7 =	vmul.f32 v7, v5;
	v6 =	vsub.f32 $1.500000000e+00, v6;
	_ =	sdelay $0x1  }
0x281: {  	v7 =	vsub.f32 $1.500000000e+00, v7;
	v3 =	vmul.f32 v6, v3;
	_ =	sdelay $0x1  }
0x282: {  	v5 =	vmul.f32 v7, v5;
	v2 =	vmul.f32 v3, v2;
	_ =	sdelay $0x1  }
0x283: {  	v4 =	vmul.f32 v5, v4;
	v2 =	vmul.f32 v2, v3;
	_ =	sdelay $0x1  }
0x284: {  	v4 =	vmul.f32 v4, v5;
	v2 =	vsub.f32 $1.500000000e+00, v2;
	_ =	sdelay $0x1  }
0x285: {  	v4 =	vsub.f32 $1.500000000e+00, v4;
	v2 =	vmul.f32 v2, v3;
	_ =	sdelay $0x1  }
0x286: {  	v63 =	vmul.f32 v4, v5;
	v0 =	vmul.f32 v2, v0;
	_ =	sdelay $0x1  }
0x287: {  	v1 =	vmul.f32 v63, v60;
	v0 =	vmul.f32 $5.000000000e-01, v0  }
0x288: {  	p0 =	sne.s32 s12, $0x30  }
.Ltmp2:
0x289: {  	v0 =	vadd.f32 v0, v1;
	(pc) =	sbr.rel @p0 .LBB2_7-.Ltmp2, $4  }
0x28a: {  	_ = 	snop  }
0x28b: {  	v0 =	vsub.f32 $1.000000000e+01, v0  }
0x28c: {  	s28 =	sadd.s32 $0x10, s28  }
0x28d: {  	s29 =	sadd.s32 $0x10, s29;
	s12 =	sadd.s32 $0x10, s12;
	v7 =	vld [tilespmem:$0x1FFF0];
	[tilespmem:s11+$0x0] =	vst v0;
	s11 =	sadd.s32 $0x10, s11  }
0x28e: {  	s3 =	sadd.s32 $0x1, s3  }
0x28f: {  	p0 =	sne.s32 s3, $0x4  }
.Ltmp3:
0x290: {  	_ = 	snop;
	(pc) =	sbr.rel @p0 .LBB2_4-.Ltmp3, $3  }
0x291: {  	_ =	sdelay $0x1  }
0x292: {  	s24 =	sadd.s32 $0x80, s24;
	s15 =	sadd.s32 $0x80, s15;
	s13 =	sadd.s32 $0x80, s13  }
0x293: {  	s31 =	sadd.s32 $0x80, s31;
	s0 =	sadd.s32 $0x80, s0;
	s26 =	sadd.s32 $0x80, s26  }
0x294: {  	s25 =	sadd.s32 $0x1, s25  }
0x295: {  	p0 =	sne.s32 s25, s9  }
.Ltmp4:
0x296: {  	s0 =	simm.s32 $0xCA00;
	(pc) =	sbr.rel @p0 .LBB2_1-.Ltmp4, $4  }
0x297: {  	[hbm4b:s8+s4] =	stream.linear.scatter [tilespmem:s0], [sflag:$0x3], $0x200, $0x38;
	[tilespmem:$0xCC00] =	vst v63  }
0x298: {  	_ =	swait.ge [sflag:s10], $0x200  }
0x299: {  	[sflag:s10] =	ssyncset.done $0x0  }
0x29a: {  	s12 =	simm.s32 $0x200;
	[sflag:s10] =	ssyncadd.s32 $0xFFFFFE00  }
0x29b: {  	_ =	sfence.sel $0x180000  }
0x29c: {  	[bflag:$0x0] =	sbarrier.arrive $0xFFFF  }
0x29d: {  	_ =	strace $0x90000047  }
0x29e: {  	s0 =	stileid.u32;
	[bflag:$0x2] =	sbarrier.arrive $0xFFFF  }
0x29f: {  	p0 =	sne.s32 s0, $0x0;
	s0 =	rddreg [dreg:$0x6]  }
0x2a0: {  	s0 =	sadd.s32 @!p0 $0x100000, s0  }
0x2a1: {  	[sflag:s0] =	ssyncadd.tile.s32 @!p0 $0x1;
	_ =	shalt  }
.Lfunc_end2:
_tile_overlayer_lowered:
.L_overlay_start_2:
0x2a2: {  	(tag) =	ssettag $0x2  }
0x2a3: {  	s0 =	rddreg [dreg:$0x0];
	s2 =	stileid.u32  }
0x2a4: {  	s1 =	rddreg [dreg:$0x1];
	p0 =	sne.s32 s2, $0x0  }
0x2a5: {  	s3 =	rddreg [dreg:$0x2];
	[bflag:$0x3] =	sbarrier.arrive $0xFFFF;
	s2 =	simm.s32 @!p0 $0x1C03  }
0x2a6: {  	[timem:s3], [sflag:s2] =	dma.local @!p0 [hbm:s0], s1  }
0x2a7: {  	s0 =	simm.s32 @!p0 $0x3  }
0x2a8: {  	_ =	swait.ge @!p0 [sflag:s0], s1  }
0x2a9: {  	s1 =	ssub.s32 @!p0 $0x0, s1;
	[sflag:s0] =	ssyncset.done @!p0 $0x0  }
0x2aa: {  	[sflag:s0] =	ssyncadd.s32 @!p0 s1  }
0x2ab: {  	[bflag:$0x3] =	sbarrier.arrive $0xFFFF  }
0x2ac: {  	_ =	shalt  }

</sc_bundles>
